<compile_context>
chip_gen: v7x
topology: tpu7x:2x2x1
jax: 0.10.2.dev20260603
libtpu: 0.0.44.dev20260713+nightly
codegen_flags: <defaults>
</compile_context>

<pallas_src>
import functools

import jax
import jax.numpy as jnp
from jax import lax
from jax.experimental import pallas as pl
from jax.experimental.pallas import tpu as pltpu
from jax.experimental.pallas import tpu_sc as plsc

_N = 10000
_E = 320000
_F_IN = 128
_H = 64
_C = 16

_NC = 2
_NS = 16
_NW = _NC * _NS
_K = 100
_NB = 10
_LD = 5

_EPT = _E // _NW
_NCH = _EPT // _K
_NP = 10240
_RPT = _NP // _NS

_SC_PARAMS = pltpu.CompilerParams(use_tc_tiling_on_sc=False)


def _sc_mesh():
    return plsc.VectorSubcoreMesh(core_axis_name="c", subcore_axis_name="s")


def _make_hist():

    @functools.partial(
        pl.kernel,
        mesh=_sc_mesh(),
        compiler_params=_SC_PARAMS,
        out_type=jax.ShapeDtypeStruct((_NC, _NP, _C), jnp.float32),
        scratch_types=[
            pltpu.VMEM((_NCH, _K), jnp.int32),
            pltpu.VMEM((_K, _C), jnp.float32),
            pltpu.VMEM_SHARED((_NP, _C), jnp.float32),
            pltpu.SemaphoreType.DMA((_NB,)),
        ],
    )
    def hist(ones_hbm, dst_hbm, zeros_hbm, out_hbm, dst_v, rows_v, acc, ssem):
        c = lax.axis_index("c")
        s = lax.axis_index("s")
        wid = s * _NC + c
        r0 = s * _RPT
        pltpu.sync_copy(zeros_hbm.at[pl.ds(r0, _RPT)], acc.at[pl.ds(r0, _RPT)])
        pltpu.sync_copy(dst_hbm.at[pl.ds(wid * _NCH, _NCH)], dst_v)
        pltpu.sync_copy(ones_hbm, rows_v)
        plsc.subcore_barrier()

        def scat_start(i, t):
            pltpu.async_copy(rows_v, acc.at[dst_v.at[i]], ssem.at[t], add=True)

        def scat_wait(i, t):
            pltpu.make_async_copy(rows_v, acc.at[dst_v.at[i]],
                                  ssem.at[t]).wait()

        def step(i0, carry):
            for t in range(_NB):
                i = i0 * _NB + t

                @pl.when(i >= _NB)
                def _():
                    scat_wait(i - _NB, t)

                scat_start(i, t)
            return carry

        lax.fori_loop(0, _NCH // _NB, step, 0)
        for t in range(_NB):
            scat_wait(_NCH - _NB + t, t)
        plsc.subcore_barrier()
        pltpu.sync_copy(acc.at[pl.ds(r0, _RPT)], out_hbm.at[c, pl.ds(r0, _RPT)])

    return hist


def _make_spmm(d):

    @functools.partial(
        pl.kernel,
        mesh=_sc_mesh(),
        compiler_params=_SC_PARAMS,
        out_type=jax.ShapeDtypeStruct((_NC, _NP, d), jnp.float32),
        scratch_types=[
            pltpu.VMEM((_NCH, _K), jnp.int32),
            pltpu.VMEM((_NCH, _K), jnp.int32),
            pltpu.VMEM((_NB, _K, d), jnp.float32),
            pltpu.VMEM_SHARED((_NP, d), jnp.float32),
            pltpu.SemaphoreType.DMA((_NB,)),
            pltpu.SemaphoreType.DMA((_NB,)),
        ],
    )
    def spmm(rows_hbm, src_hbm, dst_hbm, zeros_hbm, out_hbm,
             src_v, dst_v, rows_v, acc, gsem, ssem):
        c = lax.axis_index("c")
        s = lax.axis_index("s")
        wid = s * _NC + c
        r0 = s * _RPT
        pltpu.sync_copy(zeros_hbm.at[pl.ds(r0, _RPT)], acc.at[pl.ds(r0, _RPT)])
        pltpu.sync_copy(src_hbm.at[pl.ds(wid * _NCH, _NCH)], src_v)
        pltpu.sync_copy(dst_hbm.at[pl.ds(wid * _NCH, _NCH)], dst_v)
        plsc.subcore_barrier()

        def gath_start(i, t):
            pltpu.async_copy(rows_hbm.at[src_v.at[i]], rows_v.at[t],
                             gsem.at[t])

        def gath_wait(i, t):
            pltpu.make_async_copy(rows_hbm.at[src_v.at[i]], rows_v.at[t],
                                  gsem.at[t]).wait()

        def scat_start(i, t):
            pltpu.async_copy(rows_v.at[t], acc.at[dst_v.at[i]], ssem.at[t],
                             add=True)

        def scat_wait(i, t):
            pltpu.make_async_copy(rows_v.at[t], acc.at[dst_v.at[i]],
                                  ssem.at[t]).wait()

        for t in range(_LD):
            gath_start(t, t)

        def step(i0, carry):
            for t in range(_NB):
                i = i0 * _NB + t
                tg = (t + _LD) % _NB

                @pl.when(i + _LD < _NCH)
                def _():
                    @pl.when(i + _LD >= _NB)
                    def _():
                        scat_wait(i + _LD - _NB, tg)

                    gath_start(i + _LD, tg)

                gath_wait(i, t)
                scat_start(i, t)
            return carry

        lax.fori_loop(0, _NCH // _NB, step, 0)
        for t in range(_NB):
            scat_wait(_NCH - _NB + t, t)
        plsc.subcore_barrier()
        pltpu.sync_copy(acc.at[pl.ds(r0, _RPT)], out_hbm.at[c, pl.ds(r0, _RPT)])

    return spmm


_BT = 1024
_GRID = _NP // _BT
_BH = _BT * _C // 128
_BP = _BT * _H // 128


def _dinv_packed(hp_ref):
    deg = hp_ref[0] + hp_ref[1]
    return lax.rsqrt(jnp.maximum(deg, 1.0))


def _unpack16(v):
    segs = [v[:, _C * k:_C * (k + 1)] for k in range(8)]
    return jnp.stack(segs, axis=1).reshape(_BT, _C)


def _dinv_col(hp_ref):
    return _unpack16(_dinv_packed(hp_ref))[:, :1]


def _dot(a, b):
    return jnp.dot(a, b, preferred_element_type=jnp.float32)


def _pack_cols(v, w):
    g = 128 // w
    rows = _BT // g
    return jnp.concatenate([v[rows * k:rows * (k + 1)] for k in range(g)],
                           axis=1)


def _permute_idx(n, w):
    g = 128 // w
    rows = _BT // g
    q, u = n // _BT, n % _BT
    return q * _BT + g * (u % rows) + u // rows


def _tc_mm1(hpv, x, w1):
    def body(hp_ref, x_ref, w1_ref, o_ref):
        dinv = _dinv_col(hp_ref)
        h = _dot(x_ref[...], w1_ref[...])
        o_ref[...] = _pack_cols(h * dinv, _H)

    return pl.pallas_call(
        body,
        grid=(_GRID,),
        in_specs=[
            pl.BlockSpec((_NC, _BH, 128), lambda i: (0, i, 0)),
            pl.BlockSpec((_BT, _F_IN), lambda i: (i, 0)),
            pl.BlockSpec((_F_IN, _H), lambda i: (0, 0)),
        ],
        out_specs=pl.BlockSpec((_BP, 128), lambda i: (i, 0)),
        out_shape=jax.ShapeDtypeStruct((_NP * _H // 128, 128), jnp.float32),
    )(hpv, x, w1)


def _tc_mm2(hpv, pv, w2):
    def body(hp_ref, p_ref, w2_ref, o_ref):
        dinv = _dinv_col(hp_ref)
        ps = p_ref[0] + p_ref[1]
        even, odd = ps[:, :_H], ps[:, _H:]
        un = jnp.stack([even, odd], axis=1).reshape(_BT, _H)
        h2 = jnp.maximum(un * dinv, 0.0)
        o2 = _dot(h2, w2_ref[...]) * dinv
        o_ref[...] = _pack_cols(o2, _C)

    return pl.pallas_call(
        body,
        grid=(_GRID,),
        in_specs=[
            pl.BlockSpec((_NC, _BH, 128), lambda i: (0, i, 0)),
            pl.BlockSpec((_NC, _BP, 128), lambda i: (0, i, 0)),
            pl.BlockSpec((_H, _C), lambda i: (0, 0)),
        ],
        out_specs=pl.BlockSpec((_BH, 128), lambda i: (i, 0)),
        out_shape=jax.ShapeDtypeStruct((_NP * _C // 128, 128), jnp.float32),
    )(hpv, pv, w2)


def _tc_out(hpv, qv):
    def body(hp_ref, q_ref, o_ref):
        o_ref[...] = (q_ref[0] + q_ref[1]) * _dinv_packed(hp_ref)

    return pl.pallas_call(
        body,
        grid=(_GRID,),
        in_specs=[
            pl.BlockSpec((_NC, _BH, 128), lambda i: (0, i, 0)),
            pl.BlockSpec((_NC, _BH, 128), lambda i: (0, i, 0)),
        ],
        out_specs=pl.BlockSpec((_BH, 128), lambda i: (i, 0)),
        out_shape=jax.ShapeDtypeStruct((_NP * _C // 128, 128), jnp.float32),
    )(hpv, qv)


def kernel(x, edge_index, W1, W2):
    src = edge_index[0]
    src1 = _permute_idx(src, _H).reshape(_E // _K, _K)
    src2 = _permute_idx(src, _C).reshape(_E // _K, _K)
    dst = edge_index[1].reshape(_E // _K, _K)
    ones_k = jnp.ones((_K, _C), jnp.float32)
    zeros16 = jnp.zeros((_NP, _C), jnp.float32)
    zeros64 = jnp.zeros((_NP, _H), jnp.float32)

    hp = _make_hist()(ones_k, dst, zeros16)
    hpv = hp.reshape(_NC, _NP * _C // 128, 128)
    h1p = _tc_mm1(hpv, x, W1)
    h1v = h1p.reshape(_NP, _H)
    p = _make_spmm(_H)(h1v, src1, dst, zeros64)
    pv = p.reshape(_NC, _NP * _H // 128, 128)
    o2p = _tc_mm2(hpv, pv, W2)
    o2v = o2p.reshape(_NP, _C)
    q = _make_spmm(_C)(o2v, src2, dst, zeros16)
    qv = q.reshape(_NC, _NP * _C // 128, 128)
    return _tc_out(hpv, qv).reshape(_NP, _C)[:_N]

# --- scband reference (transcript-rebuilt; emitter-appended) ---
"""Pipeline reference for scband-gnnq-33956011442526 (READ-ONLY COPY).

The authoritative reference and input builder live on the scoring server;
editing this copy changes nothing except your own understanding.
"""

import jax, jax.numpy as jnp
import numpy as np

N = 10000
E = 320000
F_IN = 128
H = 64
C = 16


def setup_inputs(seed: int = 0) -> dict:
    key = jax.random.key(seed)
    k1, k2, k3, k4 = jax.random.split(key, 4)
    x = jax.random.normal(k1, (N, F_IN), dtype=jnp.float32)
    edge_index = jax.random.randint(k2, (2, E), 0, N, dtype=jnp.int32)
    W1 = jax.random.normal(k3, (F_IN, H), dtype=jnp.float32) * 0.05
    W2 = jax.random.normal(k4, (H, C), dtype=jnp.float32) * 0.05
    return {"x": x, "edge_index": edge_index, "W1": W1, "W2": W2}


def _gcn_norm(edge_index, n, dtype):
    # symmetric GCN normalization coefficients per edge: 1/sqrt(deg[src]) * 1/sqrt(deg[dst])
    src = edge_index[0]
    dst = edge_index[1]
    ones = jnp.ones((edge_index.shape[1],), dtype=dtype)
    deg = jax.ops.segment_sum(ones, dst, num_segments=n)
    deg = jnp.maximum(deg, 1.0)
    dinv = 1.0 / jnp.sqrt(deg)
    return dinv[src] * dinv[dst]


def _spmm(edge_index, norm, m, n):
    # sparse adj @ m : gather rows by src, scale by edge norm, scatter-add to dst
    src = edge_index[0]
    dst = edge_index[1]
    gathered = m[src] * norm[:, None]
    return jax.ops.segment_sum(gathered, dst, num_segments=n)


def reference(x, edge_index, W1, W2):
    # GNNq.forward in eval mode: dropout -> GraphConvolution(m1) -> relu -> dropout -> GraphConvolution(m2)
    # dropout is identity with training=False. GraphConvolution: spmm(adj, x @ W)
    n = x.shape[0]
    norm = _gcn_norm(edge_index, n, x.dtype)
    h = x @ W1
    h = _spmm(edge_index, norm, h, n)
    h = jax.nn.relu(h)
    out = h @ W2
    out = _spmm(edge_index, norm, out, n)
    return out

if __name__ == "__main__":
    import jax
    _d = setup_inputs()
    print(jax.jit(kernel)(*tuple(_d.values())))

</pallas_src>

<mosaic_0001>
#map = affine_map<(d0, d1) -> (0, 0)>
#map1 = affine_map<(d0, d1) -> (0, 0, 0)>
module attributes {stable_mosaic.version = 14 : i64} {
  func.func @hist(%arg0: i32, %arg1: i32, %arg2: memref<100x16xf32, #tpu.memory_space<hbm>>, %arg3: memref<3200x100xi32, #tpu.memory_space<hbm>>, %arg4: memref<10240x16xf32, #tpu.memory_space<hbm>>, %arg5: memref<2x10240x16xf32, #tpu.memory_space<hbm>>, %arg6: memref<100x100xi32, #tpu.memory_space<vmem>>, %arg7: memref<100x16xf32, #tpu.memory_space<vmem>>, %arg8: memref<10240x16xf32, #tpu.memory_space<vmem_shared>>, %arg9: memref<10x!tpu.dma_semaphore, #tpu.memory_space<semaphore_mem>>) attributes {dimension_semantics = [#tpu.dimension_semantics<core_parallel>, #tpu.dimension_semantics<subcore_parallel>], iteration_bounds = array<i64: 2, 16>, scalar_prefetch = 0 : i64, scratch_operands = 4 : i64, tpu.core_type = #tpu.core_type<sc_vector_subcore>, window_params = [{transform_indices = #map}, {transform_indices = #map}, {transform_indices = #map}, {transform_indices = #map1}]} {
    %mul3A = arith.constant 2 : i32
    %mul3A_0 = arith.muli %arg1, %mul3A : i32
    %add3A = arith.addi %mul3A_0, %arg0 : i32
    %mul3A_1 = arith.constant 640 : i32
    %mul3A_2 = arith.muli %arg1, %mul3A_1 : i32
    "tpu.region"() ({
      %run_scoped3A = tpu.sem_alloc : memref<!tpu.dma_semaphore, #tpu.memory_space<semaphore_mem>>
      %dma_start3A = arith.constant 0 : i32
      %dma_start3A_110 = tpu.memref_slice %arg8[%mul3A_2, %dma_start3A] : memref<10240x16xf32, #tpu.memory_space<vmem_shared>> -> memref<640x16xf32, #tpu.memory_space<vmem_shared>>
      %dma_start3A_111 = arith.constant 0 : i32
      %dma_start3A_112 = tpu.memref_slice %arg4[%mul3A_2, %dma_start3A_111] : memref<10240x16xf32, #tpu.memory_space<hbm>> -> memref<640x16xf32, #tpu.memory_space<hbm>>
      tpu.enqueue_dma source(%dma_start3A_112 : memref<640x16xf32, #tpu.memory_space<hbm>>) target(%dma_start3A_110 : memref<640x16xf32, #tpu.memory_space<vmem_shared>>) target_semaphore(%run_scoped3A : memref<!tpu.dma_semaphore, #tpu.memory_space<semaphore_mem>>)
      %dma_wait3A_113 = arith.constant 0 : i32
      %dma_wait3A_114 = tpu.memref_slice %arg8[%mul3A_2, %dma_wait3A_113] : memref<10240x16xf32, #tpu.memory_space<vmem_shared>> -> memref<640x16xf32, #tpu.memory_space<vmem_shared>>
      %dma_wait3A_115 = arith.constant 0 : i32
      %dma_wait3A_116 = tpu.memref_slice %arg4[%mul3A_2, %dma_wait3A_115] : memref<10240x16xf32, #tpu.memory_space<hbm>> -> memref<640x16xf32, #tpu.memory_space<hbm>>
      tpu.wait_dma2 semaphore(%run_scoped3A : memref<!tpu.dma_semaphore, #tpu.memory_space<semaphore_mem>>) src(%dma_wait3A_116 : memref<640x16xf32, #tpu.memory_space<hbm>>) dst(%dma_wait3A_114 : memref<640x16xf32, #tpu.memory_space<vmem_shared>>)
      tpu.yield
    }) : () -> ()
    %mul3A_3 = arith.constant 100 : i32
    %mul3A_4 = arith.muli %add3A, %mul3A_3 : i32
    "tpu.region"() ({
      %run_scoped3A = tpu.sem_alloc : memref<!tpu.dma_semaphore, #tpu.memory_space<semaphore_mem>>
      %dma_start3A = arith.constant 0 : i32
      %dma_start3A_110 = tpu.memref_slice %arg3[%mul3A_4, %dma_start3A] : memref<3200x100xi32, #tpu.memory_space<hbm>> -> memref<100x100xi32, #tpu.memory_space<hbm>>
      %dma_start3A_111 = arith.constant 0 : i32
      %dma_start3A_112 = tpu.memref_slice %arg3[%mul3A_4, %dma_start3A_111] : memref<3200x100xi32, #tpu.memory_space<hbm>> -> memref<100x100xi32, #tpu.memory_space<hbm>>
      tpu.enqueue_dma source(%dma_start3A_112 : memref<100x100xi32, #tpu.memory_space<hbm>>) target(%arg6 : memref<100x100xi32, #tpu.memory_space<vmem>>) target_semaphore(%run_scoped3A : memref<!tpu.dma_semaphore, #tpu.memory_space<semaphore_mem>>)
      %dma_wait3A_113 = arith.constant 0 : i32
      %dma_wait3A_114 = tpu.memref_slice %arg3[%mul3A_4, %dma_wait3A_113] : memref<3200x100xi32, #tpu.memory_space<hbm>> -> memref<100x100xi32, #tpu.memory_space<hbm>>
      %dma_wait3A_115 = arith.constant 0 : i32
      %dma_wait3A_116 = tpu.memref_slice %arg3[%mul3A_4, %dma_wait3A_115] : memref<3200x100xi32, #tpu.memory_space<hbm>> -> memref<100x100xi32, #tpu.memory_space<hbm>>
      tpu.wait_dma2 semaphore(%run_scoped3A : memref<!tpu.dma_semaphore, #tpu.memory_space<semaphore_mem>>) src(%dma_wait3A_116 : memref<100x100xi32, #tpu.memory_space<hbm>>) dst(%arg6 : memref<100x100xi32, #tpu.memory_space<vmem>>)
      tpu.yield
    }) : () -> ()
    "tpu.region"() ({
      %run_scoped3A = tpu.sem_alloc : memref<!tpu.dma_semaphore, #tpu.memory_space<semaphore_mem>>
      tpu.enqueue_dma source(%arg2 : memref<100x16xf32, #tpu.memory_space<hbm>>) target(%arg7 : memref<100x16xf32, #tpu.memory_space<vmem>>) target_semaphore(%run_scoped3A : memref<!tpu.dma_semaphore, #tpu.memory_space<semaphore_mem>>)
      tpu.wait_dma2 semaphore(%run_scoped3A : memref<!tpu.dma_semaphore, #tpu.memory_space<semaphore_mem>>) src(%arg2 : memref<100x16xf32, #tpu.memory_space<hbm>>) dst(%arg7 : memref<100x16xf32, #tpu.memory_space<vmem>>)
      tpu.yield
    }) : () -> ()
    %barrier3A = arith.constant 0 : index
    tpu.barrier barrier_id(%barrier3A)
    %scan3A = arith.constant 0 : i32
    %scan3A_5 = arith.constant 0 : i32
    %scan3A_6 = arith.constant 10 : i32
    %scan3A_7 = arith.addi %scan3A_5, %scan3A_6 : i32
    %scan3A_8 = arith.constant 1 : i32
    scf.for %scan3A_110 = %scan3A_5 to %scan3A_7 step %scan3A_8  : i32 {
      %mul3A_111 = arith.constant 10 : i32
      %mul3A_112 = arith.muli %scan3A_110, %mul3A_111 : i32
      %add3A_113 = arith.constant 0 : i32
      %add3A_114 = arith.addi %mul3A_112, %add3A_113 : i32
      %ge3A = arith.constant 10 : i32
      %ge3A_115 = arith.cmpi sge, %add3A_114, %ge3A : i32
      %convert_element_type3A = arith.extui %ge3A_115 : i1 to i32
      %cond3A = arith.constant 0 : i32
      %cond3A_116 = arith.cmpi ne, %convert_element_type3A, %cond3A : i32
      scf.if %cond3A_116 {
        %sub3A = arith.constant 10 : i32
        %sub3A_287 = arith.subi %add3A_114, %sub3A : i32
        %dma_wait3A_288 = arith.constant 0 : i32
        %dma_wait3A_289 = arith.constant 0 : i32
        %dma_wait3A_290 = tpu.memref_slice %arg6[%sub3A_287, %dma_wait3A_289] : memref<100x100xi32, #tpu.memory_space<vmem>> -> memref<1x100xi32, #tpu.memory_space<vmem>>
        %dma_wait3A_291 = tpu.memref_squeeze %dma_wait3A_290 : memref<1x100xi32, #tpu.memory_space<vmem>> -> memref<100xi32, #tpu.memory_space<vmem>>
        %dma_wait3A_292 = arith.constant 0 : i32
        %dma_wait3A_293 = arith.constant 0 : i32
        %dma_wait3A_294 = tpu.memref_slice %arg8[%dma_wait3A_292, %dma_wait3A_293] : memref<10240x16xf32, #tpu.memory_space<vmem_shared>> -> memref<10240x16xf32, #tpu.memory_space<vmem_shared>>
        %dma_wait3A_295 = tpu.memref_slice %arg9[%dma_wait3A_288] : memref<10x!tpu.dma_semaphore, #tpu.memory_space<semaphore_mem>> -> memref<1x!tpu.dma_semaphore, #tpu.memory_space<semaphore_mem>>
        %dma_wait3A_296 = tpu.memref_squeeze %dma_wait3A_295 : memref<1x!tpu.dma_semaphore, #tpu.memory_space<semaphore_mem>> -> memref<!tpu.dma_semaphore, #tpu.memory_space<semaphore_mem>>
        tpu.wait_indirect_dma semaphore(%dma_wait3A_296 : memref<!tpu.dma_semaphore, #tpu.memory_space<semaphore_mem>>) src(%arg7 : memref<100x16xf32, #tpu.memory_space<vmem>>) dst(%dma_wait3A_294 : memref<10240x16xf32, #tpu.memory_space<vmem_shared>>)
      } else {
      }
      %dma_start3A = arith.constant 0 : i32
      %dma_start3A_117 = arith.constant 0 : i32
      %dma_start3A_118 = tpu.memref_slice %arg6[%add3A_114, %dma_start3A_117] : memref<100x100xi32, #tpu.memory_space<vmem>> -> memref<1x100xi32, #tpu.memory_space<vmem>>
      %dma_start3A_119 = tpu.memref_squeeze %dma_start3A_118 : memref<1x100xi32, #tpu.memory_space<vmem>> -> memref<100xi32, #tpu.memory_space<vmem>>
      %dma_start3A_120 = arith.constant 0 : i32
      %dma_start3A_121 = arith.constant 0 : i32
      %dma_start3A_122 = tpu.memref_slice %arg8[%dma_start3A_120, %dma_start3A_121] : memref<10240x16xf32, #tpu.memory_space<vmem_shared>> -> memref<10240x16xf32, #tpu.memory_space<vmem_shared>>
      %dma_start3A_123 = tpu.memref_slice %arg9[%dma_start3A] : memref<10x!tpu.dma_semaphore, #tpu.memory_space<semaphore_mem>> -> memref<1x!tpu.dma_semaphore, #tpu.memory_space<semaphore_mem>>
      %dma_start3A_124 = tpu.memref_squeeze %dma_start3A_123 : memref<1x!tpu.dma_semaphore, #tpu.memory_space<semaphore_mem>> -> memref<!tpu.dma_semaphore, #tpu.memory_space<semaphore_mem>>
      tpu.enqueue_indirect_dma source(%arg7 : memref<100x16xf32, #tpu.memory_space<vmem>>) target(%dma_start3A_122 : memref<10240x16xf32, #tpu.memory_space<vmem_shared>>) offsets(%dma_start3A_119 : memref<100xi32, #tpu.memory_space<vmem>>) semaphore(%dma_start3A_124 : memref<!tpu.dma_semaphore, #tpu.memory_space<semaphore_mem>>) {add = true}
      %mul3A_125 = arith.constant 10 : i32
      %mul3A_126 = arith.muli %scan3A_110, %mul3A_125 : i32
      %add3A_127 = arith.constant 1 : i32
      %add3A_128 = arith.addi %mul3A_126, %add3A_127 : i32
      %ge3A_129 = arith.constant 10 : i32
      %ge3A_130 = arith.cmpi sge, %add3A_128, %ge3A_129 : i32
      %convert_element_type3A_131 = arith.extui %ge3A_130 : i1 to i32
      %cond3A_132 = arith.constant 0 : i32
      %cond3A_133 = arith.cmpi ne, %convert_element_type3A_131, %cond3A_132 : i32
      scf.if %cond3A_133 {
        %sub3A = arith.constant 10 : i32
        %sub3A_287 = arith.subi %add3A_128, %sub3A : i32
        %dma_wait3A_288 = arith.constant 1 : i32
        %dma_wait3A_289 = arith.constant 0 : i32
        %dma_wait3A_290 = tpu.memref_slice %arg6[%sub3A_287, %dma_wait3A_289] : memref<100x100xi32, #tpu.memory_space<vmem>> -> memref<1x100xi32, #tpu.memory_space<vmem>>
        %dma_wait3A_291 = tpu.memref_squeeze %dma_wait3A_290 : memref<1x100xi32, #tpu.memory_space<vmem>> -> memref<100xi32, #tpu.memory_space<vmem>>
        %dma_wait3A_292 = arith.constant 0 : i32
        %dma_wait3A_293 = arith.constant 0 : i32
        %dma_wait3A_294 = tpu.memref_slice %arg8[%dma_wait3A_292, %dma_wait3A_293] : memref<10240x16xf32, #tpu.memory_space<vmem_shared>> -> memref<10240x16xf32, #tpu.memory_space<vmem_shared>>
        %dma_wait3A_295 = tpu.memref_slice %arg9[%dma_wait3A_288] : memref<10x!tpu.dma_semaphore, #tpu.memory_space<semaphore_mem>> -> memref<1x!tpu.dma_semaphore, #tpu.memory_space<semaphore_mem>>
        %dma_wait3A_296 = tpu.memref_squeeze %dma_wait3A_295 : memref<1x!tpu.dma_semaphore, #tpu.memory_space<semaphore_mem>> -> memref<!tpu.dma_semaphore, #tpu.memory_space<semaphore_mem>>
        tpu.wait_indirect_dma semaphore(%dma_wait3A_296 : memref<!tpu.dma_semaphore, #tpu.memory_space<semaphore_mem>>) src(%arg7 : memref<100x16xf32, #tpu.memory_space<vmem>>) dst(%dma_wait3A_294 : memref<10240x16xf32, #tpu.memory_space<vmem_shared>>)
      } else {
      }
      %dma_start3A_134 = arith.constant 1 : i32
      %dma_start3A_135 = arith.constant 0 : i32
      %dma_start3A_136 = tpu.memref_slice %arg6[%add3A_128, %dma_start3A_135] : memref<100x100xi32, #tpu.memory_space<vmem>> -> memref<1x100xi32, #tpu.memory_space<vmem>>
      %dma_start3A_137 = tpu.memref_squeeze %dma_start3A_136 : memref<1x100xi32, #tpu.memory_space<vmem>> -> memref<100xi32, #tpu.memory_space<vmem>>
      %dma_start3A_138 = arith.constant 0 : i32
      %dma_start3A_139 = arith.constant 0 : i32
      %dma_start3A_140 = tpu.memref_slice %arg8[%dma_start3A_138, %dma_start3A_139] : memref<10240x16xf32, #tpu.memory_space<vmem_shared>> -> memref<10240x16xf32, #tpu.memory_space<vmem_shared>>
      %dma_start3A_141 = tpu.memref_slice %arg9[%dma_start3A_134] : memref<10x!tpu.dma_semaphore, #tpu.memory_space<semaphore_mem>> -> memref<1x!tpu.dma_semaphore, #tpu.memory_space<semaphore_mem>>
      %dma_start3A_142 = tpu.memref_squeeze %dma_start3A_141 : memref<1x!tpu.dma_semaphore, #tpu.memory_space<semaphore_mem>> -> memref<!tpu.dma_semaphore, #tpu.memory_space<semaphore_mem>>
      tpu.enqueue_indirect_dma source(%arg7 : memref<100x16xf32, #tpu.memory_space<vmem>>) target(%dma_start3A_140 : memref<10240x16xf32, #tpu.memory_space<vmem_shared>>) offsets(%dma_start3A_137 : memref<100xi32, #tpu.memory_space<vmem>>) semaphore(%dma_start3A_142 : memref<!tpu.dma_semaphore, #tpu.memory_space<semaphore_mem>>) {add = true}
      %mul3A_143 = arith.constant 10 : i32
      %mul3A_144 = arith.muli %scan3A_110, %mul3A_143 : i32
      %add3A_145 = arith.constant 2 : i32
      %add3A_146 = arith.addi %mul3A_144, %add3A_145 : i32
      %ge3A_147 = arith.constant 10 : i32
      %ge3A_148 = arith.cmpi sge, %add3A_146, %ge3A_147 : i32
      %convert_element_type3A_149 = arith.extui %ge3A_148 : i1 to i32
      %cond3A_150 = arith.constant 0 : i32
      %cond3A_151 = arith.cmpi ne, %convert_element_type3A_149, %cond3A_150 : i32
      scf.if %cond3A_151 {
        %sub3A = arith.constant 10 : i32
        %sub3A_287 = arith.subi %add3A_146, %sub3A : i32
        %dma_wait3A_288 = arith.constant 2 : i32
        %dma_wait3A_289 = arith.constant 0 : i32
        %dma_wait3A_290 = tpu.memref_slice %arg6[%sub3A_287, %dma_wait3A_289] : memref<100x100xi32, #tpu.memory_space<vmem>> -> memref<1x100xi32, #tpu.memory_space<vmem>>
        %dma_wait3A_291 = tpu.memref_squeeze %dma_wait3A_290 : memref<1x100xi32, #tpu.memory_space<vmem>> -> memref<100xi32, #tpu.memory_space<vmem>>
        %dma_wait3A_292 = arith.constant 0 : i32
        %dma_wait3A_293 = arith.constant 0 : i32
        %dma_wait3A_294 = tpu.memref_slice %arg8[%dma_wait3A_292, %dma_wait3A_293] : memref<10240x16xf32, #tpu.memory_space<vmem_shared>> -> memref<10240x16xf32, #tpu.memory_space<vmem_shared>>
        %dma_wait3A_295 = tpu.memref_slice %arg9[%dma_wait3A_288] : memref<10x!tpu.dma_semaphore, #tpu.memory_space<semaphore_mem>> -> memref<1x!tpu.dma_semaphore, #tpu.memory_space<semaphore_mem>>
        %dma_wait3A_296 = tpu.memref_squeeze %dma_wait3A_295 : memref<1x!tpu.dma_semaphore, #tpu.memory_space<semaphore_mem>> -> memref<!tpu.dma_semaphore, #tpu.memory_space<semaphore_mem>>
        tpu.wait_indirect_dma semaphore(%dma_wait3A_296 : memref<!tpu.dma_semaphore, #tpu.memory_space<semaphore_mem>>) src(%arg7 : memref<100x16xf32, #tpu.memory_space<vmem>>) dst(%dma_wait3A_294 : memref<10240x16xf32, #tpu.memory_space<vmem_shared>>)
      } else {
      }
      %dma_start3A_152 = arith.constant 2 : i32
      %dma_start3A_153 = arith.constant 0 : i32
      %dma_start3A_154 = tpu.memref_slice %arg6[%add3A_146, %dma_start3A_153] : memref<100x100xi32, #tpu.memory_space<vmem>> -> memref<1x100xi32, #tpu.memory_space<vmem>>
      %dma_start3A_155 = tpu.memref_squeeze %dma_start3A_154 : memref<1x100xi32, #tpu.memory_space<vmem>> -> memref<100xi32, #tpu.memory_space<vmem>>
      %dma_start3A_156 = arith.constant 0 : i32
      %dma_start3A_157 = arith.constant 0 : i32
      %dma_start3A_158 = tpu.memref_slice %arg8[%dma_start3A_156, %dma_start3A_157] : memref<10240x16xf32, #tpu.memory_space<vmem_shared>> -> memref<10240x16xf32, #tpu.memory_space<vmem_shared>>
      %dma_start3A_159 = tpu.memref_slice %arg9[%dma_start3A_152] : memref<10x!tpu.dma_semaphore, #tpu.memory_space<semaphore_mem>> -> memref<1x!tpu.dma_semaphore, #tpu.memory_space<semaphore_mem>>
      %dma_start3A_160 = tpu.memref_squeeze %dma_start3A_159 : memref<1x!tpu.dma_semaphore, #tpu.memory_space<semaphore_mem>> -> memref<!tpu.dma_semaphore, #tpu.memory_space<semaphore_mem>>
      tpu.enqueue_indirect_dma source(%arg7 : memref<100x16xf32, #tpu.memory_space<vmem>>) target(%dma_start3A_158 : memref<10240x16xf32, #tpu.memory_space<vmem_shared>>) offsets(%dma_start3A_155 : memref<100xi32, #tpu.memory_space<vmem>>) semaphore(%dma_start3A_160 : memref<!tpu.dma_semaphore, #tpu.memory_space<semaphore_mem>>) {add = true}
      %mul3A_161 = arith.constant 10 : i32
      %mul3A_162 = arith.muli %scan3A_110, %mul3A_161 : i32
      %add3A_163 = arith.constant 3 : i32
      %add3A_164 = arith.addi %mul3A_162, %add3A_163 : i32
      %ge3A_165 = arith.constant 10 : i32
      %ge3A_166 = arith.cmpi sge, %add3A_164, %ge3A_165 : i32
      %convert_element_type3A_167 = arith.extui %ge3A_166 : i1 to i32
      %cond3A_168 = arith.constant 0 : i32
      %cond3A_169 = arith.cmpi ne, %convert_element_type3A_167, %cond3A_168 : i32
      scf.if %cond3A_169 {
        %sub3A = arith.constant 10 : i32
        %sub3A_287 = arith.subi %add3A_164, %sub3A : i32
        %dma_wait3A_288 = arith.constant 3 : i32
        %dma_wait3A_289 = arith.constant 0 : i32
        %dma_wait3A_290 = tpu.memref_slice %arg6[%sub3A_287, %dma_wait3A_289] : memref<100x100xi32, #tpu.memory_space<vmem>> -> memref<1x100xi32, #tpu.memory_space<vmem>>
        %dma_wait3A_291 = tpu.memref_squeeze %dma_wait3A_290 : memref<1x100xi32, #tpu.memory_space<vmem>> -> memref<100xi32, #tpu.memory_space<vmem>>
        %dma_wait3A_292 = arith.constant 0 : i32
        %dma_wait3A_293 = arith.constant 0 : i32
        %dma_wait3A_294 = tpu.memref_slice %arg8[%dma_wait3A_292, %dma_wait3A_293] : memref<10240x16xf32, #tpu.memory_space<vmem_shared>> -> memref<10240x16xf32, #tpu.memory_space<vmem_shared>>
        %dma_wait3A_295 = tpu.memref_slice %arg9[%dma_wait3A_288] : memref<10x!tpu.dma_semaphore, #tpu.memory_space<semaphore_mem>> -> memref<1x!tpu.dma_semaphore, #tpu.memory_space<semaphore_mem>>
        %dma_wait3A_296 = tpu.memref_squeeze %dma_wait3A_295 : memref<1x!tpu.dma_semaphore, #tpu.memory_space<semaphore_mem>> -> memref<!tpu.dma_semaphore, #tpu.memory_space<semaphore_mem>>
        tpu.wait_indirect_dma semaphore(%dma_wait3A_296 : memref<!tpu.dma_semaphore, #tpu.memory_space<semaphore_mem>>) src(%arg7 : memref<100x16xf32, #tpu.memory_space<vmem>>) dst(%dma_wait3A_294 : memref<10240x16xf32, #tpu.memory_space<vmem_shared>>)
      } else {
      }
      %dma_start3A_170 = arith.constant 3 : i32
      %dma_start3A_171 = arith.constant 0 : i32
      %dma_start3A_172 = tpu.memref_slice %arg6[%add3A_164, %dma_start3A_171] : memref<100x100xi32, #tpu.memory_space<vmem>> -> memref<1x100xi32, #tpu.memory_space<vmem>>
      %dma_start3A_173 = tpu.memref_squeeze %dma_start3A_172 : memref<1x100xi32, #tpu.memory_space<vmem>> -> memref<100xi32, #tpu.memory_space<vmem>>
      %dma_start3A_174 = arith.constant 0 : i32
      %dma_start3A_175 = arith.constant 0 : i32
      %dma_start3A_176 = tpu.memref_slice %arg8[%dma_start3A_174, %dma_start3A_175] : memref<10240x16xf32, #tpu.memory_space<vmem_shared>> -> memref<10240x16xf32, #tpu.memory_space<vmem_shared>>
      %dma_start3A_177 = tpu.memref_slice %arg9[%dma_start3A_170] : memref<10x!tpu.dma_semaphore, #tpu.memory_space<semaphore_mem>> -> memref<1x!tpu.dma_semaphore, #tpu.memory_space<semaphore_mem>>
      %dma_start3A_178 = tpu.memref_squeeze %dma_start3A_177 : memref<1x!tpu.dma_semaphore, #tpu.memory_space<semaphore_mem>> -> memref<!tpu.dma_semaphore, #tpu.memory_space<semaphore_mem>>
      tpu.enqueue_indirect_dma source(%arg7 : memref<100x16xf32, #tpu.memory_space<vmem>>) target(%dma_start3A_176 : memref<10240x16xf32, #tpu.memory_space<vmem_shared>>) offsets(%dma_start3A_173 : memref<100xi32, #tpu.memory_space<vmem>>) semaphore(%dma_start3A_178 : memref<!tpu.dma_semaphore, #tpu.memory_space<semaphore_mem>>) {add = true}
      %mul3A_179 = arith.constant 10 : i32
      %mul3A_180 = arith.muli %scan3A_110, %mul3A_179 : i32
      %add3A_181 = arith.constant 4 : i32
      %add3A_182 = arith.addi %mul3A_180, %add3A_181 : i32
      %ge3A_183 = arith.constant 10 : i32
      %ge3A_184 = arith.cmpi sge, %add3A_182, %ge3A_183 : i32
      %convert_element_type3A_185 = arith.extui %ge3A_184 : i1 to i32
      %cond3A_186 = arith.constant 0 : i32
      %cond3A_187 = arith.cmpi ne, %convert_element_type3A_185, %cond3A_186 : i32
      scf.if %cond3A_187 {
        %sub3A = arith.constant 10 : i32
        %sub3A_287 = arith.subi %add3A_182, %sub3A : i32
        %dma_wait3A_288 = arith.constant 4 : i32
        %dma_wait3A_289 = arith.constant 0 : i32
        %dma_wait3A_290 = tpu.memref_slice %arg6[%sub3A_287, %dma_wait3A_289] : memref<100x100xi32, #tpu.memory_space<vmem>> -> memref<1x100xi32, #tpu.memory_space<vmem>>
        %dma_wait3A_291 = tpu.memref_squeeze %dma_wait3A_290 : memref<1x100xi32, #tpu.memory_space<vmem>> -> memref<100xi32, #tpu.memory_space<vmem>>
        %dma_wait3A_292 = arith.constant 0 : i32
        %dma_wait3A_293 = arith.constant 0 : i32
        %dma_wait3A_294 = tpu.memref_slice %arg8[%dma_wait3A_292, %dma_wait3A_293] : memref<10240x16xf32, #tpu.memory_space<vmem_shared>> -> memref<10240x16xf32, #tpu.memory_space<vmem_shared>>
        %dma_wait3A_295 = tpu.memref_slice %arg9[%dma_wait3A_288] : memref<10x!tpu.dma_semaphore, #tpu.memory_space<semaphore_mem>> -> memref<1x!tpu.dma_semaphore, #tpu.memory_space<semaphore_mem>>
        %dma_wait3A_296 = tpu.memref_squeeze %dma_wait3A_295 : memref<1x!tpu.dma_semaphore, #tpu.memory_space<semaphore_mem>> -> memref<!tpu.dma_semaphore, #tpu.memory_space<semaphore_mem>>
        tpu.wait_indirect_dma semaphore(%dma_wait3A_296 : memref<!tpu.dma_semaphore, #tpu.memory_space<semaphore_mem>>) src(%arg7 : memref<100x16xf32, #tpu.memory_space<vmem>>) dst(%dma_wait3A_294 : memref<10240x16xf32, #tpu.memory_space<vmem_shared>>)
      } else {
      }
      %dma_start3A_188 = arith.constant 4 : i32
      %dma_start3A_189 = arith.constant 0 : i32
      %dma_start3A_190 = tpu.memref_slice %arg6[%add3A_182, %dma_start3A_189] : memref<100x100xi32, #tpu.memory_space<vmem>> -> memref<1x100xi32, #tpu.memory_space<vmem>>
      %dma_start3A_191 = tpu.memref_squeeze %dma_start3A_190 : memref<1x100xi32, #tpu.memory_space<vmem>> -> memref<100xi32, #tpu.memory_space<vmem>>
      %dma_start3A_192 = arith.constant 0 : i32
      %dma_start3A_193 = arith.constant 0 : i32
      %dma_start3A_194 = tpu.memref_slice %arg8[%dma_start3A_192, %dma_start3A_193] : memref<10240x16xf32, #tpu.memory_space<vmem_shared>> -> memref<10240x16xf32, #tpu.memory_space<vmem_shared>>
      %dma_start3A_195 = tpu.memref_slice %arg9[%dma_start3A_188] : memref<10x!tpu.dma_semaphore, #tpu.memory_space<semaphore_mem>> -> memref<1x!tpu.dma_semaphore, #tpu.memory_space<semaphore_mem>>
      %dma_start3A_196 = tpu.memref_squeeze %dma_start3A_195 : memref<1x!tpu.dma_semaphore, #tpu.memory_space<semaphore_mem>> -> memref<!tpu.dma_semaphore, #tpu.memory_space<semaphore_mem>>
      tpu.enqueue_indirect_dma source(%arg7 : memref<100x16xf32, #tpu.memory_space<vmem>>) target(%dma_start3A_194 : memref<10240x16xf32, #tpu.memory_space<vmem_shared>>) offsets(%dma_start3A_191 : memref<100xi32, #tpu.memory_space<vmem>>) semaphore(%dma_start3A_196 : memref<!tpu.dma_semaphore, #tpu.memory_space<semaphore_mem>>) {add = true}
      %mul3A_197 = arith.constant 10 : i32
      %mul3A_198 = arith.muli %scan3A_110, %mul3A_197 : i32
      %add3A_199 = arith.constant 5 : i32
      %add3A_200 = arith.addi %mul3A_198, %add3A_199 : i32
      %ge3A_201 = arith.constant 10 : i32
      %ge3A_202 = arith.cmpi sge, %add3A_200, %ge3A_201 : i32
      %convert_element_type3A_203 = arith.extui %ge3A_202 : i1 to i32
      %cond3A_204 = arith.constant 0 : i32
      %cond3A_205 = arith.cmpi ne, %convert_element_type3A_203, %cond3A_204 : i32
      scf.if %cond3A_205 {
        %sub3A = arith.constant 10 : i32
        %sub3A_287 = arith.subi %add3A_200, %sub3A : i32
        %dma_wait3A_288 = arith.constant 5 : i32
        %dma_wait3A_289 = arith.constant 0 : i32
        %dma_wait3A_290 = tpu.memref_slice %arg6[%sub3A_287, %dma_wait3A_289] : memref<100x100xi32, #tpu.memory_space<vmem>> -> memref<1x100xi32, #tpu.memory_space<vmem>>
        %dma_wait3A_291 = tpu.memref_squeeze %dma_wait3A_290 : memref<1x100xi32, #tpu.memory_space<vmem>> -> memref<100xi32, #tpu.memory_space<vmem>>
        %dma_wait3A_292 = arith.constant 0 : i32
        %dma_wait3A_293 = arith.constant 0 : i32
        %dma_wait3A_294 = tpu.memref_slice %arg8[%dma_wait3A_292, %dma_wait3A_293] : memref<10240x16xf32, #tpu.memory_space<vmem_shared>> -> memref<10240x16xf32, #tpu.memory_space<vmem_shared>>
        %dma_wait3A_295 = tpu.memref_slice %arg9[%dma_wait3A_288] : memref<10x!tpu.dma_semaphore, #tpu.memory_space<semaphore_mem>> -> memref<1x!tpu.dma_semaphore, #tpu.memory_space<semaphore_mem>>
        %dma_wait3A_296 = tpu.memref_squeeze %dma_wait3A_295 : memref<1x!tpu.dma_semaphore, #tpu.memory_space<semaphore_mem>> -> memref<!tpu.dma_semaphore, #tpu.memory_space<semaphore_mem>>
        tpu.wait_indirect_dma semaphore(%dma_wait3A_296 : memref<!tpu.dma_semaphore, #tpu.memory_space<semaphore_mem>>) src(%arg7 : memref<100x16xf32, #tpu.memory_space<vmem>>) dst(%dma_wait3A_294 : memref<10240x16xf32, #tpu.memory_space<vmem_shared>>)
      } else {
      }
      %dma_start3A_206 = arith.constant 5 : i32
      %dma_start3A_207 = arith.constant 0 : i32
      %dma_start3A_208 = tpu.memref_slice %arg6[%add3A_200, %dma_start3A_207] : memref<100x100xi32, #tpu.memory_space<vmem>> -> memref<1x100xi32, #tpu.memory_space<vmem>>
      %dma_start3A_209 = tpu.memref_squeeze %dma_start3A_208 : memref<1x100xi32, #tpu.memory_space<vmem>> -> memref<100xi32, #tpu.memory_space<vmem>>
      %dma_start3A_210 = arith.constant 0 : i32
      %dma_start3A_211 = arith.constant 0 : i32
      %dma_start3A_212 = tpu.memref_slice %arg8[%dma_start3A_210, %dma_start3A_211] : memref<10240x16xf32, #tpu.memory_space<vmem_shared>> -> memref<10240x16xf32, #tpu.memory_space<vmem_shared>>
      %dma_start3A_213 = tpu.memref_slice %arg9[%dma_start3A_206] : memref<10x!tpu.dma_semaphore, #tpu.memory_space<semaphore_mem>> -> memref<1x!tpu.dma_semaphore, #tpu.memory_space<semaphore_mem>>
      %dma_start3A_214 = tpu.memref_squeeze %dma_start3A_213 : memref<1x!tpu.dma_semaphore, #tpu.memory_space<semaphore_mem>> -> memref<!tpu.dma_semaphore, #tpu.memory_space<semaphore_mem>>
      tpu.enqueue_indirect_dma source(%arg7 : memref<100x16xf32, #tpu.memory_space<vmem>>) target(%dma_start3A_212 : memref<10240x16xf32, #tpu.memory_space<vmem_shared>>) offsets(%dma_start3A_209 : memref<100xi32, #tpu.memory_space<vmem>>) semaphore(%dma_start3A_214 : memref<!tpu.dma_semaphore, #tpu.memory_space<semaphore_mem>>) {add = true}
      %mul3A_215 = arith.constant 10 : i32
      %mul3A_216 = arith.muli %scan3A_110, %mul3A_215 : i32
      %add3A_217 = arith.constant 6 : i32
      %add3A_218 = arith.addi %mul3A_216, %add3A_217 : i32
      %ge3A_219 = arith.constant 10 : i32
      %ge3A_220 = arith.cmpi sge, %add3A_218, %ge3A_219 : i32
      %convert_element_type3A_221 = arith.extui %ge3A_220 : i1 to i32
      %cond3A_222 = arith.constant 0 : i32
      %cond3A_223 = arith.cmpi ne, %convert_element_type3A_221, %cond3A_222 : i32
      scf.if %cond3A_223 {
        %sub3A = arith.constant 10 : i32
        %sub3A_287 = arith.subi %add3A_218, %sub3A : i32
        %dma_wait3A_288 = arith.constant 6 : i32
        %dma_wait3A_289 = arith.constant 0 : i32
        %dma_wait3A_290 = tpu.memref_slice %arg6[%sub3A_287, %dma_wait3A_289] : memref<100x100xi32, #tpu.memory_space<vmem>> -> memref<1x100xi32, #tpu.memory_space<vmem>>
        %dma_wait3A_291 = tpu.memref_squeeze %dma_wait3A_290 : memref<1x100xi32, #tpu.memory_space<vmem>> -> memref<100xi32, #tpu.memory_space<vmem>>
        %dma_wait3A_292 = arith.constant 0 : i32
        %dma_wait3A_293 = arith.constant 0 : i32
        %dma_wait3A_294 = tpu.memref_slice %arg8[%dma_wait3A_292, %dma_wait3A_293] : memref<10240x16xf32, #tpu.memory_space<vmem_shared>> -> memref<10240x16xf32, #tpu.memory_space<vmem_shared>>
        %dma_wait3A_295 = tpu.memref_slice %arg9[%dma_wait3A_288] : memref<10x!tpu.dma_semaphore, #tpu.memory_space<semaphore_mem>> -> memref<1x!tpu.dma_semaphore, #tpu.memory_space<semaphore_mem>>
        %dma_wait3A_296 = tpu.memref_squeeze %dma_wait3A_295 : memref<1x!tpu.dma_semaphore, #tpu.memory_space<semaphore_mem>> -> memref<!tpu.dma_semaphore, #tpu.memory_space<semaphore_mem>>
        tpu.wait_indirect_dma semaphore(%dma_wait3A_296 : memref<!tpu.dma_semaphore, #tpu.memory_space<semaphore_mem>>) src(%arg7 : memref<100x16xf32, #tpu.memory_space<vmem>>) dst(%dma_wait3A_294 : memref<10240x16xf32, #tpu.memory_space<vmem_shared>>)
      } else {
      }
      %dma_start3A_224 = arith.constant 6 : i32
      %dma_start3A_225 = arith.constant 0 : i32
      %dma_start3A_226 = tpu.memref_slice %arg6[%add3A_218, %dma_start3A_225] : memref<100x100xi32, #tpu.memory_space<vmem>> -> memref<1x100xi32, #tpu.memory_space<vmem>>
      %dma_start3A_227 = tpu.memref_squeeze %dma_start3A_226 : memref<1x100xi32, #tpu.memory_space<vmem>> -> memref<100xi32, #tpu.memory_space<vmem>>
      %dma_start3A_228 = arith.constant 0 : i32
      %dma_start3A_229 = arith.constant 0 : i32
      %dma_start3A_230 = tpu.memref_slice %arg8[%dma_start3A_228, %dma_start3A_229] : memref<10240x16xf32, #tpu.memory_space<vmem_shared>> -> memref<10240x16xf32, #tpu.memory_space<vmem_shared>>
      %dma_start3A_231 = tpu.memref_slice %arg9[%dma_start3A_224] : memref<10x!tpu.dma_semaphore, #tpu.memory_space<semaphore_mem>> -> memref<1x!tpu.dma_semaphore, #tpu.memory_space<semaphore_mem>>
      %dma_start3A_232 = tpu.memref_squeeze %dma_start3A_231 : memref<1x!tpu.dma_semaphore, #tpu.memory_space<semaphore_mem>> -> memref<!tpu.dma_semaphore, #tpu.memory_space<semaphore_mem>>
      tpu.enqueue_indirect_dma source(%arg7 : memref<100x16xf32, #tpu.memory_space<vmem>>) target(%dma_start3A_230 : memref<10240x16xf32, #tpu.memory_space<vmem_shared>>) offsets(%dma_start3A_227 : memref<100xi32, #tpu.memory_space<vmem>>) semaphore(%dma_start3A_232 : memref<!tpu.dma_semaphore, #tpu.memory_space<semaphore_mem>>) {add = true}
      %mul3A_233 = arith.constant 10 : i32
      %mul3A_234 = arith.muli %scan3A_110, %mul3A_233 : i32
      %add3A_235 = arith.constant 7 : i32
      %add3A_236 = arith.addi %mul3A_234, %add3A_235 : i32
      %ge3A_237 = arith.constant 10 : i32
      %ge3A_238 = arith.cmpi sge, %add3A_236, %ge3A_237 : i32
      %convert_element_type3A_239 = arith.extui %ge3A_238 : i1 to i32
      %cond3A_240 = arith.constant 0 : i32
      %cond3A_241 = arith.cmpi ne, %convert_element_type3A_239, %cond3A_240 : i32
      scf.if %cond3A_241 {
        %sub3A = arith.constant 10 : i32
        %sub3A_287 = arith.subi %add3A_236, %sub3A : i32
        %dma_wait3A_288 = arith.constant 7 : i32
        %dma_wait3A_289 = arith.constant 0 : i32
        %dma_wait3A_290 = tpu.memref_slice %arg6[%sub3A_287, %dma_wait3A_289] : memref<100x100xi32, #tpu.memory_space<vmem>> -> memref<1x100xi32, #tpu.memory_space<vmem>>
        %dma_wait3A_291 = tpu.memref_squeeze %dma_wait3A_290 : memref<1x100xi32, #tpu.memory_space<vmem>> -> memref<100xi32, #tpu.memory_space<vmem>>
        %dma_wait3A_292 = arith.constant 0 : i32
        %dma_wait3A_293 = arith.constant 0 : i32
        %dma_wait3A_294 = tpu.memref_slice %arg8[%dma_wait3A_292, %dma_wait3A_293] : memref<10240x16xf32, #tpu.memory_space<vmem_shared>> -> memref<10240x16xf32, #tpu.memory_space<vmem_shared>>
        %dma_wait3A_295 = tpu.memref_slice %arg9[%dma_wait3A_288] : memref<10x!tpu.dma_semaphore, #tpu.memory_space<semaphore_mem>> -> memref<1x!tpu.dma_semaphore, #tpu.memory_space<semaphore_mem>>
        %dma_wait3A_296 = tpu.memref_squeeze %dma_wait3A_295 : memref<1x!tpu.dma_semaphore, #tpu.memory_space<semaphore_mem>> -> memref<!tpu.dma_semaphore, #tpu.memory_space<semaphore_mem>>
        tpu.wait_indirect_dma semaphore(%dma_wait3A_296 : memref<!tpu.dma_semaphore, #tpu.memory_space<semaphore_mem>>) src(%arg7 : memref<100x16xf32, #tpu.memory_space<vmem>>) dst(%dma_wait3A_294 : memref<10240x16xf32, #tpu.memory_space<vmem_shared>>)
      } else {
      }
      %dma_start3A_242 = arith.constant 7 : i32
      %dma_start3A_243 = arith.constant 0 : i32
      %dma_start3A_244 = tpu.memref_slice %arg6[%add3A_236, %dma_start3A_243] : memref<100x100xi32, #tpu.memory_space<vmem>> -> memref<1x100xi32, #tpu.memory_space<vmem>>
      %dma_start3A_245 = tpu.memref_squeeze %dma_start3A_244 : memref<1x100xi32, #tpu.memory_space<vmem>> -> memref<100xi32, #tpu.memory_space<vmem>>
      %dma_start3A_246 = arith.constant 0 : i32
      %dma_start3A_247 = arith.constant 0 : i32
      %dma_start3A_248 = tpu.memref_slice %arg8[%dma_start3A_246, %dma_start3A_247] : memref<10240x16xf32, #tpu.memory_space<vmem_shared>> -> memref<10240x16xf32, #tpu.memory_space<vmem_shared>>
      %dma_start3A_249 = tpu.memref_slice %arg9[%dma_start3A_242] : memref<10x!tpu.dma_semaphore, #tpu.memory_space<semaphore_mem>> -> memref<1x!tpu.dma_semaphore, #tpu.memory_space<semaphore_mem>>
      %dma_start3A_250 = tpu.memref_squeeze %dma_start3A_249 : memref<1x!tpu.dma_semaphore, #tpu.memory_space<semaphore_mem>> -> memref<!tpu.dma_semaphore, #tpu.memory_space<semaphore_mem>>
      tpu.enqueue_indirect_dma source(%arg7 : memref<100x16xf32, #tpu.memory_space<vmem>>) target(%dma_start3A_248 : memref<10240x16xf32, #tpu.memory_space<vmem_shared>>) offsets(%dma_start3A_245 : memref<100xi32, #tpu.memory_space<vmem>>) semaphore(%dma_start3A_250 : memref<!tpu.dma_semaphore, #tpu.memory_space<semaphore_mem>>) {add = true}
      %mul3A_251 = arith.constant 10 : i32
      %mul3A_252 = arith.muli %scan3A_110, %mul3A_251 : i32
      %add3A_253 = arith.constant 8 : i32
      %add3A_254 = arith.addi %mul3A_252, %add3A_253 : i32
      %ge3A_255 = arith.constant 10 : i32
      %ge3A_256 = arith.cmpi sge, %add3A_254, %ge3A_255 : i32
      %convert_element_type3A_257 = arith.extui %ge3A_256 : i1 to i32
      %cond3A_258 = arith.constant 0 : i32
      %cond3A_259 = arith.cmpi ne, %convert_element_type3A_257, %cond3A_258 : i32
      scf.if %cond3A_259 {
        %sub3A = arith.constant 10 : i32
        %sub3A_287 = arith.subi %add3A_254, %sub3A : i32
        %dma_wait3A_288 = arith.constant 8 : i32
        %dma_wait3A_289 = arith.constant 0 : i32
        %dma_wait3A_290 = tpu.memref_slice %arg6[%sub3A_287, %dma_wait3A_289] : memref<100x100xi32, #tpu.memory_space<vmem>> -> memref<1x100xi32, #tpu.memory_space<vmem>>
        %dma_wait3A_291 = tpu.memref_squeeze %dma_wait3A_290 : memref<1x100xi32, #tpu.memory_space<vmem>> -> memref<100xi32, #tpu.memory_space<vmem>>
        %dma_wait3A_292 = arith.constant 0 : i32
        %dma_wait3A_293 = arith.constant 0 : i32
        %dma_wait3A_294 = tpu.memref_slice %arg8[%dma_wait3A_292, %dma_wait3A_293] : memref<10240x16xf32, #tpu.memory_space<vmem_shared>> -> memref<10240x16xf32, #tpu.memory_space<vmem_shared>>
        %dma_wait3A_295 = tpu.memref_slice %arg9[%dma_wait3A_288] : memref<10x!tpu.dma_semaphore, #tpu.memory_space<semaphore_mem>> -> memref<1x!tpu.dma_semaphore, #tpu.memory_space<semaphore_mem>>
        %dma_wait3A_296 = tpu.memref_squeeze %dma_wait3A_295 : memref<1x!tpu.dma_semaphore, #tpu.memory_space<semaphore_mem>> -> memref<!tpu.dma_semaphore, #tpu.memory_space<semaphore_mem>>
        tpu.wait_indirect_dma semaphore(%dma_wait3A_296 : memref<!tpu.dma_semaphore, #tpu.memory_space<semaphore_mem>>) src(%arg7 : memref<100x16xf32, #tpu.memory_space<vmem>>) dst(%dma_wait3A_294 : memref<10240x16xf32, #tpu.memory_space<vmem_shared>>)
      } else {
      }
      %dma_start3A_260 = arith.constant 8 : i32
      %dma_start3A_261 = arith.constant 0 : i32
      %dma_start3A_262 = tpu.memref_slice %arg6[%add3A_254, %dma_start3A_261] : memref<100x100xi32, #tpu.memory_space<vmem>> -> memref<1x100xi32, #tpu.memory_space<vmem>>
      %dma_start3A_263 = tpu.memref_squeeze %dma_start3A_262 : memref<1x100xi32, #tpu.memory_space<vmem>> -> memref<100xi32, #tpu.memory_space<vmem>>
      %dma_start3A_264 = arith.constant 0 : i32
      %dma_start3A_265 = arith.constant 0 : i32
      %dma_start3A_266 = tpu.memref_slice %arg8[%dma_start3A_264, %dma_start3A_265] : memref<10240x16xf32, #tpu.memory_space<vmem_shared>> -> memref<10240x16xf32, #tpu.memory_space<vmem_shared>>
      %dma_start3A_267 = tpu.memref_slice %arg9[%dma_start3A_260] : memref<10x!tpu.dma_semaphore, #tpu.memory_space<semaphore_mem>> -> memref<1x!tpu.dma_semaphore, #tpu.memory_space<semaphore_mem>>
      %dma_start3A_268 = tpu.memref_squeeze %dma_start3A_267 : memref<1x!tpu.dma_semaphore, #tpu.memory_space<semaphore_mem>> -> memref<!tpu.dma_semaphore, #tpu.memory_space<semaphore_mem>>
      tpu.enqueue_indirect_dma source(%arg7 : memref<100x16xf32, #tpu.memory_space<vmem>>) target(%dma_start3A_266 : memref<10240x16xf32, #tpu.memory_space<vmem_shared>>) offsets(%dma_start3A_263 : memref<100xi32, #tpu.memory_space<vmem>>) semaphore(%dma_start3A_268 : memref<!tpu.dma_semaphore, #tpu.memory_space<semaphore_mem>>) {add = true}
      %mul3A_269 = arith.constant 10 : i32
      %mul3A_270 = arith.muli %scan3A_110, %mul3A_269 : i32
      %add3A_271 = arith.constant 9 : i32
      %add3A_272 = arith.addi %mul3A_270, %add3A_271 : i32
      %ge3A_273 = arith.constant 10 : i32
      %ge3A_274 = arith.cmpi sge, %add3A_272, %ge3A_273 : i32
      %convert_element_type3A_275 = arith.extui %ge3A_274 : i1 to i32
      %cond3A_276 = arith.constant 0 : i32
      %cond3A_277 = arith.cmpi ne, %convert_element_type3A_275, %cond3A_276 : i32
      scf.if %cond3A_277 {
        %sub3A = arith.constant 10 : i32
        %sub3A_287 = arith.subi %add3A_272, %sub3A : i32
        %dma_wait3A_288 = arith.constant 9 : i32
        %dma_wait3A_289 = arith.constant 0 : i32
        %dma_wait3A_290 = tpu.memref_slice %arg6[%sub3A_287, %dma_wait3A_289] : memref<100x100xi32, #tpu.memory_space<vmem>> -> memref<1x100xi32, #tpu.memory_space<vmem>>
        %dma_wait3A_291 = tpu.memref_squeeze %dma_wait3A_290 : memref<1x100xi32, #tpu.memory_space<vmem>> -> memref<100xi32, #tpu.memory_space<vmem>>
        %dma_wait3A_292 = arith.constant 0 : i32
        %dma_wait3A_293 = arith.constant 0 : i32
        %dma_wait3A_294 = tpu.memref_slice %arg8[%dma_wait3A_292, %dma_wait3A_293] : memref<10240x16xf32, #tpu.memory_space<vmem_shared>> -> memref<10240x16xf32, #tpu.memory_space<vmem_shared>>
        %dma_wait3A_295 = tpu.memref_slice %arg9[%dma_wait3A_288] : memref<10x!tpu.dma_semaphore, #tpu.memory_space<semaphore_mem>> -> memref<1x!tpu.dma_semaphore, #tpu.memory_space<semaphore_mem>>
        %dma_wait3A_296 = tpu.memref_squeeze %dma_wait3A_295 : memref<1x!tpu.dma_semaphore, #tpu.memory_space<semaphore_mem>> -> memref<!tpu.dma_semaphore, #tpu.memory_space<semaphore_mem>>
        tpu.wait_indirect_dma semaphore(%dma_wait3A_296 : memref<!tpu.dma_semaphore, #tpu.memory_space<semaphore_mem>>) src(%arg7 : memref<100x16xf32, #tpu.memory_space<vmem>>) dst(%dma_wait3A_294 : memref<10240x16xf32, #tpu.memory_space<vmem_shared>>)
      } else {
      }
      %dma_start3A_278 = arith.constant 9 : i32
      %dma_start3A_279 = arith.constant 0 : i32
      %dma_start3A_280 = tpu.memref_slice %arg6[%add3A_272, %dma_start3A_279] : memref<100x100xi32, #tpu.memory_space<vmem>> -> memref<1x100xi32, #tpu.memory_space<vmem>>
      %dma_start3A_281 = tpu.memref_squeeze %dma_start3A_280 : memref<1x100xi32, #tpu.memory_space<vmem>> -> memref<100xi32, #tpu.memory_space<vmem>>
      %dma_start3A_282 = arith.constant 0 : i32
      %dma_start3A_283 = arith.constant 0 : i32
      %dma_start3A_284 = tpu.memref_slice %arg8[%dma_start3A_282, %dma_start3A_283] : memref<10240x16xf32, #tpu.memory_space<vmem_shared>> -> memref<10240x16xf32, #tpu.memory_space<vmem_shared>>
      %dma_start3A_285 = tpu.memref_slice %arg9[%dma_start3A_278] : memref<10x!tpu.dma_semaphore, #tpu.memory_space<semaphore_mem>> -> memref<1x!tpu.dma_semaphore, #tpu.memory_space<semaphore_mem>>
      %dma_start3A_286 = tpu.memref_squeeze %dma_start3A_285 : memref<1x!tpu.dma_semaphore, #tpu.memory_space<semaphore_mem>> -> memref<!tpu.dma_semaphore, #tpu.memory_space<semaphore_mem>>
      tpu.enqueue_indirect_dma source(%arg7 : memref<100x16xf32, #tpu.memory_space<vmem>>) target(%dma_start3A_284 : memref<10240x16xf32, #tpu.memory_space<vmem_shared>>) offsets(%dma_start3A_281 : memref<100xi32, #tpu.memory_space<vmem>>) semaphore(%dma_start3A_286 : memref<!tpu.dma_semaphore, #tpu.memory_space<semaphore_mem>>) {add = true}
    }
    %scan3A_9 = arith.constant 10 : i32
    %dma_wait3A = arith.constant 90 : i32
    %dma_wait3A_10 = arith.constant 0 : i32
    %dma_wait3A_11 = arith.constant 0 : i32
    %dma_wait3A_12 = tpu.memref_slice %arg6[%dma_wait3A, %dma_wait3A_11] : memref<100x100xi32, #tpu.memory_space<vmem>> -> memref<1x100xi32, #tpu.memory_space<vmem>>
    %dma_wait3A_13 = tpu.memref_squeeze %dma_wait3A_12 : memref<1x100xi32, #tpu.memory_space<vmem>> -> memref<100xi32, #tpu.memory_space<vmem>>
    %dma_wait3A_14 = arith.constant 0 : i32
    %dma_wait3A_15 = arith.constant 0 : i32
    %dma_wait3A_16 = tpu.memref_slice %arg8[%dma_wait3A_14, %dma_wait3A_15] : memref<10240x16xf32, #tpu.memory_space<vmem_shared>> -> memref<10240x16xf32, #tpu.memory_space<vmem_shared>>
    %dma_wait3A_17 = tpu.memref_slice %arg9[%dma_wait3A_10] : memref<10x!tpu.dma_semaphore, #tpu.memory_space<semaphore_mem>> -> memref<1x!tpu.dma_semaphore, #tpu.memory_space<semaphore_mem>>
    %dma_wait3A_18 = tpu.memref_squeeze %dma_wait3A_17 : memref<1x!tpu.dma_semaphore, #tpu.memory_space<semaphore_mem>> -> memref<!tpu.dma_semaphore, #tpu.memory_space<semaphore_mem>>
    tpu.wait_indirect_dma semaphore(%dma_wait3A_18 : memref<!tpu.dma_semaphore, #tpu.memory_space<semaphore_mem>>) src(%arg7 : memref<100x16xf32, #tpu.memory_space<vmem>>) dst(%dma_wait3A_16 : memref<10240x16xf32, #tpu.memory_space<vmem_shared>>)
    %dma_wait3A_19 = arith.constant 91 : i32
    %dma_wait3A_20 = arith.constant 1 : i32
    %dma_wait3A_21 = arith.constant 0 : i32
    %dma_wait3A_22 = tpu.memref_slice %arg6[%dma_wait3A_19, %dma_wait3A_21] : memref<100x100xi32, #tpu.memory_space<vmem>> -> memref<1x100xi32, #tpu.memory_space<vmem>>
    %dma_wait3A_23 = tpu.memref_squeeze %dma_wait3A_22 : memref<1x100xi32, #tpu.memory_space<vmem>> -> memref<100xi32, #tpu.memory_space<vmem>>
    %dma_wait3A_24 = arith.constant 0 : i32
    %dma_wait3A_25 = arith.constant 0 : i32
    %dma_wait3A_26 = tpu.memref_slice %arg8[%dma_wait3A_24, %dma_wait3A_25] : memref<10240x16xf32, #tpu.memory_space<vmem_shared>> -> memref<10240x16xf32, #tpu.memory_space<vmem_shared>>
    %dma_wait3A_27 = tpu.memref_slice %arg9[%dma_wait3A_20] : memref<10x!tpu.dma_semaphore, #tpu.memory_space<semaphore_mem>> -> memref<1x!tpu.dma_semaphore, #tpu.memory_space<semaphore_mem>>
    %dma_wait3A_28 = tpu.memref_squeeze %dma_wait3A_27 : memref<1x!tpu.dma_semaphore, #tpu.memory_space<semaphore_mem>> -> memref<!tpu.dma_semaphore, #tpu.memory_space<semaphore_mem>>
    tpu.wait_indirect_dma semaphore(%dma_wait3A_28 : memref<!tpu.dma_semaphore, #tpu.memory_space<semaphore_mem>>) src(%arg7 : memref<100x16xf32, #tpu.memory_space<vmem>>) dst(%dma_wait3A_26 : memref<10240x16xf32, #tpu.memory_space<vmem_shared>>)
    %dma_wait3A_29 = arith.constant 92 : i32
    %dma_wait3A_30 = arith.constant 2 : i32
    %dma_wait3A_31 = arith.constant 0 : i32
    %dma_wait3A_32 = tpu.memref_slice %arg6[%dma_wait3A_29, %dma_wait3A_31] : memref<100x100xi32, #tpu.memory_space<vmem>> -> memref<1x100xi32, #tpu.memory_space<vmem>>
    %dma_wait3A_33 = tpu.memref_squeeze %dma_wait3A_32 : memref<1x100xi32, #tpu.memory_space<vmem>> -> memref<100xi32, #tpu.memory_space<vmem>>
    %dma_wait3A_34 = arith.constant 0 : i32
    %dma_wait3A_35 = arith.constant 0 : i32
    %dma_wait3A_36 = tpu.memref_slice %arg8[%dma_wait3A_34, %dma_wait3A_35] : memref<10240x16xf32, #tpu.memory_space<vmem_shared>> -> memref<10240x16xf32, #tpu.memory_space<vmem_shared>>
    %dma_wait3A_37 = tpu.memref_slice %arg9[%dma_wait3A_30] : memref<10x!tpu.dma_semaphore, #tpu.memory_space<semaphore_mem>> -> memref<1x!tpu.dma_semaphore, #tpu.memory_space<semaphore_mem>>
    %dma_wait3A_38 = tpu.memref_squeeze %dma_wait3A_37 : memref<1x!tpu.dma_semaphore, #tpu.memory_space<semaphore_mem>> -> memref<!tpu.dma_semaphore, #tpu.memory_space<semaphore_mem>>
    tpu.wait_indirect_dma semaphore(%dma_wait3A_38 : memref<!tpu.dma_semaphore, #tpu.memory_space<semaphore_mem>>) src(%arg7 : memref<100x16xf32, #tpu.memory_space<vmem>>) dst(%dma_wait3A_36 : memref<10240x16xf32, #tpu.memory_space<vmem_shared>>)
    %dma_wait3A_39 = arith.constant 93 : i32
    %dma_wait3A_40 = arith.constant 3 : i32
    %dma_wait3A_41 = arith.constant 0 : i32
    %dma_wait3A_42 = tpu.memref_slice %arg6[%dma_wait3A_39, %dma_wait3A_41] : memref<100x100xi32, #tpu.memory_space<vmem>> -> memref<1x100xi32, #tpu.memory_space<vmem>>
    %dma_wait3A_43 = tpu.memref_squeeze %dma_wait3A_42 : memref<1x100xi32, #tpu.memory_space<vmem>> -> memref<100xi32, #tpu.memory_space<vmem>>
    %dma_wait3A_44 = arith.constant 0 : i32
    %dma_wait3A_45 = arith.constant 0 : i32
    %dma_wait3A_46 = tpu.memref_slice %arg8[%dma_wait3A_44, %dma_wait3A_45] : memref<10240x16xf32, #tpu.memory_space<vmem_shared>> -> memref<10240x16xf32, #tpu.memory_space<vmem_shared>>
    %dma_wait3A_47 = tpu.memref_slice %arg9[%dma_wait3A_40] : memref<10x!tpu.dma_semaphore, #tpu.memory_space<semaphore_mem>> -> memref<1x!tpu.dma_semaphore, #tpu.memory_space<semaphore_mem>>
    %dma_wait3A_48 = tpu.memref_squeeze %dma_wait3A_47 : memref<1x!tpu.dma_semaphore, #tpu.memory_space<semaphore_mem>> -> memref<!tpu.dma_semaphore, #tpu.memory_space<semaphore_mem>>
    tpu.wait_indirect_dma semaphore(%dma_wait3A_48 : memref<!tpu.dma_semaphore, #tpu.memory_space<semaphore_mem>>) src(%arg7 : memref<100x16xf32, #tpu.memory_space<vmem>>) dst(%dma_wait3A_46 : memref<10240x16xf32, #tpu.memory_space<vmem_shared>>)
    %dma_wait3A_49 = arith.constant 94 : i32
    %dma_wait3A_50 = arith.constant 4 : i32
    %dma_wait3A_51 = arith.constant 0 : i32
    %dma_wait3A_52 = tpu.memref_slice %arg6[%dma_wait3A_49, %dma_wait3A_51] : memref<100x100xi32, #tpu.memory_space<vmem>> -> memref<1x100xi32, #tpu.memory_space<vmem>>
    %dma_wait3A_53 = tpu.memref_squeeze %dma_wait3A_52 : memref<1x100xi32, #tpu.memory_space<vmem>> -> memref<100xi32, #tpu.memory_space<vmem>>
    %dma_wait3A_54 = arith.constant 0 : i32
    %dma_wait3A_55 = arith.constant 0 : i32
    %dma_wait3A_56 = tpu.memref_slice %arg8[%dma_wait3A_54, %dma_wait3A_55] : memref<10240x16xf32, #tpu.memory_space<vmem_shared>> -> memref<10240x16xf32, #tpu.memory_space<vmem_shared>>
    %dma_wait3A_57 = tpu.memref_slice %arg9[%dma_wait3A_50] : memref<10x!tpu.dma_semaphore, #tpu.memory_space<semaphore_mem>> -> memref<1x!tpu.dma_semaphore, #tpu.memory_space<semaphore_mem>>
    %dma_wait3A_58 = tpu.memref_squeeze %dma_wait3A_57 : memref<1x!tpu.dma_semaphore, #tpu.memory_space<semaphore_mem>> -> memref<!tpu.dma_semaphore, #tpu.memory_space<semaphore_mem>>
    tpu.wait_indirect_dma semaphore(%dma_wait3A_58 : memref<!tpu.dma_semaphore, #tpu.memory_space<semaphore_mem>>) src(%arg7 : memref<100x16xf32, #tpu.memory_space<vmem>>) dst(%dma_wait3A_56 : memref<10240x16xf32, #tpu.memory_space<vmem_shared>>)
    %dma_wait3A_59 = arith.constant 95 : i32
    %dma_wait3A_60 = arith.constant 5 : i32
    %dma_wait3A_61 = arith.constant 0 : i32
    %dma_wait3A_62 = tpu.memref_slice %arg6[%dma_wait3A_59, %dma_wait3A_61] : memref<100x100xi32, #tpu.memory_space<vmem>> -> memref<1x100xi32, #tpu.memory_space<vmem>>
    %dma_wait3A_63 = tpu.memref_squeeze %dma_wait3A_62 : memref<1x100xi32, #tpu.memory_space<vmem>> -> memref<100xi32, #tpu.memory_space<vmem>>
    %dma_wait3A_64 = arith.constant 0 : i32
    %dma_wait3A_65 = arith.constant 0 : i32
    %dma_wait3A_66 = tpu.memref_slice %arg8[%dma_wait3A_64, %dma_wait3A_65] : memref<10240x16xf32, #tpu.memory_space<vmem_shared>> -> memref<10240x16xf32, #tpu.memory_space<vmem_shared>>
    %dma_wait3A_67 = tpu.memref_slice %arg9[%dma_wait3A_60] : memref<10x!tpu.dma_semaphore, #tpu.memory_space<semaphore_mem>> -> memref<1x!tpu.dma_semaphore, #tpu.memory_space<semaphore_mem>>
    %dma_wait3A_68 = tpu.memref_squeeze %dma_wait3A_67 : memref<1x!tpu.dma_semaphore, #tpu.memory_space<semaphore_mem>> -> memref<!tpu.dma_semaphore, #tpu.memory_space<semaphore_mem>>
    tpu.wait_indirect_dma semaphore(%dma_wait3A_68 : memref<!tpu.dma_semaphore, #tpu.memory_space<semaphore_mem>>) src(%arg7 : memref<100x16xf32, #tpu.memory_space<vmem>>) dst(%dma_wait3A_66 : memref<10240x16xf32, #tpu.memory_space<vmem_shared>>)
    %dma_wait3A_69 = arith.constant 96 : i32
    %dma_wait3A_70 = arith.constant 6 : i32
    %dma_wait3A_71 = arith.constant 0 : i32
    %dma_wait3A_72 = tpu.memref_slice %arg6[%dma_wait3A_69, %dma_wait3A_71] : memref<100x100xi32, #tpu.memory_space<vmem>> -> memref<1x100xi32, #tpu.memory_space<vmem>>
    %dma_wait3A_73 = tpu.memref_squeeze %dma_wait3A_72 : memref<1x100xi32, #tpu.memory_space<vmem>> -> memref<100xi32, #tpu.memory_space<vmem>>
    %dma_wait3A_74 = arith.constant 0 : i32
    %dma_wait3A_75 = arith.constant 0 : i32
    %dma_wait3A_76 = tpu.memref_slice %arg8[%dma_wait3A_74, %dma_wait3A_75] : memref<10240x16xf32, #tpu.memory_space<vmem_shared>> -> memref<10240x16xf32, #tpu.memory_space<vmem_shared>>
    %dma_wait3A_77 = tpu.memref_slice %arg9[%dma_wait3A_70] : memref<10x!tpu.dma_semaphore, #tpu.memory_space<semaphore_mem>> -> memref<1x!tpu.dma_semaphore, #tpu.memory_space<semaphore_mem>>
    %dma_wait3A_78 = tpu.memref_squeeze %dma_wait3A_77 : memref<1x!tpu.dma_semaphore, #tpu.memory_space<semaphore_mem>> -> memref<!tpu.dma_semaphore, #tpu.memory_space<semaphore_mem>>
    tpu.wait_indirect_dma semaphore(%dma_wait3A_78 : memref<!tpu.dma_semaphore, #tpu.memory_space<semaphore_mem>>) src(%arg7 : memref<100x16xf32, #tpu.memory_space<vmem>>) dst(%dma_wait3A_76 : memref<10240x16xf32, #tpu.memory_space<vmem_shared>>)
    %dma_wait3A_79 = arith.constant 97 : i32
    %dma_wait3A_80 = arith.constant 7 : i32
    %dma_wait3A_81 = arith.constant 0 : i32
    %dma_wait3A_82 = tpu.memref_slice %arg6[%dma_wait3A_79, %dma_wait3A_81] : memref<100x100xi32, #tpu.memory_space<vmem>> -> memref<1x100xi32, #tpu.memory_space<vmem>>
    %dma_wait3A_83 = tpu.memref_squeeze %dma_wait3A_82 : memref<1x100xi32, #tpu.memory_space<vmem>> -> memref<100xi32, #tpu.memory_space<vmem>>
    %dma_wait3A_84 = arith.constant 0 : i32
    %dma_wait3A_85 = arith.constant 0 : i32
    %dma_wait3A_86 = tpu.memref_slice %arg8[%dma_wait3A_84, %dma_wait3A_85] : memref<10240x16xf32, #tpu.memory_space<vmem_shared>> -> memref<10240x16xf32, #tpu.memory_space<vmem_shared>>
    %dma_wait3A_87 = tpu.memref_slice %arg9[%dma_wait3A_80] : memref<10x!tpu.dma_semaphore, #tpu.memory_space<semaphore_mem>> -> memref<1x!tpu.dma_semaphore, #tpu.memory_space<semaphore_mem>>
    %dma_wait3A_88 = tpu.memref_squeeze %dma_wait3A_87 : memref<1x!tpu.dma_semaphore, #tpu.memory_space<semaphore_mem>> -> memref<!tpu.dma_semaphore, #tpu.memory_space<semaphore_mem>>
    tpu.wait_indirect_dma semaphore(%dma_wait3A_88 : memref<!tpu.dma_semaphore, #tpu.memory_space<semaphore_mem>>) src(%arg7 : memref<100x16xf32, #tpu.memory_space<vmem>>) dst(%dma_wait3A_86 : memref<10240x16xf32, #tpu.memory_space<vmem_shared>>)
    %dma_wait3A_89 = arith.constant 98 : i32
    %dma_wait3A_90 = arith.constant 8 : i32
    %dma_wait3A_91 = arith.constant 0 : i32
    %dma_wait3A_92 = tpu.memref_slice %arg6[%dma_wait3A_89, %dma_wait3A_91] : memref<100x100xi32, #tpu.memory_space<vmem>> -> memref<1x100xi32, #tpu.memory_space<vmem>>
    %dma_wait3A_93 = tpu.memref_squeeze %dma_wait3A_92 : memref<1x100xi32, #tpu.memory_space<vmem>> -> memref<100xi32, #tpu.memory_space<vmem>>
    %dma_wait3A_94 = arith.constant 0 : i32
    %dma_wait3A_95 = arith.constant 0 : i32
    %dma_wait3A_96 = tpu.memref_slice %arg8[%dma_wait3A_94, %dma_wait3A_95] : memref<10240x16xf32, #tpu.memory_space<vmem_shared>> -> memref<10240x16xf32, #tpu.memory_space<vmem_shared>>
    %dma_wait3A_97 = tpu.memref_slice %arg9[%dma_wait3A_90] : memref<10x!tpu.dma_semaphore, #tpu.memory_space<semaphore_mem>> -> memref<1x!tpu.dma_semaphore, #tpu.memory_space<semaphore_mem>>
    %dma_wait3A_98 = tpu.memref_squeeze %dma_wait3A_97 : memref<1x!tpu.dma_semaphore, #tpu.memory_space<semaphore_mem>> -> memref<!tpu.dma_semaphore, #tpu.memory_space<semaphore_mem>>
    tpu.wait_indirect_dma semaphore(%dma_wait3A_98 : memref<!tpu.dma_semaphore, #tpu.memory_space<semaphore_mem>>) src(%arg7 : memref<100x16xf32, #tpu.memory_space<vmem>>) dst(%dma_wait3A_96 : memref<10240x16xf32, #tpu.memory_space<vmem_shared>>)
    %dma_wait3A_99 = arith.constant 99 : i32
    %dma_wait3A_100 = arith.constant 9 : i32
    %dma_wait3A_101 = arith.constant 0 : i32
    %dma_wait3A_102 = tpu.memref_slice %arg6[%dma_wait3A_99, %dma_wait3A_101] : memref<100x100xi32, #tpu.memory_space<vmem>> -> memref<1x100xi32, #tpu.memory_space<vmem>>
    %dma_wait3A_103 = tpu.memref_squeeze %dma_wait3A_102 : memref<1x100xi32, #tpu.memory_space<vmem>> -> memref<100xi32, #tpu.memory_space<vmem>>
    %dma_wait3A_104 = arith.constant 0 : i32
    %dma_wait3A_105 = arith.constant 0 : i32
    %dma_wait3A_106 = tpu.memref_slice %arg8[%dma_wait3A_104, %dma_wait3A_105] : memref<10240x16xf32, #tpu.memory_space<vmem_shared>> -> memref<10240x16xf32, #tpu.memory_space<vmem_shared>>
    %dma_wait3A_107 = tpu.memref_slice %arg9[%dma_wait3A_100] : memref<10x!tpu.dma_semaphore, #tpu.memory_space<semaphore_mem>> -> memref<1x!tpu.dma_semaphore, #tpu.memory_space<semaphore_mem>>
    %dma_wait3A_108 = tpu.memref_squeeze %dma_wait3A_107 : memref<1x!tpu.dma_semaphore, #tpu.memory_space<semaphore_mem>> -> memref<!tpu.dma_semaphore, #tpu.memory_space<semaphore_mem>>
    tpu.wait_indirect_dma semaphore(%dma_wait3A_108 : memref<!tpu.dma_semaphore, #tpu.memory_space<semaphore_mem>>) src(%arg7 : memref<100x16xf32, #tpu.memory_space<vmem>>) dst(%dma_wait3A_106 : memref<10240x16xf32, #tpu.memory_space<vmem_shared>>)
    %barrier3A_109 = arith.constant 0 : index
    tpu.barrier barrier_id(%barrier3A_109)
    "tpu.region"() ({
      %run_scoped3A = tpu.sem_alloc : memref<!tpu.dma_semaphore, #tpu.memory_space<semaphore_mem>>
      %dma_start3A = arith.constant 0 : i32
      %dma_start3A_110 = tpu.memref_slice %arg5[%arg0, %mul3A_2, %dma_start3A] : memref<2x10240x16xf32, #tpu.memory_space<hbm>> -> memref<1x640x16xf32, #tpu.memory_space<hbm>>
      %dma_start3A_111 = tpu.memref_squeeze %dma_start3A_110 : memref<1x640x16xf32, #tpu.memory_space<hbm>> -> memref<640x16xf32, #tpu.memory_space<hbm>>
      %dma_start3A_112 = arith.constant 0 : i32
      %dma_start3A_113 = tpu.memref_slice %arg8[%mul3A_2, %dma_start3A_112] : memref<10240x16xf32, #tpu.memory_space<vmem_shared>> -> memref<640x16xf32, #tpu.memory_space<vmem_shared>>
      tpu.enqueue_dma source(%dma_start3A_113 : memref<640x16xf32, #tpu.memory_space<vmem_shared>>) target(%dma_start3A_111 : memref<640x16xf32, #tpu.memory_space<hbm>>) target_semaphore(%run_scoped3A : memref<!tpu.dma_semaphore, #tpu.memory_space<semaphore_mem>>)
      %dma_wait3A_114 = arith.constant 0 : i32
      %dma_wait3A_115 = tpu.memref_slice %arg5[%arg0, %mul3A_2, %dma_wait3A_114] : memref<2x10240x16xf32, #tpu.memory_space<hbm>> -> memref<1x640x16xf32, #tpu.memory_space<hbm>>
      %dma_wait3A_116 = tpu.memref_squeeze %dma_wait3A_115 : memref<1x640x16xf32, #tpu.memory_space<hbm>> -> memref<640x16xf32, #tpu.memory_space<hbm>>
      %dma_wait3A_117 = arith.constant 0 : i32
      %dma_wait3A_118 = tpu.memref_slice %arg8[%mul3A_2, %dma_wait3A_117] : memref<10240x16xf32, #tpu.memory_space<vmem_shared>> -> memref<640x16xf32, #tpu.memory_space<vmem_shared>>
      tpu.wait_dma2 semaphore(%run_scoped3A : memref<!tpu.dma_semaphore, #tpu.memory_space<semaphore_mem>>) src(%dma_wait3A_118 : memref<640x16xf32, #tpu.memory_space<vmem_shared>>) dst(%dma_wait3A_116 : memref<640x16xf32, #tpu.memory_space<hbm>>)
      tpu.yield
    }) : () -> ()
    return
  }
}

#map = affine_map<(d0, d1) -> (0, 0)>
#map1 = affine_map<(d0, d1) -> (0, 0, 0)>
module attributes {stable_mosaic.version = 14 : i64} {
  func.func @spmm(%arg0: i32, %arg1: i32, %arg2: memref<10240x64xf32, #tpu.memory_space<hbm>>, %arg3: memref<3200x100xi32, #tpu.memory_space<hbm>>, %arg4: memref<3200x100xi32, #tpu.memory_space<hbm>>, %arg5: memref<10240x64xf32, #tpu.memory_space<hbm>>, %arg6: memref<2x10240x64xf32, #tpu.memory_space<hbm>>, %arg7: memref<100x100xi32, #tpu.memory_space<vmem>>, %arg8: memref<100x100xi32, #tpu.memory_space<vmem>>, %arg9: memref<10x100x64xf32, #tpu.memory_space<vmem>>, %arg10: memref<10240x64xf32, #tpu.memory_space<vmem_shared>>, %arg11: memref<10x!tpu.dma_semaphore, #tpu.memory_space<semaphore_mem>>, %arg12: memref<10x!tpu.dma_semaphore, #tpu.memory_space<semaphore_mem>>) attributes {dimension_semantics = [#tpu.dimension_semantics<core_parallel>, #tpu.dimension_semantics<subcore_parallel>], iteration_bounds = array<i64: 2, 16>, scalar_prefetch = 0 : i64, scratch_operands = 6 : i64, tpu.core_type = #tpu.core_type<sc_vector_subcore>, window_params = [{transform_indices = #map}, {transform_indices = #map}, {transform_indices = #map}, {transform_indices = #map}, {transform_indices = #map1}]} {
    %mul3A = arith.constant 2 : i32
    %mul3A_0 = arith.muli %arg1, %mul3A : i32
    %add3A = arith.addi %mul3A_0, %arg0 : i32
    %mul3A_1 = arith.constant 640 : i32
    %mul3A_2 = arith.muli %arg1, %mul3A_1 : i32
    "tpu.region"() ({
      %run_scoped3A = tpu.sem_alloc : memref<!tpu.dma_semaphore, #tpu.memory_space<semaphore_mem>>
      %dma_start3A_236 = arith.constant 0 : i32
      %dma_start3A_237 = tpu.memref_slice %arg10[%mul3A_2, %dma_start3A_236] : memref<10240x64xf32, #tpu.memory_space<vmem_shared>> -> memref<640x64xf32, #tpu.memory_space<vmem_shared>>
      %dma_start3A_238 = arith.constant 0 : i32
      %dma_start3A_239 = tpu.memref_slice %arg5[%mul3A_2, %dma_start3A_238] : memref<10240x64xf32, #tpu.memory_space<hbm>> -> memref<640x64xf32, #tpu.memory_space<hbm>>
      tpu.enqueue_dma source(%dma_start3A_239 : memref<640x64xf32, #tpu.memory_space<hbm>>) target(%dma_start3A_237 : memref<640x64xf32, #tpu.memory_space<vmem_shared>>) target_semaphore(%run_scoped3A : memref<!tpu.dma_semaphore, #tpu.memory_space<semaphore_mem>>)
      %dma_wait3A_240 = arith.constant 0 : i32
      %dma_wait3A_241 = tpu.memref_slice %arg10[%mul3A_2, %dma_wait3A_240] : memref<10240x64xf32, #tpu.memory_space<vmem_shared>> -> memref<640x64xf32, #tpu.memory_space<vmem_shared>>
      %dma_wait3A_242 = arith.constant 0 : i32
      %dma_wait3A_243 = tpu.memref_slice %arg5[%mul3A_2, %dma_wait3A_242] : memref<10240x64xf32, #tpu.memory_space<hbm>> -> memref<640x64xf32, #tpu.memory_space<hbm>>
      tpu.wait_dma2 semaphore(%run_scoped3A : memref<!tpu.dma_semaphore, #tpu.memory_space<semaphore_mem>>) src(%dma_wait3A_243 : memref<640x64xf32, #tpu.memory_space<hbm>>) dst(%dma_wait3A_241 : memref<640x64xf32, #tpu.memory_space<vmem_shared>>)
      tpu.yield
    }) : () -> ()
    %mul3A_3 = arith.constant 100 : i32
    %mul3A_4 = arith.muli %add3A, %mul3A_3 : i32
    "tpu.region"() ({
      %run_scoped3A = tpu.sem_alloc : memref<!tpu.dma_semaphore, #tpu.memory_space<semaphore_mem>>
      %dma_start3A_236 = arith.constant 0 : i32
      %dma_start3A_237 = tpu.memref_slice %arg3[%mul3A_4, %dma_start3A_236] : memref<3200x100xi32, #tpu.memory_space<hbm>> -> memref<100x100xi32, #tpu.memory_space<hbm>>
      %dma_start3A_238 = arith.constant 0 : i32
      %dma_start3A_239 = tpu.memref_slice %arg3[%mul3A_4, %dma_start3A_238] : memref<3200x100xi32, #tpu.memory_space<hbm>> -> memref<100x100xi32, #tpu.memory_space<hbm>>
      tpu.enqueue_dma source(%dma_start3A_239 : memref<100x100xi32, #tpu.memory_space<hbm>>) target(%arg7 : memref<100x100xi32, #tpu.memory_space<vmem>>) target_semaphore(%run_scoped3A : memref<!tpu.dma_semaphore, #tpu.memory_space<semaphore_mem>>)
      %dma_wait3A_240 = arith.constant 0 : i32
      %dma_wait3A_241 = tpu.memref_slice %arg3[%mul3A_4, %dma_wait3A_240] : memref<3200x100xi32, #tpu.memory_space<hbm>> -> memref<100x100xi32, #tpu.memory_space<hbm>>
      %dma_wait3A_242 = arith.constant 0 : i32
      %dma_wait3A_243 = tpu.memref_slice %arg3[%mul3A_4, %dma_wait3A_242] : memref<3200x100xi32, #tpu.memory_space<hbm>> -> memref<100x100xi32, #tpu.memory_space<hbm>>
      tpu.wait_dma2 semaphore(%run_scoped3A : memref<!tpu.dma_semaphore, #tpu.memory_space<semaphore_mem>>) src(%dma_wait3A_243 : memref<100x100xi32, #tpu.memory_space<hbm>>) dst(%arg7 : memref<100x100xi32, #tpu.memory_space<vmem>>)
      tpu.yield
    }) : () -> ()
    %mul3A_5 = arith.constant 100 : i32
    %mul3A_6 = arith.muli %add3A, %mul3A_5 : i32
    "tpu.region"() ({
      %run_scoped3A = tpu.sem_alloc : memref<!tpu.dma_semaphore, #tpu.memory_space<semaphore_mem>>
      %dma_start3A_236 = arith.constant 0 : i32
      %dma_start3A_237 = tpu.memref_slice %arg4[%mul3A_6, %dma_start3A_236] : memref<3200x100xi32, #tpu.memory_space<hbm>> -> memref<100x100xi32, #tpu.memory_space<hbm>>
      %dma_start3A_238 = arith.constant 0 : i32
      %dma_start3A_239 = tpu.memref_slice %arg4[%mul3A_6, %dma_start3A_238] : memref<3200x100xi32, #tpu.memory_space<hbm>> -> memref<100x100xi32, #tpu.memory_space<hbm>>
      tpu.enqueue_dma source(%dma_start3A_239 : memref<100x100xi32, #tpu.memory_space<hbm>>) target(%arg8 : memref<100x100xi32, #tpu.memory_space<vmem>>) target_semaphore(%run_scoped3A : memref<!tpu.dma_semaphore, #tpu.memory_space<semaphore_mem>>)
      %dma_wait3A_240 = arith.constant 0 : i32
      %dma_wait3A_241 = tpu.memref_slice %arg4[%mul3A_6, %dma_wait3A_240] : memref<3200x100xi32, #tpu.memory_space<hbm>> -> memref<100x100xi32, #tpu.memory_space<hbm>>
      %dma_wait3A_242 = arith.constant 0 : i32
      %dma_wait3A_243 = tpu.memref_slice %arg4[%mul3A_6, %dma_wait3A_242] : memref<3200x100xi32, #tpu.memory_space<hbm>> -> memref<100x100xi32, #tpu.memory_space<hbm>>
      tpu.wait_dma2 semaphore(%run_scoped3A : memref<!tpu.dma_semaphore, #tpu.memory_space<semaphore_mem>>) src(%dma_wait3A_243 : memref<100x100xi32, #tpu.memory_space<hbm>>) dst(%arg8 : memref<100x100xi32, #tpu.memory_space<vmem>>)
      tpu.yield
    }) : () -> ()
    %barrier3A = arith.constant 0 : index
    tpu.barrier barrier_id(%barrier3A)
    %dma_start3A = arith.constant 0 : i32
    %dma_start3A_7 = arith.constant 0 : i32
    %dma_start3A_8 = arith.constant 0 : i32
    %dma_start3A_9 = arith.constant 0 : i32
    %dma_start3A_10 = arith.constant 0 : i32
    %dma_start3A_11 = tpu.memref_slice %arg9[%dma_start3A_7, %dma_start3A_9, %dma_start3A_10] : memref<10x100x64xf32, #tpu.memory_space<vmem>> -> memref<1x100x64xf32, #tpu.memory_space<vmem>>
    %dma_start3A_12 = tpu.memref_squeeze %dma_start3A_11 : memref<1x100x64xf32, #tpu.memory_space<vmem>> -> memref<100x64xf32, #tpu.memory_space<vmem>>
    %dma_start3A_13 = arith.constant 0 : i32
    %dma_start3A_14 = tpu.memref_slice %arg7[%dma_start3A, %dma_start3A_13] : memref<100x100xi32, #tpu.memory_space<vmem>> -> memref<1x100xi32, #tpu.memory_space<vmem>>
    %dma_start3A_15 = tpu.memref_squeeze %dma_start3A_14 : memref<1x100xi32, #tpu.memory_space<vmem>> -> memref<100xi32, #tpu.memory_space<vmem>>
    %dma_start3A_16 = arith.constant 0 : i32
    %dma_start3A_17 = arith.constant 0 : i32
    %dma_start3A_18 = tpu.memref_slice %arg2[%dma_start3A_16, %dma_start3A_17] : memref<10240x64xf32, #tpu.memory_space<hbm>> -> memref<10240x64xf32, #tpu.memory_space<hbm>>
    %dma_start3A_19 = tpu.memref_slice %arg11[%dma_start3A_8] : memref<10x!tpu.dma_semaphore, #tpu.memory_space<semaphore_mem>> -> memref<1x!tpu.dma_semaphore, #tpu.memory_space<semaphore_mem>>
    %dma_start3A_20 = tpu.memref_squeeze %dma_start3A_19 : memref<1x!tpu.dma_semaphore, #tpu.memory_space<semaphore_mem>> -> memref<!tpu.dma_semaphore, #tpu.memory_space<semaphore_mem>>
    tpu.enqueue_indirect_dma source(%dma_start3A_18 : memref<10240x64xf32, #tpu.memory_space<hbm>>) target(%dma_start3A_12 : memref<100x64xf32, #tpu.memory_space<vmem>>) offsets(%dma_start3A_15 : memref<100xi32, #tpu.memory_space<vmem>>) semaphore(%dma_start3A_20 : memref<!tpu.dma_semaphore, #tpu.memory_space<semaphore_mem>>)
    %dma_start3A_21 = arith.constant 1 : i32
    %dma_start3A_22 = arith.constant 1 : i32
    %dma_start3A_23 = arith.constant 1 : i32
    %dma_start3A_24 = arith.constant 0 : i32
    %dma_start3A_25 = arith.constant 0 : i32
    %dma_start3A_26 = tpu.memref_slice %arg9[%dma_start3A_22, %dma_start3A_24, %dma_start3A_25] : memref<10x100x64xf32, #tpu.memory_space<vmem>> -> memref<1x100x64xf32, #tpu.memory_space<vmem>>
    %dma_start3A_27 = tpu.memref_squeeze %dma_start3A_26 : memref<1x100x64xf32, #tpu.memory_space<vmem>> -> memref<100x64xf32, #tpu.memory_space<vmem>>
    %dma_start3A_28 = arith.constant 0 : i32
    %dma_start3A_29 = tpu.memref_slice %arg7[%dma_start3A_21, %dma_start3A_28] : memref<100x100xi32, #tpu.memory_space<vmem>> -> memref<1x100xi32, #tpu.memory_space<vmem>>
    %dma_start3A_30 = tpu.memref_squeeze %dma_start3A_29 : memref<1x100xi32, #tpu.memory_space<vmem>> -> memref<100xi32, #tpu.memory_space<vmem>>
    %dma_start3A_31 = arith.constant 0 : i32
    %dma_start3A_32 = arith.constant 0 : i32
    %dma_start3A_33 = tpu.memref_slice %arg2[%dma_start3A_31, %dma_start3A_32] : memref<10240x64xf32, #tpu.memory_space<hbm>> -> memref<10240x64xf32, #tpu.memory_space<hbm>>
    %dma_start3A_34 = tpu.memref_slice %arg11[%dma_start3A_23] : memref<10x!tpu.dma_semaphore, #tpu.memory_space<semaphore_mem>> -> memref<1x!tpu.dma_semaphore, #tpu.memory_space<semaphore_mem>>
    %dma_start3A_35 = tpu.memref_squeeze %dma_start3A_34 : memref<1x!tpu.dma_semaphore, #tpu.memory_space<semaphore_mem>> -> memref<!tpu.dma_semaphore, #tpu.memory_space<semaphore_mem>>
    tpu.enqueue_indirect_dma source(%dma_start3A_33 : memref<10240x64xf32, #tpu.memory_space<hbm>>) target(%dma_start3A_27 : memref<100x64xf32, #tpu.memory_space<vmem>>) offsets(%dma_start3A_30 : memref<100xi32, #tpu.memory_space<vmem>>) semaphore(%dma_start3A_35 : memref<!tpu.dma_semaphore, #tpu.memory_space<semaphore_mem>>)
    %dma_start3A_36 = arith.constant 2 : i32
    %dma_start3A_37 = arith.constant 2 : i32
    %dma_start3A_38 = arith.constant 2 : i32
    %dma_start3A_39 = arith.constant 0 : i32
    %dma_start3A_40 = arith.constant 0 : i32
    %dma_start3A_41 = tpu.memref_slice %arg9[%dma_start3A_37, %dma_start3A_39, %dma_start3A_40] : memref<10x100x64xf32, #tpu.memory_space<vmem>> -> memref<1x100x64xf32, #tpu.memory_space<vmem>>
    %dma_start3A_42 = tpu.memref_squeeze %dma_start3A_41 : memref<1x100x64xf32, #tpu.memory_space<vmem>> -> memref<100x64xf32, #tpu.memory_space<vmem>>
    %dma_start3A_43 = arith.constant 0 : i32
    %dma_start3A_44 = tpu.memref_slice %arg7[%dma_start3A_36, %dma_start3A_43] : memref<100x100xi32, #tpu.memory_space<vmem>> -> memref<1x100xi32, #tpu.memory_space<vmem>>
    %dma_start3A_45 = tpu.memref_squeeze %dma_start3A_44 : memref<1x100xi32, #tpu.memory_space<vmem>> -> memref<100xi32, #tpu.memory_space<vmem>>
    %dma_start3A_46 = arith.constant 0 : i32
    %dma_start3A_47 = arith.constant 0 : i32
    %dma_start3A_48 = tpu.memref_slice %arg2[%dma_start3A_46, %dma_start3A_47] : memref<10240x64xf32, #tpu.memory_space<hbm>> -> memref<10240x64xf32, #tpu.memory_space<hbm>>
    %dma_start3A_49 = tpu.memref_slice %arg11[%dma_start3A_38] : memref<10x!tpu.dma_semaphore, #tpu.memory_space<semaphore_mem>> -> memref<1x!tpu.dma_semaphore, #tpu.memory_space<semaphore_mem>>
    %dma_start3A_50 = tpu.memref_squeeze %dma_start3A_49 : memref<1x!tpu.dma_semaphore, #tpu.memory_space<semaphore_mem>> -> memref<!tpu.dma_semaphore, #tpu.memory_space<semaphore_mem>>
    tpu.enqueue_indirect_dma source(%dma_start3A_48 : memref<10240x64xf32, #tpu.memory_space<hbm>>) target(%dma_start3A_42 : memref<100x64xf32, #tpu.memory_space<vmem>>) offsets(%dma_start3A_45 : memref<100xi32, #tpu.memory_space<vmem>>) semaphore(%dma_start3A_50 : memref<!tpu.dma_semaphore, #tpu.memory_space<semaphore_mem>>)
    %dma_start3A_51 = arith.constant 3 : i32
    %dma_start3A_52 = arith.constant 3 : i32
    %dma_start3A_53 = arith.constant 3 : i32
    %dma_start3A_54 = arith.constant 0 : i32
    %dma_start3A_55 = arith.constant 0 : i32
    %dma_start3A_56 = tpu.memref_slice %arg9[%dma_start3A_52, %dma_start3A_54, %dma_start3A_55] : memref<10x100x64xf32, #tpu.memory_space<vmem>> -> memref<1x100x64xf32, #tpu.memory_space<vmem>>
    %dma_start3A_57 = tpu.memref_squeeze %dma_start3A_56 : memref<1x100x64xf32, #tpu.memory_space<vmem>> -> memref<100x64xf32, #tpu.memory_space<vmem>>
    %dma_start3A_58 = arith.constant 0 : i32
    %dma_start3A_59 = tpu.memref_slice %arg7[%dma_start3A_51, %dma_start3A_58] : memref<100x100xi32, #tpu.memory_space<vmem>> -> memref<1x100xi32, #tpu.memory_space<vmem>>
    %dma_start3A_60 = tpu.memref_squeeze %dma_start3A_59 : memref<1x100xi32, #tpu.memory_space<vmem>> -> memref<100xi32, #tpu.memory_space<vmem>>
    %dma_start3A_61 = arith.constant 0 : i32
    %dma_start3A_62 = arith.constant 0 : i32
    %dma_start3A_63 = tpu.memref_slice %arg2[%dma_start3A_61, %dma_start3A_62] : memref<10240x64xf32, #tpu.memory_space<hbm>> -> memref<10240x64xf32, #tpu.memory_space<hbm>>
    %dma_start3A_64 = tpu.memref_slice %arg11[%dma_start3A_53] : memref<10x!tpu.dma_semaphore, #tpu.memory_space<semaphore_mem>> -> memref<1x!tpu.dma_semaphore, #tpu.memory_space<semaphore_mem>>
    %dma_start3A_65 = tpu.memref_squeeze %dma_start3A_64 : memref<1x!tpu.dma_semaphore, #tpu.memory_space<semaphore_mem>> -> memref<!tpu.dma_semaphore, #tpu.memory_space<semaphore_mem>>
    tpu.enqueue_indirect_dma source(%dma_start3A_63 : memref<10240x64xf32, #tpu.memory_space<hbm>>) target(%dma_start3A_57 : memref<100x64xf32, #tpu.memory_space<vmem>>) offsets(%dma_start3A_60 : memref<100xi32, #tpu.memory_space<vmem>>) semaphore(%dma_start3A_65 : memref<!tpu.dma_semaphore, #tpu.memory_space<semaphore_mem>>)
    %dma_start3A_66 = arith.constant 4 : i32
    %dma_start3A_67 = arith.constant 4 : i32
    %dma_start3A_68 = arith.constant 4 : i32
    %dma_start3A_69 = arith.constant 0 : i32
    %dma_start3A_70 = arith.constant 0 : i32
    %dma_start3A_71 = tpu.memref_slice %arg9[%dma_start3A_67, %dma_start3A_69, %dma_start3A_70] : memref<10x100x64xf32, #tpu.memory_space<vmem>> -> memref<1x100x64xf32, #tpu.memory_space<vmem>>
    %dma_start3A_72 = tpu.memref_squeeze %dma_start3A_71 : memref<1x100x64xf32, #tpu.memory_space<vmem>> -> memref<100x64xf32, #tpu.memory_space<vmem>>
    %dma_start3A_73 = arith.constant 0 : i32
    %dma_start3A_74 = tpu.memref_slice %arg7[%dma_start3A_66, %dma_start3A_73] : memref<100x100xi32, #tpu.memory_space<vmem>> -> memref<1x100xi32, #tpu.memory_space<vmem>>
    %dma_start3A_75 = tpu.memref_squeeze %dma_start3A_74 : memref<1x100xi32, #tpu.memory_space<vmem>> -> memref<100xi32, #tpu.memory_space<vmem>>
    %dma_start3A_76 = arith.constant 0 : i32
    %dma_start3A_77 = arith.constant 0 : i32
    %dma_start3A_78 = tpu.memref_slice %arg2[%dma_start3A_76, %dma_start3A_77] : memref<10240x64xf32, #tpu.memory_space<hbm>> -> memref<10240x64xf32, #tpu.memory_space<hbm>>
    %dma_start3A_79 = tpu.memref_slice %arg11[%dma_start3A_68] : memref<10x!tpu.dma_semaphore, #tpu.memory_space<semaphore_mem>> -> memref<1x!tpu.dma_semaphore, #tpu.memory_space<semaphore_mem>>
    %dma_start3A_80 = tpu.memref_squeeze %dma_start3A_79 : memref<1x!tpu.dma_semaphore, #tpu.memory_space<semaphore_mem>> -> memref<!tpu.dma_semaphore, #tpu.memory_space<semaphore_mem>>
    tpu.enqueue_indirect_dma source(%dma_start3A_78 : memref<10240x64xf32, #tpu.memory_space<hbm>>) target(%dma_start3A_72 : memref<100x64xf32, #tpu.memory_space<vmem>>) offsets(%dma_start3A_75 : memref<100xi32, #tpu.memory_space<vmem>>) semaphore(%dma_start3A_80 : memref<!tpu.dma_semaphore, #tpu.memory_space<semaphore_mem>>)
    %scan3A = arith.constant 0 : i32
    %scan3A_81 = arith.constant 0 : i32
    %scan3A_82 = arith.constant 10 : i32
    %scan3A_83 = arith.addi %scan3A_81, %scan3A_82 : i32
    %scan3A_84 = arith.constant 1 : i32
    scf.for %scan3A_236 = %scan3A_81 to %scan3A_83 step %scan3A_84  : i32 {
      %mul3A_237 = arith.constant 10 : i32
      %mul3A_238 = arith.muli %scan3A_236, %mul3A_237 : i32
      %add3A_239 = arith.constant 0 : i32
      %add3A_240 = arith.addi %mul3A_238, %add3A_239 : i32
      %add3A_241 = arith.constant 5 : i32
      %add3A_242 = arith.addi %add3A_240, %add3A_241 : i32
      %lt3A = arith.constant 100 : i32
      %lt3A_243 = arith.cmpi slt, %add3A_242, %lt3A : i32
      %convert_element_type3A = arith.extui %lt3A_243 : i1 to i32
      %cond3A = arith.constant 0 : i32
      %cond3A_244 = arith.cmpi ne, %convert_element_type3A, %cond3A : i32
      scf.if %cond3A_244 {
        %add3A_624 = arith.constant 5 : i32
        %add3A_625 = arith.addi %add3A_240, %add3A_624 : i32
        %ge3A = arith.constant 10 : i32
        %ge3A_626 = arith.cmpi sge, %add3A_625, %ge3A : i32
        %convert_element_type3A_627 = arith.extui %ge3A_626 : i1 to i32
        %cond3A_628 = arith.constant 0 : i32
        %cond3A_629 = arith.cmpi ne, %convert_element_type3A_627, %cond3A_628 : i32
        scf.if %cond3A_629 {
          %add3A_646 = arith.constant 5 : i32
          %add3A_647 = arith.addi %add3A_240, %add3A_646 : i32
          %sub3A = arith.constant 10 : i32
          %sub3A_648 = arith.subi %add3A_647, %sub3A : i32
          %dma_wait3A_649 = arith.constant 5 : i32
          %dma_wait3A_650 = arith.constant 5 : i32
          %dma_wait3A_651 = arith.constant 0 : i32
          %dma_wait3A_652 = arith.constant 0 : i32
          %dma_wait3A_653 = tpu.memref_slice %arg9[%dma_wait3A_649, %dma_wait3A_651, %dma_wait3A_652] : memref<10x100x64xf32, #tpu.memory_space<vmem>> -> memref<1x100x64xf32, #tpu.memory_space<vmem>>
          %dma_wait3A_654 = tpu.memref_squeeze %dma_wait3A_653 : memref<1x100x64xf32, #tpu.memory_space<vmem>> -> memref<100x64xf32, #tpu.memory_space<vmem>>
          %dma_wait3A_655 = arith.constant 0 : i32
          %dma_wait3A_656 = tpu.memref_slice %arg8[%sub3A_648, %dma_wait3A_655] : memref<100x100xi32, #tpu.memory_space<vmem>> -> memref<1x100xi32, #tpu.memory_space<vmem>>
          %dma_wait3A_657 = tpu.memref_squeeze %dma_wait3A_656 : memref<1x100xi32, #tpu.memory_space<vmem>> -> memref<100xi32, #tpu.memory_space<vmem>>
          %dma_wait3A_658 = arith.constant 0 : i32
          %dma_wait3A_659 = arith.constant 0 : i32
          %dma_wait3A_660 = tpu.memref_slice %arg10[%dma_wait3A_658, %dma_wait3A_659] : memref<10240x64xf32, #tpu.memory_space<vmem_shared>> -> memref<10240x64xf32, #tpu.memory_space<vmem_shared>>
          %dma_wait3A_661 = tpu.memref_slice %arg12[%dma_wait3A_650] : memref<10x!tpu.dma_semaphore, #tpu.memory_space<semaphore_mem>> -> memref<1x!tpu.dma_semaphore, #tpu.memory_space<semaphore_mem>>
          %dma_wait3A_662 = tpu.memref_squeeze %dma_wait3A_661 : memref<1x!tpu.dma_semaphore, #tpu.memory_space<semaphore_mem>> -> memref<!tpu.dma_semaphore, #tpu.memory_space<semaphore_mem>>
          tpu.wait_indirect_dma semaphore(%dma_wait3A_662 : memref<!tpu.dma_semaphore, #tpu.memory_space<semaphore_mem>>) src(%dma_wait3A_654 : memref<100x64xf32, #tpu.memory_space<vmem>>) dst(%dma_wait3A_660 : memref<10240x64xf32, #tpu.memory_space<vmem_shared>>)
        } else {
        }
        %add3A_630 = arith.constant 5 : i32
        %add3A_631 = arith.addi %add3A_240, %add3A_630 : i32
        %dma_start3A_632 = arith.constant 5 : i32
        %dma_start3A_633 = arith.constant 5 : i32
        %dma_start3A_634 = arith.constant 0 : i32
        %dma_start3A_635 = arith.constant 0 : i32
        %dma_start3A_636 = tpu.memref_slice %arg9[%dma_start3A_632, %dma_start3A_634, %dma_start3A_635] : memref<10x100x64xf32, #tpu.memory_space<vmem>> -> memref<1x100x64xf32, #tpu.memory_space<vmem>>
        %dma_start3A_637 = tpu.memref_squeeze %dma_start3A_636 : memref<1x100x64xf32, #tpu.memory_space<vmem>> -> memref<100x64xf32, #tpu.memory_space<vmem>>
        %dma_start3A_638 = arith.constant 0 : i32
        %dma_start3A_639 = tpu.memref_slice %arg7[%add3A_631, %dma_start3A_638] : memref<100x100xi32, #tpu.memory_space<vmem>> -> memref<1x100xi32, #tpu.memory_space<vmem>>
        %dma_start3A_640 = tpu.memref_squeeze %dma_start3A_639 : memref<1x100xi32, #tpu.memory_space<vmem>> -> memref<100xi32, #tpu.memory_space<vmem>>
        %dma_start3A_641 = arith.constant 0 : i32
        %dma_start3A_642 = arith.constant 0 : i32
        %dma_start3A_643 = tpu.memref_slice %arg2[%dma_start3A_641, %dma_start3A_642] : memref<10240x64xf32, #tpu.memory_space<hbm>> -> memref<10240x64xf32, #tpu.memory_space<hbm>>
        %dma_start3A_644 = tpu.memref_slice %arg11[%dma_start3A_633] : memref<10x!tpu.dma_semaphore, #tpu.memory_space<semaphore_mem>> -> memref<1x!tpu.dma_semaphore, #tpu.memory_space<semaphore_mem>>
        %dma_start3A_645 = tpu.memref_squeeze %dma_start3A_644 : memref<1x!tpu.dma_semaphore, #tpu.memory_space<semaphore_mem>> -> memref<!tpu.dma_semaphore, #tpu.memory_space<semaphore_mem>>
        tpu.enqueue_indirect_dma source(%dma_start3A_643 : memref<10240x64xf32, #tpu.memory_space<hbm>>) target(%dma_start3A_637 : memref<100x64xf32, #tpu.memory_space<vmem>>) offsets(%dma_start3A_640 : memref<100xi32, #tpu.memory_space<vmem>>) semaphore(%dma_start3A_645 : memref<!tpu.dma_semaphore, #tpu.memory_space<semaphore_mem>>)
      } else {
      }
      %dma_wait3A_245 = arith.constant 0 : i32
      %dma_wait3A_246 = arith.constant 0 : i32
      %dma_wait3A_247 = arith.constant 0 : i32
      %dma_wait3A_248 = arith.constant 0 : i32
      %dma_wait3A_249 = tpu.memref_slice %arg9[%dma_wait3A_245, %dma_wait3A_247, %dma_wait3A_248] : memref<10x100x64xf32, #tpu.memory_space<vmem>> -> memref<1x100x64xf32, #tpu.memory_space<vmem>>
      %dma_wait3A_250 = tpu.memref_squeeze %dma_wait3A_249 : memref<1x100x64xf32, #tpu.memory_space<vmem>> -> memref<100x64xf32, #tpu.memory_space<vmem>>
      %dma_wait3A_251 = arith.constant 0 : i32
      %dma_wait3A_252 = tpu.memref_slice %arg7[%add3A_240, %dma_wait3A_251] : memref<100x100xi32, #tpu.memory_space<vmem>> -> memref<1x100xi32, #tpu.memory_space<vmem>>
      %dma_wait3A_253 = tpu.memref_squeeze %dma_wait3A_252 : memref<1x100xi32, #tpu.memory_space<vmem>> -> memref<100xi32, #tpu.memory_space<vmem>>
      %dma_wait3A_254 = arith.constant 0 : i32
      %dma_wait3A_255 = arith.constant 0 : i32
      %dma_wait3A_256 = tpu.memref_slice %arg2[%dma_wait3A_254, %dma_wait3A_255] : memref<10240x64xf32, #tpu.memory_space<hbm>> -> memref<10240x64xf32, #tpu.memory_space<hbm>>
      %dma_wait3A_257 = tpu.memref_slice %arg11[%dma_wait3A_246] : memref<10x!tpu.dma_semaphore, #tpu.memory_space<semaphore_mem>> -> memref<1x!tpu.dma_semaphore, #tpu.memory_space<semaphore_mem>>
      %dma_wait3A_258 = tpu.memref_squeeze %dma_wait3A_257 : memref<1x!tpu.dma_semaphore, #tpu.memory_space<semaphore_mem>> -> memref<!tpu.dma_semaphore, #tpu.memory_space<semaphore_mem>>
      tpu.wait_indirect_dma semaphore(%dma_wait3A_258 : memref<!tpu.dma_semaphore, #tpu.memory_space<semaphore_mem>>) src(%dma_wait3A_256 : memref<10240x64xf32, #tpu.memory_space<hbm>>) dst(%dma_wait3A_250 : memref<100x64xf32, #tpu.memory_space<vmem>>)
      %dma_start3A_259 = arith.constant 0 : i32
      %dma_start3A_260 = arith.constant 0 : i32
      %dma_start3A_261 = arith.constant 0 : i32
      %dma_start3A_262 = arith.constant 0 : i32
      %dma_start3A_263 = tpu.memref_slice %arg9[%dma_start3A_259, %dma_start3A_261, %dma_start3A_262] : memref<10x100x64xf32, #tpu.memory_space<vmem>> -> memref<1x100x64xf32, #tpu.memory_space<vmem>>
      %dma_start3A_264 = tpu.memref_squeeze %dma_start3A_263 : memref<1x100x64xf32, #tpu.memory_space<vmem>> -> memref<100x64xf32, #tpu.memory_space<vmem>>
      %dma_start3A_265 = arith.constant 0 : i32
      %dma_start3A_266 = tpu.memref_slice %arg8[%add3A_240, %dma_start3A_265] : memref<100x100xi32, #tpu.memory_space<vmem>> -> memref<1x100xi32, #tpu.memory_space<vmem>>
      %dma_start3A_267 = tpu.memref_squeeze %dma_start3A_266 : memref<1x100xi32, #tpu.memory_space<vmem>> -> memref<100xi32, #tpu.memory_space<vmem>>
      %dma_start3A_268 = arith.constant 0 : i32
      %dma_start3A_269 = arith.constant 0 : i32
      %dma_start3A_270 = tpu.memref_slice %arg10[%dma_start3A_268, %dma_start3A_269] : memref<10240x64xf32, #tpu.memory_space<vmem_shared>> -> memref<10240x64xf32, #tpu.memory_space<vmem_shared>>
      %dma_start3A_271 = tpu.memref_slice %arg12[%dma_start3A_260] : memref<10x!tpu.dma_semaphore, #tpu.memory_space<semaphore_mem>> -> memref<1x!tpu.dma_semaphore, #tpu.memory_space<semaphore_mem>>
      %dma_start3A_272 = tpu.memref_squeeze %dma_start3A_271 : memref<1x!tpu.dma_semaphore, #tpu.memory_space<semaphore_mem>> -> memref<!tpu.dma_semaphore, #tpu.memory_space<semaphore_mem>>
      tpu.enqueue_indirect_dma source(%dma_start3A_264 : memref<100x64xf32, #tpu.memory_space<vmem>>) target(%dma_start3A_270 : memref<10240x64xf32, #tpu.memory_space<vmem_shared>>) offsets(%dma_start3A_267 : memref<100xi32, #tpu.memory_space<vmem>>) semaphore(%dma_start3A_272 : memref<!tpu.dma_semaphore, #tpu.memory_space<semaphore_mem>>) {add = true}
      %mul3A_273 = arith.constant 10 : i32
      %mul3A_274 = arith.muli %scan3A_236, %mul3A_273 : i32
      %add3A_275 = arith.constant 1 : i32
      %add3A_276 = arith.addi %mul3A_274, %add3A_275 : i32
      %add3A_277 = arith.constant 5 : i32
      %add3A_278 = arith.addi %add3A_276, %add3A_277 : i32
      %lt3A_279 = arith.constant 100 : i32
      %lt3A_280 = arith.cmpi slt, %add3A_278, %lt3A_279 : i32
      %convert_element_type3A_281 = arith.extui %lt3A_280 : i1 to i32
      %cond3A_282 = arith.constant 0 : i32
      %cond3A_283 = arith.cmpi ne, %convert_element_type3A_281, %cond3A_282 : i32
      scf.if %cond3A_283 {
        %add3A_624 = arith.constant 5 : i32
        %add3A_625 = arith.addi %add3A_276, %add3A_624 : i32
        %ge3A = arith.constant 10 : i32
        %ge3A_626 = arith.cmpi sge, %add3A_625, %ge3A : i32
        %convert_element_type3A_627 = arith.extui %ge3A_626 : i1 to i32
        %cond3A_628 = arith.constant 0 : i32
        %cond3A_629 = arith.cmpi ne, %convert_element_type3A_627, %cond3A_628 : i32
        scf.if %cond3A_629 {
          %add3A_646 = arith.constant 5 : i32
          %add3A_647 = arith.addi %add3A_276, %add3A_646 : i32
          %sub3A = arith.constant 10 : i32
          %sub3A_648 = arith.subi %add3A_647, %sub3A : i32
          %dma_wait3A_649 = arith.constant 6 : i32
          %dma_wait3A_650 = arith.constant 6 : i32
          %dma_wait3A_651 = arith.constant 0 : i32
          %dma_wait3A_652 = arith.constant 0 : i32
          %dma_wait3A_653 = tpu.memref_slice %arg9[%dma_wait3A_649, %dma_wait3A_651, %dma_wait3A_652] : memref<10x100x64xf32, #tpu.memory_space<vmem>> -> memref<1x100x64xf32, #tpu.memory_space<vmem>>
          %dma_wait3A_654 = tpu.memref_squeeze %dma_wait3A_653 : memref<1x100x64xf32, #tpu.memory_space<vmem>> -> memref<100x64xf32, #tpu.memory_space<vmem>>
          %dma_wait3A_655 = arith.constant 0 : i32
          %dma_wait3A_656 = tpu.memref_slice %arg8[%sub3A_648, %dma_wait3A_655] : memref<100x100xi32, #tpu.memory_space<vmem>> -> memref<1x100xi32, #tpu.memory_space<vmem>>
          %dma_wait3A_657 = tpu.memref_squeeze %dma_wait3A_656 : memref<1x100xi32, #tpu.memory_space<vmem>> -> memref<100xi32, #tpu.memory_space<vmem>>
          %dma_wait3A_658 = arith.constant 0 : i32
          %dma_wait3A_659 = arith.constant 0 : i32
          %dma_wait3A_660 = tpu.memref_slice %arg10[%dma_wait3A_658, %dma_wait3A_659] : memref<10240x64xf32, #tpu.memory_space<vmem_shared>> -> memref<10240x64xf32, #tpu.memory_space<vmem_shared>>
          %dma_wait3A_661 = tpu.memref_slice %arg12[%dma_wait3A_650] : memref<10x!tpu.dma_semaphore, #tpu.memory_space<semaphore_mem>> -> memref<1x!tpu.dma_semaphore, #tpu.memory_space<semaphore_mem>>
          %dma_wait3A_662 = tpu.memref_squeeze %dma_wait3A_661 : memref<1x!tpu.dma_semaphore, #tpu.memory_space<semaphore_mem>> -> memref<!tpu.dma_semaphore, #tpu.memory_space<semaphore_mem>>
          tpu.wait_indirect_dma semaphore(%dma_wait3A_662 : memref<!tpu.dma_semaphore, #tpu.memory_space<semaphore_mem>>) src(%dma_wait3A_654 : memref<100x64xf32, #tpu.memory_space<vmem>>) dst(%dma_wait3A_660 : memref<10240x64xf32, #tpu.memory_space<vmem_shared>>)
        } else {
        }
        %add3A_630 = arith.constant 5 : i32
        %add3A_631 = arith.addi %add3A_276, %add3A_630 : i32
        %dma_start3A_632 = arith.constant 6 : i32
        %dma_start3A_633 = arith.constant 6 : i32
        %dma_start3A_634 = arith.constant 0 : i32
        %dma_start3A_635 = arith.constant 0 : i32
        %dma_start3A_636 = tpu.memref_slice %arg9[%dma_start3A_632, %dma_start3A_634, %dma_start3A_635] : memref<10x100x64xf32, #tpu.memory_space<vmem>> -> memref<1x100x64xf32, #tpu.memory_space<vmem>>
        %dma_start3A_637 = tpu.memref_squeeze %dma_start3A_636 : memref<1x100x64xf32, #tpu.memory_space<vmem>> -> memref<100x64xf32, #tpu.memory_space<vmem>>
        %dma_start3A_638 = arith.constant 0 : i32
        %dma_start3A_639 = tpu.memref_slice %arg7[%add3A_631, %dma_start3A_638] : memref<100x100xi32, #tpu.memory_space<vmem>> -> memref<1x100xi32, #tpu.memory_space<vmem>>
        %dma_start3A_640 = tpu.memref_squeeze %dma_start3A_639 : memref<1x100xi32, #tpu.memory_space<vmem>> -> memref<100xi32, #tpu.memory_space<vmem>>
        %dma_start3A_641 = arith.constant 0 : i32
        %dma_start3A_642 = arith.constant 0 : i32
        %dma_start3A_643 = tpu.memref_slice %arg2[%dma_start3A_641, %dma_start3A_642] : memref<10240x64xf32, #tpu.memory_space<hbm>> -> memref<10240x64xf32, #tpu.memory_space<hbm>>
        %dma_start3A_644 = tpu.memref_slice %arg11[%dma_start3A_633] : memref<10x!tpu.dma_semaphore, #tpu.memory_space<semaphore_mem>> -> memref<1x!tpu.dma_semaphore, #tpu.memory_space<semaphore_mem>>
        %dma_start3A_645 = tpu.memref_squeeze %dma_start3A_644 : memref<1x!tpu.dma_semaphore, #tpu.memory_space<semaphore_mem>> -> memref<!tpu.dma_semaphore, #tpu.memory_space<semaphore_mem>>
        tpu.enqueue_indirect_dma source(%dma_start3A_643 : memref<10240x64xf32, #tpu.memory_space<hbm>>) target(%dma_start3A_637 : memref<100x64xf32, #tpu.memory_space<vmem>>) offsets(%dma_start3A_640 : memref<100xi32, #tpu.memory_space<vmem>>) semaphore(%dma_start3A_645 : memref<!tpu.dma_semaphore, #tpu.memory_space<semaphore_mem>>)
      } else {
      }
      %dma_wait3A_284 = arith.constant 1 : i32
      %dma_wait3A_285 = arith.constant 1 : i32
      %dma_wait3A_286 = arith.constant 0 : i32
      %dma_wait3A_287 = arith.constant 0 : i32
      %dma_wait3A_288 = tpu.memref_slice %arg9[%dma_wait3A_284, %dma_wait3A_286, %dma_wait3A_287] : memref<10x100x64xf32, #tpu.memory_space<vmem>> -> memref<1x100x64xf32, #tpu.memory_space<vmem>>
      %dma_wait3A_289 = tpu.memref_squeeze %dma_wait3A_288 : memref<1x100x64xf32, #tpu.memory_space<vmem>> -> memref<100x64xf32, #tpu.memory_space<vmem>>
      %dma_wait3A_290 = arith.constant 0 : i32
      %dma_wait3A_291 = tpu.memref_slice %arg7[%add3A_276, %dma_wait3A_290] : memref<100x100xi32, #tpu.memory_space<vmem>> -> memref<1x100xi32, #tpu.memory_space<vmem>>
      %dma_wait3A_292 = tpu.memref_squeeze %dma_wait3A_291 : memref<1x100xi32, #tpu.memory_space<vmem>> -> memref<100xi32, #tpu.memory_space<vmem>>
      %dma_wait3A_293 = arith.constant 0 : i32
      %dma_wait3A_294 = arith.constant 0 : i32
      %dma_wait3A_295 = tpu.memref_slice %arg2[%dma_wait3A_293, %dma_wait3A_294] : memref<10240x64xf32, #tpu.memory_space<hbm>> -> memref<10240x64xf32, #tpu.memory_space<hbm>>
      %dma_wait3A_296 = tpu.memref_slice %arg11[%dma_wait3A_285] : memref<10x!tpu.dma_semaphore, #tpu.memory_space<semaphore_mem>> -> memref<1x!tpu.dma_semaphore, #tpu.memory_space<semaphore_mem>>
      %dma_wait3A_297 = tpu.memref_squeeze %dma_wait3A_296 : memref<1x!tpu.dma_semaphore, #tpu.memory_space<semaphore_mem>> -> memref<!tpu.dma_semaphore, #tpu.memory_space<semaphore_mem>>
      tpu.wait_indirect_dma semaphore(%dma_wait3A_297 : memref<!tpu.dma_semaphore, #tpu.memory_space<semaphore_mem>>) src(%dma_wait3A_295 : memref<10240x64xf32, #tpu.memory_space<hbm>>) dst(%dma_wait3A_289 : memref<100x64xf32, #tpu.memory_space<vmem>>)
      %dma_start3A_298 = arith.constant 1 : i32
      %dma_start3A_299 = arith.constant 1 : i32
      %dma_start3A_300 = arith.constant 0 : i32
      %dma_start3A_301 = arith.constant 0 : i32
      %dma_start3A_302 = tpu.memref_slice %arg9[%dma_start3A_298, %dma_start3A_300, %dma_start3A_301] : memref<10x100x64xf32, #tpu.memory_space<vmem>> -> memref<1x100x64xf32, #tpu.memory_space<vmem>>
      %dma_start3A_303 = tpu.memref_squeeze %dma_start3A_302 : memref<1x100x64xf32, #tpu.memory_space<vmem>> -> memref<100x64xf32, #tpu.memory_space<vmem>>
      %dma_start3A_304 = arith.constant 0 : i32
      %dma_start3A_305 = tpu.memref_slice %arg8[%add3A_276, %dma_start3A_304] : memref<100x100xi32, #tpu.memory_space<vmem>> -> memref<1x100xi32, #tpu.memory_space<vmem>>
      %dma_start3A_306 = tpu.memref_squeeze %dma_start3A_305 : memref<1x100xi32, #tpu.memory_space<vmem>> -> memref<100xi32, #tpu.memory_space<vmem>>
      %dma_start3A_307 = arith.constant 0 : i32
      %dma_start3A_308 = arith.constant 0 : i32
      %dma_start3A_309 = tpu.memref_slice %arg10[%dma_start3A_307, %dma_start3A_308] : memref<10240x64xf32, #tpu.memory_space<vmem_shared>> -> memref<10240x64xf32, #tpu.memory_space<vmem_shared>>
      %dma_start3A_310 = tpu.memref_slice %arg12[%dma_start3A_299] : memref<10x!tpu.dma_semaphore, #tpu.memory_space<semaphore_mem>> -> memref<1x!tpu.dma_semaphore, #tpu.memory_space<semaphore_mem>>
      %dma_start3A_311 = tpu.memref_squeeze %dma_start3A_310 : memref<1x!tpu.dma_semaphore, #tpu.memory_space<semaphore_mem>> -> memref<!tpu.dma_semaphore, #tpu.memory_space<semaphore_mem>>
      tpu.enqueue_indirect_dma source(%dma_start3A_303 : memref<100x64xf32, #tpu.memory_space<vmem>>) target(%dma_start3A_309 : memref<10240x64xf32, #tpu.memory_space<vmem_shared>>) offsets(%dma_start3A_306 : memref<100xi32, #tpu.memory_space<vmem>>) semaphore(%dma_start3A_311 : memref<!tpu.dma_semaphore, #tpu.memory_space<semaphore_mem>>) {add = true}
      %mul3A_312 = arith.constant 10 : i32
      %mul3A_313 = arith.muli %scan3A_236, %mul3A_312 : i32
      %add3A_314 = arith.constant 2 : i32
      %add3A_315 = arith.addi %mul3A_313, %add3A_314 : i32
      %add3A_316 = arith.constant 5 : i32
      %add3A_317 = arith.addi %add3A_315, %add3A_316 : i32
      %lt3A_318 = arith.constant 100 : i32
      %lt3A_319 = arith.cmpi slt, %add3A_317, %lt3A_318 : i32
      %convert_element_type3A_320 = arith.extui %lt3A_319 : i1 to i32
      %cond3A_321 = arith.constant 0 : i32
      %cond3A_322 = arith.cmpi ne, %convert_element_type3A_320, %cond3A_321 : i32
      scf.if %cond3A_322 {
        %add3A_624 = arith.constant 5 : i32
        %add3A_625 = arith.addi %add3A_315, %add3A_624 : i32
        %ge3A = arith.constant 10 : i32
        %ge3A_626 = arith.cmpi sge, %add3A_625, %ge3A : i32
        %convert_element_type3A_627 = arith.extui %ge3A_626 : i1 to i32
        %cond3A_628 = arith.constant 0 : i32
        %cond3A_629 = arith.cmpi ne, %convert_element_type3A_627, %cond3A_628 : i32
        scf.if %cond3A_629 {
          %add3A_646 = arith.constant 5 : i32
          %add3A_647 = arith.addi %add3A_315, %add3A_646 : i32
          %sub3A = arith.constant 10 : i32
          %sub3A_648 = arith.subi %add3A_647, %sub3A : i32
          %dma_wait3A_649 = arith.constant 7 : i32
          %dma_wait3A_650 = arith.constant 7 : i32
          %dma_wait3A_651 = arith.constant 0 : i32
          %dma_wait3A_652 = arith.constant 0 : i32
          %dma_wait3A_653 = tpu.memref_slice %arg9[%dma_wait3A_649, %dma_wait3A_651, %dma_wait3A_652] : memref<10x100x64xf32, #tpu.memory_space<vmem>> -> memref<1x100x64xf32, #tpu.memory_space<vmem>>
          %dma_wait3A_654 = tpu.memref_squeeze %dma_wait3A_653 : memref<1x100x64xf32, #tpu.memory_space<vmem>> -> memref<100x64xf32, #tpu.memory_space<vmem>>
          %dma_wait3A_655 = arith.constant 0 : i32
          %dma_wait3A_656 = tpu.memref_slice %arg8[%sub3A_648, %dma_wait3A_655] : memref<100x100xi32, #tpu.memory_space<vmem>> -> memref<1x100xi32, #tpu.memory_space<vmem>>
          %dma_wait3A_657 = tpu.memref_squeeze %dma_wait3A_656 : memref<1x100xi32, #tpu.memory_space<vmem>> -> memref<100xi32, #tpu.memory_space<vmem>>
          %dma_wait3A_658 = arith.constant 0 : i32
          %dma_wait3A_659 = arith.constant 0 : i32
          %dma_wait3A_660 = tpu.memref_slice %arg10[%dma_wait3A_658, %dma_wait3A_659] : memref<10240x64xf32, #tpu.memory_space<vmem_shared>> -> memref<10240x64xf32, #tpu.memory_space<vmem_shared>>
          %dma_wait3A_661 = tpu.memref_slice %arg12[%dma_wait3A_650] : memref<10x!tpu.dma_semaphore, #tpu.memory_space<semaphore_mem>> -> memref<1x!tpu.dma_semaphore, #tpu.memory_space<semaphore_mem>>
          %dma_wait3A_662 = tpu.memref_squeeze %dma_wait3A_661 : memref<1x!tpu.dma_semaphore, #tpu.memory_space<semaphore_mem>> -> memref<!tpu.dma_semaphore, #tpu.memory_space<semaphore_mem>>
          tpu.wait_indirect_dma semaphore(%dma_wait3A_662 : memref<!tpu.dma_semaphore, #tpu.memory_space<semaphore_mem>>) src(%dma_wait3A_654 : memref<100x64xf32, #tpu.memory_space<vmem>>) dst(%dma_wait3A_660 : memref<10240x64xf32, #tpu.memory_space<vmem_shared>>)
        } else {
        }
        %add3A_630 = arith.constant 5 : i32
        %add3A_631 = arith.addi %add3A_315, %add3A_630 : i32
        %dma_start3A_632 = arith.constant 7 : i32
        %dma_start3A_633 = arith.constant 7 : i32
        %dma_start3A_634 = arith.constant 0 : i32
        %dma_start3A_635 = arith.constant 0 : i32
        %dma_start3A_636 = tpu.memref_slice %arg9[%dma_start3A_632, %dma_start3A_634, %dma_start3A_635] : memref<10x100x64xf32, #tpu.memory_space<vmem>> -> memref<1x100x64xf32, #tpu.memory_space<vmem>>
        %dma_start3A_637 = tpu.memref_squeeze %dma_start3A_636 : memref<1x100x64xf32, #tpu.memory_space<vmem>> -> memref<100x64xf32, #tpu.memory_space<vmem>>
        %dma_start3A_638 = arith.constant 0 : i32
        %dma_start3A_639 = tpu.memref_slice %arg7[%add3A_631, %dma_start3A_638] : memref<100x100xi32, #tpu.memory_space<vmem>> -> memref<1x100xi32, #tpu.memory_space<vmem>>
        %dma_start3A_640 = tpu.memref_squeeze %dma_start3A_639 : memref<1x100xi32, #tpu.memory_space<vmem>> -> memref<100xi32, #tpu.memory_space<vmem>>
        %dma_start3A_641 = arith.constant 0 : i32
        %dma_start3A_642 = arith.constant 0 : i32
        %dma_start3A_643 = tpu.memref_slice %arg2[%dma_start3A_641, %dma_start3A_642] : memref<10240x64xf32, #tpu.memory_space<hbm>> -> memref<10240x64xf32, #tpu.memory_space<hbm>>
        %dma_start3A_644 = tpu.memref_slice %arg11[%dma_start3A_633] : memref<10x!tpu.dma_semaphore, #tpu.memory_space<semaphore_mem>> -> memref<1x!tpu.dma_semaphore, #tpu.memory_space<semaphore_mem>>
        %dma_start3A_645 = tpu.memref_squeeze %dma_start3A_644 : memref<1x!tpu.dma_semaphore, #tpu.memory_space<semaphore_mem>> -> memref<!tpu.dma_semaphore, #tpu.memory_space<semaphore_mem>>
        tpu.enqueue_indirect_dma source(%dma_start3A_643 : memref<10240x64xf32, #tpu.memory_space<hbm>>) target(%dma_start3A_637 : memref<100x64xf32, #tpu.memory_space<vmem>>) offsets(%dma_start3A_640 : memref<100xi32, #tpu.memory_space<vmem>>) semaphore(%dma_start3A_645 : memref<!tpu.dma_semaphore, #tpu.memory_space<semaphore_mem>>)
      } else {
      }
      %dma_wait3A_323 = arith.constant 2 : i32
      %dma_wait3A_324 = arith.constant 2 : i32
      %dma_wait3A_325 = arith.constant 0 : i32
      %dma_wait3A_326 = arith.constant 0 : i32
      %dma_wait3A_327 = tpu.memref_slice %arg9[%dma_wait3A_323, %dma_wait3A_325, %dma_wait3A_326] : memref<10x100x64xf32, #tpu.memory_space<vmem>> -> memref<1x100x64xf32, #tpu.memory_space<vmem>>
      %dma_wait3A_328 = tpu.memref_squeeze %dma_wait3A_327 : memref<1x100x64xf32, #tpu.memory_space<vmem>> -> memref<100x64xf32, #tpu.memory_space<vmem>>
      %dma_wait3A_329 = arith.constant 0 : i32
      %dma_wait3A_330 = tpu.memref_slice %arg7[%add3A_315, %dma_wait3A_329] : memref<100x100xi32, #tpu.memory_space<vmem>> -> memref<1x100xi32, #tpu.memory_space<vmem>>
      %dma_wait3A_331 = tpu.memref_squeeze %dma_wait3A_330 : memref<1x100xi32, #tpu.memory_space<vmem>> -> memref<100xi32, #tpu.memory_space<vmem>>
      %dma_wait3A_332 = arith.constant 0 : i32
      %dma_wait3A_333 = arith.constant 0 : i32
      %dma_wait3A_334 = tpu.memref_slice %arg2[%dma_wait3A_332, %dma_wait3A_333] : memref<10240x64xf32, #tpu.memory_space<hbm>> -> memref<10240x64xf32, #tpu.memory_space<hbm>>
      %dma_wait3A_335 = tpu.memref_slice %arg11[%dma_wait3A_324] : memref<10x!tpu.dma_semaphore, #tpu.memory_space<semaphore_mem>> -> memref<1x!tpu.dma_semaphore, #tpu.memory_space<semaphore_mem>>
      %dma_wait3A_336 = tpu.memref_squeeze %dma_wait3A_335 : memref<1x!tpu.dma_semaphore, #tpu.memory_space<semaphore_mem>> -> memref<!tpu.dma_semaphore, #tpu.memory_space<semaphore_mem>>
      tpu.wait_indirect_dma semaphore(%dma_wait3A_336 : memref<!tpu.dma_semaphore, #tpu.memory_space<semaphore_mem>>) src(%dma_wait3A_334 : memref<10240x64xf32, #tpu.memory_space<hbm>>) dst(%dma_wait3A_328 : memref<100x64xf32, #tpu.memory_space<vmem>>)
      %dma_start3A_337 = arith.constant 2 : i32
      %dma_start3A_338 = arith.constant 2 : i32
      %dma_start3A_339 = arith.constant 0 : i32
      %dma_start3A_340 = arith.constant 0 : i32
      %dma_start3A_341 = tpu.memref_slice %arg9[%dma_start3A_337, %dma_start3A_339, %dma_start3A_340] : memref<10x100x64xf32, #tpu.memory_space<vmem>> -> memref<1x100x64xf32, #tpu.memory_space<vmem>>
      %dma_start3A_342 = tpu.memref_squeeze %dma_start3A_341 : memref<1x100x64xf32, #tpu.memory_space<vmem>> -> memref<100x64xf32, #tpu.memory_space<vmem>>
      %dma_start3A_343 = arith.constant 0 : i32
      %dma_start3A_344 = tpu.memref_slice %arg8[%add3A_315, %dma_start3A_343] : memref<100x100xi32, #tpu.memory_space<vmem>> -> memref<1x100xi32, #tpu.memory_space<vmem>>
      %dma_start3A_345 = tpu.memref_squeeze %dma_start3A_344 : memref<1x100xi32, #tpu.memory_space<vmem>> -> memref<100xi32, #tpu.memory_space<vmem>>
      %dma_start3A_346 = arith.constant 0 : i32
      %dma_start3A_347 = arith.constant 0 : i32
      %dma_start3A_348 = tpu.memref_slice %arg10[%dma_start3A_346, %dma_start3A_347] : memref<10240x64xf32, #tpu.memory_space<vmem_shared>> -> memref<10240x64xf32, #tpu.memory_space<vmem_shared>>
      %dma_start3A_349 = tpu.memref_slice %arg12[%dma_start3A_338] : memref<10x!tpu.dma_semaphore, #tpu.memory_space<semaphore_mem>> -> memref<1x!tpu.dma_semaphore, #tpu.memory_space<semaphore_mem>>
      %dma_start3A_350 = tpu.memref_squeeze %dma_start3A_349 : memref<1x!tpu.dma_semaphore, #tpu.memory_space<semaphore_mem>> -> memref<!tpu.dma_semaphore, #tpu.memory_space<semaphore_mem>>
      tpu.enqueue_indirect_dma source(%dma_start3A_342 : memref<100x64xf32, #tpu.memory_space<vmem>>) target(%dma_start3A_348 : memref<10240x64xf32, #tpu.memory_space<vmem_shared>>) offsets(%dma_start3A_345 : memref<100xi32, #tpu.memory_space<vmem>>) semaphore(%dma_start3A_350 : memref<!tpu.dma_semaphore, #tpu.memory_space<semaphore_mem>>) {add = true}
      %mul3A_351 = arith.constant 10 : i32
      %mul3A_352 = arith.muli %scan3A_236, %mul3A_351 : i32
      %add3A_353 = arith.constant 3 : i32
      %add3A_354 = arith.addi %mul3A_352, %add3A_353 : i32
      %add3A_355 = arith.constant 5 : i32
      %add3A_356 = arith.addi %add3A_354, %add3A_355 : i32
      %lt3A_357 = arith.constant 100 : i32
      %lt3A_358 = arith.cmpi slt, %add3A_356, %lt3A_357 : i32
      %convert_element_type3A_359 = arith.extui %lt3A_358 : i1 to i32
      %cond3A_360 = arith.constant 0 : i32
      %cond3A_361 = arith.cmpi ne, %convert_element_type3A_359, %cond3A_360 : i32
      scf.if %cond3A_361 {
        %add3A_624 = arith.constant 5 : i32
        %add3A_625 = arith.addi %add3A_354, %add3A_624 : i32
        %ge3A = arith.constant 10 : i32
        %ge3A_626 = arith.cmpi sge, %add3A_625, %ge3A : i32
        %convert_element_type3A_627 = arith.extui %ge3A_626 : i1 to i32
        %cond3A_628 = arith.constant 0 : i32
        %cond3A_629 = arith.cmpi ne, %convert_element_type3A_627, %cond3A_628 : i32
        scf.if %cond3A_629 {
          %add3A_646 = arith.constant 5 : i32
          %add3A_647 = arith.addi %add3A_354, %add3A_646 : i32
          %sub3A = arith.constant 10 : i32
          %sub3A_648 = arith.subi %add3A_647, %sub3A : i32
          %dma_wait3A_649 = arith.constant 8 : i32
          %dma_wait3A_650 = arith.constant 8 : i32
          %dma_wait3A_651 = arith.constant 0 : i32
          %dma_wait3A_652 = arith.constant 0 : i32
          %dma_wait3A_653 = tpu.memref_slice %arg9[%dma_wait3A_649, %dma_wait3A_651, %dma_wait3A_652] : memref<10x100x64xf32, #tpu.memory_space<vmem>> -> memref<1x100x64xf32, #tpu.memory_space<vmem>>
          %dma_wait3A_654 = tpu.memref_squeeze %dma_wait3A_653 : memref<1x100x64xf32, #tpu.memory_space<vmem>> -> memref<100x64xf32, #tpu.memory_space<vmem>>
          %dma_wait3A_655 = arith.constant 0 : i32
          %dma_wait3A_656 = tpu.memref_slice %arg8[%sub3A_648, %dma_wait3A_655] : memref<100x100xi32, #tpu.memory_space<vmem>> -> memref<1x100xi32, #tpu.memory_space<vmem>>
          %dma_wait3A_657 = tpu.memref_squeeze %dma_wait3A_656 : memref<1x100xi32, #tpu.memory_space<vmem>> -> memref<100xi32, #tpu.memory_space<vmem>>
          %dma_wait3A_658 = arith.constant 0 : i32
          %dma_wait3A_659 = arith.constant 0 : i32
          %dma_wait3A_660 = tpu.memref_slice %arg10[%dma_wait3A_658, %dma_wait3A_659] : memref<10240x64xf32, #tpu.memory_space<vmem_shared>> -> memref<10240x64xf32, #tpu.memory_space<vmem_shared>>
          %dma_wait3A_661 = tpu.memref_slice %arg12[%dma_wait3A_650] : memref<10x!tpu.dma_semaphore, #tpu.memory_space<semaphore_mem>> -> memref<1x!tpu.dma_semaphore, #tpu.memory_space<semaphore_mem>>
          %dma_wait3A_662 = tpu.memref_squeeze %dma_wait3A_661 : memref<1x!tpu.dma_semaphore, #tpu.memory_space<semaphore_mem>> -> memref<!tpu.dma_semaphore, #tpu.memory_space<semaphore_mem>>
          tpu.wait_indirect_dma semaphore(%dma_wait3A_662 : memref<!tpu.dma_semaphore, #tpu.memory_space<semaphore_mem>>) src(%dma_wait3A_654 : memref<100x64xf32, #tpu.memory_space<vmem>>) dst(%dma_wait3A_660 : memref<10240x64xf32, #tpu.memory_space<vmem_shared>>)
        } else {
        }
        %add3A_630 = arith.constant 5 : i32
        %add3A_631 = arith.addi %add3A_354, %add3A_630 : i32
        %dma_start3A_632 = arith.constant 8 : i32
        %dma_start3A_633 = arith.constant 8 : i32
        %dma_start3A_634 = arith.constant 0 : i32
        %dma_start3A_635 = arith.constant 0 : i32
        %dma_start3A_636 = tpu.memref_slice %arg9[%dma_start3A_632, %dma_start3A_634, %dma_start3A_635] : memref<10x100x64xf32, #tpu.memory_space<vmem>> -> memref<1x100x64xf32, #tpu.memory_space<vmem>>
        %dma_start3A_637 = tpu.memref_squeeze %dma_start3A_636 : memref<1x100x64xf32, #tpu.memory_space<vmem>> -> memref<100x64xf32, #tpu.memory_space<vmem>>
        %dma_start3A_638 = arith.constant 0 : i32
        %dma_start3A_639 = tpu.memref_slice %arg7[%add3A_631, %dma_start3A_638] : memref<100x100xi32, #tpu.memory_space<vmem>> -> memref<1x100xi32, #tpu.memory_space<vmem>>
        %dma_start3A_640 = tpu.memref_squeeze %dma_start3A_639 : memref<1x100xi32, #tpu.memory_space<vmem>> -> memref<100xi32, #tpu.memory_space<vmem>>
        %dma_start3A_641 = arith.constant 0 : i32
        %dma_start3A_642 = arith.constant 0 : i32
        %dma_start3A_643 = tpu.memref_slice %arg2[%dma_start3A_641, %dma_start3A_642] : memref<10240x64xf32, #tpu.memory_space<hbm>> -> memref<10240x64xf32, #tpu.memory_space<hbm>>
        %dma_start3A_644 = tpu.memref_slice %arg11[%dma_start3A_633] : memref<10x!tpu.dma_semaphore, #tpu.memory_space<semaphore_mem>> -> memref<1x!tpu.dma_semaphore, #tpu.memory_space<semaphore_mem>>
        %dma_start3A_645 = tpu.memref_squeeze %dma_start3A_644 : memref<1x!tpu.dma_semaphore, #tpu.memory_space<semaphore_mem>> -> memref<!tpu.dma_semaphore, #tpu.memory_space<semaphore_mem>>
        tpu.enqueue_indirect_dma source(%dma_start3A_643 : memref<10240x64xf32, #tpu.memory_space<hbm>>) target(%dma_start3A_637 : memref<100x64xf32, #tpu.memory_space<vmem>>) offsets(%dma_start3A_640 : memref<100xi32, #tpu.memory_space<vmem>>) semaphore(%dma_start3A_645 : memref<!tpu.dma_semaphore, #tpu.memory_space<semaphore_mem>>)
      } else {
      }
      %dma_wait3A_362 = arith.constant 3 : i32
      %dma_wait3A_363 = arith.constant 3 : i32
      %dma_wait3A_364 = arith.constant 0 : i32
      %dma_wait3A_365 = arith.constant 0 : i32
      %dma_wait3A_366 = tpu.memref_slice %arg9[%dma_wait3A_362, %dma_wait3A_364, %dma_wait3A_365] : memref<10x100x64xf32, #tpu.memory_space<vmem>> -> memref<1x100x64xf32, #tpu.memory_space<vmem>>
      %dma_wait3A_367 = tpu.memref_squeeze %dma_wait3A_366 : memref<1x100x64xf32, #tpu.memory_space<vmem>> -> memref<100x64xf32, #tpu.memory_space<vmem>>
      %dma_wait3A_368 = arith.constant 0 : i32
      %dma_wait3A_369 = tpu.memref_slice %arg7[%add3A_354, %dma_wait3A_368] : memref<100x100xi32, #tpu.memory_space<vmem>> -> memref<1x100xi32, #tpu.memory_space<vmem>>
      %dma_wait3A_370 = tpu.memref_squeeze %dma_wait3A_369 : memref<1x100xi32, #tpu.memory_space<vmem>> -> memref<100xi32, #tpu.memory_space<vmem>>
      %dma_wait3A_371 = arith.constant 0 : i32
      %dma_wait3A_372 = arith.constant 0 : i32
      %dma_wait3A_373 = tpu.memref_slice %arg2[%dma_wait3A_371, %dma_wait3A_372] : memref<10240x64xf32, #tpu.memory_space<hbm>> -> memref<10240x64xf32, #tpu.memory_space<hbm>>
      %dma_wait3A_374 = tpu.memref_slice %arg11[%dma_wait3A_363] : memref<10x!tpu.dma_semaphore, #tpu.memory_space<semaphore_mem>> -> memref<1x!tpu.dma_semaphore, #tpu.memory_space<semaphore_mem>>
      %dma_wait3A_375 = tpu.memref_squeeze %dma_wait3A_374 : memref<1x!tpu.dma_semaphore, #tpu.memory_space<semaphore_mem>> -> memref<!tpu.dma_semaphore, #tpu.memory_space<semaphore_mem>>
      tpu.wait_indirect_dma semaphore(%dma_wait3A_375 : memref<!tpu.dma_semaphore, #tpu.memory_space<semaphore_mem>>) src(%dma_wait3A_373 : memref<10240x64xf32, #tpu.memory_space<hbm>>) dst(%dma_wait3A_367 : memref<100x64xf32, #tpu.memory_space<vmem>>)
      %dma_start3A_376 = arith.constant 3 : i32
      %dma_start3A_377 = arith.constant 3 : i32
      %dma_start3A_378 = arith.constant 0 : i32
      %dma_start3A_379 = arith.constant 0 : i32
      %dma_start3A_380 = tpu.memref_slice %arg9[%dma_start3A_376, %dma_start3A_378, %dma_start3A_379] : memref<10x100x64xf32, #tpu.memory_space<vmem>> -> memref<1x100x64xf32, #tpu.memory_space<vmem>>
      %dma_start3A_381 = tpu.memref_squeeze %dma_start3A_380 : memref<1x100x64xf32, #tpu.memory_space<vmem>> -> memref<100x64xf32, #tpu.memory_space<vmem>>
      %dma_start3A_382 = arith.constant 0 : i32
      %dma_start3A_383 = tpu.memref_slice %arg8[%add3A_354, %dma_start3A_382] : memref<100x100xi32, #tpu.memory_space<vmem>> -> memref<1x100xi32, #tpu.memory_space<vmem>>
      %dma_start3A_384 = tpu.memref_squeeze %dma_start3A_383 : memref<1x100xi32, #tpu.memory_space<vmem>> -> memref<100xi32, #tpu.memory_space<vmem>>
      %dma_start3A_385 = arith.constant 0 : i32
      %dma_start3A_386 = arith.constant 0 : i32
      %dma_start3A_387 = tpu.memref_slice %arg10[%dma_start3A_385, %dma_start3A_386] : memref<10240x64xf32, #tpu.memory_space<vmem_shared>> -> memref<10240x64xf32, #tpu.memory_space<vmem_shared>>
      %dma_start3A_388 = tpu.memref_slice %arg12[%dma_start3A_377] : memref<10x!tpu.dma_semaphore, #tpu.memory_space<semaphore_mem>> -> memref<1x!tpu.dma_semaphore, #tpu.memory_space<semaphore_mem>>
      %dma_start3A_389 = tpu.memref_squeeze %dma_start3A_388 : memref<1x!tpu.dma_semaphore, #tpu.memory_space<semaphore_mem>> -> memref<!tpu.dma_semaphore, #tpu.memory_space<semaphore_mem>>
      tpu.enqueue_indirect_dma source(%dma_start3A_381 : memref<100x64xf32, #tpu.memory_space<vmem>>) target(%dma_start3A_387 : memref<10240x64xf32, #tpu.memory_space<vmem_shared>>) offsets(%dma_start3A_384 : memref<100xi32, #tpu.memory_space<vmem>>) semaphore(%dma_start3A_389 : memref<!tpu.dma_semaphore, #tpu.memory_space<semaphore_mem>>) {add = true}
      %mul3A_390 = arith.constant 10 : i32
      %mul3A_391 = arith.muli %scan3A_236, %mul3A_390 : i32
      %add3A_392 = arith.constant 4 : i32
      %add3A_393 = arith.addi %mul3A_391, %add3A_392 : i32
      %add3A_394 = arith.constant 5 : i32
      %add3A_395 = arith.addi %add3A_393, %add3A_394 : i32
      %lt3A_396 = arith.constant 100 : i32
      %lt3A_397 = arith.cmpi slt, %add3A_395, %lt3A_396 : i32
      %convert_element_type3A_398 = arith.extui %lt3A_397 : i1 to i32
      %cond3A_399 = arith.constant 0 : i32
      %cond3A_400 = arith.cmpi ne, %convert_element_type3A_398, %cond3A_399 : i32
      scf.if %cond3A_400 {
        %add3A_624 = arith.constant 5 : i32
        %add3A_625 = arith.addi %add3A_393, %add3A_624 : i32
        %ge3A = arith.constant 10 : i32
        %ge3A_626 = arith.cmpi sge, %add3A_625, %ge3A : i32
        %convert_element_type3A_627 = arith.extui %ge3A_626 : i1 to i32
        %cond3A_628 = arith.constant 0 : i32
        %cond3A_629 = arith.cmpi ne, %convert_element_type3A_627, %cond3A_628 : i32
        scf.if %cond3A_629 {
          %add3A_646 = arith.constant 5 : i32
          %add3A_647 = arith.addi %add3A_393, %add3A_646 : i32
          %sub3A = arith.constant 10 : i32
          %sub3A_648 = arith.subi %add3A_647, %sub3A : i32
          %dma_wait3A_649 = arith.constant 9 : i32
          %dma_wait3A_650 = arith.constant 9 : i32
          %dma_wait3A_651 = arith.constant 0 : i32
          %dma_wait3A_652 = arith.constant 0 : i32
          %dma_wait3A_653 = tpu.memref_slice %arg9[%dma_wait3A_649, %dma_wait3A_651, %dma_wait3A_652] : memref<10x100x64xf32, #tpu.memory_space<vmem>> -> memref<1x100x64xf32, #tpu.memory_space<vmem>>
          %dma_wait3A_654 = tpu.memref_squeeze %dma_wait3A_653 : memref<1x100x64xf32, #tpu.memory_space<vmem>> -> memref<100x64xf32, #tpu.memory_space<vmem>>
          %dma_wait3A_655 = arith.constant 0 : i32
          %dma_wait3A_656 = tpu.memref_slice %arg8[%sub3A_648, %dma_wait3A_655] : memref<100x100xi32, #tpu.memory_space<vmem>> -> memref<1x100xi32, #tpu.memory_space<vmem>>
          %dma_wait3A_657 = tpu.memref_squeeze %dma_wait3A_656 : memref<1x100xi32, #tpu.memory_space<vmem>> -> memref<100xi32, #tpu.memory_space<vmem>>
          %dma_wait3A_658 = arith.constant 0 : i32
          %dma_wait3A_659 = arith.constant 0 : i32
          %dma_wait3A_660 = tpu.memref_slice %arg10[%dma_wait3A_658, %dma_wait3A_659] : memref<10240x64xf32, #tpu.memory_space<vmem_shared>> -> memref<10240x64xf32, #tpu.memory_space<vmem_shared>>
          %dma_wait3A_661 = tpu.memref_slice %arg12[%dma_wait3A_650] : memref<10x!tpu.dma_semaphore, #tpu.memory_space<semaphore_mem>> -> memref<1x!tpu.dma_semaphore, #tpu.memory_space<semaphore_mem>>
          %dma_wait3A_662 = tpu.memref_squeeze %dma_wait3A_661 : memref<1x!tpu.dma_semaphore, #tpu.memory_space<semaphore_mem>> -> memref<!tpu.dma_semaphore, #tpu.memory_space<semaphore_mem>>
          tpu.wait_indirect_dma semaphore(%dma_wait3A_662 : memref<!tpu.dma_semaphore, #tpu.memory_space<semaphore_mem>>) src(%dma_wait3A_654 : memref<100x64xf32, #tpu.memory_space<vmem>>) dst(%dma_wait3A_660 : memref<10240x64xf32, #tpu.memory_space<vmem_shared>>)
        } else {
        }
        %add3A_630 = arith.constant 5 : i32
        %add3A_631 = arith.addi %add3A_393, %add3A_630 : i32
        %dma_start3A_632 = arith.constant 9 : i32
        %dma_start3A_633 = arith.constant 9 : i32
        %dma_start3A_634 = arith.constant 0 : i32
        %dma_start3A_635 = arith.constant 0 : i32
        %dma_start3A_636 = tpu.memref_slice %arg9[%dma_start3A_632, %dma_start3A_634, %dma_start3A_635] : memref<10x100x64xf32, #tpu.memory_space<vmem>> -> memref<1x100x64xf32, #tpu.memory_space<vmem>>
        %dma_start3A_637 = tpu.memref_squeeze %dma_start3A_636 : memref<1x100x64xf32, #tpu.memory_space<vmem>> -> memref<100x64xf32, #tpu.memory_space<vmem>>
        %dma_start3A_638 = arith.constant 0 : i32
        %dma_start3A_639 = tpu.memref_slice %arg7[%add3A_631, %dma_start3A_638] : memref<100x100xi32, #tpu.memory_space<vmem>> -> memref<1x100xi32, #tpu.memory_space<vmem>>
        %dma_start3A_640 = tpu.memref_squeeze %dma_start3A_639 : memref<1x100xi32, #tpu.memory_space<vmem>> -> memref<100xi32, #tpu.memory_space<vmem>>
        %dma_start3A_641 = arith.constant 0 : i32
        %dma_start3A_642 = arith.constant 0 : i32
        %dma_start3A_643 = tpu.memref_slice %arg2[%dma_start3A_641, %dma_start3A_642] : memref<10240x64xf32, #tpu.memory_space<hbm>> -> memref<10240x64xf32, #tpu.memory_space<hbm>>
        %dma_start3A_644 = tpu.memref_slice %arg11[%dma_start3A_633] : memref<10x!tpu.dma_semaphore, #tpu.memory_space<semaphore_mem>> -> memref<1x!tpu.dma_semaphore, #tpu.memory_space<semaphore_mem>>
        %dma_start3A_645 = tpu.memref_squeeze %dma_start3A_644 : memref<1x!tpu.dma_semaphore, #tpu.memory_space<semaphore_mem>> -> memref<!tpu.dma_semaphore, #tpu.memory_space<semaphore_mem>>
        tpu.enqueue_indirect_dma source(%dma_start3A_643 : memref<10240x64xf32, #tpu.memory_space<hbm>>) target(%dma_start3A_637 : memref<100x64xf32, #tpu.memory_space<vmem>>) offsets(%dma_start3A_640 : memref<100xi32, #tpu.memory_space<vmem>>) semaphore(%dma_start3A_645 : memref<!tpu.dma_semaphore, #tpu.memory_space<semaphore_mem>>)
      } else {
      }
      %dma_wait3A_401 = arith.constant 4 : i32
      %dma_wait3A_402 = arith.constant 4 : i32
      %dma_wait3A_403 = arith.constant 0 : i32
      %dma_wait3A_404 = arith.constant 0 : i32
      %dma_wait3A_405 = tpu.memref_slice %arg9[%dma_wait3A_401, %dma_wait3A_403, %dma_wait3A_404] : memref<10x100x64xf32, #tpu.memory_space<vmem>> -> memref<1x100x64xf32, #tpu.memory_space<vmem>>
      %dma_wait3A_406 = tpu.memref_squeeze %dma_wait3A_405 : memref<1x100x64xf32, #tpu.memory_space<vmem>> -> memref<100x64xf32, #tpu.memory_space<vmem>>
      %dma_wait3A_407 = arith.constant 0 : i32
      %dma_wait3A_408 = tpu.memref_slice %arg7[%add3A_393, %dma_wait3A_407] : memref<100x100xi32, #tpu.memory_space<vmem>> -> memref<1x100xi32, #tpu.memory_space<vmem>>
      %dma_wait3A_409 = tpu.memref_squeeze %dma_wait3A_408 : memref<1x100xi32, #tpu.memory_space<vmem>> -> memref<100xi32, #tpu.memory_space<vmem>>
      %dma_wait3A_410 = arith.constant 0 : i32
      %dma_wait3A_411 = arith.constant 0 : i32
      %dma_wait3A_412 = tpu.memref_slice %arg2[%dma_wait3A_410, %dma_wait3A_411] : memref<10240x64xf32, #tpu.memory_space<hbm>> -> memref<10240x64xf32, #tpu.memory_space<hbm>>
      %dma_wait3A_413 = tpu.memref_slice %arg11[%dma_wait3A_402] : memref<10x!tpu.dma_semaphore, #tpu.memory_space<semaphore_mem>> -> memref<1x!tpu.dma_semaphore, #tpu.memory_space<semaphore_mem>>
      %dma_wait3A_414 = tpu.memref_squeeze %dma_wait3A_413 : memref<1x!tpu.dma_semaphore, #tpu.memory_space<semaphore_mem>> -> memref<!tpu.dma_semaphore, #tpu.memory_space<semaphore_mem>>
      tpu.wait_indirect_dma semaphore(%dma_wait3A_414 : memref<!tpu.dma_semaphore, #tpu.memory_space<semaphore_mem>>) src(%dma_wait3A_412 : memref<10240x64xf32, #tpu.memory_space<hbm>>) dst(%dma_wait3A_406 : memref<100x64xf32, #tpu.memory_space<vmem>>)
      %dma_start3A_415 = arith.constant 4 : i32
      %dma_start3A_416 = arith.constant 4 : i32
      %dma_start3A_417 = arith.constant 0 : i32
      %dma_start3A_418 = arith.constant 0 : i32
      %dma_start3A_419 = tpu.memref_slice %arg9[%dma_start3A_415, %dma_start3A_417, %dma_start3A_418] : memref<10x100x64xf32, #tpu.memory_space<vmem>> -> memref<1x100x64xf32, #tpu.memory_space<vmem>>
      %dma_start3A_420 = tpu.memref_squeeze %dma_start3A_419 : memref<1x100x64xf32, #tpu.memory_space<vmem>> -> memref<100x64xf32, #tpu.memory_space<vmem>>
      %dma_start3A_421 = arith.constant 0 : i32
      %dma_start3A_422 = tpu.memref_slice %arg8[%add3A_393, %dma_start3A_421] : memref<100x100xi32, #tpu.memory_space<vmem>> -> memref<1x100xi32, #tpu.memory_space<vmem>>
      %dma_start3A_423 = tpu.memref_squeeze %dma_start3A_422 : memref<1x100xi32, #tpu.memory_space<vmem>> -> memref<100xi32, #tpu.memory_space<vmem>>
      %dma_start3A_424 = arith.constant 0 : i32
      %dma_start3A_425 = arith.constant 0 : i32
      %dma_start3A_426 = tpu.memref_slice %arg10[%dma_start3A_424, %dma_start3A_425] : memref<10240x64xf32, #tpu.memory_space<vmem_shared>> -> memref<10240x64xf32, #tpu.memory_space<vmem_shared>>
      %dma_start3A_427 = tpu.memref_slice %arg12[%dma_start3A_416] : memref<10x!tpu.dma_semaphore, #tpu.memory_space<semaphore_mem>> -> memref<1x!tpu.dma_semaphore, #tpu.memory_space<semaphore_mem>>
      %dma_start3A_428 = tpu.memref_squeeze %dma_start3A_427 : memref<1x!tpu.dma_semaphore, #tpu.memory_space<semaphore_mem>> -> memref<!tpu.dma_semaphore, #tpu.memory_space<semaphore_mem>>
      tpu.enqueue_indirect_dma source(%dma_start3A_420 : memref<100x64xf32, #tpu.memory_space<vmem>>) target(%dma_start3A_426 : memref<10240x64xf32, #tpu.memory_space<vmem_shared>>) offsets(%dma_start3A_423 : memref<100xi32, #tpu.memory_space<vmem>>) semaphore(%dma_start3A_428 : memref<!tpu.dma_semaphore, #tpu.memory_space<semaphore_mem>>) {add = true}
      %mul3A_429 = arith.constant 10 : i32
      %mul3A_430 = arith.muli %scan3A_236, %mul3A_429 : i32
      %add3A_431 = arith.constant 5 : i32
      %add3A_432 = arith.addi %mul3A_430, %add3A_431 : i32
      %add3A_433 = arith.constant 5 : i32
      %add3A_434 = arith.addi %add3A_432, %add3A_433 : i32
      %lt3A_435 = arith.constant 100 : i32
      %lt3A_436 = arith.cmpi slt, %add3A_434, %lt3A_435 : i32
      %convert_element_type3A_437 = arith.extui %lt3A_436 : i1 to i32
      %cond3A_438 = arith.constant 0 : i32
      %cond3A_439 = arith.cmpi ne, %convert_element_type3A_437, %cond3A_438 : i32
      scf.if %cond3A_439 {
        %add3A_624 = arith.constant 5 : i32
        %add3A_625 = arith.addi %add3A_432, %add3A_624 : i32
        %ge3A = arith.constant 10 : i32
        %ge3A_626 = arith.cmpi sge, %add3A_625, %ge3A : i32
        %convert_element_type3A_627 = arith.extui %ge3A_626 : i1 to i32
        %cond3A_628 = arith.constant 0 : i32
        %cond3A_629 = arith.cmpi ne, %convert_element_type3A_627, %cond3A_628 : i32
        scf.if %cond3A_629 {
          %add3A_646 = arith.constant 5 : i32
          %add3A_647 = arith.addi %add3A_432, %add3A_646 : i32
          %sub3A = arith.constant 10 : i32
          %sub3A_648 = arith.subi %add3A_647, %sub3A : i32
          %dma_wait3A_649 = arith.constant 0 : i32
          %dma_wait3A_650 = arith.constant 0 : i32
          %dma_wait3A_651 = arith.constant 0 : i32
          %dma_wait3A_652 = arith.constant 0 : i32
          %dma_wait3A_653 = tpu.memref_slice %arg9[%dma_wait3A_649, %dma_wait3A_651, %dma_wait3A_652] : memref<10x100x64xf32, #tpu.memory_space<vmem>> -> memref<1x100x64xf32, #tpu.memory_space<vmem>>
          %dma_wait3A_654 = tpu.memref_squeeze %dma_wait3A_653 : memref<1x100x64xf32, #tpu.memory_space<vmem>> -> memref<100x64xf32, #tpu.memory_space<vmem>>
          %dma_wait3A_655 = arith.constant 0 : i32
          %dma_wait3A_656 = tpu.memref_slice %arg8[%sub3A_648, %dma_wait3A_655] : memref<100x100xi32, #tpu.memory_space<vmem>> -> memref<1x100xi32, #tpu.memory_space<vmem>>
          %dma_wait3A_657 = tpu.memref_squeeze %dma_wait3A_656 : memref<1x100xi32, #tpu.memory_space<vmem>> -> memref<100xi32, #tpu.memory_space<vmem>>
          %dma_wait3A_658 = arith.constant 0 : i32
          %dma_wait3A_659 = arith.constant 0 : i32
          %dma_wait3A_660 = tpu.memref_slice %arg10[%dma_wait3A_658, %dma_wait3A_659] : memref<10240x64xf32, #tpu.memory_space<vmem_shared>> -> memref<10240x64xf32, #tpu.memory_space<vmem_shared>>
          %dma_wait3A_661 = tpu.memref_slice %arg12[%dma_wait3A_650] : memref<10x!tpu.dma_semaphore, #tpu.memory_space<semaphore_mem>> -> memref<1x!tpu.dma_semaphore, #tpu.memory_space<semaphore_mem>>
          %dma_wait3A_662 = tpu.memref_squeeze %dma_wait3A_661 : memref<1x!tpu.dma_semaphore, #tpu.memory_space<semaphore_mem>> -> memref<!tpu.dma_semaphore, #tpu.memory_space<semaphore_mem>>
          tpu.wait_indirect_dma semaphore(%dma_wait3A_662 : memref<!tpu.dma_semaphore, #tpu.memory_space<semaphore_mem>>) src(%dma_wait3A_654 : memref<100x64xf32, #tpu.memory_space<vmem>>) dst(%dma_wait3A_660 : memref<10240x64xf32, #tpu.memory_space<vmem_shared>>)
        } else {
        }
        %add3A_630 = arith.constant 5 : i32
        %add3A_631 = arith.addi %add3A_432, %add3A_630 : i32
        %dma_start3A_632 = arith.constant 0 : i32
        %dma_start3A_633 = arith.constant 0 : i32
        %dma_start3A_634 = arith.constant 0 : i32
        %dma_start3A_635 = arith.constant 0 : i32
        %dma_start3A_636 = tpu.memref_slice %arg9[%dma_start3A_632, %dma_start3A_634, %dma_start3A_635] : memref<10x100x64xf32, #tpu.memory_space<vmem>> -> memref<1x100x64xf32, #tpu.memory_space<vmem>>
        %dma_start3A_637 = tpu.memref_squeeze %dma_start3A_636 : memref<1x100x64xf32, #tpu.memory_space<vmem>> -> memref<100x64xf32, #tpu.memory_space<vmem>>
        %dma_start3A_638 = arith.constant 0 : i32
        %dma_start3A_639 = tpu.memref_slice %arg7[%add3A_631, %dma_start3A_638] : memref<100x100xi32, #tpu.memory_space<vmem>> -> memref<1x100xi32, #tpu.memory_space<vmem>>
        %dma_start3A_640 = tpu.memref_squeeze %dma_start3A_639 : memref<1x100xi32, #tpu.memory_space<vmem>> -> memref<100xi32, #tpu.memory_space<vmem>>
        %dma_start3A_641 = arith.constant 0 : i32
        %dma_start3A_642 = arith.constant 0 : i32
        %dma_start3A_643 = tpu.memref_slice %arg2[%dma_start3A_641, %dma_start3A_642] : memref<10240x64xf32, #tpu.memory_space<hbm>> -> memref<10240x64xf32, #tpu.memory_space<hbm>>
        %dma_start3A_644 = tpu.memref_slice %arg11[%dma_start3A_633] : memref<10x!tpu.dma_semaphore, #tpu.memory_space<semaphore_mem>> -> memref<1x!tpu.dma_semaphore, #tpu.memory_space<semaphore_mem>>
        %dma_start3A_645 = tpu.memref_squeeze %dma_start3A_644 : memref<1x!tpu.dma_semaphore, #tpu.memory_space<semaphore_mem>> -> memref<!tpu.dma_semaphore, #tpu.memory_space<semaphore_mem>>
        tpu.enqueue_indirect_dma source(%dma_start3A_643 : memref<10240x64xf32, #tpu.memory_space<hbm>>) target(%dma_start3A_637 : memref<100x64xf32, #tpu.memory_space<vmem>>) offsets(%dma_start3A_640 : memref<100xi32, #tpu.memory_space<vmem>>) semaphore(%dma_start3A_645 : memref<!tpu.dma_semaphore, #tpu.memory_space<semaphore_mem>>)
      } else {
      }
      %dma_wait3A_440 = arith.constant 5 : i32
      %dma_wait3A_441 = arith.constant 5 : i32
      %dma_wait3A_442 = arith.constant 0 : i32
      %dma_wait3A_443 = arith.constant 0 : i32
      %dma_wait3A_444 = tpu.memref_slice %arg9[%dma_wait3A_440, %dma_wait3A_442, %dma_wait3A_443] : memref<10x100x64xf32, #tpu.memory_space<vmem>> -> memref<1x100x64xf32, #tpu.memory_space<vmem>>
      %dma_wait3A_445 = tpu.memref_squeeze %dma_wait3A_444 : memref<1x100x64xf32, #tpu.memory_space<vmem>> -> memref<100x64xf32, #tpu.memory_space<vmem>>
      %dma_wait3A_446 = arith.constant 0 : i32
      %dma_wait3A_447 = tpu.memref_slice %arg7[%add3A_432, %dma_wait3A_446] : memref<100x100xi32, #tpu.memory_space<vmem>> -> memref<1x100xi32, #tpu.memory_space<vmem>>
      %dma_wait3A_448 = tpu.memref_squeeze %dma_wait3A_447 : memref<1x100xi32, #tpu.memory_space<vmem>> -> memref<100xi32, #tpu.memory_space<vmem>>
      %dma_wait3A_449 = arith.constant 0 : i32
      %dma_wait3A_450 = arith.constant 0 : i32
      %dma_wait3A_451 = tpu.memref_slice %arg2[%dma_wait3A_449, %dma_wait3A_450] : memref<10240x64xf32, #tpu.memory_space<hbm>> -> memref<10240x64xf32, #tpu.memory_space<hbm>>
      %dma_wait3A_452 = tpu.memref_slice %arg11[%dma_wait3A_441] : memref<10x!tpu.dma_semaphore, #tpu.memory_space<semaphore_mem>> -> memref<1x!tpu.dma_semaphore, #tpu.memory_space<semaphore_mem>>
      %dma_wait3A_453 = tpu.memref_squeeze %dma_wait3A_452 : memref<1x!tpu.dma_semaphore, #tpu.memory_space<semaphore_mem>> -> memref<!tpu.dma_semaphore, #tpu.memory_space<semaphore_mem>>
      tpu.wait_indirect_dma semaphore(%dma_wait3A_453 : memref<!tpu.dma_semaphore, #tpu.memory_space<semaphore_mem>>) src(%dma_wait3A_451 : memref<10240x64xf32, #tpu.memory_space<hbm>>) dst(%dma_wait3A_445 : memref<100x64xf32, #tpu.memory_space<vmem>>)
      %dma_start3A_454 = arith.constant 5 : i32
      %dma_start3A_455 = arith.constant 5 : i32
      %dma_start3A_456 = arith.constant 0 : i32
      %dma_start3A_457 = arith.constant 0 : i32
      %dma_start3A_458 = tpu.memref_slice %arg9[%dma_start3A_454, %dma_start3A_456, %dma_start3A_457] : memref<10x100x64xf32, #tpu.memory_space<vmem>> -> memref<1x100x64xf32, #tpu.memory_space<vmem>>
      %dma_start3A_459 = tpu.memref_squeeze %dma_start3A_458 : memref<1x100x64xf32, #tpu.memory_space<vmem>> -> memref<100x64xf32, #tpu.memory_space<vmem>>
      %dma_start3A_460 = arith.constant 0 : i32
      %dma_start3A_461 = tpu.memref_slice %arg8[%add3A_432, %dma_start3A_460] : memref<100x100xi32, #tpu.memory_space<vmem>> -> memref<1x100xi32, #tpu.memory_space<vmem>>
      %dma_start3A_462 = tpu.memref_squeeze %dma_start3A_461 : memref<1x100xi32, #tpu.memory_space<vmem>> -> memref<100xi32, #tpu.memory_space<vmem>>
      %dma_start3A_463 = arith.constant 0 : i32
      %dma_start3A_464 = arith.constant 0 : i32
      %dma_start3A_465 = tpu.memref_slice %arg10[%dma_start3A_463, %dma_start3A_464] : memref<10240x64xf32, #tpu.memory_space<vmem_shared>> -> memref<10240x64xf32, #tpu.memory_space<vmem_shared>>
      %dma_start3A_466 = tpu.memref_slice %arg12[%dma_start3A_455] : memref<10x!tpu.dma_semaphore, #tpu.memory_space<semaphore_mem>> -> memref<1x!tpu.dma_semaphore, #tpu.memory_space<semaphore_mem>>
      %dma_start3A_467 = tpu.memref_squeeze %dma_start3A_466 : memref<1x!tpu.dma_semaphore, #tpu.memory_space<semaphore_mem>> -> memref<!tpu.dma_semaphore, #tpu.memory_space<semaphore_mem>>
      tpu.enqueue_indirect_dma source(%dma_start3A_459 : memref<100x64xf32, #tpu.memory_space<vmem>>) target(%dma_start3A_465 : memref<10240x64xf32, #tpu.memory_space<vmem_shared>>) offsets(%dma_start3A_462 : memref<100xi32, #tpu.memory_space<vmem>>) semaphore(%dma_start3A_467 : memref<!tpu.dma_semaphore, #tpu.memory_space<semaphore_mem>>) {add = true}
      %mul3A_468 = arith.constant 10 : i32
      %mul3A_469 = arith.muli %scan3A_236, %mul3A_468 : i32
      %add3A_470 = arith.constant 6 : i32
      %add3A_471 = arith.addi %mul3A_469, %add3A_470 : i32
      %add3A_472 = arith.constant 5 : i32
      %add3A_473 = arith.addi %add3A_471, %add3A_472 : i32
      %lt3A_474 = arith.constant 100 : i32
      %lt3A_475 = arith.cmpi slt, %add3A_473, %lt3A_474 : i32
      %convert_element_type3A_476 = arith.extui %lt3A_475 : i1 to i32
      %cond3A_477 = arith.constant 0 : i32
      %cond3A_478 = arith.cmpi ne, %convert_element_type3A_476, %cond3A_477 : i32
      scf.if %cond3A_478 {
        %add3A_624 = arith.constant 5 : i32
        %add3A_625 = arith.addi %add3A_471, %add3A_624 : i32
        %ge3A = arith.constant 10 : i32
        %ge3A_626 = arith.cmpi sge, %add3A_625, %ge3A : i32
        %convert_element_type3A_627 = arith.extui %ge3A_626 : i1 to i32
        %cond3A_628 = arith.constant 0 : i32
        %cond3A_629 = arith.cmpi ne, %convert_element_type3A_627, %cond3A_628 : i32
        scf.if %cond3A_629 {
          %add3A_646 = arith.constant 5 : i32
          %add3A_647 = arith.addi %add3A_471, %add3A_646 : i32
          %sub3A = arith.constant 10 : i32
          %sub3A_648 = arith.subi %add3A_647, %sub3A : i32
          %dma_wait3A_649 = arith.constant 1 : i32
          %dma_wait3A_650 = arith.constant 1 : i32
          %dma_wait3A_651 = arith.constant 0 : i32
          %dma_wait3A_652 = arith.constant 0 : i32
          %dma_wait3A_653 = tpu.memref_slice %arg9[%dma_wait3A_649, %dma_wait3A_651, %dma_wait3A_652] : memref<10x100x64xf32, #tpu.memory_space<vmem>> -> memref<1x100x64xf32, #tpu.memory_space<vmem>>
          %dma_wait3A_654 = tpu.memref_squeeze %dma_wait3A_653 : memref<1x100x64xf32, #tpu.memory_space<vmem>> -> memref<100x64xf32, #tpu.memory_space<vmem>>
          %dma_wait3A_655 = arith.constant 0 : i32
          %dma_wait3A_656 = tpu.memref_slice %arg8[%sub3A_648, %dma_wait3A_655] : memref<100x100xi32, #tpu.memory_space<vmem>> -> memref<1x100xi32, #tpu.memory_space<vmem>>
          %dma_wait3A_657 = tpu.memref_squeeze %dma_wait3A_656 : memref<1x100xi32, #tpu.memory_space<vmem>> -> memref<100xi32, #tpu.memory_space<vmem>>
          %dma_wait3A_658 = arith.constant 0 : i32
          %dma_wait3A_659 = arith.constant 0 : i32
          %dma_wait3A_660 = tpu.memref_slice %arg10[%dma_wait3A_658, %dma_wait3A_659] : memref<10240x64xf32, #tpu.memory_space<vmem_shared>> -> memref<10240x64xf32, #tpu.memory_space<vmem_shared>>
          %dma_wait3A_661 = tpu.memref_slice %arg12[%dma_wait3A_650] : memref<10x!tpu.dma_semaphore, #tpu.memory_space<semaphore_mem>> -> memref<1x!tpu.dma_semaphore, #tpu.memory_space<semaphore_mem>>
          %dma_wait3A_662 = tpu.memref_squeeze %dma_wait3A_661 : memref<1x!tpu.dma_semaphore, #tpu.memory_space<semaphore_mem>> -> memref<!tpu.dma_semaphore, #tpu.memory_space<semaphore_mem>>
          tpu.wait_indirect_dma semaphore(%dma_wait3A_662 : memref<!tpu.dma_semaphore, #tpu.memory_space<semaphore_mem>>) src(%dma_wait3A_654 : memref<100x64xf32, #tpu.memory_space<vmem>>) dst(%dma_wait3A_660 : memref<10240x64xf32, #tpu.memory_space<vmem_shared>>)
        } else {
        }
        %add3A_630 = arith.constant 5 : i32
        %add3A_631 = arith.addi %add3A_471, %add3A_630 : i32
        %dma_start3A_632 = arith.constant 1 : i32
        %dma_start3A_633 = arith.constant 1 : i32
        %dma_start3A_634 = arith.constant 0 : i32
        %dma_start3A_635 = arith.constant 0 : i32
        %dma_start3A_636 = tpu.memref_slice %arg9[%dma_start3A_632, %dma_start3A_634, %dma_start3A_635] : memref<10x100x64xf32, #tpu.memory_space<vmem>> -> memref<1x100x64xf32, #tpu.memory_space<vmem>>
        %dma_start3A_637 = tpu.memref_squeeze %dma_start3A_636 : memref<1x100x64xf32, #tpu.memory_space<vmem>> -> memref<100x64xf32, #tpu.memory_space<vmem>>
        %dma_start3A_638 = arith.constant 0 : i32
        %dma_start3A_639 = tpu.memref_slice %arg7[%add3A_631, %dma_start3A_638] : memref<100x100xi32, #tpu.memory_space<vmem>> -> memref<1x100xi32, #tpu.memory_space<vmem>>
        %dma_start3A_640 = tpu.memref_squeeze %dma_start3A_639 : memref<1x100xi32, #tpu.memory_space<vmem>> -> memref<100xi32, #tpu.memory_space<vmem>>
        %dma_start3A_641 = arith.constant 0 : i32
        %dma_start3A_642 = arith.constant 0 : i32
        %dma_start3A_643 = tpu.memref_slice %arg2[%dma_start3A_641, %dma_start3A_642] : memref<10240x64xf32, #tpu.memory_space<hbm>> -> memref<10240x64xf32, #tpu.memory_space<hbm>>
        %dma_start3A_644 = tpu.memref_slice %arg11[%dma_start3A_633] : memref<10x!tpu.dma_semaphore, #tpu.memory_space<semaphore_mem>> -> memref<1x!tpu.dma_semaphore, #tpu.memory_space<semaphore_mem>>
        %dma_start3A_645 = tpu.memref_squeeze %dma_start3A_644 : memref<1x!tpu.dma_semaphore, #tpu.memory_space<semaphore_mem>> -> memref<!tpu.dma_semaphore, #tpu.memory_space<semaphore_mem>>
        tpu.enqueue_indirect_dma source(%dma_start3A_643 : memref<10240x64xf32, #tpu.memory_space<hbm>>) target(%dma_start3A_637 : memref<100x64xf32, #tpu.memory_space<vmem>>) offsets(%dma_start3A_640 : memref<100xi32, #tpu.memory_space<vmem>>) semaphore(%dma_start3A_645 : memref<!tpu.dma_semaphore, #tpu.memory_space<semaphore_mem>>)
      } else {
      }
      %dma_wait3A_479 = arith.constant 6 : i32
      %dma_wait3A_480 = arith.constant 6 : i32
      %dma_wait3A_481 = arith.constant 0 : i32
      %dma_wait3A_482 = arith.constant 0 : i32
      %dma_wait3A_483 = tpu.memref_slice %arg9[%dma_wait3A_479, %dma_wait3A_481, %dma_wait3A_482] : memref<10x100x64xf32, #tpu.memory_space<vmem>> -> memref<1x100x64xf32, #tpu.memory_space<vmem>>
      %dma_wait3A_484 = tpu.memref_squeeze %dma_wait3A_483 : memref<1x100x64xf32, #tpu.memory_space<vmem>> -> memref<100x64xf32, #tpu.memory_space<vmem>>
      %dma_wait3A_485 = arith.constant 0 : i32
      %dma_wait3A_486 = tpu.memref_slice %arg7[%add3A_471, %dma_wait3A_485] : memref<100x100xi32, #tpu.memory_space<vmem>> -> memref<1x100xi32, #tpu.memory_space<vmem>>
      %dma_wait3A_487 = tpu.memref_squeeze %dma_wait3A_486 : memref<1x100xi32, #tpu.memory_space<vmem>> -> memref<100xi32, #tpu.memory_space<vmem>>
      %dma_wait3A_488 = arith.constant 0 : i32
      %dma_wait3A_489 = arith.constant 0 : i32
      %dma_wait3A_490 = tpu.memref_slice %arg2[%dma_wait3A_488, %dma_wait3A_489] : memref<10240x64xf32, #tpu.memory_space<hbm>> -> memref<10240x64xf32, #tpu.memory_space<hbm>>
      %dma_wait3A_491 = tpu.memref_slice %arg11[%dma_wait3A_480] : memref<10x!tpu.dma_semaphore, #tpu.memory_space<semaphore_mem>> -> memref<1x!tpu.dma_semaphore, #tpu.memory_space<semaphore_mem>>
      %dma_wait3A_492 = tpu.memref_squeeze %dma_wait3A_491 : memref<1x!tpu.dma_semaphore, #tpu.memory_space<semaphore_mem>> -> memref<!tpu.dma_semaphore, #tpu.memory_space<semaphore_mem>>
      tpu.wait_indirect_dma semaphore(%dma_wait3A_492 : memref<!tpu.dma_semaphore, #tpu.memory_space<semaphore_mem>>) src(%dma_wait3A_490 : memref<10240x64xf32, #tpu.memory_space<hbm>>) dst(%dma_wait3A_484 : memref<100x64xf32, #tpu.memory_space<vmem>>)
      %dma_start3A_493 = arith.constant 6 : i32
      %dma_start3A_494 = arith.constant 6 : i32
      %dma_start3A_495 = arith.constant 0 : i32
      %dma_start3A_496 = arith.constant 0 : i32
      %dma_start3A_497 = tpu.memref_slice %arg9[%dma_start3A_493, %dma_start3A_495, %dma_start3A_496] : memref<10x100x64xf32, #tpu.memory_space<vmem>> -> memref<1x100x64xf32, #tpu.memory_space<vmem>>
      %dma_start3A_498 = tpu.memref_squeeze %dma_start3A_497 : memref<1x100x64xf32, #tpu.memory_space<vmem>> -> memref<100x64xf32, #tpu.memory_space<vmem>>
      %dma_start3A_499 = arith.constant 0 : i32
      %dma_start3A_500 = tpu.memref_slice %arg8[%add3A_471, %dma_start3A_499] : memref<100x100xi32, #tpu.memory_space<vmem>> -> memref<1x100xi32, #tpu.memory_space<vmem>>
      %dma_start3A_501 = tpu.memref_squeeze %dma_start3A_500 : memref<1x100xi32, #tpu.memory_space<vmem>> -> memref<100xi32, #tpu.memory_space<vmem>>
      %dma_start3A_502 = arith.constant 0 : i32
      %dma_start3A_503 = arith.constant 0 : i32
      %dma_start3A_504 = tpu.memref_slice %arg10[%dma_start3A_502, %dma_start3A_503] : memref<10240x64xf32, #tpu.memory_space<vmem_shared>> -> memref<10240x64xf32, #tpu.memory_space<vmem_shared>>
      %dma_start3A_505 = tpu.memref_slice %arg12[%dma_start3A_494] : memref<10x!tpu.dma_semaphore, #tpu.memory_space<semaphore_mem>> -> memref<1x!tpu.dma_semaphore, #tpu.memory_space<semaphore_mem>>
      %dma_start3A_506 = tpu.memref_squeeze %dma_start3A_505 : memref<1x!tpu.dma_semaphore, #tpu.memory_space<semaphore_mem>> -> memref<!tpu.dma_semaphore, #tpu.memory_space<semaphore_mem>>
      tpu.enqueue_indirect_dma source(%dma_start3A_498 : memref<100x64xf32, #tpu.memory_space<vmem>>) target(%dma_start3A_504 : memref<10240x64xf32, #tpu.memory_space<vmem_shared>>) offsets(%dma_start3A_501 : memref<100xi32, #tpu.memory_space<vmem>>) semaphore(%dma_start3A_506 : memref<!tpu.dma_semaphore, #tpu.memory_space<semaphore_mem>>) {add = true}
      %mul3A_507 = arith.constant 10 : i32
      %mul3A_508 = arith.muli %scan3A_236, %mul3A_507 : i32
      %add3A_509 = arith.constant 7 : i32
      %add3A_510 = arith.addi %mul3A_508, %add3A_509 : i32
      %add3A_511 = arith.constant 5 : i32
      %add3A_512 = arith.addi %add3A_510, %add3A_511 : i32
      %lt3A_513 = arith.constant 100 : i32
      %lt3A_514 = arith.cmpi slt, %add3A_512, %lt3A_513 : i32
      %convert_element_type3A_515 = arith.extui %lt3A_514 : i1 to i32
      %cond3A_516 = arith.constant 0 : i32
      %cond3A_517 = arith.cmpi ne, %convert_element_type3A_515, %cond3A_516 : i32
      scf.if %cond3A_517 {
        %add3A_624 = arith.constant 5 : i32
        %add3A_625 = arith.addi %add3A_510, %add3A_624 : i32
        %ge3A = arith.constant 10 : i32
        %ge3A_626 = arith.cmpi sge, %add3A_625, %ge3A : i32
        %convert_element_type3A_627 = arith.extui %ge3A_626 : i1 to i32
        %cond3A_628 = arith.constant 0 : i32
        %cond3A_629 = arith.cmpi ne, %convert_element_type3A_627, %cond3A_628 : i32
        scf.if %cond3A_629 {
          %add3A_646 = arith.constant 5 : i32
          %add3A_647 = arith.addi %add3A_510, %add3A_646 : i32
          %sub3A = arith.constant 10 : i32
          %sub3A_648 = arith.subi %add3A_647, %sub3A : i32
          %dma_wait3A_649 = arith.constant 2 : i32
          %dma_wait3A_650 = arith.constant 2 : i32
          %dma_wait3A_651 = arith.constant 0 : i32
          %dma_wait3A_652 = arith.constant 0 : i32
          %dma_wait3A_653 = tpu.memref_slice %arg9[%dma_wait3A_649, %dma_wait3A_651, %dma_wait3A_652] : memref<10x100x64xf32, #tpu.memory_space<vmem>> -> memref<1x100x64xf32, #tpu.memory_space<vmem>>
          %dma_wait3A_654 = tpu.memref_squeeze %dma_wait3A_653 : memref<1x100x64xf32, #tpu.memory_space<vmem>> -> memref<100x64xf32, #tpu.memory_space<vmem>>
          %dma_wait3A_655 = arith.constant 0 : i32
          %dma_wait3A_656 = tpu.memref_slice %arg8[%sub3A_648, %dma_wait3A_655] : memref<100x100xi32, #tpu.memory_space<vmem>> -> memref<1x100xi32, #tpu.memory_space<vmem>>
          %dma_wait3A_657 = tpu.memref_squeeze %dma_wait3A_656 : memref<1x100xi32, #tpu.memory_space<vmem>> -> memref<100xi32, #tpu.memory_space<vmem>>
          %dma_wait3A_658 = arith.constant 0 : i32
          %dma_wait3A_659 = arith.constant 0 : i32
          %dma_wait3A_660 = tpu.memref_slice %arg10[%dma_wait3A_658, %dma_wait3A_659] : memref<10240x64xf32, #tpu.memory_space<vmem_shared>> -> memref<10240x64xf32, #tpu.memory_space<vmem_shared>>
          %dma_wait3A_661 = tpu.memref_slice %arg12[%dma_wait3A_650] : memref<10x!tpu.dma_semaphore, #tpu.memory_space<semaphore_mem>> -> memref<1x!tpu.dma_semaphore, #tpu.memory_space<semaphore_mem>>
          %dma_wait3A_662 = tpu.memref_squeeze %dma_wait3A_661 : memref<1x!tpu.dma_semaphore, #tpu.memory_space<semaphore_mem>> -> memref<!tpu.dma_semaphore, #tpu.memory_space<semaphore_mem>>
          tpu.wait_indirect_dma semaphore(%dma_wait3A_662 : memref<!tpu.dma_semaphore, #tpu.memory_space<semaphore_mem>>) src(%dma_wait3A_654 : memref<100x64xf32, #tpu.memory_space<vmem>>) dst(%dma_wait3A_660 : memref<10240x64xf32, #tpu.memory_space<vmem_shared>>)
        } else {
        }
        %add3A_630 = arith.constant 5 : i32
        %add3A_631 = arith.addi %add3A_510, %add3A_630 : i32
        %dma_start3A_632 = arith.constant 2 : i32
        %dma_start3A_633 = arith.constant 2 : i32
        %dma_start3A_634 = arith.constant 0 : i32
        %dma_start3A_635 = arith.constant 0 : i32
        %dma_start3A_636 = tpu.memref_slice %arg9[%dma_start3A_632, %dma_start3A_634, %dma_start3A_635] : memref<10x100x64xf32, #tpu.memory_space<vmem>> -> memref<1x100x64xf32, #tpu.memory_space<vmem>>
        %dma_start3A_637 = tpu.memref_squeeze %dma_start3A_636 : memref<1x100x64xf32, #tpu.memory_space<vmem>> -> memref<100x64xf32, #tpu.memory_space<vmem>>
        %dma_start3A_638 = arith.constant 0 : i32
        %dma_start3A_639 = tpu.memref_slice %arg7[%add3A_631, %dma_start3A_638] : memref<100x100xi32, #tpu.memory_space<vmem>> -> memref<1x100xi32, #tpu.memory_space<vmem>>
        %dma_start3A_640 = tpu.memref_squeeze %dma_start3A_639 : memref<1x100xi32, #tpu.memory_space<vmem>> -> memref<100xi32, #tpu.memory_space<vmem>>
        %dma_start3A_641 = arith.constant 0 : i32
        %dma_start3A_642 = arith.constant 0 : i32
        %dma_start3A_643 = tpu.memref_slice %arg2[%dma_start3A_641, %dma_start3A_642] : memref<10240x64xf32, #tpu.memory_space<hbm>> -> memref<10240x64xf32, #tpu.memory_space<hbm>>
        %dma_start3A_644 = tpu.memref_slice %arg11[%dma_start3A_633] : memref<10x!tpu.dma_semaphore, #tpu.memory_space<semaphore_mem>> -> memref<1x!tpu.dma_semaphore, #tpu.memory_space<semaphore_mem>>
        %dma_start3A_645 = tpu.memref_squeeze %dma_start3A_644 : memref<1x!tpu.dma_semaphore, #tpu.memory_space<semaphore_mem>> -> memref<!tpu.dma_semaphore, #tpu.memory_space<semaphore_mem>>
        tpu.enqueue_indirect_dma source(%dma_start3A_643 : memref<10240x64xf32, #tpu.memory_space<hbm>>) target(%dma_start3A_637 : memref<100x64xf32, #tpu.memory_space<vmem>>) offsets(%dma_start3A_640 : memref<100xi32, #tpu.memory_space<vmem>>) semaphore(%dma_start3A_645 : memref<!tpu.dma_semaphore, #tpu.memory_space<semaphore_mem>>)
      } else {
      }
      %dma_wait3A_518 = arith.constant 7 : i32
      %dma_wait3A_519 = arith.constant 7 : i32
      %dma_wait3A_520 = arith.constant 0 : i32
      %dma_wait3A_521 = arith.constant 0 : i32
      %dma_wait3A_522 = tpu.memref_slice %arg9[%dma_wait3A_518, %dma_wait3A_520, %dma_wait3A_521] : memref<10x100x64xf32, #tpu.memory_space<vmem>> -> memref<1x100x64xf32, #tpu.memory_space<vmem>>
      %dma_wait3A_523 = tpu.memref_squeeze %dma_wait3A_522 : memref<1x100x64xf32, #tpu.memory_space<vmem>> -> memref<100x64xf32, #tpu.memory_space<vmem>>
      %dma_wait3A_524 = arith.constant 0 : i32
      %dma_wait3A_525 = tpu.memref_slice %arg7[%add3A_510, %dma_wait3A_524] : memref<100x100xi32, #tpu.memory_space<vmem>> -> memref<1x100xi32, #tpu.memory_space<vmem>>
      %dma_wait3A_526 = tpu.memref_squeeze %dma_wait3A_525 : memref<1x100xi32, #tpu.memory_space<vmem>> -> memref<100xi32, #tpu.memory_space<vmem>>
      %dma_wait3A_527 = arith.constant 0 : i32
      %dma_wait3A_528 = arith.constant 0 : i32
      %dma_wait3A_529 = tpu.memref_slice %arg2[%dma_wait3A_527, %dma_wait3A_528] : memref<10240x64xf32, #tpu.memory_space<hbm>> -> memref<10240x64xf32, #tpu.memory_space<hbm>>
      %dma_wait3A_530 = tpu.memref_slice %arg11[%dma_wait3A_519] : memref<10x!tpu.dma_semaphore, #tpu.memory_space<semaphore_mem>> -> memref<1x!tpu.dma_semaphore, #tpu.memory_space<semaphore_mem>>
      %dma_wait3A_531 = tpu.memref_squeeze %dma_wait3A_530 : memref<1x!tpu.dma_semaphore, #tpu.memory_space<semaphore_mem>> -> memref<!tpu.dma_semaphore, #tpu.memory_space<semaphore_mem>>
      tpu.wait_indirect_dma semaphore(%dma_wait3A_531 : memref<!tpu.dma_semaphore, #tpu.memory_space<semaphore_mem>>) src(%dma_wait3A_529 : memref<10240x64xf32, #tpu.memory_space<hbm>>) dst(%dma_wait3A_523 : memref<100x64xf32, #tpu.memory_space<vmem>>)
      %dma_start3A_532 = arith.constant 7 : i32
      %dma_start3A_533 = arith.constant 7 : i32
      %dma_start3A_534 = arith.constant 0 : i32
      %dma_start3A_535 = arith.constant 0 : i32
      %dma_start3A_536 = tpu.memref_slice %arg9[%dma_start3A_532, %dma_start3A_534, %dma_start3A_535] : memref<10x100x64xf32, #tpu.memory_space<vmem>> -> memref<1x100x64xf32, #tpu.memory_space<vmem>>
      %dma_start3A_537 = tpu.memref_squeeze %dma_start3A_536 : memref<1x100x64xf32, #tpu.memory_space<vmem>> -> memref<100x64xf32, #tpu.memory_space<vmem>>
      %dma_start3A_538 = arith.constant 0 : i32
      %dma_start3A_539 = tpu.memref_slice %arg8[%add3A_510, %dma_start3A_538] : memref<100x100xi32, #tpu.memory_space<vmem>> -> memref<1x100xi32, #tpu.memory_space<vmem>>
      %dma_start3A_540 = tpu.memref_squeeze %dma_start3A_539 : memref<1x100xi32, #tpu.memory_space<vmem>> -> memref<100xi32, #tpu.memory_space<vmem>>
      %dma_start3A_541 = arith.constant 0 : i32
      %dma_start3A_542 = arith.constant 0 : i32
      %dma_start3A_543 = tpu.memref_slice %arg10[%dma_start3A_541, %dma_start3A_542] : memref<10240x64xf32, #tpu.memory_space<vmem_shared>> -> memref<10240x64xf32, #tpu.memory_space<vmem_shared>>
      %dma_start3A_544 = tpu.memref_slice %arg12[%dma_start3A_533] : memref<10x!tpu.dma_semaphore, #tpu.memory_space<semaphore_mem>> -> memref<1x!tpu.dma_semaphore, #tpu.memory_space<semaphore_mem>>
      %dma_start3A_545 = tpu.memref_squeeze %dma_start3A_544 : memref<1x!tpu.dma_semaphore, #tpu.memory_space<semaphore_mem>> -> memref<!tpu.dma_semaphore, #tpu.memory_space<semaphore_mem>>
      tpu.enqueue_indirect_dma source(%dma_start3A_537 : memref<100x64xf32, #tpu.memory_space<vmem>>) target(%dma_start3A_543 : memref<10240x64xf32, #tpu.memory_space<vmem_shared>>) offsets(%dma_start3A_540 : memref<100xi32, #tpu.memory_space<vmem>>) semaphore(%dma_start3A_545 : memref<!tpu.dma_semaphore, #tpu.memory_space<semaphore_mem>>) {add = true}
      %mul3A_546 = arith.constant 10 : i32
      %mul3A_547 = arith.muli %scan3A_236, %mul3A_546 : i32
      %add3A_548 = arith.constant 8 : i32
      %add3A_549 = arith.addi %mul3A_547, %add3A_548 : i32
      %add3A_550 = arith.constant 5 : i32
      %add3A_551 = arith.addi %add3A_549, %add3A_550 : i32
      %lt3A_552 = arith.constant 100 : i32
      %lt3A_553 = arith.cmpi slt, %add3A_551, %lt3A_552 : i32
      %convert_element_type3A_554 = arith.extui %lt3A_553 : i1 to i32
      %cond3A_555 = arith.constant 0 : i32
      %cond3A_556 = arith.cmpi ne, %convert_element_type3A_554, %cond3A_555 : i32
      scf.if %cond3A_556 {
        %add3A_624 = arith.constant 5 : i32
        %add3A_625 = arith.addi %add3A_549, %add3A_624 : i32
        %ge3A = arith.constant 10 : i32
        %ge3A_626 = arith.cmpi sge, %add3A_625, %ge3A : i32
        %convert_element_type3A_627 = arith.extui %ge3A_626 : i1 to i32
        %cond3A_628 = arith.constant 0 : i32
        %cond3A_629 = arith.cmpi ne, %convert_element_type3A_627, %cond3A_628 : i32
        scf.if %cond3A_629 {
          %add3A_646 = arith.constant 5 : i32
          %add3A_647 = arith.addi %add3A_549, %add3A_646 : i32
          %sub3A = arith.constant 10 : i32
          %sub3A_648 = arith.subi %add3A_647, %sub3A : i32
          %dma_wait3A_649 = arith.constant 3 : i32
          %dma_wait3A_650 = arith.constant 3 : i32
          %dma_wait3A_651 = arith.constant 0 : i32
          %dma_wait3A_652 = arith.constant 0 : i32
          %dma_wait3A_653 = tpu.memref_slice %arg9[%dma_wait3A_649, %dma_wait3A_651, %dma_wait3A_652] : memref<10x100x64xf32, #tpu.memory_space<vmem>> -> memref<1x100x64xf32, #tpu.memory_space<vmem>>
          %dma_wait3A_654 = tpu.memref_squeeze %dma_wait3A_653 : memref<1x100x64xf32, #tpu.memory_space<vmem>> -> memref<100x64xf32, #tpu.memory_space<vmem>>
          %dma_wait3A_655 = arith.constant 0 : i32
          %dma_wait3A_656 = tpu.memref_slice %arg8[%sub3A_648, %dma_wait3A_655] : memref<100x100xi32, #tpu.memory_space<vmem>> -> memref<1x100xi32, #tpu.memory_space<vmem>>
          %dma_wait3A_657 = tpu.memref_squeeze %dma_wait3A_656 : memref<1x100xi32, #tpu.memory_space<vmem>> -> memref<100xi32, #tpu.memory_space<vmem>>
          %dma_wait3A_658 = arith.constant 0 : i32
          %dma_wait3A_659 = arith.constant 0 : i32
          %dma_wait3A_660 = tpu.memref_slice %arg10[%dma_wait3A_658, %dma_wait3A_659] : memref<10240x64xf32, #tpu.memory_space<vmem_shared>> -> memref<10240x64xf32, #tpu.memory_space<vmem_shared>>
          %dma_wait3A_661 = tpu.memref_slice %arg12[%dma_wait3A_650] : memref<10x!tpu.dma_semaphore, #tpu.memory_space<semaphore_mem>> -> memref<1x!tpu.dma_semaphore, #tpu.memory_space<semaphore_mem>>
          %dma_wait3A_662 = tpu.memref_squeeze %dma_wait3A_661 : memref<1x!tpu.dma_semaphore, #tpu.memory_space<semaphore_mem>> -> memref<!tpu.dma_semaphore, #tpu.memory_space<semaphore_mem>>
          tpu.wait_indirect_dma semaphore(%dma_wait3A_662 : memref<!tpu.dma_semaphore, #tpu.memory_space<semaphore_mem>>) src(%dma_wait3A_654 : memref<100x64xf32, #tpu.memory_space<vmem>>) dst(%dma_wait3A_660 : memref<10240x64xf32, #tpu.memory_space<vmem_shared>>)
        } else {
        }
        %add3A_630 = arith.constant 5 : i32
        %add3A_631 = arith.addi %add3A_549, %add3A_630 : i32
        %dma_start3A_632 = arith.constant 3 : i32
        %dma_start3A_633 = arith.constant 3 : i32
        %dma_start3A_634 = arith.constant 0 : i32
        %dma_start3A_635 = arith.constant 0 : i32
        %dma_start3A_636 = tpu.memref_slice %arg9[%dma_start3A_632, %dma_start3A_634, %dma_start3A_635] : memref<10x100x64xf32, #tpu.memory_space<vmem>> -> memref<1x100x64xf32, #tpu.memory_space<vmem>>
        %dma_start3A_637 = tpu.memref_squeeze %dma_start3A_636 : memref<1x100x64xf32, #tpu.memory_space<vmem>> -> memref<100x64xf32, #tpu.memory_space<vmem>>
        %dma_start3A_638 = arith.constant 0 : i32
        %dma_start3A_639 = tpu.memref_slice %arg7[%add3A_631, %dma_start3A_638] : memref<100x100xi32, #tpu.memory_space<vmem>> -> memref<1x100xi32, #tpu.memory_space<vmem>>
        %dma_start3A_640 = tpu.memref_squeeze %dma_start3A_639 : memref<1x100xi32, #tpu.memory_space<vmem>> -> memref<100xi32, #tpu.memory_space<vmem>>
        %dma_start3A_641 = arith.constant 0 : i32
        %dma_start3A_642 = arith.constant 0 : i32
        %dma_start3A_643 = tpu.memref_slice %arg2[%dma_start3A_641, %dma_start3A_642] : memref<10240x64xf32, #tpu.memory_space<hbm>> -> memref<10240x64xf32, #tpu.memory_space<hbm>>
        %dma_start3A_644 = tpu.memref_slice %arg11[%dma_start3A_633] : memref<10x!tpu.dma_semaphore, #tpu.memory_space<semaphore_mem>> -> memref<1x!tpu.dma_semaphore, #tpu.memory_space<semaphore_mem>>
        %dma_start3A_645 = tpu.memref_squeeze %dma_start3A_644 : memref<1x!tpu.dma_semaphore, #tpu.memory_space<semaphore_mem>> -> memref<!tpu.dma_semaphore, #tpu.memory_space<semaphore_mem>>
        tpu.enqueue_indirect_dma source(%dma_start3A_643 : memref<10240x64xf32, #tpu.memory_space<hbm>>) target(%dma_start3A_637 : memref<100x64xf32, #tpu.memory_space<vmem>>) offsets(%dma_start3A_640 : memref<100xi32, #tpu.memory_space<vmem>>) semaphore(%dma_start3A_645 : memref<!tpu.dma_semaphore, #tpu.memory_space<semaphore_mem>>)
      } else {
      }
      %dma_wait3A_557 = arith.constant 8 : i32
      %dma_wait3A_558 = arith.constant 8 : i32
      %dma_wait3A_559 = arith.constant 0 : i32
      %dma_wait3A_560 = arith.constant 0 : i32
      %dma_wait3A_561 = tpu.memref_slice %arg9[%dma_wait3A_557, %dma_wait3A_559, %dma_wait3A_560] : memref<10x100x64xf32, #tpu.memory_space<vmem>> -> memref<1x100x64xf32, #tpu.memory_space<vmem>>
      %dma_wait3A_562 = tpu.memref_squeeze %dma_wait3A_561 : memref<1x100x64xf32, #tpu.memory_space<vmem>> -> memref<100x64xf32, #tpu.memory_space<vmem>>
      %dma_wait3A_563 = arith.constant 0 : i32
      %dma_wait3A_564 = tpu.memref_slice %arg7[%add3A_549, %dma_wait3A_563] : memref<100x100xi32, #tpu.memory_space<vmem>> -> memref<1x100xi32, #tpu.memory_space<vmem>>
      %dma_wait3A_565 = tpu.memref_squeeze %dma_wait3A_564 : memref<1x100xi32, #tpu.memory_space<vmem>> -> memref<100xi32, #tpu.memory_space<vmem>>
      %dma_wait3A_566 = arith.constant 0 : i32
      %dma_wait3A_567 = arith.constant 0 : i32
      %dma_wait3A_568 = tpu.memref_slice %arg2[%dma_wait3A_566, %dma_wait3A_567] : memref<10240x64xf32, #tpu.memory_space<hbm>> -> memref<10240x64xf32, #tpu.memory_space<hbm>>
      %dma_wait3A_569 = tpu.memref_slice %arg11[%dma_wait3A_558] : memref<10x!tpu.dma_semaphore, #tpu.memory_space<semaphore_mem>> -> memref<1x!tpu.dma_semaphore, #tpu.memory_space<semaphore_mem>>
      %dma_wait3A_570 = tpu.memref_squeeze %dma_wait3A_569 : memref<1x!tpu.dma_semaphore, #tpu.memory_space<semaphore_mem>> -> memref<!tpu.dma_semaphore, #tpu.memory_space<semaphore_mem>>
      tpu.wait_indirect_dma semaphore(%dma_wait3A_570 : memref<!tpu.dma_semaphore, #tpu.memory_space<semaphore_mem>>) src(%dma_wait3A_568 : memref<10240x64xf32, #tpu.memory_space<hbm>>) dst(%dma_wait3A_562 : memref<100x64xf32, #tpu.memory_space<vmem>>)
      %dma_start3A_571 = arith.constant 8 : i32
      %dma_start3A_572 = arith.constant 8 : i32
      %dma_start3A_573 = arith.constant 0 : i32
      %dma_start3A_574 = arith.constant 0 : i32
      %dma_start3A_575 = tpu.memref_slice %arg9[%dma_start3A_571, %dma_start3A_573, %dma_start3A_574] : memref<10x100x64xf32, #tpu.memory_space<vmem>> -> memref<1x100x64xf32, #tpu.memory_space<vmem>>
      %dma_start3A_576 = tpu.memref_squeeze %dma_start3A_575 : memref<1x100x64xf32, #tpu.memory_space<vmem>> -> memref<100x64xf32, #tpu.memory_space<vmem>>
      %dma_start3A_577 = arith.constant 0 : i32
      %dma_start3A_578 = tpu.memref_slice %arg8[%add3A_549, %dma_start3A_577] : memref<100x100xi32, #tpu.memory_space<vmem>> -> memref<1x100xi32, #tpu.memory_space<vmem>>
      %dma_start3A_579 = tpu.memref_squeeze %dma_start3A_578 : memref<1x100xi32, #tpu.memory_space<vmem>> -> memref<100xi32, #tpu.memory_space<vmem>>
      %dma_start3A_580 = arith.constant 0 : i32
      %dma_start3A_581 = arith.constant 0 : i32
      %dma_start3A_582 = tpu.memref_slice %arg10[%dma_start3A_580, %dma_start3A_581] : memref<10240x64xf32, #tpu.memory_space<vmem_shared>> -> memref<10240x64xf32, #tpu.memory_space<vmem_shared>>
      %dma_start3A_583 = tpu.memref_slice %arg12[%dma_start3A_572] : memref<10x!tpu.dma_semaphore, #tpu.memory_space<semaphore_mem>> -> memref<1x!tpu.dma_semaphore, #tpu.memory_space<semaphore_mem>>
      %dma_start3A_584 = tpu.memref_squeeze %dma_start3A_583 : memref<1x!tpu.dma_semaphore, #tpu.memory_space<semaphore_mem>> -> memref<!tpu.dma_semaphore, #tpu.memory_space<semaphore_mem>>
      tpu.enqueue_indirect_dma source(%dma_start3A_576 : memref<100x64xf32, #tpu.memory_space<vmem>>) target(%dma_start3A_582 : memref<10240x64xf32, #tpu.memory_space<vmem_shared>>) offsets(%dma_start3A_579 : memref<100xi32, #tpu.memory_space<vmem>>) semaphore(%dma_start3A_584 : memref<!tpu.dma_semaphore, #tpu.memory_space<semaphore_mem>>) {add = true}
      %mul3A_585 = arith.constant 10 : i32
      %mul3A_586 = arith.muli %scan3A_236, %mul3A_585 : i32
      %add3A_587 = arith.constant 9 : i32
      %add3A_588 = arith.addi %mul3A_586, %add3A_587 : i32
      %add3A_589 = arith.constant 5 : i32
      %add3A_590 = arith.addi %add3A_588, %add3A_589 : i32
      %lt3A_591 = arith.constant 100 : i32
      %lt3A_592 = arith.cmpi slt, %add3A_590, %lt3A_591 : i32
      %convert_element_type3A_593 = arith.extui %lt3A_592 : i1 to i32
      %cond3A_594 = arith.constant 0 : i32
      %cond3A_595 = arith.cmpi ne, %convert_element_type3A_593, %cond3A_594 : i32
      scf.if %cond3A_595 {
        %add3A_624 = arith.constant 5 : i32
        %add3A_625 = arith.addi %add3A_588, %add3A_624 : i32
        %ge3A = arith.constant 10 : i32
        %ge3A_626 = arith.cmpi sge, %add3A_625, %ge3A : i32
        %convert_element_type3A_627 = arith.extui %ge3A_626 : i1 to i32
        %cond3A_628 = arith.constant 0 : i32
        %cond3A_629 = arith.cmpi ne, %convert_element_type3A_627, %cond3A_628 : i32
        scf.if %cond3A_629 {
          %add3A_646 = arith.constant 5 : i32
          %add3A_647 = arith.addi %add3A_588, %add3A_646 : i32
          %sub3A = arith.constant 10 : i32
          %sub3A_648 = arith.subi %add3A_647, %sub3A : i32
          %dma_wait3A_649 = arith.constant 4 : i32
          %dma_wait3A_650 = arith.constant 4 : i32
          %dma_wait3A_651 = arith.constant 0 : i32
          %dma_wait3A_652 = arith.constant 0 : i32
          %dma_wait3A_653 = tpu.memref_slice %arg9[%dma_wait3A_649, %dma_wait3A_651, %dma_wait3A_652] : memref<10x100x64xf32, #tpu.memory_space<vmem>> -> memref<1x100x64xf32, #tpu.memory_space<vmem>>
          %dma_wait3A_654 = tpu.memref_squeeze %dma_wait3A_653 : memref<1x100x64xf32, #tpu.memory_space<vmem>> -> memref<100x64xf32, #tpu.memory_space<vmem>>
          %dma_wait3A_655 = arith.constant 0 : i32
          %dma_wait3A_656 = tpu.memref_slice %arg8[%sub3A_648, %dma_wait3A_655] : memref<100x100xi32, #tpu.memory_space<vmem>> -> memref<1x100xi32, #tpu.memory_space<vmem>>
          %dma_wait3A_657 = tpu.memref_squeeze %dma_wait3A_656 : memref<1x100xi32, #tpu.memory_space<vmem>> -> memref<100xi32, #tpu.memory_space<vmem>>
          %dma_wait3A_658 = arith.constant 0 : i32
          %dma_wait3A_659 = arith.constant 0 : i32
          %dma_wait3A_660 = tpu.memref_slice %arg10[%dma_wait3A_658, %dma_wait3A_659] : memref<10240x64xf32, #tpu.memory_space<vmem_shared>> -> memref<10240x64xf32, #tpu.memory_space<vmem_shared>>
          %dma_wait3A_661 = tpu.memref_slice %arg12[%dma_wait3A_650] : memref<10x!tpu.dma_semaphore, #tpu.memory_space<semaphore_mem>> -> memref<1x!tpu.dma_semaphore, #tpu.memory_space<semaphore_mem>>
          %dma_wait3A_662 = tpu.memref_squeeze %dma_wait3A_661 : memref<1x!tpu.dma_semaphore, #tpu.memory_space<semaphore_mem>> -> memref<!tpu.dma_semaphore, #tpu.memory_space<semaphore_mem>>
          tpu.wait_indirect_dma semaphore(%dma_wait3A_662 : memref<!tpu.dma_semaphore, #tpu.memory_space<semaphore_mem>>) src(%dma_wait3A_654 : memref<100x64xf32, #tpu.memory_space<vmem>>) dst(%dma_wait3A_660 : memref<10240x64xf32, #tpu.memory_space<vmem_shared>>)
        } else {
        }
        %add3A_630 = arith.constant 5 : i32
        %add3A_631 = arith.addi %add3A_588, %add3A_630 : i32
        %dma_start3A_632 = arith.constant 4 : i32
        %dma_start3A_633 = arith.constant 4 : i32
        %dma_start3A_634 = arith.constant 0 : i32
        %dma_start3A_635 = arith.constant 0 : i32
        %dma_start3A_636 = tpu.memref_slice %arg9[%dma_start3A_632, %dma_start3A_634, %dma_start3A_635] : memref<10x100x64xf32, #tpu.memory_space<vmem>> -> memref<1x100x64xf32, #tpu.memory_space<vmem>>
        %dma_start3A_637 = tpu.memref_squeeze %dma_start3A_636 : memref<1x100x64xf32, #tpu.memory_space<vmem>> -> memref<100x64xf32, #tpu.memory_space<vmem>>
        %dma_start3A_638 = arith.constant 0 : i32
        %dma_start3A_639 = tpu.memref_slice %arg7[%add3A_631, %dma_start3A_638] : memref<100x100xi32, #tpu.memory_space<vmem>> -> memref<1x100xi32, #tpu.memory_space<vmem>>
        %dma_start3A_640 = tpu.memref_squeeze %dma_start3A_639 : memref<1x100xi32, #tpu.memory_space<vmem>> -> memref<100xi32, #tpu.memory_space<vmem>>
        %dma_start3A_641 = arith.constant 0 : i32
        %dma_start3A_642 = arith.constant 0 : i32
        %dma_start3A_643 = tpu.memref_slice %arg2[%dma_start3A_641, %dma_start3A_642] : memref<10240x64xf32, #tpu.memory_space<hbm>> -> memref<10240x64xf32, #tpu.memory_space<hbm>>
        %dma_start3A_644 = tpu.memref_slice %arg11[%dma_start3A_633] : memref<10x!tpu.dma_semaphore, #tpu.memory_space<semaphore_mem>> -> memref<1x!tpu.dma_semaphore, #tpu.memory_space<semaphore_mem>>
        %dma_start3A_645 = tpu.memref_squeeze %dma_start3A_644 : memref<1x!tpu.dma_semaphore, #tpu.memory_space<semaphore_mem>> -> memref<!tpu.dma_semaphore, #tpu.memory_space<semaphore_mem>>
        tpu.enqueue_indirect_dma source(%dma_start3A_643 : memref<10240x64xf32, #tpu.memory_space<hbm>>) target(%dma_start3A_637 : memref<100x64xf32, #tpu.memory_space<vmem>>) offsets(%dma_start3A_640 : memref<100xi32, #tpu.memory_space<vmem>>) semaphore(%dma_start3A_645 : memref<!tpu.dma_semaphore, #tpu.memory_space<semaphore_mem>>)
      } else {
      }
      %dma_wait3A_596 = arith.constant 9 : i32
      %dma_wait3A_597 = arith.constant 9 : i32
      %dma_wait3A_598 = arith.constant 0 : i32
      %dma_wait3A_599 = arith.constant 0 : i32
      %dma_wait3A_600 = tpu.memref_slice %arg9[%dma_wait3A_596, %dma_wait3A_598, %dma_wait3A_599] : memref<10x100x64xf32, #tpu.memory_space<vmem>> -> memref<1x100x64xf32, #tpu.memory_space<vmem>>
      %dma_wait3A_601 = tpu.memref_squeeze %dma_wait3A_600 : memref<1x100x64xf32, #tpu.memory_space<vmem>> -> memref<100x64xf32, #tpu.memory_space<vmem>>
      %dma_wait3A_602 = arith.constant 0 : i32
      %dma_wait3A_603 = tpu.memref_slice %arg7[%add3A_588, %dma_wait3A_602] : memref<100x100xi32, #tpu.memory_space<vmem>> -> memref<1x100xi32, #tpu.memory_space<vmem>>
      %dma_wait3A_604 = tpu.memref_squeeze %dma_wait3A_603 : memref<1x100xi32, #tpu.memory_space<vmem>> -> memref<100xi32, #tpu.memory_space<vmem>>
      %dma_wait3A_605 = arith.constant 0 : i32
      %dma_wait3A_606 = arith.constant 0 : i32
      %dma_wait3A_607 = tpu.memref_slice %arg2[%dma_wait3A_605, %dma_wait3A_606] : memref<10240x64xf32, #tpu.memory_space<hbm>> -> memref<10240x64xf32, #tpu.memory_space<hbm>>
      %dma_wait3A_608 = tpu.memref_slice %arg11[%dma_wait3A_597] : memref<10x!tpu.dma_semaphore, #tpu.memory_space<semaphore_mem>> -> memref<1x!tpu.dma_semaphore, #tpu.memory_space<semaphore_mem>>
      %dma_wait3A_609 = tpu.memref_squeeze %dma_wait3A_608 : memref<1x!tpu.dma_semaphore, #tpu.memory_space<semaphore_mem>> -> memref<!tpu.dma_semaphore, #tpu.memory_space<semaphore_mem>>
      tpu.wait_indirect_dma semaphore(%dma_wait3A_609 : memref<!tpu.dma_semaphore, #tpu.memory_space<semaphore_mem>>) src(%dma_wait3A_607 : memref<10240x64xf32, #tpu.memory_space<hbm>>) dst(%dma_wait3A_601 : memref<100x64xf32, #tpu.memory_space<vmem>>)
      %dma_start3A_610 = arith.constant 9 : i32
      %dma_start3A_611 = arith.constant 9 : i32
      %dma_start3A_612 = arith.constant 0 : i32
      %dma_start3A_613 = arith.constant 0 : i32
      %dma_start3A_614 = tpu.memref_slice %arg9[%dma_start3A_610, %dma_start3A_612, %dma_start3A_613] : memref<10x100x64xf32, #tpu.memory_space<vmem>> -> memref<1x100x64xf32, #tpu.memory_space<vmem>>
      %dma_start3A_615 = tpu.memref_squeeze %dma_start3A_614 : memref<1x100x64xf32, #tpu.memory_space<vmem>> -> memref<100x64xf32, #tpu.memory_space<vmem>>
      %dma_start3A_616 = arith.constant 0 : i32
      %dma_start3A_617 = tpu.memref_slice %arg8[%add3A_588, %dma_start3A_616] : memref<100x100xi32, #tpu.memory_space<vmem>> -> memref<1x100xi32, #tpu.memory_space<vmem>>
      %dma_start3A_618 = tpu.memref_squeeze %dma_start3A_617 : memref<1x100xi32, #tpu.memory_space<vmem>> -> memref<100xi32, #tpu.memory_space<vmem>>
      %dma_start3A_619 = arith.constant 0 : i32
      %dma_start3A_620 = arith.constant 0 : i32
      %dma_start3A_621 = tpu.memref_slice %arg10[%dma_start3A_619, %dma_start3A_620] : memref<10240x64xf32, #tpu.memory_space<vmem_shared>> -> memref<10240x64xf32, #tpu.memory_space<vmem_shared>>
      %dma_start3A_622 = tpu.memref_slice %arg12[%dma_start3A_611] : memref<10x!tpu.dma_semaphore, #tpu.memory_space<semaphore_mem>> -> memref<1x!tpu.dma_semaphore, #tpu.memory_space<semaphore_mem>>
      %dma_start3A_623 = tpu.memref_squeeze %dma_start3A_622 : memref<1x!tpu.dma_semaphore, #tpu.memory_space<semaphore_mem>> -> memref<!tpu.dma_semaphore, #tpu.memory_space<semaphore_mem>>
      tpu.enqueue_indirect_dma source(%dma_start3A_615 : memref<100x64xf32, #tpu.memory_space<vmem>>) target(%dma_start3A_621 : memref<10240x64xf32, #tpu.memory_space<vmem_shared>>) offsets(%dma_start3A_618 : memref<100xi32, #tpu.memory_space<vmem>>) semaphore(%dma_start3A_623 : memref<!tpu.dma_semaphore, #tpu.memory_space<semaphore_mem>>) {add = true}
    }
    %scan3A_85 = arith.constant 10 : i32
    %dma_wait3A = arith.constant 0 : i32
    %dma_wait3A_86 = arith.constant 90 : i32
    %dma_wait3A_87 = arith.constant 0 : i32
    %dma_wait3A_88 = arith.constant 0 : i32
    %dma_wait3A_89 = arith.constant 0 : i32
    %dma_wait3A_90 = tpu.memref_slice %arg9[%dma_wait3A, %dma_wait3A_88, %dma_wait3A_89] : memref<10x100x64xf32, #tpu.memory_space<vmem>> -> memref<1x100x64xf32, #tpu.memory_space<vmem>>
    %dma_wait3A_91 = tpu.memref_squeeze %dma_wait3A_90 : memref<1x100x64xf32, #tpu.memory_space<vmem>> -> memref<100x64xf32, #tpu.memory_space<vmem>>
    %dma_wait3A_92 = arith.constant 0 : i32
    %dma_wait3A_93 = tpu.memref_slice %arg8[%dma_wait3A_86, %dma_wait3A_92] : memref<100x100xi32, #tpu.memory_space<vmem>> -> memref<1x100xi32, #tpu.memory_space<vmem>>
    %dma_wait3A_94 = tpu.memref_squeeze %dma_wait3A_93 : memref<1x100xi32, #tpu.memory_space<vmem>> -> memref<100xi32, #tpu.memory_space<vmem>>
    %dma_wait3A_95 = arith.constant 0 : i32
    %dma_wait3A_96 = arith.constant 0 : i32
    %dma_wait3A_97 = tpu.memref_slice %arg10[%dma_wait3A_95, %dma_wait3A_96] : memref<10240x64xf32, #tpu.memory_space<vmem_shared>> -> memref<10240x64xf32, #tpu.memory_space<vmem_shared>>
    %dma_wait3A_98 = tpu.memref_slice %arg12[%dma_wait3A_87] : memref<10x!tpu.dma_semaphore, #tpu.memory_space<semaphore_mem>> -> memref<1x!tpu.dma_semaphore, #tpu.memory_space<semaphore_mem>>
    %dma_wait3A_99 = tpu.memref_squeeze %dma_wait3A_98 : memref<1x!tpu.dma_semaphore, #tpu.memory_space<semaphore_mem>> -> memref<!tpu.dma_semaphore, #tpu.memory_space<semaphore_mem>>
    tpu.wait_indirect_dma semaphore(%dma_wait3A_99 : memref<!tpu.dma_semaphore, #tpu.memory_space<semaphore_mem>>) src(%dma_wait3A_91 : memref<100x64xf32, #tpu.memory_space<vmem>>) dst(%dma_wait3A_97 : memref<10240x64xf32, #tpu.memory_space<vmem_shared>>)
    %dma_wait3A_100 = arith.constant 1 : i32
    %dma_wait3A_101 = arith.constant 91 : i32
    %dma_wait3A_102 = arith.constant 1 : i32
    %dma_wait3A_103 = arith.constant 0 : i32
    %dma_wait3A_104 = arith.constant 0 : i32
    %dma_wait3A_105 = tpu.memref_slice %arg9[%dma_wait3A_100, %dma_wait3A_103, %dma_wait3A_104] : memref<10x100x64xf32, #tpu.memory_space<vmem>> -> memref<1x100x64xf32, #tpu.memory_space<vmem>>
    %dma_wait3A_106 = tpu.memref_squeeze %dma_wait3A_105 : memref<1x100x64xf32, #tpu.memory_space<vmem>> -> memref<100x64xf32, #tpu.memory_space<vmem>>
    %dma_wait3A_107 = arith.constant 0 : i32
    %dma_wait3A_108 = tpu.memref_slice %arg8[%dma_wait3A_101, %dma_wait3A_107] : memref<100x100xi32, #tpu.memory_space<vmem>> -> memref<1x100xi32, #tpu.memory_space<vmem>>
    %dma_wait3A_109 = tpu.memref_squeeze %dma_wait3A_108 : memref<1x100xi32, #tpu.memory_space<vmem>> -> memref<100xi32, #tpu.memory_space<vmem>>
    %dma_wait3A_110 = arith.constant 0 : i32
    %dma_wait3A_111 = arith.constant 0 : i32
    %dma_wait3A_112 = tpu.memref_slice %arg10[%dma_wait3A_110, %dma_wait3A_111] : memref<10240x64xf32, #tpu.memory_space<vmem_shared>> -> memref<10240x64xf32, #tpu.memory_space<vmem_shared>>
    %dma_wait3A_113 = tpu.memref_slice %arg12[%dma_wait3A_102] : memref<10x!tpu.dma_semaphore, #tpu.memory_space<semaphore_mem>> -> memref<1x!tpu.dma_semaphore, #tpu.memory_space<semaphore_mem>>
    %dma_wait3A_114 = tpu.memref_squeeze %dma_wait3A_113 : memref<1x!tpu.dma_semaphore, #tpu.memory_space<semaphore_mem>> -> memref<!tpu.dma_semaphore, #tpu.memory_space<semaphore_mem>>
    tpu.wait_indirect_dma semaphore(%dma_wait3A_114 : memref<!tpu.dma_semaphore, #tpu.memory_space<semaphore_mem>>) src(%dma_wait3A_106 : memref<100x64xf32, #tpu.memory_space<vmem>>) dst(%dma_wait3A_112 : memref<10240x64xf32, #tpu.memory_space<vmem_shared>>)
    %dma_wait3A_115 = arith.constant 2 : i32
    %dma_wait3A_116 = arith.constant 92 : i32
    %dma_wait3A_117 = arith.constant 2 : i32
    %dma_wait3A_118 = arith.constant 0 : i32
    %dma_wait3A_119 = arith.constant 0 : i32
    %dma_wait3A_120 = tpu.memref_slice %arg9[%dma_wait3A_115, %dma_wait3A_118, %dma_wait3A_119] : memref<10x100x64xf32, #tpu.memory_space<vmem>> -> memref<1x100x64xf32, #tpu.memory_space<vmem>>
    %dma_wait3A_121 = tpu.memref_squeeze %dma_wait3A_120 : memref<1x100x64xf32, #tpu.memory_space<vmem>> -> memref<100x64xf32, #tpu.memory_space<vmem>>
    %dma_wait3A_122 = arith.constant 0 : i32
    %dma_wait3A_123 = tpu.memref_slice %arg8[%dma_wait3A_116, %dma_wait3A_122] : memref<100x100xi32, #tpu.memory_space<vmem>> -> memref<1x100xi32, #tpu.memory_space<vmem>>
    %dma_wait3A_124 = tpu.memref_squeeze %dma_wait3A_123 : memref<1x100xi32, #tpu.memory_space<vmem>> -> memref<100xi32, #tpu.memory_space<vmem>>
    %dma_wait3A_125 = arith.constant 0 : i32
    %dma_wait3A_126 = arith.constant 0 : i32
    %dma_wait3A_127 = tpu.memref_slice %arg10[%dma_wait3A_125, %dma_wait3A_126] : memref<10240x64xf32, #tpu.memory_space<vmem_shared>> -> memref<10240x64xf32, #tpu.memory_space<vmem_shared>>
    %dma_wait3A_128 = tpu.memref_slice %arg12[%dma_wait3A_117] : memref<10x!tpu.dma_semaphore, #tpu.memory_space<semaphore_mem>> -> memref<1x!tpu.dma_semaphore, #tpu.memory_space<semaphore_mem>>
    %dma_wait3A_129 = tpu.memref_squeeze %dma_wait3A_128 : memref<1x!tpu.dma_semaphore, #tpu.memory_space<semaphore_mem>> -> memref<!tpu.dma_semaphore, #tpu.memory_space<semaphore_mem>>
    tpu.wait_indirect_dma semaphore(%dma_wait3A_129 : memref<!tpu.dma_semaphore, #tpu.memory_space<semaphore_mem>>) src(%dma_wait3A_121 : memref<100x64xf32, #tpu.memory_space<vmem>>) dst(%dma_wait3A_127 : memref<10240x64xf32, #tpu.memory_space<vmem_shared>>)
    %dma_wait3A_130 = arith.constant 3 : i32
    %dma_wait3A_131 = arith.constant 93 : i32
    %dma_wait3A_132 = arith.constant 3 : i32
    %dma_wait3A_133 = arith.constant 0 : i32
    %dma_wait3A_134 = arith.constant 0 : i32
    %dma_wait3A_135 = tpu.memref_slice %arg9[%dma_wait3A_130, %dma_wait3A_133, %dma_wait3A_134] : memref<10x100x64xf32, #tpu.memory_space<vmem>> -> memref<1x100x64xf32, #tpu.memory_space<vmem>>
    %dma_wait3A_136 = tpu.memref_squeeze %dma_wait3A_135 : memref<1x100x64xf32, #tpu.memory_space<vmem>> -> memref<100x64xf32, #tpu.memory_space<vmem>>
    %dma_wait3A_137 = arith.constant 0 : i32
    %dma_wait3A_138 = tpu.memref_slice %arg8[%dma_wait3A_131, %dma_wait3A_137] : memref<100x100xi32, #tpu.memory_space<vmem>> -> memref<1x100xi32, #tpu.memory_space<vmem>>
    %dma_wait3A_139 = tpu.memref_squeeze %dma_wait3A_138 : memref<1x100xi32, #tpu.memory_space<vmem>> -> memref<100xi32, #tpu.memory_space<vmem>>
    %dma_wait3A_140 = arith.constant 0 : i32
    %dma_wait3A_141 = arith.constant 0 : i32
    %dma_wait3A_142 = tpu.memref_slice %arg10[%dma_wait3A_140, %dma_wait3A_141] : memref<10240x64xf32, #tpu.memory_space<vmem_shared>> -> memref<10240x64xf32, #tpu.memory_space<vmem_shared>>
    %dma_wait3A_143 = tpu.memref_slice %arg12[%dma_wait3A_132] : memref<10x!tpu.dma_semaphore, #tpu.memory_space<semaphore_mem>> -> memref<1x!tpu.dma_semaphore, #tpu.memory_space<semaphore_mem>>
    %dma_wait3A_144 = tpu.memref_squeeze %dma_wait3A_143 : memref<1x!tpu.dma_semaphore, #tpu.memory_space<semaphore_mem>> -> memref<!tpu.dma_semaphore, #tpu.memory_space<semaphore_mem>>
    tpu.wait_indirect_dma semaphore(%dma_wait3A_144 : memref<!tpu.dma_semaphore, #tpu.memory_space<semaphore_mem>>) src(%dma_wait3A_136 : memref<100x64xf32, #tpu.memory_space<vmem>>) dst(%dma_wait3A_142 : memref<10240x64xf32, #tpu.memory_space<vmem_shared>>)
    %dma_wait3A_145 = arith.constant 4 : i32
    %dma_wait3A_146 = arith.constant 94 : i32
    %dma_wait3A_147 = arith.constant 4 : i32
    %dma_wait3A_148 = arith.constant 0 : i32
    %dma_wait3A_149 = arith.constant 0 : i32
    %dma_wait3A_150 = tpu.memref_slice %arg9[%dma_wait3A_145, %dma_wait3A_148, %dma_wait3A_149] : memref<10x100x64xf32, #tpu.memory_space<vmem>> -> memref<1x100x64xf32, #tpu.memory_space<vmem>>
    %dma_wait3A_151 = tpu.memref_squeeze %dma_wait3A_150 : memref<1x100x64xf32, #tpu.memory_space<vmem>> -> memref<100x64xf32, #tpu.memory_space<vmem>>
    %dma_wait3A_152 = arith.constant 0 : i32
    %dma_wait3A_153 = tpu.memref_slice %arg8[%dma_wait3A_146, %dma_wait3A_152] : memref<100x100xi32, #tpu.memory_space<vmem>> -> memref<1x100xi32, #tpu.memory_space<vmem>>
    %dma_wait3A_154 = tpu.memref_squeeze %dma_wait3A_153 : memref<1x100xi32, #tpu.memory_space<vmem>> -> memref<100xi32, #tpu.memory_space<vmem>>
    %dma_wait3A_155 = arith.constant 0 : i32
    %dma_wait3A_156 = arith.constant 0 : i32
    %dma_wait3A_157 = tpu.memref_slice %arg10[%dma_wait3A_155, %dma_wait3A_156] : memref<10240x64xf32, #tpu.memory_space<vmem_shared>> -> memref<10240x64xf32, #tpu.memory_space<vmem_shared>>
    %dma_wait3A_158 = tpu.memref_slice %arg12[%dma_wait3A_147] : memref<10x!tpu.dma_semaphore, #tpu.memory_space<semaphore_mem>> -> memref<1x!tpu.dma_semaphore, #tpu.memory_space<semaphore_mem>>
    %dma_wait3A_159 = tpu.memref_squeeze %dma_wait3A_158 : memref<1x!tpu.dma_semaphore, #tpu.memory_space<semaphore_mem>> -> memref<!tpu.dma_semaphore, #tpu.memory_space<semaphore_mem>>
    tpu.wait_indirect_dma semaphore(%dma_wait3A_159 : memref<!tpu.dma_semaphore, #tpu.memory_space<semaphore_mem>>) src(%dma_wait3A_151 : memref<100x64xf32, #tpu.memory_space<vmem>>) dst(%dma_wait3A_157 : memref<10240x64xf32, #tpu.memory_space<vmem_shared>>)
    %dma_wait3A_160 = arith.constant 5 : i32
    %dma_wait3A_161 = arith.constant 95 : i32
    %dma_wait3A_162 = arith.constant 5 : i32
    %dma_wait3A_163 = arith.constant 0 : i32
    %dma_wait3A_164 = arith.constant 0 : i32
    %dma_wait3A_165 = tpu.memref_slice %arg9[%dma_wait3A_160, %dma_wait3A_163, %dma_wait3A_164] : memref<10x100x64xf32, #tpu.memory_space<vmem>> -> memref<1x100x64xf32, #tpu.memory_space<vmem>>
    %dma_wait3A_166 = tpu.memref_squeeze %dma_wait3A_165 : memref<1x100x64xf32, #tpu.memory_space<vmem>> -> memref<100x64xf32, #tpu.memory_space<vmem>>
    %dma_wait3A_167 = arith.constant 0 : i32
    %dma_wait3A_168 = tpu.memref_slice %arg8[%dma_wait3A_161, %dma_wait3A_167] : memref<100x100xi32, #tpu.memory_space<vmem>> -> memref<1x100xi32, #tpu.memory_space<vmem>>
    %dma_wait3A_169 = tpu.memref_squeeze %dma_wait3A_168 : memref<1x100xi32, #tpu.memory_space<vmem>> -> memref<100xi32, #tpu.memory_space<vmem>>
    %dma_wait3A_170 = arith.constant 0 : i32
    %dma_wait3A_171 = arith.constant 0 : i32
    %dma_wait3A_172 = tpu.memref_slice %arg10[%dma_wait3A_170, %dma_wait3A_171] : memref<10240x64xf32, #tpu.memory_space<vmem_shared>> -> memref<10240x64xf32, #tpu.memory_space<vmem_shared>>
    %dma_wait3A_173 = tpu.memref_slice %arg12[%dma_wait3A_162] : memref<10x!tpu.dma_semaphore, #tpu.memory_space<semaphore_mem>> -> memref<1x!tpu.dma_semaphore, #tpu.memory_space<semaphore_mem>>
    %dma_wait3A_174 = tpu.memref_squeeze %dma_wait3A_173 : memref<1x!tpu.dma_semaphore, #tpu.memory_space<semaphore_mem>> -> memref<!tpu.dma_semaphore, #tpu.memory_space<semaphore_mem>>
    tpu.wait_indirect_dma semaphore(%dma_wait3A_174 : memref<!tpu.dma_semaphore, #tpu.memory_space<semaphore_mem>>) src(%dma_wait3A_166 : memref<100x64xf32, #tpu.memory_space<vmem>>) dst(%dma_wait3A_172 : memref<10240x64xf32, #tpu.memory_space<vmem_shared>>)
    %dma_wait3A_175 = arith.constant 6 : i32
    %dma_wait3A_176 = arith.constant 96 : i32
    %dma_wait3A_177 = arith.constant 6 : i32
    %dma_wait3A_178 = arith.constant 0 : i32
    %dma_wait3A_179 = arith.constant 0 : i32
    %dma_wait3A_180 = tpu.memref_slice %arg9[%dma_wait3A_175, %dma_wait3A_178, %dma_wait3A_179] : memref<10x100x64xf32, #tpu.memory_space<vmem>> -> memref<1x100x64xf32, #tpu.memory_space<vmem>>
    %dma_wait3A_181 = tpu.memref_squeeze %dma_wait3A_180 : memref<1x100x64xf32, #tpu.memory_space<vmem>> -> memref<100x64xf32, #tpu.memory_space<vmem>>
    %dma_wait3A_182 = arith.constant 0 : i32
    %dma_wait3A_183 = tpu.memref_slice %arg8[%dma_wait3A_176, %dma_wait3A_182] : memref<100x100xi32, #tpu.memory_space<vmem>> -> memref<1x100xi32, #tpu.memory_space<vmem>>
    %dma_wait3A_184 = tpu.memref_squeeze %dma_wait3A_183 : memref<1x100xi32, #tpu.memory_space<vmem>> -> memref<100xi32, #tpu.memory_space<vmem>>
    %dma_wait3A_185 = arith.constant 0 : i32
    %dma_wait3A_186 = arith.constant 0 : i32
    %dma_wait3A_187 = tpu.memref_slice %arg10[%dma_wait3A_185, %dma_wait3A_186] : memref<10240x64xf32, #tpu.memory_space<vmem_shared>> -> memref<10240x64xf32, #tpu.memory_space<vmem_shared>>
    %dma_wait3A_188 = tpu.memref_slice %arg12[%dma_wait3A_177] : memref<10x!tpu.dma_semaphore, #tpu.memory_space<semaphore_mem>> -> memref<1x!tpu.dma_semaphore, #tpu.memory_space<semaphore_mem>>
    %dma_wait3A_189 = tpu.memref_squeeze %dma_wait3A_188 : memref<1x!tpu.dma_semaphore, #tpu.memory_space<semaphore_mem>> -> memref<!tpu.dma_semaphore, #tpu.memory_space<semaphore_mem>>
    tpu.wait_indirect_dma semaphore(%dma_wait3A_189 : memref<!tpu.dma_semaphore, #tpu.memory_space<semaphore_mem>>) src(%dma_wait3A_181 : memref<100x64xf32, #tpu.memory_space<vmem>>) dst(%dma_wait3A_187 : memref<10240x64xf32, #tpu.memory_space<vmem_shared>>)
    %dma_wait3A_190 = arith.constant 7 : i32
    %dma_wait3A_191 = arith.constant 97 : i32
    %dma_wait3A_192 = arith.constant 7 : i32
    %dma_wait3A_193 = arith.constant 0 : i32
    %dma_wait3A_194 = arith.constant 0 : i32
    %dma_wait3A_195 = tpu.memref_slice %arg9[%dma_wait3A_190, %dma_wait3A_193, %dma_wait3A_194] : memref<10x100x64xf32, #tpu.memory_space<vmem>> -> memref<1x100x64xf32, #tpu.memory_space<vmem>>
    %dma_wait3A_196 = tpu.memref_squeeze %dma_wait3A_195 : memref<1x100x64xf32, #tpu.memory_space<vmem>> -> memref<100x64xf32, #tpu.memory_space<vmem>>
    %dma_wait3A_197 = arith.constant 0 : i32
    %dma_wait3A_198 = tpu.memref_slice %arg8[%dma_wait3A_191, %dma_wait3A_197] : memref<100x100xi32, #tpu.memory_space<vmem>> -> memref<1x100xi32, #tpu.memory_space<vmem>>
    %dma_wait3A_199 = tpu.memref_squeeze %dma_wait3A_198 : memref<1x100xi32, #tpu.memory_space<vmem>> -> memref<100xi32, #tpu.memory_space<vmem>>
    %dma_wait3A_200 = arith.constant 0 : i32
    %dma_wait3A_201 = arith.constant 0 : i32
    %dma_wait3A_202 = tpu.memref_slice %arg10[%dma_wait3A_200, %dma_wait3A_201] : memref<10240x64xf32, #tpu.memory_space<vmem_shared>> -> memref<10240x64xf32, #tpu.memory_space<vmem_shared>>
    %dma_wait3A_203 = tpu.memref_slice %arg12[%dma_wait3A_192] : memref<10x!tpu.dma_semaphore, #tpu.memory_space<semaphore_mem>> -> memref<1x!tpu.dma_semaphore, #tpu.memory_space<semaphore_mem>>
    %dma_wait3A_204 = tpu.memref_squeeze %dma_wait3A_203 : memref<1x!tpu.dma_semaphore, #tpu.memory_space<semaphore_mem>> -> memref<!tpu.dma_semaphore, #tpu.memory_space<semaphore_mem>>
    tpu.wait_indirect_dma semaphore(%dma_wait3A_204 : memref<!tpu.dma_semaphore, #tpu.memory_space<semaphore_mem>>) src(%dma_wait3A_196 : memref<100x64xf32, #tpu.memory_space<vmem>>) dst(%dma_wait3A_202 : memref<10240x64xf32, #tpu.memory_space<vmem_shared>>)
    %dma_wait3A_205 = arith.constant 8 : i32
    %dma_wait3A_206 = arith.constant 98 : i32
    %dma_wait3A_207 = arith.constant 8 : i32
    %dma_wait3A_208 = arith.constant 0 : i32
    %dma_wait3A_209 = arith.constant 0 : i32
    %dma_wait3A_210 = tpu.memref_slice %arg9[%dma_wait3A_205, %dma_wait3A_208, %dma_wait3A_209] : memref<10x100x64xf32, #tpu.memory_space<vmem>> -> memref<1x100x64xf32, #tpu.memory_space<vmem>>
    %dma_wait3A_211 = tpu.memref_squeeze %dma_wait3A_210 : memref<1x100x64xf32, #tpu.memory_space<vmem>> -> memref<100x64xf32, #tpu.memory_space<vmem>>
    %dma_wait3A_212 = arith.constant 0 : i32
    %dma_wait3A_213 = tpu.memref_slice %arg8[%dma_wait3A_206, %dma_wait3A_212] : memref<100x100xi32, #tpu.memory_space<vmem>> -> memref<1x100xi32, #tpu.memory_space<vmem>>
    %dma_wait3A_214 = tpu.memref_squeeze %dma_wait3A_213 : memref<1x100xi32, #tpu.memory_space<vmem>> -> memref<100xi32, #tpu.memory_space<vmem>>
    %dma_wait3A_215 = arith.constant 0 : i32
    %dma_wait3A_216 = arith.constant 0 : i32
    %dma_wait3A_217 = tpu.memref_slice %arg10[%dma_wait3A_215, %dma_wait3A_216] : memref<10240x64xf32, #tpu.memory_space<vmem_shared>> -> memref<10240x64xf32, #tpu.memory_space<vmem_shared>>
    %dma_wait3A_218 = tpu.memref_slice %arg12[%dma_wait3A_207] : memref<10x!tpu.dma_semaphore, #tpu.memory_space<semaphore_mem>> -> memref<1x!tpu.dma_semaphore, #tpu.memory_space<semaphore_mem>>
    %dma_wait3A_219 = tpu.memref_squeeze %dma_wait3A_218 : memref<1x!tpu.dma_semaphore, #tpu.memory_space<semaphore_mem>> -> memref<!tpu.dma_semaphore, #tpu.memory_space<semaphore_mem>>
    tpu.wait_indirect_dma semaphore(%dma_wait3A_219 : memref<!tpu.dma_semaphore, #tpu.memory_space<semaphore_mem>>) src(%dma_wait3A_211 : memref<100x64xf32, #tpu.memory_space<vmem>>) dst(%dma_wait3A_217 : memref<10240x64xf32, #tpu.memory_space<vmem_shared>>)
    %dma_wait3A_220 = arith.constant 9 : i32
    %dma_wait3A_221 = arith.constant 99 : i32
    %dma_wait3A_222 = arith.constant 9 : i32
    %dma_wait3A_223 = arith.constant 0 : i32
    %dma_wait3A_224 = arith.constant 0 : i32
    %dma_wait3A_225 = tpu.memref_slice %arg9[%dma_wait3A_220, %dma_wait3A_223, %dma_wait3A_224] : memref<10x100x64xf32, #tpu.memory_space<vmem>> -> memref<1x100x64xf32, #tpu.memory_space<vmem>>
    %dma_wait3A_226 = tpu.memref_squeeze %dma_wait3A_225 : memref<1x100x64xf32, #tpu.memory_space<vmem>> -> memref<100x64xf32, #tpu.memory_space<vmem>>
    %dma_wait3A_227 = arith.constant 0 : i32
    %dma_wait3A_228 = tpu.memref_slice %arg8[%dma_wait3A_221, %dma_wait3A_227] : memref<100x100xi32, #tpu.memory_space<vmem>> -> memref<1x100xi32, #tpu.memory_space<vmem>>
    %dma_wait3A_229 = tpu.memref_squeeze %dma_wait3A_228 : memref<1x100xi32, #tpu.memory_space<vmem>> -> memref<100xi32, #tpu.memory_space<vmem>>
    %dma_wait3A_230 = arith.constant 0 : i32
    %dma_wait3A_231 = arith.constant 0 : i32
    %dma_wait3A_232 = tpu.memref_slice %arg10[%dma_wait3A_230, %dma_wait3A_231] : memref<10240x64xf32, #tpu.memory_space<vmem_shared>> -> memref<10240x64xf32, #tpu.memory_space<vmem_shared>>
    %dma_wait3A_233 = tpu.memref_slice %arg12[%dma_wait3A_222] : memref<10x!tpu.dma_semaphore, #tpu.memory_space<semaphore_mem>> -> memref<1x!tpu.dma_semaphore, #tpu.memory_space<semaphore_mem>>
    %dma_wait3A_234 = tpu.memref_squeeze %dma_wait3A_233 : memref<1x!tpu.dma_semaphore, #tpu.memory_space<semaphore_mem>> -> memref<!tpu.dma_semaphore, #tpu.memory_space<semaphore_mem>>
    tpu.wait_indirect_dma semaphore(%dma_wait3A_234 : memref<!tpu.dma_semaphore, #tpu.memory_space<semaphore_mem>>) src(%dma_wait3A_226 : memref<100x64xf32, #tpu.memory_space<vmem>>) dst(%dma_wait3A_232 : memref<10240x64xf32, #tpu.memory_space<vmem_shared>>)
    %barrier3A_235 = arith.constant 0 : index
    tpu.barrier barrier_id(%barrier3A_235)
    "tpu.region"() ({
      %run_scoped3A = tpu.sem_alloc : memref<!tpu.dma_semaphore, #tpu.memory_space<semaphore_mem>>
      %dma_start3A_236 = arith.constant 0 : i32
      %dma_start3A_237 = tpu.memref_slice %arg6[%arg0, %mul3A_2, %dma_start3A_236] : memref<2x10240x64xf32, #tpu.memory_space<hbm>> -> memref<1x640x64xf32, #tpu.memory_space<hbm>>
      %dma_start3A_238 = tpu.memref_squeeze %dma_start3A_237 : memref<1x640x64xf32, #tpu.memory_space<hbm>> -> memref<640x64xf32, #tpu.memory_space<hbm>>
      %dma_start3A_239 = arith.constant 0 : i32
      %dma_start3A_240 = tpu.memref_slice %arg10[%mul3A_2, %dma_start3A_239] : memref<10240x64xf32, #tpu.memory_space<vmem_shared>> -> memref<640x64xf32, #tpu.memory_space<vmem_shared>>
      tpu.enqueue_dma source(%dma_start3A_240 : memref<640x64xf32, #tpu.memory_space<vmem_shared>>) target(%dma_start3A_238 : memref<640x64xf32, #tpu.memory_space<hbm>>) target_semaphore(%run_scoped3A : memref<!tpu.dma_semaphore, #tpu.memory_space<semaphore_mem>>)
      %dma_wait3A_241 = arith.constant 0 : i32
      %dma_wait3A_242 = tpu.memref_slice %arg6[%arg0, %mul3A_2, %dma_wait3A_241] : memref<2x10240x64xf32, #tpu.memory_space<hbm>> -> memref<1x640x64xf32, #tpu.memory_space<hbm>>
      %dma_wait3A_243 = tpu.memref_squeeze %dma_wait3A_242 : memref<1x640x64xf32, #tpu.memory_space<hbm>> -> memref<640x64xf32, #tpu.memory_space<hbm>>
      %dma_wait3A_244 = arith.constant 0 : i32
      %dma_wait3A_245 = tpu.memref_slice %arg10[%mul3A_2, %dma_wait3A_244] : memref<10240x64xf32, #tpu.memory_space<vmem_shared>> -> memref<640x64xf32, #tpu.memory_space<vmem_shared>>
      tpu.wait_dma2 semaphore(%run_scoped3A : memref<!tpu.dma_semaphore, #tpu.memory_space<semaphore_mem>>) src(%dma_wait3A_245 : memref<640x64xf32, #tpu.memory_space<vmem_shared>>) dst(%dma_wait3A_243 : memref<640x64xf32, #tpu.memory_space<hbm>>)
      tpu.yield
    }) : () -> ()
    return
  }
}

#map = affine_map<(d0, d1) -> (0, 0)>
#map1 = affine_map<(d0, d1) -> (0, 0, 0)>
module attributes {stable_mosaic.version = 14 : i64} {
  func.func @spmm(%arg0: i32, %arg1: i32, %arg2: memref<10240x16xf32, #tpu.memory_space<hbm>>, %arg3: memref<3200x100xi32, #tpu.memory_space<hbm>>, %arg4: memref<3200x100xi32, #tpu.memory_space<hbm>>, %arg5: memref<10240x16xf32, #tpu.memory_space<hbm>>, %arg6: memref<2x10240x16xf32, #tpu.memory_space<hbm>>, %arg7: memref<100x100xi32, #tpu.memory_space<vmem>>, %arg8: memref<100x100xi32, #tpu.memory_space<vmem>>, %arg9: memref<10x100x16xf32, #tpu.memory_space<vmem>>, %arg10: memref<10240x16xf32, #tpu.memory_space<vmem_shared>>, %arg11: memref<10x!tpu.dma_semaphore, #tpu.memory_space<semaphore_mem>>, %arg12: memref<10x!tpu.dma_semaphore, #tpu.memory_space<semaphore_mem>>) attributes {dimension_semantics = [#tpu.dimension_semantics<core_parallel>, #tpu.dimension_semantics<subcore_parallel>], iteration_bounds = array<i64: 2, 16>, scalar_prefetch = 0 : i64, scratch_operands = 6 : i64, tpu.core_type = #tpu.core_type<sc_vector_subcore>, window_params = [{transform_indices = #map}, {transform_indices = #map}, {transform_indices = #map}, {transform_indices = #map}, {transform_indices = #map1}]} {
    %mul3A = arith.constant 2 : i32
    %mul3A_0 = arith.muli %arg1, %mul3A : i32
    %add3A = arith.addi %mul3A_0, %arg0 : i32
    %mul3A_1 = arith.constant 640 : i32
    %mul3A_2 = arith.muli %arg1, %mul3A_1 : i32
    "tpu.region"() ({
      %run_scoped3A = tpu.sem_alloc : memref<!tpu.dma_semaphore, #tpu.memory_space<semaphore_mem>>
      %dma_start3A_236 = arith.constant 0 : i32
      %dma_start3A_237 = tpu.memref_slice %arg10[%mul3A_2, %dma_start3A_236] : memref<10240x16xf32, #tpu.memory_space<vmem_shared>> -> memref<640x16xf32, #tpu.memory_space<vmem_shared>>
      %dma_start3A_238 = arith.constant 0 : i32
      %dma_start3A_239 = tpu.memref_slice %arg5[%mul3A_2, %dma_start3A_238] : memref<10240x16xf32, #tpu.memory_space<hbm>> -> memref<640x16xf32, #tpu.memory_space<hbm>>
      tpu.enqueue_dma source(%dma_start3A_239 : memref<640x16xf32, #tpu.memory_space<hbm>>) target(%dma_start3A_237 : memref<640x16xf32, #tpu.memory_space<vmem_shared>>) target_semaphore(%run_scoped3A : memref<!tpu.dma_semaphore, #tpu.memory_space<semaphore_mem>>)
      %dma_wait3A_240 = arith.constant 0 : i32
      %dma_wait3A_241 = tpu.memref_slice %arg10[%mul3A_2, %dma_wait3A_240] : memref<10240x16xf32, #tpu.memory_space<vmem_shared>> -> memref<640x16xf32, #tpu.memory_space<vmem_shared>>
      %dma_wait3A_242 = arith.constant 0 : i32
      %dma_wait3A_243 = tpu.memref_slice %arg5[%mul3A_2, %dma_wait3A_242] : memref<10240x16xf32, #tpu.memory_space<hbm>> -> memref<640x16xf32, #tpu.memory_space<hbm>>
      tpu.wait_dma2 semaphore(%run_scoped3A : memref<!tpu.dma_semaphore, #tpu.memory_space<semaphore_mem>>) src(%dma_wait3A_243 : memref<640x16xf32, #tpu.memory_space<hbm>>) dst(%dma_wait3A_241 : memref<640x16xf32, #tpu.memory_space<vmem_shared>>)
      tpu.yield
    }) : () -> ()
    %mul3A_3 = arith.constant 100 : i32
    %mul3A_4 = arith.muli %add3A, %mul3A_3 : i32
    "tpu.region"() ({
      %run_scoped3A = tpu.sem_alloc : memref<!tpu.dma_semaphore, #tpu.memory_space<semaphore_mem>>
      %dma_start3A_236 = arith.constant 0 : i32
      %dma_start3A_237 = tpu.memref_slice %arg3[%mul3A_4, %dma_start3A_236] : memref<3200x100xi32, #tpu.memory_space<hbm>> -> memref<100x100xi32, #tpu.memory_space<hbm>>
      %dma_start3A_238 = arith.constant 0 : i32
      %dma_start3A_239 = tpu.memref_slice %arg3[%mul3A_4, %dma_start3A_238] : memref<3200x100xi32, #tpu.memory_space<hbm>> -> memref<100x100xi32, #tpu.memory_space<hbm>>
      tpu.enqueue_dma source(%dma_start3A_239 : memref<100x100xi32, #tpu.memory_space<hbm>>) target(%arg7 : memref<100x100xi32, #tpu.memory_space<vmem>>) target_semaphore(%run_scoped3A : memref<!tpu.dma_semaphore, #tpu.memory_space<semaphore_mem>>)
      %dma_wait3A_240 = arith.constant 0 : i32
      %dma_wait3A_241 = tpu.memref_slice %arg3[%mul3A_4, %dma_wait3A_240] : memref<3200x100xi32, #tpu.memory_space<hbm>> -> memref<100x100xi32, #tpu.memory_space<hbm>>
      %dma_wait3A_242 = arith.constant 0 : i32
      %dma_wait3A_243 = tpu.memref_slice %arg3[%mul3A_4, %dma_wait3A_242] : memref<3200x100xi32, #tpu.memory_space<hbm>> -> memref<100x100xi32, #tpu.memory_space<hbm>>
      tpu.wait_dma2 semaphore(%run_scoped3A : memref<!tpu.dma_semaphore, #tpu.memory_space<semaphore_mem>>) src(%dma_wait3A_243 : memref<100x100xi32, #tpu.memory_space<hbm>>) dst(%arg7 : memref<100x100xi32, #tpu.memory_space<vmem>>)
      tpu.yield
    }) : () -> ()
    %mul3A_5 = arith.constant 100 : i32
    %mul3A_6 = arith.muli %add3A, %mul3A_5 : i32
    "tpu.region"() ({
      %run_scoped3A = tpu.sem_alloc : memref<!tpu.dma_semaphore, #tpu.memory_space<semaphore_mem>>
      %dma_start3A_236 = arith.constant 0 : i32
      %dma_start3A_237 = tpu.memref_slice %arg4[%mul3A_6, %dma_start3A_236] : memref<3200x100xi32, #tpu.memory_space<hbm>> -> memref<100x100xi32, #tpu.memory_space<hbm>>
      %dma_start3A_238 = arith.constant 0 : i32
      %dma_start3A_239 = tpu.memref_slice %arg4[%mul3A_6, %dma_start3A_238] : memref<3200x100xi32, #tpu.memory_space<hbm>> -> memref<100x100xi32, #tpu.memory_space<hbm>>
      tpu.enqueue_dma source(%dma_start3A_239 : memref<100x100xi32, #tpu.memory_space<hbm>>) target(%arg8 : memref<100x100xi32, #tpu.memory_space<vmem>>) target_semaphore(%run_scoped3A : memref<!tpu.dma_semaphore, #tpu.memory_space<semaphore_mem>>)
      %dma_wait3A_240 = arith.constant 0 : i32
      %dma_wait3A_241 = tpu.memref_slice %arg4[%mul3A_6, %dma_wait3A_240] : memref<3200x100xi32, #tpu.memory_space<hbm>> -> memref<100x100xi32, #tpu.memory_space<hbm>>
      %dma_wait3A_242 = arith.constant 0 : i32
      %dma_wait3A_243 = tpu.memref_slice %arg4[%mul3A_6, %dma_wait3A_242] : memref<3200x100xi32, #tpu.memory_space<hbm>> -> memref<100x100xi32, #tpu.memory_space<hbm>>
      tpu.wait_dma2 semaphore(%run_scoped3A : memref<!tpu.dma_semaphore, #tpu.memory_space<semaphore_mem>>) src(%dma_wait3A_243 : memref<100x100xi32, #tpu.memory_space<hbm>>) dst(%arg8 : memref<100x100xi32, #tpu.memory_space<vmem>>)
      tpu.yield
    }) : () -> ()
    %barrier3A = arith.constant 0 : index
    tpu.barrier barrier_id(%barrier3A)
    %dma_start3A = arith.constant 0 : i32
    %dma_start3A_7 = arith.constant 0 : i32
    %dma_start3A_8 = arith.constant 0 : i32
    %dma_start3A_9 = arith.constant 0 : i32
    %dma_start3A_10 = arith.constant 0 : i32
    %dma_start3A_11 = tpu.memref_slice %arg9[%dma_start3A_7, %dma_start3A_9, %dma_start3A_10] : memref<10x100x16xf32, #tpu.memory_space<vmem>> -> memref<1x100x16xf32, #tpu.memory_space<vmem>>
    %dma_start3A_12 = tpu.memref_squeeze %dma_start3A_11 : memref<1x100x16xf32, #tpu.memory_space<vmem>> -> memref<100x16xf32, #tpu.memory_space<vmem>>
    %dma_start3A_13 = arith.constant 0 : i32
    %dma_start3A_14 = tpu.memref_slice %arg7[%dma_start3A, %dma_start3A_13] : memref<100x100xi32, #tpu.memory_space<vmem>> -> memref<1x100xi32, #tpu.memory_space<vmem>>
    %dma_start3A_15 = tpu.memref_squeeze %dma_start3A_14 : memref<1x100xi32, #tpu.memory_space<vmem>> -> memref<100xi32, #tpu.memory_space<vmem>>
    %dma_start3A_16 = arith.constant 0 : i32
    %dma_start3A_17 = arith.constant 0 : i32
    %dma_start3A_18 = tpu.memref_slice %arg2[%dma_start3A_16, %dma_start3A_17] : memref<10240x16xf32, #tpu.memory_space<hbm>> -> memref<10240x16xf32, #tpu.memory_space<hbm>>
    %dma_start3A_19 = tpu.memref_slice %arg11[%dma_start3A_8] : memref<10x!tpu.dma_semaphore, #tpu.memory_space<semaphore_mem>> -> memref<1x!tpu.dma_semaphore, #tpu.memory_space<semaphore_mem>>
    %dma_start3A_20 = tpu.memref_squeeze %dma_start3A_19 : memref<1x!tpu.dma_semaphore, #tpu.memory_space<semaphore_mem>> -> memref<!tpu.dma_semaphore, #tpu.memory_space<semaphore_mem>>
    tpu.enqueue_indirect_dma source(%dma_start3A_18 : memref<10240x16xf32, #tpu.memory_space<hbm>>) target(%dma_start3A_12 : memref<100x16xf32, #tpu.memory_space<vmem>>) offsets(%dma_start3A_15 : memref<100xi32, #tpu.memory_space<vmem>>) semaphore(%dma_start3A_20 : memref<!tpu.dma_semaphore, #tpu.memory_space<semaphore_mem>>)
    %dma_start3A_21 = arith.constant 1 : i32
    %dma_start3A_22 = arith.constant 1 : i32
    %dma_start3A_23 = arith.constant 1 : i32
    %dma_start3A_24 = arith.constant 0 : i32
    %dma_start3A_25 = arith.constant 0 : i32
    %dma_start3A_26 = tpu.memref_slice %arg9[%dma_start3A_22, %dma_start3A_24, %dma_start3A_25] : memref<10x100x16xf32, #tpu.memory_space<vmem>> -> memref<1x100x16xf32, #tpu.memory_space<vmem>>
    %dma_start3A_27 = tpu.memref_squeeze %dma_start3A_26 : memref<1x100x16xf32, #tpu.memory_space<vmem>> -> memref<100x16xf32, #tpu.memory_space<vmem>>
    %dma_start3A_28 = arith.constant 0 : i32
    %dma_start3A_29 = tpu.memref_slice %arg7[%dma_start3A_21, %dma_start3A_28] : memref<100x100xi32, #tpu.memory_space<vmem>> -> memref<1x100xi32, #tpu.memory_space<vmem>>
    %dma_start3A_30 = tpu.memref_squeeze %dma_start3A_29 : memref<1x100xi32, #tpu.memory_space<vmem>> -> memref<100xi32, #tpu.memory_space<vmem>>
    %dma_start3A_31 = arith.constant 0 : i32
    %dma_start3A_32 = arith.constant 0 : i32
    %dma_start3A_33 = tpu.memref_slice %arg2[%dma_start3A_31, %dma_start3A_32] : memref<10240x16xf32, #tpu.memory_space<hbm>> -> memref<10240x16xf32, #tpu.memory_space<hbm>>
    %dma_start3A_34 = tpu.memref_slice %arg11[%dma_start3A_23] : memref<10x!tpu.dma_semaphore, #tpu.memory_space<semaphore_mem>> -> memref<1x!tpu.dma_semaphore, #tpu.memory_space<semaphore_mem>>
    %dma_start3A_35 = tpu.memref_squeeze %dma_start3A_34 : memref<1x!tpu.dma_semaphore, #tpu.memory_space<semaphore_mem>> -> memref<!tpu.dma_semaphore, #tpu.memory_space<semaphore_mem>>
    tpu.enqueue_indirect_dma source(%dma_start3A_33 : memref<10240x16xf32, #tpu.memory_space<hbm>>) target(%dma_start3A_27 : memref<100x16xf32, #tpu.memory_space<vmem>>) offsets(%dma_start3A_30 : memref<100xi32, #tpu.memory_space<vmem>>) semaphore(%dma_start3A_35 : memref<!tpu.dma_semaphore, #tpu.memory_space<semaphore_mem>>)
    %dma_start3A_36 = arith.constant 2 : i32
    %dma_start3A_37 = arith.constant 2 : i32
    %dma_start3A_38 = arith.constant 2 : i32
    %dma_start3A_39 = arith.constant 0 : i32
    %dma_start3A_40 = arith.constant 0 : i32
    %dma_start3A_41 = tpu.memref_slice %arg9[%dma_start3A_37, %dma_start3A_39, %dma_start3A_40] : memref<10x100x16xf32, #tpu.memory_space<vmem>> -> memref<1x100x16xf32, #tpu.memory_space<vmem>>
    %dma_start3A_42 = tpu.memref_squeeze %dma_start3A_41 : memref<1x100x16xf32, #tpu.memory_space<vmem>> -> memref<100x16xf32, #tpu.memory_space<vmem>>
    %dma_start3A_43 = arith.constant 0 : i32
    %dma_start3A_44 = tpu.memref_slice %arg7[%dma_start3A_36, %dma_start3A_43] : memref<100x100xi32, #tpu.memory_space<vmem>> -> memref<1x100xi32, #tpu.memory_space<vmem>>
    %dma_start3A_45 = tpu.memref_squeeze %dma_start3A_44 : memref<1x100xi32, #tpu.memory_space<vmem>> -> memref<100xi32, #tpu.memory_space<vmem>>
    %dma_start3A_46 = arith.constant 0 : i32
    %dma_start3A_47 = arith.constant 0 : i32
    %dma_start3A_48 = tpu.memref_slice %arg2[%dma_start3A_46, %dma_start3A_47] : memref<10240x16xf32, #tpu.memory_space<hbm>> -> memref<10240x16xf32, #tpu.memory_space<hbm>>
    %dma_start3A_49 = tpu.memref_slice %arg11[%dma_start3A_38] : memref<10x!tpu.dma_semaphore, #tpu.memory_space<semaphore_mem>> -> memref<1x!tpu.dma_semaphore, #tpu.memory_space<semaphore_mem>>
    %dma_start3A_50 = tpu.memref_squeeze %dma_start3A_49 : memref<1x!tpu.dma_semaphore, #tpu.memory_space<semaphore_mem>> -> memref<!tpu.dma_semaphore, #tpu.memory_space<semaphore_mem>>
    tpu.enqueue_indirect_dma source(%dma_start3A_48 : memref<10240x16xf32, #tpu.memory_space<hbm>>) target(%dma_start3A_42 : memref<100x16xf32, #tpu.memory_space<vmem>>) offsets(%dma_start3A_45 : memref<100xi32, #tpu.memory_space<vmem>>) semaphore(%dma_start3A_50 : memref<!tpu.dma_semaphore, #tpu.memory_space<semaphore_mem>>)
    %dma_start3A_51 = arith.constant 3 : i32
    %dma_start3A_52 = arith.constant 3 : i32
    %dma_start3A_53 = arith.constant 3 : i32
    %dma_start3A_54 = arith.constant 0 : i32
    %dma_start3A_55 = arith.constant 0 : i32
    %dma_start3A_56 = tpu.memref_slice %arg9[%dma_start3A_52, %dma_start3A_54, %dma_start3A_55] : memref<10x100x16xf32, #tpu.memory_space<vmem>> -> memref<1x100x16xf32, #tpu.memory_space<vmem>>
    %dma_start3A_57 = tpu.memref_squeeze %dma_start3A_56 : memref<1x100x16xf32, #tpu.memory_space<vmem>> -> memref<100x16xf32, #tpu.memory_space<vmem>>
    %dma_start3A_58 = arith.constant 0 : i32
    %dma_start3A_59 = tpu.memref_slice %arg7[%dma_start3A_51, %dma_start3A_58] : memref<100x100xi32, #tpu.memory_space<vmem>> -> memref<1x100xi32, #tpu.memory_space<vmem>>
    %dma_start3A_60 = tpu.memref_squeeze %dma_start3A_59 : memref<1x100xi32, #tpu.memory_space<vmem>> -> memref<100xi32, #tpu.memory_space<vmem>>
    %dma_start3A_61 = arith.constant 0 : i32
    %dma_start3A_62 = arith.constant 0 : i32
    %dma_start3A_63 = tpu.memref_slice %arg2[%dma_start3A_61, %dma_start3A_62] : memref<10240x16xf32, #tpu.memory_space<hbm>> -> memref<10240x16xf32, #tpu.memory_space<hbm>>
    %dma_start3A_64 = tpu.memref_slice %arg11[%dma_start3A_53] : memref<10x!tpu.dma_semaphore, #tpu.memory_space<semaphore_mem>> -> memref<1x!tpu.dma_semaphore, #tpu.memory_space<semaphore_mem>>
    %dma_start3A_65 = tpu.memref_squeeze %dma_start3A_64 : memref<1x!tpu.dma_semaphore, #tpu.memory_space<semaphore_mem>> -> memref<!tpu.dma_semaphore, #tpu.memory_space<semaphore_mem>>
    tpu.enqueue_indirect_dma source(%dma_start3A_63 : memref<10240x16xf32, #tpu.memory_space<hbm>>) target(%dma_start3A_57 : memref<100x16xf32, #tpu.memory_space<vmem>>) offsets(%dma_start3A_60 : memref<100xi32, #tpu.memory_space<vmem>>) semaphore(%dma_start3A_65 : memref<!tpu.dma_semaphore, #tpu.memory_space<semaphore_mem>>)
    %dma_start3A_66 = arith.constant 4 : i32
    %dma_start3A_67 = arith.constant 4 : i32
    %dma_start3A_68 = arith.constant 4 : i32
    %dma_start3A_69 = arith.constant 0 : i32
    %dma_start3A_70 = arith.constant 0 : i32
    %dma_start3A_71 = tpu.memref_slice %arg9[%dma_start3A_67, %dma_start3A_69, %dma_start3A_70] : memref<10x100x16xf32, #tpu.memory_space<vmem>> -> memref<1x100x16xf32, #tpu.memory_space<vmem>>
    %dma_start3A_72 = tpu.memref_squeeze %dma_start3A_71 : memref<1x100x16xf32, #tpu.memory_space<vmem>> -> memref<100x16xf32, #tpu.memory_space<vmem>>
    %dma_start3A_73 = arith.constant 0 : i32
    %dma_start3A_74 = tpu.memref_slice %arg7[%dma_start3A_66, %dma_start3A_73] : memref<100x100xi32, #tpu.memory_space<vmem>> -> memref<1x100xi32, #tpu.memory_space<vmem>>
    %dma_start3A_75 = tpu.memref_squeeze %dma_start3A_74 : memref<1x100xi32, #tpu.memory_space<vmem>> -> memref<100xi32, #tpu.memory_space<vmem>>
    %dma_start3A_76 = arith.constant 0 : i32
    %dma_start3A_77 = arith.constant 0 : i32
    %dma_start3A_78 = tpu.memref_slice %arg2[%dma_start3A_76, %dma_start3A_77] : memref<10240x16xf32, #tpu.memory_space<hbm>> -> memref<10240x16xf32, #tpu.memory_space<hbm>>
    %dma_start3A_79 = tpu.memref_slice %arg11[%dma_start3A_68] : memref<10x!tpu.dma_semaphore, #tpu.memory_space<semaphore_mem>> -> memref<1x!tpu.dma_semaphore, #tpu.memory_space<semaphore_mem>>
    %dma_start3A_80 = tpu.memref_squeeze %dma_start3A_79 : memref<1x!tpu.dma_semaphore, #tpu.memory_space<semaphore_mem>> -> memref<!tpu.dma_semaphore, #tpu.memory_space<semaphore_mem>>
    tpu.enqueue_indirect_dma source(%dma_start3A_78 : memref<10240x16xf32, #tpu.memory_space<hbm>>) target(%dma_start3A_72 : memref<100x16xf32, #tpu.memory_space<vmem>>) offsets(%dma_start3A_75 : memref<100xi32, #tpu.memory_space<vmem>>) semaphore(%dma_start3A_80 : memref<!tpu.dma_semaphore, #tpu.memory_space<semaphore_mem>>)
    %scan3A = arith.constant 0 : i32
    %scan3A_81 = arith.constant 0 : i32
    %scan3A_82 = arith.constant 10 : i32
    %scan3A_83 = arith.addi %scan3A_81, %scan3A_82 : i32
    %scan3A_84 = arith.constant 1 : i32
    scf.for %scan3A_236 = %scan3A_81 to %scan3A_83 step %scan3A_84  : i32 {
      %mul3A_237 = arith.constant 10 : i32
      %mul3A_238 = arith.muli %scan3A_236, %mul3A_237 : i32
      %add3A_239 = arith.constant 0 : i32
      %add3A_240 = arith.addi %mul3A_238, %add3A_239 : i32
      %add3A_241 = arith.constant 5 : i32
      %add3A_242 = arith.addi %add3A_240, %add3A_241 : i32
      %lt3A = arith.constant 100 : i32
      %lt3A_243 = arith.cmpi slt, %add3A_242, %lt3A : i32
      %convert_element_type3A = arith.extui %lt3A_243 : i1 to i32
      %cond3A = arith.constant 0 : i32
      %cond3A_244 = arith.cmpi ne, %convert_element_type3A, %cond3A : i32
      scf.if %cond3A_244 {
        %add3A_624 = arith.constant 5 : i32
        %add3A_625 = arith.addi %add3A_240, %add3A_624 : i32
        %ge3A = arith.constant 10 : i32
        %ge3A_626 = arith.cmpi sge, %add3A_625, %ge3A : i32
        %convert_element_type3A_627 = arith.extui %ge3A_626 : i1 to i32
        %cond3A_628 = arith.constant 0 : i32
        %cond3A_629 = arith.cmpi ne, %convert_element_type3A_627, %cond3A_628 : i32
        scf.if %cond3A_629 {
          %add3A_646 = arith.constant 5 : i32
          %add3A_647 = arith.addi %add3A_240, %add3A_646 : i32
          %sub3A = arith.constant 10 : i32
          %sub3A_648 = arith.subi %add3A_647, %sub3A : i32
          %dma_wait3A_649 = arith.constant 5 : i32
          %dma_wait3A_650 = arith.constant 5 : i32
          %dma_wait3A_651 = arith.constant 0 : i32
          %dma_wait3A_652 = arith.constant 0 : i32
          %dma_wait3A_653 = tpu.memref_slice %arg9[%dma_wait3A_649, %dma_wait3A_651, %dma_wait3A_652] : memref<10x100x16xf32, #tpu.memory_space<vmem>> -> memref<1x100x16xf32, #tpu.memory_space<vmem>>
          %dma_wait3A_654 = tpu.memref_squeeze %dma_wait3A_653 : memref<1x100x16xf32, #tpu.memory_space<vmem>> -> memref<100x16xf32, #tpu.memory_space<vmem>>
          %dma_wait3A_655 = arith.constant 0 : i32
          %dma_wait3A_656 = tpu.memref_slice %arg8[%sub3A_648, %dma_wait3A_655] : memref<100x100xi32, #tpu.memory_space<vmem>> -> memref<1x100xi32, #tpu.memory_space<vmem>>
          %dma_wait3A_657 = tpu.memref_squeeze %dma_wait3A_656 : memref<1x100xi32, #tpu.memory_space<vmem>> -> memref<100xi32, #tpu.memory_space<vmem>>
          %dma_wait3A_658 = arith.constant 0 : i32
          %dma_wait3A_659 = arith.constant 0 : i32
          %dma_wait3A_660 = tpu.memref_slice %arg10[%dma_wait3A_658, %dma_wait3A_659] : memref<10240x16xf32, #tpu.memory_space<vmem_shared>> -> memref<10240x16xf32, #tpu.memory_space<vmem_shared>>
          %dma_wait3A_661 = tpu.memref_slice %arg12[%dma_wait3A_650] : memref<10x!tpu.dma_semaphore, #tpu.memory_space<semaphore_mem>> -> memref<1x!tpu.dma_semaphore, #tpu.memory_space<semaphore_mem>>
          %dma_wait3A_662 = tpu.memref_squeeze %dma_wait3A_661 : memref<1x!tpu.dma_semaphore, #tpu.memory_space<semaphore_mem>> -> memref<!tpu.dma_semaphore, #tpu.memory_space<semaphore_mem>>
          tpu.wait_indirect_dma semaphore(%dma_wait3A_662 : memref<!tpu.dma_semaphore, #tpu.memory_space<semaphore_mem>>) src(%dma_wait3A_654 : memref<100x16xf32, #tpu.memory_space<vmem>>) dst(%dma_wait3A_660 : memref<10240x16xf32, #tpu.memory_space<vmem_shared>>)
        } else {
        }
        %add3A_630 = arith.constant 5 : i32
        %add3A_631 = arith.addi %add3A_240, %add3A_630 : i32
        %dma_start3A_632 = arith.constant 5 : i32
        %dma_start3A_633 = arith.constant 5 : i32
        %dma_start3A_634 = arith.constant 0 : i32
        %dma_start3A_635 = arith.constant 0 : i32
        %dma_start3A_636 = tpu.memref_slice %arg9[%dma_start3A_632, %dma_start3A_634, %dma_start3A_635] : memref<10x100x16xf32, #tpu.memory_space<vmem>> -> memref<1x100x16xf32, #tpu.memory_space<vmem>>
        %dma_start3A_637 = tpu.memref_squeeze %dma_start3A_636 : memref<1x100x16xf32, #tpu.memory_space<vmem>> -> memref<100x16xf32, #tpu.memory_space<vmem>>
        %dma_start3A_638 = arith.constant 0 : i32
        %dma_start3A_639 = tpu.memref_slice %arg7[%add3A_631, %dma_start3A_638] : memref<100x100xi32, #tpu.memory_space<vmem>> -> memref<1x100xi32, #tpu.memory_space<vmem>>
        %dma_start3A_640 = tpu.memref_squeeze %dma_start3A_639 : memref<1x100xi32, #tpu.memory_space<vmem>> -> memref<100xi32, #tpu.memory_space<vmem>>
        %dma_start3A_641 = arith.constant 0 : i32
        %dma_start3A_642 = arith.constant 0 : i32
        %dma_start3A_643 = tpu.memref_slice %arg2[%dma_start3A_641, %dma_start3A_642] : memref<10240x16xf32, #tpu.memory_space<hbm>> -> memref<10240x16xf32, #tpu.memory_space<hbm>>
        %dma_start3A_644 = tpu.memref_slice %arg11[%dma_start3A_633] : memref<10x!tpu.dma_semaphore, #tpu.memory_space<semaphore_mem>> -> memref<1x!tpu.dma_semaphore, #tpu.memory_space<semaphore_mem>>
        %dma_start3A_645 = tpu.memref_squeeze %dma_start3A_644 : memref<1x!tpu.dma_semaphore, #tpu.memory_space<semaphore_mem>> -> memref<!tpu.dma_semaphore, #tpu.memory_space<semaphore_mem>>
        tpu.enqueue_indirect_dma source(%dma_start3A_643 : memref<10240x16xf32, #tpu.memory_space<hbm>>) target(%dma_start3A_637 : memref<100x16xf32, #tpu.memory_space<vmem>>) offsets(%dma_start3A_640 : memref<100xi32, #tpu.memory_space<vmem>>) semaphore(%dma_start3A_645 : memref<!tpu.dma_semaphore, #tpu.memory_space<semaphore_mem>>)
      } else {
      }
      %dma_wait3A_245 = arith.constant 0 : i32
      %dma_wait3A_246 = arith.constant 0 : i32
      %dma_wait3A_247 = arith.constant 0 : i32
      %dma_wait3A_248 = arith.constant 0 : i32
      %dma_wait3A_249 = tpu.memref_slice %arg9[%dma_wait3A_245, %dma_wait3A_247, %dma_wait3A_248] : memref<10x100x16xf32, #tpu.memory_space<vmem>> -> memref<1x100x16xf32, #tpu.memory_space<vmem>>
      %dma_wait3A_250 = tpu.memref_squeeze %dma_wait3A_249 : memref<1x100x16xf32, #tpu.memory_space<vmem>> -> memref<100x16xf32, #tpu.memory_space<vmem>>
      %dma_wait3A_251 = arith.constant 0 : i32
      %dma_wait3A_252 = tpu.memref_slice %arg7[%add3A_240, %dma_wait3A_251] : memref<100x100xi32, #tpu.memory_space<vmem>> -> memref<1x100xi32, #tpu.memory_space<vmem>>
      %dma_wait3A_253 = tpu.memref_squeeze %dma_wait3A_252 : memref<1x100xi32, #tpu.memory_space<vmem>> -> memref<100xi32, #tpu.memory_space<vmem>>
      %dma_wait3A_254 = arith.constant 0 : i32
      %dma_wait3A_255 = arith.constant 0 : i32
      %dma_wait3A_256 = tpu.memref_slice %arg2[%dma_wait3A_254, %dma_wait3A_255] : memref<10240x16xf32, #tpu.memory_space<hbm>> -> memref<10240x16xf32, #tpu.memory_space<hbm>>
      %dma_wait3A_257 = tpu.memref_slice %arg11[%dma_wait3A_246] : memref<10x!tpu.dma_semaphore, #tpu.memory_space<semaphore_mem>> -> memref<1x!tpu.dma_semaphore, #tpu.memory_space<semaphore_mem>>
      %dma_wait3A_258 = tpu.memref_squeeze %dma_wait3A_257 : memref<1x!tpu.dma_semaphore, #tpu.memory_space<semaphore_mem>> -> memref<!tpu.dma_semaphore, #tpu.memory_space<semaphore_mem>>
      tpu.wait_indirect_dma semaphore(%dma_wait3A_258 : memref<!tpu.dma_semaphore, #tpu.memory_space<semaphore_mem>>) src(%dma_wait3A_256 : memref<10240x16xf32, #tpu.memory_space<hbm>>) dst(%dma_wait3A_250 : memref<100x16xf32, #tpu.memory_space<vmem>>)
      %dma_start3A_259 = arith.constant 0 : i32
      %dma_start3A_260 = arith.constant 0 : i32
      %dma_start3A_261 = arith.constant 0 : i32
      %dma_start3A_262 = arith.constant 0 : i32
      %dma_start3A_263 = tpu.memref_slice %arg9[%dma_start3A_259, %dma_start3A_261, %dma_start3A_262] : memref<10x100x16xf32, #tpu.memory_space<vmem>> -> memref<1x100x16xf32, #tpu.memory_space<vmem>>
      %dma_start3A_264 = tpu.memref_squeeze %dma_start3A_263 : memref<1x100x16xf32, #tpu.memory_space<vmem>> -> memref<100x16xf32, #tpu.memory_space<vmem>>
      %dma_start3A_265 = arith.constant 0 : i32
      %dma_start3A_266 = tpu.memref_slice %arg8[%add3A_240, %dma_start3A_265] : memref<100x100xi32, #tpu.memory_space<vmem>> -> memref<1x100xi32, #tpu.memory_space<vmem>>
      %dma_start3A_267 = tpu.memref_squeeze %dma_start3A_266 : memref<1x100xi32, #tpu.memory_space<vmem>> -> memref<100xi32, #tpu.memory_space<vmem>>
      %dma_start3A_268 = arith.constant 0 : i32
      %dma_start3A_269 = arith.constant 0 : i32
      %dma_start3A_270 = tpu.memref_slice %arg10[%dma_start3A_268, %dma_start3A_269] : memref<10240x16xf32, #tpu.memory_space<vmem_shared>> -> memref<10240x16xf32, #tpu.memory_space<vmem_shared>>
      %dma_start3A_271 = tpu.memref_slice %arg12[%dma_start3A_260] : memref<10x!tpu.dma_semaphore, #tpu.memory_space<semaphore_mem>> -> memref<1x!tpu.dma_semaphore, #tpu.memory_space<semaphore_mem>>
      %dma_start3A_272 = tpu.memref_squeeze %dma_start3A_271 : memref<1x!tpu.dma_semaphore, #tpu.memory_space<semaphore_mem>> -> memref<!tpu.dma_semaphore, #tpu.memory_space<semaphore_mem>>
      tpu.enqueue_indirect_dma source(%dma_start3A_264 : memref<100x16xf32, #tpu.memory_space<vmem>>) target(%dma_start3A_270 : memref<10240x16xf32, #tpu.memory_space<vmem_shared>>) offsets(%dma_start3A_267 : memref<100xi32, #tpu.memory_space<vmem>>) semaphore(%dma_start3A_272 : memref<!tpu.dma_semaphore, #tpu.memory_space<semaphore_mem>>) {add = true}
      %mul3A_273 = arith.constant 10 : i32
      %mul3A_274 = arith.muli %scan3A_236, %mul3A_273 : i32
      %add3A_275 = arith.constant 1 : i32
      %add3A_276 = arith.addi %mul3A_274, %add3A_275 : i32
      %add3A_277 = arith.constant 5 : i32
      %add3A_278 = arith.addi %add3A_276, %add3A_277 : i32
      %lt3A_279 = arith.constant 100 : i32
      %lt3A_280 = arith.cmpi slt, %add3A_278, %lt3A_279 : i32
      %convert_element_type3A_281 = arith.extui %lt3A_280 : i1 to i32
      %cond3A_282 = arith.constant 0 : i32
      %cond3A_283 = arith.cmpi ne, %convert_element_type3A_281, %cond3A_282 : i32
      scf.if %cond3A_283 {
        %add3A_624 = arith.constant 5 : i32
        %add3A_625 = arith.addi %add3A_276, %add3A_624 : i32
        %ge3A = arith.constant 10 : i32
        %ge3A_626 = arith.cmpi sge, %add3A_625, %ge3A : i32
        %convert_element_type3A_627 = arith.extui %ge3A_626 : i1 to i32
        %cond3A_628 = arith.constant 0 : i32
        %cond3A_629 = arith.cmpi ne, %convert_element_type3A_627, %cond3A_628 : i32
        scf.if %cond3A_629 {
          %add3A_646 = arith.constant 5 : i32
          %add3A_647 = arith.addi %add3A_276, %add3A_646 : i32
          %sub3A = arith.constant 10 : i32
          %sub3A_648 = arith.subi %add3A_647, %sub3A : i32
          %dma_wait3A_649 = arith.constant 6 : i32
          %dma_wait3A_650 = arith.constant 6 : i32
          %dma_wait3A_651 = arith.constant 0 : i32
          %dma_wait3A_652 = arith.constant 0 : i32
          %dma_wait3A_653 = tpu.memref_slice %arg9[%dma_wait3A_649, %dma_wait3A_651, %dma_wait3A_652] : memref<10x100x16xf32, #tpu.memory_space<vmem>> -> memref<1x100x16xf32, #tpu.memory_space<vmem>>
          %dma_wait3A_654 = tpu.memref_squeeze %dma_wait3A_653 : memref<1x100x16xf32, #tpu.memory_space<vmem>> -> memref<100x16xf32, #tpu.memory_space<vmem>>
          %dma_wait3A_655 = arith.constant 0 : i32
          %dma_wait3A_656 = tpu.memref_slice %arg8[%sub3A_648, %dma_wait3A_655] : memref<100x100xi32, #tpu.memory_space<vmem>> -> memref<1x100xi32, #tpu.memory_space<vmem>>
          %dma_wait3A_657 = tpu.memref_squeeze %dma_wait3A_656 : memref<1x100xi32, #tpu.memory_space<vmem>> -> memref<100xi32, #tpu.memory_space<vmem>>
          %dma_wait3A_658 = arith.constant 0 : i32
          %dma_wait3A_659 = arith.constant 0 : i32
          %dma_wait3A_660 = tpu.memref_slice %arg10[%dma_wait3A_658, %dma_wait3A_659] : memref<10240x16xf32, #tpu.memory_space<vmem_shared>> -> memref<10240x16xf32, #tpu.memory_space<vmem_shared>>
          %dma_wait3A_661 = tpu.memref_slice %arg12[%dma_wait3A_650] : memref<10x!tpu.dma_semaphore, #tpu.memory_space<semaphore_mem>> -> memref<1x!tpu.dma_semaphore, #tpu.memory_space<semaphore_mem>>
          %dma_wait3A_662 = tpu.memref_squeeze %dma_wait3A_661 : memref<1x!tpu.dma_semaphore, #tpu.memory_space<semaphore_mem>> -> memref<!tpu.dma_semaphore, #tpu.memory_space<semaphore_mem>>
          tpu.wait_indirect_dma semaphore(%dma_wait3A_662 : memref<!tpu.dma_semaphore, #tpu.memory_space<semaphore_mem>>) src(%dma_wait3A_654 : memref<100x16xf32, #tpu.memory_space<vmem>>) dst(%dma_wait3A_660 : memref<10240x16xf32, #tpu.memory_space<vmem_shared>>)
        } else {
        }
        %add3A_630 = arith.constant 5 : i32
        %add3A_631 = arith.addi %add3A_276, %add3A_630 : i32
        %dma_start3A_632 = arith.constant 6 : i32
        %dma_start3A_633 = arith.constant 6 : i32
        %dma_start3A_634 = arith.constant 0 : i32
        %dma_start3A_635 = arith.constant 0 : i32
        %dma_start3A_636 = tpu.memref_slice %arg9[%dma_start3A_632, %dma_start3A_634, %dma_start3A_635] : memref<10x100x16xf32, #tpu.memory_space<vmem>> -> memref<1x100x16xf32, #tpu.memory_space<vmem>>
        %dma_start3A_637 = tpu.memref_squeeze %dma_start3A_636 : memref<1x100x16xf32, #tpu.memory_space<vmem>> -> memref<100x16xf32, #tpu.memory_space<vmem>>
        %dma_start3A_638 = arith.constant 0 : i32
        %dma_start3A_639 = tpu.memref_slice %arg7[%add3A_631, %dma_start3A_638] : memref<100x100xi32, #tpu.memory_space<vmem>> -> memref<1x100xi32, #tpu.memory_space<vmem>>
        %dma_start3A_640 = tpu.memref_squeeze %dma_start3A_639 : memref<1x100xi32, #tpu.memory_space<vmem>> -> memref<100xi32, #tpu.memory_space<vmem>>
        %dma_start3A_641 = arith.constant 0 : i32
        %dma_start3A_642 = arith.constant 0 : i32
        %dma_start3A_643 = tpu.memref_slice %arg2[%dma_start3A_641, %dma_start3A_642] : memref<10240x16xf32, #tpu.memory_space<hbm>> -> memref<10240x16xf32, #tpu.memory_space<hbm>>
        %dma_start3A_644 = tpu.memref_slice %arg11[%dma_start3A_633] : memref<10x!tpu.dma_semaphore, #tpu.memory_space<semaphore_mem>> -> memref<1x!tpu.dma_semaphore, #tpu.memory_space<semaphore_mem>>
        %dma_start3A_645 = tpu.memref_squeeze %dma_start3A_644 : memref<1x!tpu.dma_semaphore, #tpu.memory_space<semaphore_mem>> -> memref<!tpu.dma_semaphore, #tpu.memory_space<semaphore_mem>>
        tpu.enqueue_indirect_dma source(%dma_start3A_643 : memref<10240x16xf32, #tpu.memory_space<hbm>>) target(%dma_start3A_637 : memref<100x16xf32, #tpu.memory_space<vmem>>) offsets(%dma_start3A_640 : memref<100xi32, #tpu.memory_space<vmem>>) semaphore(%dma_start3A_645 : memref<!tpu.dma_semaphore, #tpu.memory_space<semaphore_mem>>)
      } else {
      }
      %dma_wait3A_284 = arith.constant 1 : i32
      %dma_wait3A_285 = arith.constant 1 : i32
      %dma_wait3A_286 = arith.constant 0 : i32
      %dma_wait3A_287 = arith.constant 0 : i32
      %dma_wait3A_288 = tpu.memref_slice %arg9[%dma_wait3A_284, %dma_wait3A_286, %dma_wait3A_287] : memref<10x100x16xf32, #tpu.memory_space<vmem>> -> memref<1x100x16xf32, #tpu.memory_space<vmem>>
      %dma_wait3A_289 = tpu.memref_squeeze %dma_wait3A_288 : memref<1x100x16xf32, #tpu.memory_space<vmem>> -> memref<100x16xf32, #tpu.memory_space<vmem>>
      %dma_wait3A_290 = arith.constant 0 : i32
      %dma_wait3A_291 = tpu.memref_slice %arg7[%add3A_276, %dma_wait3A_290] : memref<100x100xi32, #tpu.memory_space<vmem>> -> memref<1x100xi32, #tpu.memory_space<vmem>>
      %dma_wait3A_292 = tpu.memref_squeeze %dma_wait3A_291 : memref<1x100xi32, #tpu.memory_space<vmem>> -> memref<100xi32, #tpu.memory_space<vmem>>
      %dma_wait3A_293 = arith.constant 0 : i32
      %dma_wait3A_294 = arith.constant 0 : i32
      %dma_wait3A_295 = tpu.memref_slice %arg2[%dma_wait3A_293, %dma_wait3A_294] : memref<10240x16xf32, #tpu.memory_space<hbm>> -> memref<10240x16xf32, #tpu.memory_space<hbm>>
      %dma_wait3A_296 = tpu.memref_slice %arg11[%dma_wait3A_285] : memref<10x!tpu.dma_semaphore, #tpu.memory_space<semaphore_mem>> -> memref<1x!tpu.dma_semaphore, #tpu.memory_space<semaphore_mem>>
      %dma_wait3A_297 = tpu.memref_squeeze %dma_wait3A_296 : memref<1x!tpu.dma_semaphore, #tpu.memory_space<semaphore_mem>> -> memref<!tpu.dma_semaphore, #tpu.memory_space<semaphore_mem>>
      tpu.wait_indirect_dma semaphore(%dma_wait3A_297 : memref<!tpu.dma_semaphore, #tpu.memory_space<semaphore_mem>>) src(%dma_wait3A_295 : memref<10240x16xf32, #tpu.memory_space<hbm>>) dst(%dma_wait3A_289 : memref<100x16xf32, #tpu.memory_space<vmem>>)
      %dma_start3A_298 = arith.constant 1 : i32
      %dma_start3A_299 = arith.constant 1 : i32
      %dma_start3A_300 = arith.constant 0 : i32
      %dma_start3A_301 = arith.constant 0 : i32
      %dma_start3A_302 = tpu.memref_slice %arg9[%dma_start3A_298, %dma_start3A_300, %dma_start3A_301] : memref<10x100x16xf32, #tpu.memory_space<vmem>> -> memref<1x100x16xf32, #tpu.memory_space<vmem>>
      %dma_start3A_303 = tpu.memref_squeeze %dma_start3A_302 : memref<1x100x16xf32, #tpu.memory_space<vmem>> -> memref<100x16xf32, #tpu.memory_space<vmem>>
      %dma_start3A_304 = arith.constant 0 : i32
      %dma_start3A_305 = tpu.memref_slice %arg8[%add3A_276, %dma_start3A_304] : memref<100x100xi32, #tpu.memory_space<vmem>> -> memref<1x100xi32, #tpu.memory_space<vmem>>
      %dma_start3A_306 = tpu.memref_squeeze %dma_start3A_305 : memref<1x100xi32, #tpu.memory_space<vmem>> -> memref<100xi32, #tpu.memory_space<vmem>>
      %dma_start3A_307 = arith.constant 0 : i32
      %dma_start3A_308 = arith.constant 0 : i32
      %dma_start3A_309 = tpu.memref_slice %arg10[%dma_start3A_307, %dma_start3A_308] : memref<10240x16xf32, #tpu.memory_space<vmem_shared>> -> memref<10240x16xf32, #tpu.memory_space<vmem_shared>>
      %dma_start3A_310 = tpu.memref_slice %arg12[%dma_start3A_299] : memref<10x!tpu.dma_semaphore, #tpu.memory_space<semaphore_mem>> -> memref<1x!tpu.dma_semaphore, #tpu.memory_space<semaphore_mem>>
      %dma_start3A_311 = tpu.memref_squeeze %dma_start3A_310 : memref<1x!tpu.dma_semaphore, #tpu.memory_space<semaphore_mem>> -> memref<!tpu.dma_semaphore, #tpu.memory_space<semaphore_mem>>
      tpu.enqueue_indirect_dma source(%dma_start3A_303 : memref<100x16xf32, #tpu.memory_space<vmem>>) target(%dma_start3A_309 : memref<10240x16xf32, #tpu.memory_space<vmem_shared>>) offsets(%dma_start3A_306 : memref<100xi32, #tpu.memory_space<vmem>>) semaphore(%dma_start3A_311 : memref<!tpu.dma_semaphore, #tpu.memory_space<semaphore_mem>>) {add = true}
      %mul3A_312 = arith.constant 10 : i32
      %mul3A_313 = arith.muli %scan3A_236, %mul3A_312 : i32
      %add3A_314 = arith.constant 2 : i32
      %add3A_315 = arith.addi %mul3A_313, %add3A_314 : i32
      %add3A_316 = arith.constant 5 : i32
      %add3A_317 = arith.addi %add3A_315, %add3A_316 : i32
      %lt3A_318 = arith.constant 100 : i32
      %lt3A_319 = arith.cmpi slt, %add3A_317, %lt3A_318 : i32
      %convert_element_type3A_320 = arith.extui %lt3A_319 : i1 to i32
      %cond3A_321 = arith.constant 0 : i32
      %cond3A_322 = arith.cmpi ne, %convert_element_type3A_320, %cond3A_321 : i32
      scf.if %cond3A_322 {
        %add3A_624 = arith.constant 5 : i32
        %add3A_625 = arith.addi %add3A_315, %add3A_624 : i32
        %ge3A = arith.constant 10 : i32
        %ge3A_626 = arith.cmpi sge, %add3A_625, %ge3A : i32
        %convert_element_type3A_627 = arith.extui %ge3A_626 : i1 to i32
        %cond3A_628 = arith.constant 0 : i32
        %cond3A_629 = arith.cmpi ne, %convert_element_type3A_627, %cond3A_628 : i32
        scf.if %cond3A_629 {
          %add3A_646 = arith.constant 5 : i32
          %add3A_647 = arith.addi %add3A_315, %add3A_646 : i32
          %sub3A = arith.constant 10 : i32
          %sub3A_648 = arith.subi %add3A_647, %sub3A : i32
          %dma_wait3A_649 = arith.constant 7 : i32
          %dma_wait3A_650 = arith.constant 7 : i32
          %dma_wait3A_651 = arith.constant 0 : i32
          %dma_wait3A_652 = arith.constant 0 : i32
          %dma_wait3A_653 = tpu.memref_slice %arg9[%dma_wait3A_649, %dma_wait3A_651, %dma_wait3A_652] : memref<10x100x16xf32, #tpu.memory_space<vmem>> -> memref<1x100x16xf32, #tpu.memory_space<vmem>>
          %dma_wait3A_654 = tpu.memref_squeeze %dma_wait3A_653 : memref<1x100x16xf32, #tpu.memory_space<vmem>> -> memref<100x16xf32, #tpu.memory_space<vmem>>
          %dma_wait3A_655 = arith.constant 0 : i32
          %dma_wait3A_656 = tpu.memref_slice %arg8[%sub3A_648, %dma_wait3A_655] : memref<100x100xi32, #tpu.memory_space<vmem>> -> memref<1x100xi32, #tpu.memory_space<vmem>>
          %dma_wait3A_657 = tpu.memref_squeeze %dma_wait3A_656 : memref<1x100xi32, #tpu.memory_space<vmem>> -> memref<100xi32, #tpu.memory_space<vmem>>
          %dma_wait3A_658 = arith.constant 0 : i32
          %dma_wait3A_659 = arith.constant 0 : i32
          %dma_wait3A_660 = tpu.memref_slice %arg10[%dma_wait3A_658, %dma_wait3A_659] : memref<10240x16xf32, #tpu.memory_space<vmem_shared>> -> memref<10240x16xf32, #tpu.memory_space<vmem_shared>>
          %dma_wait3A_661 = tpu.memref_slice %arg12[%dma_wait3A_650] : memref<10x!tpu.dma_semaphore, #tpu.memory_space<semaphore_mem>> -> memref<1x!tpu.dma_semaphore, #tpu.memory_space<semaphore_mem>>
          %dma_wait3A_662 = tpu.memref_squeeze %dma_wait3A_661 : memref<1x!tpu.dma_semaphore, #tpu.memory_space<semaphore_mem>> -> memref<!tpu.dma_semaphore, #tpu.memory_space<semaphore_mem>>
          tpu.wait_indirect_dma semaphore(%dma_wait3A_662 : memref<!tpu.dma_semaphore, #tpu.memory_space<semaphore_mem>>) src(%dma_wait3A_654 : memref<100x16xf32, #tpu.memory_space<vmem>>) dst(%dma_wait3A_660 : memref<10240x16xf32, #tpu.memory_space<vmem_shared>>)
        } else {
        }
        %add3A_630 = arith.constant 5 : i32
        %add3A_631 = arith.addi %add3A_315, %add3A_630 : i32
        %dma_start3A_632 = arith.constant 7 : i32
        %dma_start3A_633 = arith.constant 7 : i32
        %dma_start3A_634 = arith.constant 0 : i32
        %dma_start3A_635 = arith.constant 0 : i32
        %dma_start3A_636 = tpu.memref_slice %arg9[%dma_start3A_632, %dma_start3A_634, %dma_start3A_635] : memref<10x100x16xf32, #tpu.memory_space<vmem>> -> memref<1x100x16xf32, #tpu.memory_space<vmem>>
        %dma_start3A_637 = tpu.memref_squeeze %dma_start3A_636 : memref<1x100x16xf32, #tpu.memory_space<vmem>> -> memref<100x16xf32, #tpu.memory_space<vmem>>
        %dma_start3A_638 = arith.constant 0 : i32
        %dma_start3A_639 = tpu.memref_slice %arg7[%add3A_631, %dma_start3A_638] : memref<100x100xi32, #tpu.memory_space<vmem>> -> memref<1x100xi32, #tpu.memory_space<vmem>>
        %dma_start3A_640 = tpu.memref_squeeze %dma_start3A_639 : memref<1x100xi32, #tpu.memory_space<vmem>> -> memref<100xi32, #tpu.memory_space<vmem>>
        %dma_start3A_641 = arith.constant 0 : i32
        %dma_start3A_642 = arith.constant 0 : i32
        %dma_start3A_643 = tpu.memref_slice %arg2[%dma_start3A_641, %dma_start3A_642] : memref<10240x16xf32, #tpu.memory_space<hbm>> -> memref<10240x16xf32, #tpu.memory_space<hbm>>
        %dma_start3A_644 = tpu.memref_slice %arg11[%dma_start3A_633] : memref<10x!tpu.dma_semaphore, #tpu.memory_space<semaphore_mem>> -> memref<1x!tpu.dma_semaphore, #tpu.memory_space<semaphore_mem>>
        %dma_start3A_645 = tpu.memref_squeeze %dma_start3A_644 : memref<1x!tpu.dma_semaphore, #tpu.memory_space<semaphore_mem>> -> memref<!tpu.dma_semaphore, #tpu.memory_space<semaphore_mem>>
        tpu.enqueue_indirect_dma source(%dma_start3A_643 : memref<10240x16xf32, #tpu.memory_space<hbm>>) target(%dma_start3A_637 : memref<100x16xf32, #tpu.memory_space<vmem>>) offsets(%dma_start3A_640 : memref<100xi32, #tpu.memory_space<vmem>>) semaphore(%dma_start3A_645 : memref<!tpu.dma_semaphore, #tpu.memory_space<semaphore_mem>>)
      } else {
      }
      %dma_wait3A_323 = arith.constant 2 : i32
      %dma_wait3A_324 = arith.constant 2 : i32
      %dma_wait3A_325 = arith.constant 0 : i32
      %dma_wait3A_326 = arith.constant 0 : i32
      %dma_wait3A_327 = tpu.memref_slice %arg9[%dma_wait3A_323, %dma_wait3A_325, %dma_wait3A_326] : memref<10x100x16xf32, #tpu.memory_space<vmem>> -> memref<1x100x16xf32, #tpu.memory_space<vmem>>
      %dma_wait3A_328 = tpu.memref_squeeze %dma_wait3A_327 : memref<1x100x16xf32, #tpu.memory_space<vmem>> -> memref<100x16xf32, #tpu.memory_space<vmem>>
      %dma_wait3A_329 = arith.constant 0 : i32
      %dma_wait3A_330 = tpu.memref_slice %arg7[%add3A_315, %dma_wait3A_329] : memref<100x100xi32, #tpu.memory_space<vmem>> -> memref<1x100xi32, #tpu.memory_space<vmem>>
      %dma_wait3A_331 = tpu.memref_squeeze %dma_wait3A_330 : memref<1x100xi32, #tpu.memory_space<vmem>> -> memref<100xi32, #tpu.memory_space<vmem>>
      %dma_wait3A_332 = arith.constant 0 : i32
      %dma_wait3A_333 = arith.constant 0 : i32
      %dma_wait3A_334 = tpu.memref_slice %arg2[%dma_wait3A_332, %dma_wait3A_333] : memref<10240x16xf32, #tpu.memory_space<hbm>> -> memref<10240x16xf32, #tpu.memory_space<hbm>>
      %dma_wait3A_335 = tpu.memref_slice %arg11[%dma_wait3A_324] : memref<10x!tpu.dma_semaphore, #tpu.memory_space<semaphore_mem>> -> memref<1x!tpu.dma_semaphore, #tpu.memory_space<semaphore_mem>>
      %dma_wait3A_336 = tpu.memref_squeeze %dma_wait3A_335 : memref<1x!tpu.dma_semaphore, #tpu.memory_space<semaphore_mem>> -> memref<!tpu.dma_semaphore, #tpu.memory_space<semaphore_mem>>
      tpu.wait_indirect_dma semaphore(%dma_wait3A_336 : memref<!tpu.dma_semaphore, #tpu.memory_space<semaphore_mem>>) src(%dma_wait3A_334 : memref<10240x16xf32, #tpu.memory_space<hbm>>) dst(%dma_wait3A_328 : memref<100x16xf32, #tpu.memory_space<vmem>>)
      %dma_start3A_337 = arith.constant 2 : i32
      %dma_start3A_338 = arith.constant 2 : i32
      %dma_start3A_339 = arith.constant 0 : i32
      %dma_start3A_340 = arith.constant 0 : i32
      %dma_start3A_341 = tpu.memref_slice %arg9[%dma_start3A_337, %dma_start3A_339, %dma_start3A_340] : memref<10x100x16xf32, #tpu.memory_space<vmem>> -> memref<1x100x16xf32, #tpu.memory_space<vmem>>
      %dma_start3A_342 = tpu.memref_squeeze %dma_start3A_341 : memref<1x100x16xf32, #tpu.memory_space<vmem>> -> memref<100x16xf32, #tpu.memory_space<vmem>>
      %dma_start3A_343 = arith.constant 0 : i32
      %dma_start3A_344 = tpu.memref_slice %arg8[%add3A_315, %dma_start3A_343] : memref<100x100xi32, #tpu.memory_space<vmem>> -> memref<1x100xi32, #tpu.memory_space<vmem>>
      %dma_start3A_345 = tpu.memref_squeeze %dma_start3A_344 : memref<1x100xi32, #tpu.memory_space<vmem>> -> memref<100xi32, #tpu.memory_space<vmem>>
      %dma_start3A_346 = arith.constant 0 : i32
      %dma_start3A_347 = arith.constant 0 : i32
      %dma_start3A_348 = tpu.memref_slice %arg10[%dma_start3A_346, %dma_start3A_347] : memref<10240x16xf32, #tpu.memory_space<vmem_shared>> -> memref<10240x16xf32, #tpu.memory_space<vmem_shared>>
      %dma_start3A_349 = tpu.memref_slice %arg12[%dma_start3A_338] : memref<10x!tpu.dma_semaphore, #tpu.memory_space<semaphore_mem>> -> memref<1x!tpu.dma_semaphore, #tpu.memory_space<semaphore_mem>>
      %dma_start3A_350 = tpu.memref_squeeze %dma_start3A_349 : memref<1x!tpu.dma_semaphore, #tpu.memory_space<semaphore_mem>> -> memref<!tpu.dma_semaphore, #tpu.memory_space<semaphore_mem>>
      tpu.enqueue_indirect_dma source(%dma_start3A_342 : memref<100x16xf32, #tpu.memory_space<vmem>>) target(%dma_start3A_348 : memref<10240x16xf32, #tpu.memory_space<vmem_shared>>) offsets(%dma_start3A_345 : memref<100xi32, #tpu.memory_space<vmem>>) semaphore(%dma_start3A_350 : memref<!tpu.dma_semaphore, #tpu.memory_space<semaphore_mem>>) {add = true}
      %mul3A_351 = arith.constant 10 : i32
      %mul3A_352 = arith.muli %scan3A_236, %mul3A_351 : i32
      %add3A_353 = arith.constant 3 : i32
      %add3A_354 = arith.addi %mul3A_352, %add3A_353 : i32
      %add3A_355 = arith.constant 5 : i32
      %add3A_356 = arith.addi %add3A_354, %add3A_355 : i32
      %lt3A_357 = arith.constant 100 : i32
      %lt3A_358 = arith.cmpi slt, %add3A_356, %lt3A_357 : i32
      %convert_element_type3A_359 = arith.extui %lt3A_358 : i1 to i32
      %cond3A_360 = arith.constant 0 : i32
      %cond3A_361 = arith.cmpi ne, %convert_element_type3A_359, %cond3A_360 : i32
      scf.if %cond3A_361 {
        %add3A_624 = arith.constant 5 : i32
        %add3A_625 = arith.addi %add3A_354, %add3A_624 : i32
        %ge3A = arith.constant 10 : i32
        %ge3A_626 = arith.cmpi sge, %add3A_625, %ge3A : i32
        %convert_element_type3A_627 = arith.extui %ge3A_626 : i1 to i32
        %cond3A_628 = arith.constant 0 : i32
        %cond3A_629 = arith.cmpi ne, %convert_element_type3A_627, %cond3A_628 : i32
        scf.if %cond3A_629 {
          %add3A_646 = arith.constant 5 : i32
          %add3A_647 = arith.addi %add3A_354, %add3A_646 : i32
          %sub3A = arith.constant 10 : i32
          %sub3A_648 = arith.subi %add3A_647, %sub3A : i32
          %dma_wait3A_649 = arith.constant 8 : i32
          %dma_wait3A_650 = arith.constant 8 : i32
          %dma_wait3A_651 = arith.constant 0 : i32
          %dma_wait3A_652 = arith.constant 0 : i32
          %dma_wait3A_653 = tpu.memref_slice %arg9[%dma_wait3A_649, %dma_wait3A_651, %dma_wait3A_652] : memref<10x100x16xf32, #tpu.memory_space<vmem>> -> memref<1x100x16xf32, #tpu.memory_space<vmem>>
          %dma_wait3A_654 = tpu.memref_squeeze %dma_wait3A_653 : memref<1x100x16xf32, #tpu.memory_space<vmem>> -> memref<100x16xf32, #tpu.memory_space<vmem>>
          %dma_wait3A_655 = arith.constant 0 : i32
          %dma_wait3A_656 = tpu.memref_slice %arg8[%sub3A_648, %dma_wait3A_655] : memref<100x100xi32, #tpu.memory_space<vmem>> -> memref<1x100xi32, #tpu.memory_space<vmem>>
          %dma_wait3A_657 = tpu.memref_squeeze %dma_wait3A_656 : memref<1x100xi32, #tpu.memory_space<vmem>> -> memref<100xi32, #tpu.memory_space<vmem>>
          %dma_wait3A_658 = arith.constant 0 : i32
          %dma_wait3A_659 = arith.constant 0 : i32
          %dma_wait3A_660 = tpu.memref_slice %arg10[%dma_wait3A_658, %dma_wait3A_659] : memref<10240x16xf32, #tpu.memory_space<vmem_shared>> -> memref<10240x16xf32, #tpu.memory_space<vmem_shared>>
          %dma_wait3A_661 = tpu.memref_slice %arg12[%dma_wait3A_650] : memref<10x!tpu.dma_semaphore, #tpu.memory_space<semaphore_mem>> -> memref<1x!tpu.dma_semaphore, #tpu.memory_space<semaphore_mem>>
          %dma_wait3A_662 = tpu.memref_squeeze %dma_wait3A_661 : memref<1x!tpu.dma_semaphore, #tpu.memory_space<semaphore_mem>> -> memref<!tpu.dma_semaphore, #tpu.memory_space<semaphore_mem>>
          tpu.wait_indirect_dma semaphore(%dma_wait3A_662 : memref<!tpu.dma_semaphore, #tpu.memory_space<semaphore_mem>>) src(%dma_wait3A_654 : memref<100x16xf32, #tpu.memory_space<vmem>>) dst(%dma_wait3A_660 : memref<10240x16xf32, #tpu.memory_space<vmem_shared>>)
        } else {
        }
        %add3A_630 = arith.constant 5 : i32
        %add3A_631 = arith.addi %add3A_354, %add3A_630 : i32
        %dma_start3A_632 = arith.constant 8 : i32
        %dma_start3A_633 = arith.constant 8 : i32
        %dma_start3A_634 = arith.constant 0 : i32
        %dma_start3A_635 = arith.constant 0 : i32
        %dma_start3A_636 = tpu.memref_slice %arg9[%dma_start3A_632, %dma_start3A_634, %dma_start3A_635] : memref<10x100x16xf32, #tpu.memory_space<vmem>> -> memref<1x100x16xf32, #tpu.memory_space<vmem>>
        %dma_start3A_637 = tpu.memref_squeeze %dma_start3A_636 : memref<1x100x16xf32, #tpu.memory_space<vmem>> -> memref<100x16xf32, #tpu.memory_space<vmem>>
        %dma_start3A_638 = arith.constant 0 : i32
        %dma_start3A_639 = tpu.memref_slice %arg7[%add3A_631, %dma_start3A_638] : memref<100x100xi32, #tpu.memory_space<vmem>> -> memref<1x100xi32, #tpu.memory_space<vmem>>
        %dma_start3A_640 = tpu.memref_squeeze %dma_start3A_639 : memref<1x100xi32, #tpu.memory_space<vmem>> -> memref<100xi32, #tpu.memory_space<vmem>>
        %dma_start3A_641 = arith.constant 0 : i32
        %dma_start3A_642 = arith.constant 0 : i32
        %dma_start3A_643 = tpu.memref_slice %arg2[%dma_start3A_641, %dma_start3A_642] : memref<10240x16xf32, #tpu.memory_space<hbm>> -> memref<10240x16xf32, #tpu.memory_space<hbm>>
        %dma_start3A_644 = tpu.memref_slice %arg11[%dma_start3A_633] : memref<10x!tpu.dma_semaphore, #tpu.memory_space<semaphore_mem>> -> memref<1x!tpu.dma_semaphore, #tpu.memory_space<semaphore_mem>>
        %dma_start3A_645 = tpu.memref_squeeze %dma_start3A_644 : memref<1x!tpu.dma_semaphore, #tpu.memory_space<semaphore_mem>> -> memref<!tpu.dma_semaphore, #tpu.memory_space<semaphore_mem>>
        tpu.enqueue_indirect_dma source(%dma_start3A_643 : memref<10240x16xf32, #tpu.memory_space<hbm>>) target(%dma_start3A_637 : memref<100x16xf32, #tpu.memory_space<vmem>>) offsets(%dma_start3A_640 : memref<100xi32, #tpu.memory_space<vmem>>) semaphore(%dma_start3A_645 : memref<!tpu.dma_semaphore, #tpu.memory_space<semaphore_mem>>)
      } else {
      }
      %dma_wait3A_362 = arith.constant 3 : i32
      %dma_wait3A_363 = arith.constant 3 : i32
      %dma_wait3A_364 = arith.constant 0 : i32
      %dma_wait3A_365 = arith.constant 0 : i32
      %dma_wait3A_366 = tpu.memref_slice %arg9[%dma_wait3A_362, %dma_wait3A_364, %dma_wait3A_365] : memref<10x100x16xf32, #tpu.memory_space<vmem>> -> memref<1x100x16xf32, #tpu.memory_space<vmem>>
      %dma_wait3A_367 = tpu.memref_squeeze %dma_wait3A_366 : memref<1x100x16xf32, #tpu.memory_space<vmem>> -> memref<100x16xf32, #tpu.memory_space<vmem>>
      %dma_wait3A_368 = arith.constant 0 : i32
      %dma_wait3A_369 = tpu.memref_slice %arg7[%add3A_354, %dma_wait3A_368] : memref<100x100xi32, #tpu.memory_space<vmem>> -> memref<1x100xi32, #tpu.memory_space<vmem>>
      %dma_wait3A_370 = tpu.memref_squeeze %dma_wait3A_369 : memref<1x100xi32, #tpu.memory_space<vmem>> -> memref<100xi32, #tpu.memory_space<vmem>>
      %dma_wait3A_371 = arith.constant 0 : i32
      %dma_wait3A_372 = arith.constant 0 : i32
      %dma_wait3A_373 = tpu.memref_slice %arg2[%dma_wait3A_371, %dma_wait3A_372] : memref<10240x16xf32, #tpu.memory_space<hbm>> -> memref<10240x16xf32, #tpu.memory_space<hbm>>
      %dma_wait3A_374 = tpu.memref_slice %arg11[%dma_wait3A_363] : memref<10x!tpu.dma_semaphore, #tpu.memory_space<semaphore_mem>> -> memref<1x!tpu.dma_semaphore, #tpu.memory_space<semaphore_mem>>
      %dma_wait3A_375 = tpu.memref_squeeze %dma_wait3A_374 : memref<1x!tpu.dma_semaphore, #tpu.memory_space<semaphore_mem>> -> memref<!tpu.dma_semaphore, #tpu.memory_space<semaphore_mem>>
      tpu.wait_indirect_dma semaphore(%dma_wait3A_375 : memref<!tpu.dma_semaphore, #tpu.memory_space<semaphore_mem>>) src(%dma_wait3A_373 : memref<10240x16xf32, #tpu.memory_space<hbm>>) dst(%dma_wait3A_367 : memref<100x16xf32, #tpu.memory_space<vmem>>)
      %dma_start3A_376 = arith.constant 3 : i32
      %dma_start3A_377 = arith.constant 3 : i32
      %dma_start3A_378 = arith.constant 0 : i32
      %dma_start3A_379 = arith.constant 0 : i32
      %dma_start3A_380 = tpu.memref_slice %arg9[%dma_start3A_376, %dma_start3A_378, %dma_start3A_379] : memref<10x100x16xf32, #tpu.memory_space<vmem>> -> memref<1x100x16xf32, #tpu.memory_space<vmem>>
      %dma_start3A_381 = tpu.memref_squeeze %dma_start3A_380 : memref<1x100x16xf32, #tpu.memory_space<vmem>> -> memref<100x16xf32, #tpu.memory_space<vmem>>
      %dma_start3A_382 = arith.constant 0 : i32
      %dma_start3A_383 = tpu.memref_slice %arg8[%add3A_354, %dma_start3A_382] : memref<100x100xi32, #tpu.memory_space<vmem>> -> memref<1x100xi32, #tpu.memory_space<vmem>>
      %dma_start3A_384 = tpu.memref_squeeze %dma_start3A_383 : memref<1x100xi32, #tpu.memory_space<vmem>> -> memref<100xi32, #tpu.memory_space<vmem>>
      %dma_start3A_385 = arith.constant 0 : i32
      %dma_start3A_386 = arith.constant 0 : i32
      %dma_start3A_387 = tpu.memref_slice %arg10[%dma_start3A_385, %dma_start3A_386] : memref<10240x16xf32, #tpu.memory_space<vmem_shared>> -> memref<10240x16xf32, #tpu.memory_space<vmem_shared>>
      %dma_start3A_388 = tpu.memref_slice %arg12[%dma_start3A_377] : memref<10x!tpu.dma_semaphore, #tpu.memory_space<semaphore_mem>> -> memref<1x!tpu.dma_semaphore, #tpu.memory_space<semaphore_mem>>
      %dma_start3A_389 = tpu.memref_squeeze %dma_start3A_388 : memref<1x!tpu.dma_semaphore, #tpu.memory_space<semaphore_mem>> -> memref<!tpu.dma_semaphore, #tpu.memory_space<semaphore_mem>>
      tpu.enqueue_indirect_dma source(%dma_start3A_381 : memref<100x16xf32, #tpu.memory_space<vmem>>) target(%dma_start3A_387 : memref<10240x16xf32, #tpu.memory_space<vmem_shared>>) offsets(%dma_start3A_384 : memref<100xi32, #tpu.memory_space<vmem>>) semaphore(%dma_start3A_389 : memref<!tpu.dma_semaphore, #tpu.memory_space<semaphore_mem>>) {add = true}
      %mul3A_390 = arith.constant 10 : i32
      %mul3A_391 = arith.muli %scan3A_236, %mul3A_390 : i32
      %add3A_392 = arith.constant 4 : i32
      %add3A_393 = arith.addi %mul3A_391, %add3A_392 : i32
      %add3A_394 = arith.constant 5 : i32
      %add3A_395 = arith.addi %add3A_393, %add3A_394 : i32
      %lt3A_396 = arith.constant 100 : i32
      %lt3A_397 = arith.cmpi slt, %add3A_395, %lt3A_396 : i32
      %convert_element_type3A_398 = arith.extui %lt3A_397 : i1 to i32
      %cond3A_399 = arith.constant 0 : i32
      %cond3A_400 = arith.cmpi ne, %convert_element_type3A_398, %cond3A_399 : i32
      scf.if %cond3A_400 {
        %add3A_624 = arith.constant 5 : i32
        %add3A_625 = arith.addi %add3A_393, %add3A_624 : i32
        %ge3A = arith.constant 10 : i32
        %ge3A_626 = arith.cmpi sge, %add3A_625, %ge3A : i32
        %convert_element_type3A_627 = arith.extui %ge3A_626 : i1 to i32
        %cond3A_628 = arith.constant 0 : i32
        %cond3A_629 = arith.cmpi ne, %convert_element_type3A_627, %cond3A_628 : i32
        scf.if %cond3A_629 {
          %add3A_646 = arith.constant 5 : i32
          %add3A_647 = arith.addi %add3A_393, %add3A_646 : i32
          %sub3A = arith.constant 10 : i32
          %sub3A_648 = arith.subi %add3A_647, %sub3A : i32
          %dma_wait3A_649 = arith.constant 9 : i32
          %dma_wait3A_650 = arith.constant 9 : i32
          %dma_wait3A_651 = arith.constant 0 : i32
          %dma_wait3A_652 = arith.constant 0 : i32
          %dma_wait3A_653 = tpu.memref_slice %arg9[%dma_wait3A_649, %dma_wait3A_651, %dma_wait3A_652] : memref<10x100x16xf32, #tpu.memory_space<vmem>> -> memref<1x100x16xf32, #tpu.memory_space<vmem>>
          %dma_wait3A_654 = tpu.memref_squeeze %dma_wait3A_653 : memref<1x100x16xf32, #tpu.memory_space<vmem>> -> memref<100x16xf32, #tpu.memory_space<vmem>>
          %dma_wait3A_655 = arith.constant 0 : i32
          %dma_wait3A_656 = tpu.memref_slice %arg8[%sub3A_648, %dma_wait3A_655] : memref<100x100xi32, #tpu.memory_space<vmem>> -> memref<1x100xi32, #tpu.memory_space<vmem>>
          %dma_wait3A_657 = tpu.memref_squeeze %dma_wait3A_656 : memref<1x100xi32, #tpu.memory_space<vmem>> -> memref<100xi32, #tpu.memory_space<vmem>>
          %dma_wait3A_658 = arith.constant 0 : i32
          %dma_wait3A_659 = arith.constant 0 : i32
          %dma_wait3A_660 = tpu.memref_slice %arg10[%dma_wait3A_658, %dma_wait3A_659] : memref<10240x16xf32, #tpu.memory_space<vmem_shared>> -> memref<10240x16xf32, #tpu.memory_space<vmem_shared>>
          %dma_wait3A_661 = tpu.memref_slice %arg12[%dma_wait3A_650] : memref<10x!tpu.dma_semaphore, #tpu.memory_space<semaphore_mem>> -> memref<1x!tpu.dma_semaphore, #tpu.memory_space<semaphore_mem>>
          %dma_wait3A_662 = tpu.memref_squeeze %dma_wait3A_661 : memref<1x!tpu.dma_semaphore, #tpu.memory_space<semaphore_mem>> -> memref<!tpu.dma_semaphore, #tpu.memory_space<semaphore_mem>>
          tpu.wait_indirect_dma semaphore(%dma_wait3A_662 : memref<!tpu.dma_semaphore, #tpu.memory_space<semaphore_mem>>) src(%dma_wait3A_654 : memref<100x16xf32, #tpu.memory_space<vmem>>) dst(%dma_wait3A_660 : memref<10240x16xf32, #tpu.memory_space<vmem_shared>>)
        } else {
        }
        %add3A_630 = arith.constant 5 : i32
        %add3A_631 = arith.addi %add3A_393, %add3A_630 : i32
        %dma_start3A_632 = arith.constant 9 : i32
        %dma_start3A_633 = arith.constant 9 : i32
        %dma_start3A_634 = arith.constant 0 : i32
        %dma_start3A_635 = arith.constant 0 : i32
        %dma_start3A_636 = tpu.memref_slice %arg9[%dma_start3A_632, %dma_start3A_634, %dma_start3A_635] : memref<10x100x16xf32, #tpu.memory_space<vmem>> -> memref<1x100x16xf32, #tpu.memory_space<vmem>>
        %dma_start3A_637 = tpu.memref_squeeze %dma_start3A_636 : memref<1x100x16xf32, #tpu.memory_space<vmem>> -> memref<100x16xf32, #tpu.memory_space<vmem>>
        %dma_start3A_638 = arith.constant 0 : i32
        %dma_start3A_639 = tpu.memref_slice %arg7[%add3A_631, %dma_start3A_638] : memref<100x100xi32, #tpu.memory_space<vmem>> -> memref<1x100xi32, #tpu.memory_space<vmem>>
        %dma_start3A_640 = tpu.memref_squeeze %dma_start3A_639 : memref<1x100xi32, #tpu.memory_space<vmem>> -> memref<100xi32, #tpu.memory_space<vmem>>
        %dma_start3A_641 = arith.constant 0 : i32
        %dma_start3A_642 = arith.constant 0 : i32
        %dma_start3A_643 = tpu.memref_slice %arg2[%dma_start3A_641, %dma_start3A_642] : memref<10240x16xf32, #tpu.memory_space<hbm>> -> memref<10240x16xf32, #tpu.memory_space<hbm>>
        %dma_start3A_644 = tpu.memref_slice %arg11[%dma_start3A_633] : memref<10x!tpu.dma_semaphore, #tpu.memory_space<semaphore_mem>> -> memref<1x!tpu.dma_semaphore, #tpu.memory_space<semaphore_mem>>
        %dma_start3A_645 = tpu.memref_squeeze %dma_start3A_644 : memref<1x!tpu.dma_semaphore, #tpu.memory_space<semaphore_mem>> -> memref<!tpu.dma_semaphore, #tpu.memory_space<semaphore_mem>>
        tpu.enqueue_indirect_dma source(%dma_start3A_643 : memref<10240x16xf32, #tpu.memory_space<hbm>>) target(%dma_start3A_637 : memref<100x16xf32, #tpu.memory_space<vmem>>) offsets(%dma_start3A_640 : memref<100xi32, #tpu.memory_space<vmem>>) semaphore(%dma_start3A_645 : memref<!tpu.dma_semaphore, #tpu.memory_space<semaphore_mem>>)
      } else {
      }
      %dma_wait3A_401 = arith.constant 4 : i32
      %dma_wait3A_402 = arith.constant 4 : i32
      %dma_wait3A_403 = arith.constant 0 : i32
      %dma_wait3A_404 = arith.constant 0 : i32
      %dma_wait3A_405 = tpu.memref_slice %arg9[%dma_wait3A_401, %dma_wait3A_403, %dma_wait3A_404] : memref<10x100x16xf32, #tpu.memory_space<vmem>> -> memref<1x100x16xf32, #tpu.memory_space<vmem>>
      %dma_wait3A_406 = tpu.memref_squeeze %dma_wait3A_405 : memref<1x100x16xf32, #tpu.memory_space<vmem>> -> memref<100x16xf32, #tpu.memory_space<vmem>>
      %dma_wait3A_407 = arith.constant 0 : i32
      %dma_wait3A_408 = tpu.memref_slice %arg7[%add3A_393, %dma_wait3A_407] : memref<100x100xi32, #tpu.memory_space<vmem>> -> memref<1x100xi32, #tpu.memory_space<vmem>>
      %dma_wait3A_409 = tpu.memref_squeeze %dma_wait3A_408 : memref<1x100xi32, #tpu.memory_space<vmem>> -> memref<100xi32, #tpu.memory_space<vmem>>
      %dma_wait3A_410 = arith.constant 0 : i32
      %dma_wait3A_411 = arith.constant 0 : i32
      %dma_wait3A_412 = tpu.memref_slice %arg2[%dma_wait3A_410, %dma_wait3A_411] : memref<10240x16xf32, #tpu.memory_space<hbm>> -> memref<10240x16xf32, #tpu.memory_space<hbm>>
      %dma_wait3A_413 = tpu.memref_slice %arg11[%dma_wait3A_402] : memref<10x!tpu.dma_semaphore, #tpu.memory_space<semaphore_mem>> -> memref<1x!tpu.dma_semaphore, #tpu.memory_space<semaphore_mem>>
      %dma_wait3A_414 = tpu.memref_squeeze %dma_wait3A_413 : memref<1x!tpu.dma_semaphore, #tpu.memory_space<semaphore_mem>> -> memref<!tpu.dma_semaphore, #tpu.memory_space<semaphore_mem>>
      tpu.wait_indirect_dma semaphore(%dma_wait3A_414 : memref<!tpu.dma_semaphore, #tpu.memory_space<semaphore_mem>>) src(%dma_wait3A_412 : memref<10240x16xf32, #tpu.memory_space<hbm>>) dst(%dma_wait3A_406 : memref<100x16xf32, #tpu.memory_space<vmem>>)
      %dma_start3A_415 = arith.constant 4 : i32
      %dma_start3A_416 = arith.constant 4 : i32
      %dma_start3A_417 = arith.constant 0 : i32
      %dma_start3A_418 = arith.constant 0 : i32
      %dma_start3A_419 = tpu.memref_slice %arg9[%dma_start3A_415, %dma_start3A_417, %dma_start3A_418] : memref<10x100x16xf32, #tpu.memory_space<vmem>> -> memref<1x100x16xf32, #tpu.memory_space<vmem>>
      %dma_start3A_420 = tpu.memref_squeeze %dma_start3A_419 : memref<1x100x16xf32, #tpu.memory_space<vmem>> -> memref<100x16xf32, #tpu.memory_space<vmem>>
      %dma_start3A_421 = arith.constant 0 : i32
      %dma_start3A_422 = tpu.memref_slice %arg8[%add3A_393, %dma_start3A_421] : memref<100x100xi32, #tpu.memory_space<vmem>> -> memref<1x100xi32, #tpu.memory_space<vmem>>
      %dma_start3A_423 = tpu.memref_squeeze %dma_start3A_422 : memref<1x100xi32, #tpu.memory_space<vmem>> -> memref<100xi32, #tpu.memory_space<vmem>>
      %dma_start3A_424 = arith.constant 0 : i32
      %dma_start3A_425 = arith.constant 0 : i32
      %dma_start3A_426 = tpu.memref_slice %arg10[%dma_start3A_424, %dma_start3A_425] : memref<10240x16xf32, #tpu.memory_space<vmem_shared>> -> memref<10240x16xf32, #tpu.memory_space<vmem_shared>>
      %dma_start3A_427 = tpu.memref_slice %arg12[%dma_start3A_416] : memref<10x!tpu.dma_semaphore, #tpu.memory_space<semaphore_mem>> -> memref<1x!tpu.dma_semaphore, #tpu.memory_space<semaphore_mem>>
      %dma_start3A_428 = tpu.memref_squeeze %dma_start3A_427 : memref<1x!tpu.dma_semaphore, #tpu.memory_space<semaphore_mem>> -> memref<!tpu.dma_semaphore, #tpu.memory_space<semaphore_mem>>
      tpu.enqueue_indirect_dma source(%dma_start3A_420 : memref<100x16xf32, #tpu.memory_space<vmem>>) target(%dma_start3A_426 : memref<10240x16xf32, #tpu.memory_space<vmem_shared>>) offsets(%dma_start3A_423 : memref<100xi32, #tpu.memory_space<vmem>>) semaphore(%dma_start3A_428 : memref<!tpu.dma_semaphore, #tpu.memory_space<semaphore_mem>>) {add = true}
      %mul3A_429 = arith.constant 10 : i32
      %mul3A_430 = arith.muli %scan3A_236, %mul3A_429 : i32
      %add3A_431 = arith.constant 5 : i32
      %add3A_432 = arith.addi %mul3A_430, %add3A_431 : i32
      %add3A_433 = arith.constant 5 : i32
      %add3A_434 = arith.addi %add3A_432, %add3A_433 : i32
      %lt3A_435 = arith.constant 100 : i32
      %lt3A_436 = arith.cmpi slt, %add3A_434, %lt3A_435 : i32
      %convert_element_type3A_437 = arith.extui %lt3A_436 : i1 to i32
      %cond3A_438 = arith.constant 0 : i32
      %cond3A_439 = arith.cmpi ne, %convert_element_type3A_437, %cond3A_438 : i32
      scf.if %cond3A_439 {
        %add3A_624 = arith.constant 5 : i32
        %add3A_625 = arith.addi %add3A_432, %add3A_624 : i32
        %ge3A = arith.constant 10 : i32
        %ge3A_626 = arith.cmpi sge, %add3A_625, %ge3A : i32
        %convert_element_type3A_627 = arith.extui %ge3A_626 : i1 to i32
        %cond3A_628 = arith.constant 0 : i32
        %cond3A_629 = arith.cmpi ne, %convert_element_type3A_627, %cond3A_628 : i32
        scf.if %cond3A_629 {
          %add3A_646 = arith.constant 5 : i32
          %add3A_647 = arith.addi %add3A_432, %add3A_646 : i32
          %sub3A = arith.constant 10 : i32
          %sub3A_648 = arith.subi %add3A_647, %sub3A : i32
          %dma_wait3A_649 = arith.constant 0 : i32
          %dma_wait3A_650 = arith.constant 0 : i32
          %dma_wait3A_651 = arith.constant 0 : i32
          %dma_wait3A_652 = arith.constant 0 : i32
          %dma_wait3A_653 = tpu.memref_slice %arg9[%dma_wait3A_649, %dma_wait3A_651, %dma_wait3A_652] : memref<10x100x16xf32, #tpu.memory_space<vmem>> -> memref<1x100x16xf32, #tpu.memory_space<vmem>>
          %dma_wait3A_654 = tpu.memref_squeeze %dma_wait3A_653 : memref<1x100x16xf32, #tpu.memory_space<vmem>> -> memref<100x16xf32, #tpu.memory_space<vmem>>
          %dma_wait3A_655 = arith.constant 0 : i32
          %dma_wait3A_656 = tpu.memref_slice %arg8[%sub3A_648, %dma_wait3A_655] : memref<100x100xi32, #tpu.memory_space<vmem>> -> memref<1x100xi32, #tpu.memory_space<vmem>>
          %dma_wait3A_657 = tpu.memref_squeeze %dma_wait3A_656 : memref<1x100xi32, #tpu.memory_space<vmem>> -> memref<100xi32, #tpu.memory_space<vmem>>
          %dma_wait3A_658 = arith.constant 0 : i32
          %dma_wait3A_659 = arith.constant 0 : i32
          %dma_wait3A_660 = tpu.memref_slice %arg10[%dma_wait3A_658, %dma_wait3A_659] : memref<10240x16xf32, #tpu.memory_space<vmem_shared>> -> memref<10240x16xf32, #tpu.memory_space<vmem_shared>>
          %dma_wait3A_661 = tpu.memref_slice %arg12[%dma_wait3A_650] : memref<10x!tpu.dma_semaphore, #tpu.memory_space<semaphore_mem>> -> memref<1x!tpu.dma_semaphore, #tpu.memory_space<semaphore_mem>>
          %dma_wait3A_662 = tpu.memref_squeeze %dma_wait3A_661 : memref<1x!tpu.dma_semaphore, #tpu.memory_space<semaphore_mem>> -> memref<!tpu.dma_semaphore, #tpu.memory_space<semaphore_mem>>
          tpu.wait_indirect_dma semaphore(%dma_wait3A_662 : memref<!tpu.dma_semaphore, #tpu.memory_space<semaphore_mem>>) src(%dma_wait3A_654 : memref<100x16xf32, #tpu.memory_space<vmem>>) dst(%dma_wait3A_660 : memref<10240x16xf32, #tpu.memory_space<vmem_shared>>)
        } else {
        }
        %add3A_630 = arith.constant 5 : i32
        %add3A_631 = arith.addi %add3A_432, %add3A_630 : i32
        %dma_start3A_632 = arith.constant 0 : i32
        %dma_start3A_633 = arith.constant 0 : i32
        %dma_start3A_634 = arith.constant 0 : i32
        %dma_start3A_635 = arith.constant 0 : i32
        %dma_start3A_636 = tpu.memref_slice %arg9[%dma_start3A_632, %dma_start3A_634, %dma_start3A_635] : memref<10x100x16xf32, #tpu.memory_space<vmem>> -> memref<1x100x16xf32, #tpu.memory_space<vmem>>
        %dma_start3A_637 = tpu.memref_squeeze %dma_start3A_636 : memref<1x100x16xf32, #tpu.memory_space<vmem>> -> memref<100x16xf32, #tpu.memory_space<vmem>>
        %dma_start3A_638 = arith.constant 0 : i32
        %dma_start3A_639 = tpu.memref_slice %arg7[%add3A_631, %dma_start3A_638] : memref<100x100xi32, #tpu.memory_space<vmem>> -> memref<1x100xi32, #tpu.memory_space<vmem>>
        %dma_start3A_640 = tpu.memref_squeeze %dma_start3A_639 : memref<1x100xi32, #tpu.memory_space<vmem>> -> memref<100xi32, #tpu.memory_space<vmem>>
        %dma_start3A_641 = arith.constant 0 : i32
        %dma_start3A_642 = arith.constant 0 : i32
        %dma_start3A_643 = tpu.memref_slice %arg2[%dma_start3A_641, %dma_start3A_642] : memref<10240x16xf32, #tpu.memory_space<hbm>> -> memref<10240x16xf32, #tpu.memory_space<hbm>>
        %dma_start3A_644 = tpu.memref_slice %arg11[%dma_start3A_633] : memref<10x!tpu.dma_semaphore, #tpu.memory_space<semaphore_mem>> -> memref<1x!tpu.dma_semaphore, #tpu.memory_space<semaphore_mem>>
        %dma_start3A_645 = tpu.memref_squeeze %dma_start3A_644 : memref<1x!tpu.dma_semaphore, #tpu.memory_space<semaphore_mem>> -> memref<!tpu.dma_semaphore, #tpu.memory_space<semaphore_mem>>
        tpu.enqueue_indirect_dma source(%dma_start3A_643 : memref<10240x16xf32, #tpu.memory_space<hbm>>) target(%dma_start3A_637 : memref<100x16xf32, #tpu.memory_space<vmem>>) offsets(%dma_start3A_640 : memref<100xi32, #tpu.memory_space<vmem>>) semaphore(%dma_start3A_645 : memref<!tpu.dma_semaphore, #tpu.memory_space<semaphore_mem>>)
      } else {
      }
      %dma_wait3A_440 = arith.constant 5 : i32
      %dma_wait3A_441 = arith.constant 5 : i32
      %dma_wait3A_442 = arith.constant 0 : i32
      %dma_wait3A_443 = arith.constant 0 : i32
      %dma_wait3A_444 = tpu.memref_slice %arg9[%dma_wait3A_440, %dma_wait3A_442, %dma_wait3A_443] : memref<10x100x16xf32, #tpu.memory_space<vmem>> -> memref<1x100x16xf32, #tpu.memory_space<vmem>>
      %dma_wait3A_445 = tpu.memref_squeeze %dma_wait3A_444 : memref<1x100x16xf32, #tpu.memory_space<vmem>> -> memref<100x16xf32, #tpu.memory_space<vmem>>
      %dma_wait3A_446 = arith.constant 0 : i32
      %dma_wait3A_447 = tpu.memref_slice %arg7[%add3A_432, %dma_wait3A_446] : memref<100x100xi32, #tpu.memory_space<vmem>> -> memref<1x100xi32, #tpu.memory_space<vmem>>
      %dma_wait3A_448 = tpu.memref_squeeze %dma_wait3A_447 : memref<1x100xi32, #tpu.memory_space<vmem>> -> memref<100xi32, #tpu.memory_space<vmem>>
      %dma_wait3A_449 = arith.constant 0 : i32
      %dma_wait3A_450 = arith.constant 0 : i32
      %dma_wait3A_451 = tpu.memref_slice %arg2[%dma_wait3A_449, %dma_wait3A_450] : memref<10240x16xf32, #tpu.memory_space<hbm>> -> memref<10240x16xf32, #tpu.memory_space<hbm>>
      %dma_wait3A_452 = tpu.memref_slice %arg11[%dma_wait3A_441] : memref<10x!tpu.dma_semaphore, #tpu.memory_space<semaphore_mem>> -> memref<1x!tpu.dma_semaphore, #tpu.memory_space<semaphore_mem>>
      %dma_wait3A_453 = tpu.memref_squeeze %dma_wait3A_452 : memref<1x!tpu.dma_semaphore, #tpu.memory_space<semaphore_mem>> -> memref<!tpu.dma_semaphore, #tpu.memory_space<semaphore_mem>>
      tpu.wait_indirect_dma semaphore(%dma_wait3A_453 : memref<!tpu.dma_semaphore, #tpu.memory_space<semaphore_mem>>) src(%dma_wait3A_451 : memref<10240x16xf32, #tpu.memory_space<hbm>>) dst(%dma_wait3A_445 : memref<100x16xf32, #tpu.memory_space<vmem>>)
      %dma_start3A_454 = arith.constant 5 : i32
      %dma_start3A_455 = arith.constant 5 : i32
      %dma_start3A_456 = arith.constant 0 : i32
      %dma_start3A_457 = arith.constant 0 : i32
      %dma_start3A_458 = tpu.memref_slice %arg9[%dma_start3A_454, %dma_start3A_456, %dma_start3A_457] : memref<10x100x16xf32, #tpu.memory_space<vmem>> -> memref<1x100x16xf32, #tpu.memory_space<vmem>>
      %dma_start3A_459 = tpu.memref_squeeze %dma_start3A_458 : memref<1x100x16xf32, #tpu.memory_space<vmem>> -> memref<100x16xf32, #tpu.memory_space<vmem>>
      %dma_start3A_460 = arith.constant 0 : i32
      %dma_start3A_461 = tpu.memref_slice %arg8[%add3A_432, %dma_start3A_460] : memref<100x100xi32, #tpu.memory_space<vmem>> -> memref<1x100xi32, #tpu.memory_space<vmem>>
      %dma_start3A_462 = tpu.memref_squeeze %dma_start3A_461 : memref<1x100xi32, #tpu.memory_space<vmem>> -> memref<100xi32, #tpu.memory_space<vmem>>
      %dma_start3A_463 = arith.constant 0 : i32
      %dma_start3A_464 = arith.constant 0 : i32
      %dma_start3A_465 = tpu.memref_slice %arg10[%dma_start3A_463, %dma_start3A_464] : memref<10240x16xf32, #tpu.memory_space<vmem_shared>> -> memref<10240x16xf32, #tpu.memory_space<vmem_shared>>
      %dma_start3A_466 = tpu.memref_slice %arg12[%dma_start3A_455] : memref<10x!tpu.dma_semaphore, #tpu.memory_space<semaphore_mem>> -> memref<1x!tpu.dma_semaphore, #tpu.memory_space<semaphore_mem>>
      %dma_start3A_467 = tpu.memref_squeeze %dma_start3A_466 : memref<1x!tpu.dma_semaphore, #tpu.memory_space<semaphore_mem>> -> memref<!tpu.dma_semaphore, #tpu.memory_space<semaphore_mem>>
      tpu.enqueue_indirect_dma source(%dma_start3A_459 : memref<100x16xf32, #tpu.memory_space<vmem>>) target(%dma_start3A_465 : memref<10240x16xf32, #tpu.memory_space<vmem_shared>>) offsets(%dma_start3A_462 : memref<100xi32, #tpu.memory_space<vmem>>) semaphore(%dma_start3A_467 : memref<!tpu.dma_semaphore, #tpu.memory_space<semaphore_mem>>) {add = true}
      %mul3A_468 = arith.constant 10 : i32
      %mul3A_469 = arith.muli %scan3A_236, %mul3A_468 : i32
      %add3A_470 = arith.constant 6 : i32
      %add3A_471 = arith.addi %mul3A_469, %add3A_470 : i32
      %add3A_472 = arith.constant 5 : i32
      %add3A_473 = arith.addi %add3A_471, %add3A_472 : i32
      %lt3A_474 = arith.constant 100 : i32
      %lt3A_475 = arith.cmpi slt, %add3A_473, %lt3A_474 : i32
      %convert_element_type3A_476 = arith.extui %lt3A_475 : i1 to i32
      %cond3A_477 = arith.constant 0 : i32
      %cond3A_478 = arith.cmpi ne, %convert_element_type3A_476, %cond3A_477 : i32
      scf.if %cond3A_478 {
        %add3A_624 = arith.constant 5 : i32
        %add3A_625 = arith.addi %add3A_471, %add3A_624 : i32
        %ge3A = arith.constant 10 : i32
        %ge3A_626 = arith.cmpi sge, %add3A_625, %ge3A : i32
        %convert_element_type3A_627 = arith.extui %ge3A_626 : i1 to i32
        %cond3A_628 = arith.constant 0 : i32
        %cond3A_629 = arith.cmpi ne, %convert_element_type3A_627, %cond3A_628 : i32
        scf.if %cond3A_629 {
          %add3A_646 = arith.constant 5 : i32
          %add3A_647 = arith.addi %add3A_471, %add3A_646 : i32
          %sub3A = arith.constant 10 : i32
          %sub3A_648 = arith.subi %add3A_647, %sub3A : i32
          %dma_wait3A_649 = arith.constant 1 : i32
          %dma_wait3A_650 = arith.constant 1 : i32
          %dma_wait3A_651 = arith.constant 0 : i32
          %dma_wait3A_652 = arith.constant 0 : i32
          %dma_wait3A_653 = tpu.memref_slice %arg9[%dma_wait3A_649, %dma_wait3A_651, %dma_wait3A_652] : memref<10x100x16xf32, #tpu.memory_space<vmem>> -> memref<1x100x16xf32, #tpu.memory_space<vmem>>
          %dma_wait3A_654 = tpu.memref_squeeze %dma_wait3A_653 : memref<1x100x16xf32, #tpu.memory_space<vmem>> -> memref<100x16xf32, #tpu.memory_space<vmem>>
          %dma_wait3A_655 = arith.constant 0 : i32
          %dma_wait3A_656 = tpu.memref_slice %arg8[%sub3A_648, %dma_wait3A_655] : memref<100x100xi32, #tpu.memory_space<vmem>> -> memref<1x100xi32, #tpu.memory_space<vmem>>
          %dma_wait3A_657 = tpu.memref_squeeze %dma_wait3A_656 : memref<1x100xi32, #tpu.memory_space<vmem>> -> memref<100xi32, #tpu.memory_space<vmem>>
          %dma_wait3A_658 = arith.constant 0 : i32
          %dma_wait3A_659 = arith.constant 0 : i32
          %dma_wait3A_660 = tpu.memref_slice %arg10[%dma_wait3A_658, %dma_wait3A_659] : memref<10240x16xf32, #tpu.memory_space<vmem_shared>> -> memref<10240x16xf32, #tpu.memory_space<vmem_shared>>
          %dma_wait3A_661 = tpu.memref_slice %arg12[%dma_wait3A_650] : memref<10x!tpu.dma_semaphore, #tpu.memory_space<semaphore_mem>> -> memref<1x!tpu.dma_semaphore, #tpu.memory_space<semaphore_mem>>
          %dma_wait3A_662 = tpu.memref_squeeze %dma_wait3A_661 : memref<1x!tpu.dma_semaphore, #tpu.memory_space<semaphore_mem>> -> memref<!tpu.dma_semaphore, #tpu.memory_space<semaphore_mem>>
          tpu.wait_indirect_dma semaphore(%dma_wait3A_662 : memref<!tpu.dma_semaphore, #tpu.memory_space<semaphore_mem>>) src(%dma_wait3A_654 : memref<100x16xf32, #tpu.memory_space<vmem>>) dst(%dma_wait3A_660 : memref<10240x16xf32, #tpu.memory_space<vmem_shared>>)
        } else {
        }
        %add3A_630 = arith.constant 5 : i32
        %add3A_631 = arith.addi %add3A_471, %add3A_630 : i32
        %dma_start3A_632 = arith.constant 1 : i32
        %dma_start3A_633 = arith.constant 1 : i32
        %dma_start3A_634 = arith.constant 0 : i32
        %dma_start3A_635 = arith.constant 0 : i32
        %dma_start3A_636 = tpu.memref_slice %arg9[%dma_start3A_632, %dma_start3A_634, %dma_start3A_635] : memref<10x100x16xf32, #tpu.memory_space<vmem>> -> memref<1x100x16xf32, #tpu.memory_space<vmem>>
        %dma_start3A_637 = tpu.memref_squeeze %dma_start3A_636 : memref<1x100x16xf32, #tpu.memory_space<vmem>> -> memref<100x16xf32, #tpu.memory_space<vmem>>
        %dma_start3A_638 = arith.constant 0 : i32
        %dma_start3A_639 = tpu.memref_slice %arg7[%add3A_631, %dma_start3A_638] : memref<100x100xi32, #tpu.memory_space<vmem>> -> memref<1x100xi32, #tpu.memory_space<vmem>>
        %dma_start3A_640 = tpu.memref_squeeze %dma_start3A_639 : memref<1x100xi32, #tpu.memory_space<vmem>> -> memref<100xi32, #tpu.memory_space<vmem>>
        %dma_start3A_641 = arith.constant 0 : i32
        %dma_start3A_642 = arith.constant 0 : i32
        %dma_start3A_643 = tpu.memref_slice %arg2[%dma_start3A_641, %dma_start3A_642] : memref<10240x16xf32, #tpu.memory_space<hbm>> -> memref<10240x16xf32, #tpu.memory_space<hbm>>
        %dma_start3A_644 = tpu.memref_slice %arg11[%dma_start3A_633] : memref<10x!tpu.dma_semaphore, #tpu.memory_space<semaphore_mem>> -> memref<1x!tpu.dma_semaphore, #tpu.memory_space<semaphore_mem>>
        %dma_start3A_645 = tpu.memref_squeeze %dma_start3A_644 : memref<1x!tpu.dma_semaphore, #tpu.memory_space<semaphore_mem>> -> memref<!tpu.dma_semaphore, #tpu.memory_space<semaphore_mem>>
        tpu.enqueue_indirect_dma source(%dma_start3A_643 : memref<10240x16xf32, #tpu.memory_space<hbm>>) target(%dma_start3A_637 : memref<100x16xf32, #tpu.memory_space<vmem>>) offsets(%dma_start3A_640 : memref<100xi32, #tpu.memory_space<vmem>>) semaphore(%dma_start3A_645 : memref<!tpu.dma_semaphore, #tpu.memory_space<semaphore_mem>>)
      } else {
      }
      %dma_wait3A_479 = arith.constant 6 : i32
      %dma_wait3A_480 = arith.constant 6 : i32
      %dma_wait3A_481 = arith.constant 0 : i32
      %dma_wait3A_482 = arith.constant 0 : i32
      %dma_wait3A_483 = tpu.memref_slice %arg9[%dma_wait3A_479, %dma_wait3A_481, %dma_wait3A_482] : memref<10x100x16xf32, #tpu.memory_space<vmem>> -> memref<1x100x16xf32, #tpu.memory_space<vmem>>
      %dma_wait3A_484 = tpu.memref_squeeze %dma_wait3A_483 : memref<1x100x16xf32, #tpu.memory_space<vmem>> -> memref<100x16xf32, #tpu.memory_space<vmem>>
      %dma_wait3A_485 = arith.constant 0 : i32
      %dma_wait3A_486 = tpu.memref_slice %arg7[%add3A_471, %dma_wait3A_485] : memref<100x100xi32, #tpu.memory_space<vmem>> -> memref<1x100xi32, #tpu.memory_space<vmem>>
      %dma_wait3A_487 = tpu.memref_squeeze %dma_wait3A_486 : memref<1x100xi32, #tpu.memory_space<vmem>> -> memref<100xi32, #tpu.memory_space<vmem>>
      %dma_wait3A_488 = arith.constant 0 : i32
      %dma_wait3A_489 = arith.constant 0 : i32
      %dma_wait3A_490 = tpu.memref_slice %arg2[%dma_wait3A_488, %dma_wait3A_489] : memref<10240x16xf32, #tpu.memory_space<hbm>> -> memref<10240x16xf32, #tpu.memory_space<hbm>>
      %dma_wait3A_491 = tpu.memref_slice %arg11[%dma_wait3A_480] : memref<10x!tpu.dma_semaphore, #tpu.memory_space<semaphore_mem>> -> memref<1x!tpu.dma_semaphore, #tpu.memory_space<semaphore_mem>>
      %dma_wait3A_492 = tpu.memref_squeeze %dma_wait3A_491 : memref<1x!tpu.dma_semaphore, #tpu.memory_space<semaphore_mem>> -> memref<!tpu.dma_semaphore, #tpu.memory_space<semaphore_mem>>
      tpu.wait_indirect_dma semaphore(%dma_wait3A_492 : memref<!tpu.dma_semaphore, #tpu.memory_space<semaphore_mem>>) src(%dma_wait3A_490 : memref<10240x16xf32, #tpu.memory_space<hbm>>) dst(%dma_wait3A_484 : memref<100x16xf32, #tpu.memory_space<vmem>>)
      %dma_start3A_493 = arith.constant 6 : i32
      %dma_start3A_494 = arith.constant 6 : i32
      %dma_start3A_495 = arith.constant 0 : i32
      %dma_start3A_496 = arith.constant 0 : i32
      %dma_start3A_497 = tpu.memref_slice %arg9[%dma_start3A_493, %dma_start3A_495, %dma_start3A_496] : memref<10x100x16xf32, #tpu.memory_space<vmem>> -> memref<1x100x16xf32, #tpu.memory_space<vmem>>
      %dma_start3A_498 = tpu.memref_squeeze %dma_start3A_497 : memref<1x100x16xf32, #tpu.memory_space<vmem>> -> memref<100x16xf32, #tpu.memory_space<vmem>>
      %dma_start3A_499 = arith.constant 0 : i32
      %dma_start3A_500 = tpu.memref_slice %arg8[%add3A_471, %dma_start3A_499] : memref<100x100xi32, #tpu.memory_space<vmem>> -> memref<1x100xi32, #tpu.memory_space<vmem>>
      %dma_start3A_501 = tpu.memref_squeeze %dma_start3A_500 : memref<1x100xi32, #tpu.memory_space<vmem>> -> memref<100xi32, #tpu.memory_space<vmem>>
      %dma_start3A_502 = arith.constant 0 : i32
      %dma_start3A_503 = arith.constant 0 : i32
      %dma_start3A_504 = tpu.memref_slice %arg10[%dma_start3A_502, %dma_start3A_503] : memref<10240x16xf32, #tpu.memory_space<vmem_shared>> -> memref<10240x16xf32, #tpu.memory_space<vmem_shared>>
      %dma_start3A_505 = tpu.memref_slice %arg12[%dma_start3A_494] : memref<10x!tpu.dma_semaphore, #tpu.memory_space<semaphore_mem>> -> memref<1x!tpu.dma_semaphore, #tpu.memory_space<semaphore_mem>>
      %dma_start3A_506 = tpu.memref_squeeze %dma_start3A_505 : memref<1x!tpu.dma_semaphore, #tpu.memory_space<semaphore_mem>> -> memref<!tpu.dma_semaphore, #tpu.memory_space<semaphore_mem>>
      tpu.enqueue_indirect_dma source(%dma_start3A_498 : memref<100x16xf32, #tpu.memory_space<vmem>>) target(%dma_start3A_504 : memref<10240x16xf32, #tpu.memory_space<vmem_shared>>) offsets(%dma_start3A_501 : memref<100xi32, #tpu.memory_space<vmem>>) semaphore(%dma_start3A_506 : memref<!tpu.dma_semaphore, #tpu.memory_space<semaphore_mem>>) {add = true}
      %mul3A_507 = arith.constant 10 : i32
      %mul3A_508 = arith.muli %scan3A_236, %mul3A_507 : i32
      %add3A_509 = arith.constant 7 : i32
      %add3A_510 = arith.addi %mul3A_508, %add3A_509 : i32
      %add3A_511 = arith.constant 5 : i32
      %add3A_512 = arith.addi %add3A_510, %add3A_511 : i32
      %lt3A_513 = arith.constant 100 : i32
      %lt3A_514 = arith.cmpi slt, %add3A_512, %lt3A_513 : i32
      %convert_element_type3A_515 = arith.extui %lt3A_514 : i1 to i32
      %cond3A_516 = arith.constant 0 : i32
      %cond3A_517 = arith.cmpi ne, %convert_element_type3A_515, %cond3A_516 : i32
      scf.if %cond3A_517 {
        %add3A_624 = arith.constant 5 : i32
        %add3A_625 = arith.addi %add3A_510, %add3A_624 : i32
        %ge3A = arith.constant 10 : i32
        %ge3A_626 = arith.cmpi sge, %add3A_625, %ge3A : i32
        %convert_element_type3A_627 = arith.extui %ge3A_626 : i1 to i32
        %cond3A_628 = arith.constant 0 : i32
        %cond3A_629 = arith.cmpi ne, %convert_element_type3A_627, %cond3A_628 : i32
        scf.if %cond3A_629 {
          %add3A_646 = arith.constant 5 : i32
          %add3A_647 = arith.addi %add3A_510, %add3A_646 : i32
          %sub3A = arith.constant 10 : i32
          %sub3A_648 = arith.subi %add3A_647, %sub3A : i32
          %dma_wait3A_649 = arith.constant 2 : i32
          %dma_wait3A_650 = arith.constant 2 : i32
          %dma_wait3A_651 = arith.constant 0 : i32
          %dma_wait3A_652 = arith.constant 0 : i32
          %dma_wait3A_653 = tpu.memref_slice %arg9[%dma_wait3A_649, %dma_wait3A_651, %dma_wait3A_652] : memref<10x100x16xf32, #tpu.memory_space<vmem>> -> memref<1x100x16xf32, #tpu.memory_space<vmem>>
          %dma_wait3A_654 = tpu.memref_squeeze %dma_wait3A_653 : memref<1x100x16xf32, #tpu.memory_space<vmem>> -> memref<100x16xf32, #tpu.memory_space<vmem>>
          %dma_wait3A_655 = arith.constant 0 : i32
          %dma_wait3A_656 = tpu.memref_slice %arg8[%sub3A_648, %dma_wait3A_655] : memref<100x100xi32, #tpu.memory_space<vmem>> -> memref<1x100xi32, #tpu.memory_space<vmem>>
          %dma_wait3A_657 = tpu.memref_squeeze %dma_wait3A_656 : memref<1x100xi32, #tpu.memory_space<vmem>> -> memref<100xi32, #tpu.memory_space<vmem>>
          %dma_wait3A_658 = arith.constant 0 : i32
          %dma_wait3A_659 = arith.constant 0 : i32
          %dma_wait3A_660 = tpu.memref_slice %arg10[%dma_wait3A_658, %dma_wait3A_659] : memref<10240x16xf32, #tpu.memory_space<vmem_shared>> -> memref<10240x16xf32, #tpu.memory_space<vmem_shared>>
          %dma_wait3A_661 = tpu.memref_slice %arg12[%dma_wait3A_650] : memref<10x!tpu.dma_semaphore, #tpu.memory_space<semaphore_mem>> -> memref<1x!tpu.dma_semaphore, #tpu.memory_space<semaphore_mem>>
          %dma_wait3A_662 = tpu.memref_squeeze %dma_wait3A_661 : memref<1x!tpu.dma_semaphore, #tpu.memory_space<semaphore_mem>> -> memref<!tpu.dma_semaphore, #tpu.memory_space<semaphore_mem>>
          tpu.wait_indirect_dma semaphore(%dma_wait3A_662 : memref<!tpu.dma_semaphore, #tpu.memory_space<semaphore_mem>>) src(%dma_wait3A_654 : memref<100x16xf32, #tpu.memory_space<vmem>>) dst(%dma_wait3A_660 : memref<10240x16xf32, #tpu.memory_space<vmem_shared>>)
        } else {
        }
        %add3A_630 = arith.constant 5 : i32
        %add3A_631 = arith.addi %add3A_510, %add3A_630 : i32
        %dma_start3A_632 = arith.constant 2 : i32
        %dma_start3A_633 = arith.constant 2 : i32
        %dma_start3A_634 = arith.constant 0 : i32
        %dma_start3A_635 = arith.constant 0 : i32
        %dma_start3A_636 = tpu.memref_slice %arg9[%dma_start3A_632, %dma_start3A_634, %dma_start3A_635] : memref<10x100x16xf32, #tpu.memory_space<vmem>> -> memref<1x100x16xf32, #tpu.memory_space<vmem>>
        %dma_start3A_637 = tpu.memref_squeeze %dma_start3A_636 : memref<1x100x16xf32, #tpu.memory_space<vmem>> -> memref<100x16xf32, #tpu.memory_space<vmem>>
        %dma_start3A_638 = arith.constant 0 : i32
        %dma_start3A_639 = tpu.memref_slice %arg7[%add3A_631, %dma_start3A_638] : memref<100x100xi32, #tpu.memory_space<vmem>> -> memref<1x100xi32, #tpu.memory_space<vmem>>
        %dma_start3A_640 = tpu.memref_squeeze %dma_start3A_639 : memref<1x100xi32, #tpu.memory_space<vmem>> -> memref<100xi32, #tpu.memory_space<vmem>>
        %dma_start3A_641 = arith.constant 0 : i32
        %dma_start3A_642 = arith.constant 0 : i32
        %dma_start3A_643 = tpu.memref_slice %arg2[%dma_start3A_641, %dma_start3A_642] : memref<10240x16xf32, #tpu.memory_space<hbm>> -> memref<10240x16xf32, #tpu.memory_space<hbm>>
        %dma_start3A_644 = tpu.memref_slice %arg11[%dma_start3A_633] : memref<10x!tpu.dma_semaphore, #tpu.memory_space<semaphore_mem>> -> memref<1x!tpu.dma_semaphore, #tpu.memory_space<semaphore_mem>>
        %dma_start3A_645 = tpu.memref_squeeze %dma_start3A_644 : memref<1x!tpu.dma_semaphore, #tpu.memory_space<semaphore_mem>> -> memref<!tpu.dma_semaphore, #tpu.memory_space<semaphore_mem>>
        tpu.enqueue_indirect_dma source(%dma_start3A_643 : memref<10240x16xf32, #tpu.memory_space<hbm>>) target(%dma_start3A_637 : memref<100x16xf32, #tpu.memory_space<vmem>>) offsets(%dma_start3A_640 : memref<100xi32, #tpu.memory_space<vmem>>) semaphore(%dma_start3A_645 : memref<!tpu.dma_semaphore, #tpu.memory_space<semaphore_mem>>)
      } else {
      }
      %dma_wait3A_518 = arith.constant 7 : i32
      %dma_wait3A_519 = arith.constant 7 : i32
      %dma_wait3A_520 = arith.constant 0 : i32
      %dma_wait3A_521 = arith.constant 0 : i32
      %dma_wait3A_522 = tpu.memref_slice %arg9[%dma_wait3A_518, %dma_wait3A_520, %dma_wait3A_521] : memref<10x100x16xf32, #tpu.memory_space<vmem>> -> memref<1x100x16xf32, #tpu.memory_space<vmem>>
      %dma_wait3A_523 = tpu.memref_squeeze %dma_wait3A_522 : memref<1x100x16xf32, #tpu.memory_space<vmem>> -> memref<100x16xf32, #tpu.memory_space<vmem>>
      %dma_wait3A_524 = arith.constant 0 : i32
      %dma_wait3A_525 = tpu.memref_slice %arg7[%add3A_510, %dma_wait3A_524] : memref<100x100xi32, #tpu.memory_space<vmem>> -> memref<1x100xi32, #tpu.memory_space<vmem>>
      %dma_wait3A_526 = tpu.memref_squeeze %dma_wait3A_525 : memref<1x100xi32, #tpu.memory_space<vmem>> -> memref<100xi32, #tpu.memory_space<vmem>>
      %dma_wait3A_527 = arith.constant 0 : i32
      %dma_wait3A_528 = arith.constant 0 : i32
      %dma_wait3A_529 = tpu.memref_slice %arg2[%dma_wait3A_527, %dma_wait3A_528] : memref<10240x16xf32, #tpu.memory_space<hbm>> -> memref<10240x16xf32, #tpu.memory_space<hbm>>
      %dma_wait3A_530 = tpu.memref_slice %arg11[%dma_wait3A_519] : memref<10x!tpu.dma_semaphore, #tpu.memory_space<semaphore_mem>> -> memref<1x!tpu.dma_semaphore, #tpu.memory_space<semaphore_mem>>
      %dma_wait3A_531 = tpu.memref_squeeze %dma_wait3A_530 : memref<1x!tpu.dma_semaphore, #tpu.memory_space<semaphore_mem>> -> memref<!tpu.dma_semaphore, #tpu.memory_space<semaphore_mem>>
      tpu.wait_indirect_dma semaphore(%dma_wait3A_531 : memref<!tpu.dma_semaphore, #tpu.memory_space<semaphore_mem>>) src(%dma_wait3A_529 : memref<10240x16xf32, #tpu.memory_space<hbm>>) dst(%dma_wait3A_523 : memref<100x16xf32, #tpu.memory_space<vmem>>)
      %dma_start3A_532 = arith.constant 7 : i32
      %dma_start3A_533 = arith.constant 7 : i32
      %dma_start3A_534 = arith.constant 0 : i32
      %dma_start3A_535 = arith.constant 0 : i32
      %dma_start3A_536 = tpu.memref_slice %arg9[%dma_start3A_532, %dma_start3A_534, %dma_start3A_535] : memref<10x100x16xf32, #tpu.memory_space<vmem>> -> memref<1x100x16xf32, #tpu.memory_space<vmem>>
      %dma_start3A_537 = tpu.memref_squeeze %dma_start3A_536 : memref<1x100x16xf32, #tpu.memory_space<vmem>> -> memref<100x16xf32, #tpu.memory_space<vmem>>
      %dma_start3A_538 = arith.constant 0 : i32
      %dma_start3A_539 = tpu.memref_slice %arg8[%add3A_510, %dma_start3A_538] : memref<100x100xi32, #tpu.memory_space<vmem>> -> memref<1x100xi32, #tpu.memory_space<vmem>>
      %dma_start3A_540 = tpu.memref_squeeze %dma_start3A_539 : memref<1x100xi32, #tpu.memory_space<vmem>> -> memref<100xi32, #tpu.memory_space<vmem>>
      %dma_start3A_541 = arith.constant 0 : i32
      %dma_start3A_542 = arith.constant 0 : i32
      %dma_start3A_543 = tpu.memref_slice %arg10[%dma_start3A_541, %dma_start3A_542] : memref<10240x16xf32, #tpu.memory_space<vmem_shared>> -> memref<10240x16xf32, #tpu.memory_space<vmem_shared>>
      %dma_start3A_544 = tpu.memref_slice %arg12[%dma_start3A_533] : memref<10x!tpu.dma_semaphore, #tpu.memory_space<semaphore_mem>> -> memref<1x!tpu.dma_semaphore, #tpu.memory_space<semaphore_mem>>
      %dma_start3A_545 = tpu.memref_squeeze %dma_start3A_544 : memref<1x!tpu.dma_semaphore, #tpu.memory_space<semaphore_mem>> -> memref<!tpu.dma_semaphore, #tpu.memory_space<semaphore_mem>>
      tpu.enqueue_indirect_dma source(%dma_start3A_537 : memref<100x16xf32, #tpu.memory_space<vmem>>) target(%dma_start3A_543 : memref<10240x16xf32, #tpu.memory_space<vmem_shared>>) offsets(%dma_start3A_540 : memref<100xi32, #tpu.memory_space<vmem>>) semaphore(%dma_start3A_545 : memref<!tpu.dma_semaphore, #tpu.memory_space<semaphore_mem>>) {add = true}
      %mul3A_546 = arith.constant 10 : i32
      %mul3A_547 = arith.muli %scan3A_236, %mul3A_546 : i32
      %add3A_548 = arith.constant 8 : i32
      %add3A_549 = arith.addi %mul3A_547, %add3A_548 : i32
      %add3A_550 = arith.constant 5 : i32
      %add3A_551 = arith.addi %add3A_549, %add3A_550 : i32
      %lt3A_552 = arith.constant 100 : i32
      %lt3A_553 = arith.cmpi slt, %add3A_551, %lt3A_552 : i32
      %convert_element_type3A_554 = arith.extui %lt3A_553 : i1 to i32
      %cond3A_555 = arith.constant 0 : i32
      %cond3A_556 = arith.cmpi ne, %convert_element_type3A_554, %cond3A_555 : i32
      scf.if %cond3A_556 {
        %add3A_624 = arith.constant 5 : i32
        %add3A_625 = arith.addi %add3A_549, %add3A_624 : i32
        %ge3A = arith.constant 10 : i32
        %ge3A_626 = arith.cmpi sge, %add3A_625, %ge3A : i32
        %convert_element_type3A_627 = arith.extui %ge3A_626 : i1 to i32
        %cond3A_628 = arith.constant 0 : i32
        %cond3A_629 = arith.cmpi ne, %convert_element_type3A_627, %cond3A_628 : i32
        scf.if %cond3A_629 {
          %add3A_646 = arith.constant 5 : i32
          %add3A_647 = arith.addi %add3A_549, %add3A_646 : i32
          %sub3A = arith.constant 10 : i32
          %sub3A_648 = arith.subi %add3A_647, %sub3A : i32
          %dma_wait3A_649 = arith.constant 3 : i32
          %dma_wait3A_650 = arith.constant 3 : i32
          %dma_wait3A_651 = arith.constant 0 : i32
          %dma_wait3A_652 = arith.constant 0 : i32
          %dma_wait3A_653 = tpu.memref_slice %arg9[%dma_wait3A_649, %dma_wait3A_651, %dma_wait3A_652] : memref<10x100x16xf32, #tpu.memory_space<vmem>> -> memref<1x100x16xf32, #tpu.memory_space<vmem>>
          %dma_wait3A_654 = tpu.memref_squeeze %dma_wait3A_653 : memref<1x100x16xf32, #tpu.memory_space<vmem>> -> memref<100x16xf32, #tpu.memory_space<vmem>>
          %dma_wait3A_655 = arith.constant 0 : i32
          %dma_wait3A_656 = tpu.memref_slice %arg8[%sub3A_648, %dma_wait3A_655] : memref<100x100xi32, #tpu.memory_space<vmem>> -> memref<1x100xi32, #tpu.memory_space<vmem>>
          %dma_wait3A_657 = tpu.memref_squeeze %dma_wait3A_656 : memref<1x100xi32, #tpu.memory_space<vmem>> -> memref<100xi32, #tpu.memory_space<vmem>>
          %dma_wait3A_658 = arith.constant 0 : i32
          %dma_wait3A_659 = arith.constant 0 : i32
          %dma_wait3A_660 = tpu.memref_slice %arg10[%dma_wait3A_658, %dma_wait3A_659] : memref<10240x16xf32, #tpu.memory_space<vmem_shared>> -> memref<10240x16xf32, #tpu.memory_space<vmem_shared>>
          %dma_wait3A_661 = tpu.memref_slice %arg12[%dma_wait3A_650] : memref<10x!tpu.dma_semaphore, #tpu.memory_space<semaphore_mem>> -> memref<1x!tpu.dma_semaphore, #tpu.memory_space<semaphore_mem>>
          %dma_wait3A_662 = tpu.memref_squeeze %dma_wait3A_661 : memref<1x!tpu.dma_semaphore, #tpu.memory_space<semaphore_mem>> -> memref<!tpu.dma_semaphore, #tpu.memory_space<semaphore_mem>>
          tpu.wait_indirect_dma semaphore(%dma_wait3A_662 : memref<!tpu.dma_semaphore, #tpu.memory_space<semaphore_mem>>) src(%dma_wait3A_654 : memref<100x16xf32, #tpu.memory_space<vmem>>) dst(%dma_wait3A_660 : memref<10240x16xf32, #tpu.memory_space<vmem_shared>>)
        } else {
        }
        %add3A_630 = arith.constant 5 : i32
        %add3A_631 = arith.addi %add3A_549, %add3A_630 : i32
        %dma_start3A_632 = arith.constant 3 : i32
        %dma_start3A_633 = arith.constant 3 : i32
        %dma_start3A_634 = arith.constant 0 : i32
        %dma_start3A_635 = arith.constant 0 : i32
        %dma_start3A_636 = tpu.memref_slice %arg9[%dma_start3A_632, %dma_start3A_634, %dma_start3A_635] : memref<10x100x16xf32, #tpu.memory_space<vmem>> -> memref<1x100x16xf32, #tpu.memory_space<vmem>>
        %dma_start3A_637 = tpu.memref_squeeze %dma_start3A_636 : memref<1x100x16xf32, #tpu.memory_space<vmem>> -> memref<100x16xf32, #tpu.memory_space<vmem>>
        %dma_start3A_638 = arith.constant 0 : i32
        %dma_start3A_639 = tpu.memref_slice %arg7[%add3A_631, %dma_start3A_638] : memref<100x100xi32, #tpu.memory_space<vmem>> -> memref<1x100xi32, #tpu.memory_space<vmem>>
        %dma_start3A_640 = tpu.memref_squeeze %dma_start3A_639 : memref<1x100xi32, #tpu.memory_space<vmem>> -> memref<100xi32, #tpu.memory_space<vmem>>
        %dma_start3A_641 = arith.constant 0 : i32
        %dma_start3A_642 = arith.constant 0 : i32
        %dma_start3A_643 = tpu.memref_slice %arg2[%dma_start3A_641, %dma_start3A_642] : memref<10240x16xf32, #tpu.memory_space<hbm>> -> memref<10240x16xf32, #tpu.memory_space<hbm>>
        %dma_start3A_644 = tpu.memref_slice %arg11[%dma_start3A_633] : memref<10x!tpu.dma_semaphore, #tpu.memory_space<semaphore_mem>> -> memref<1x!tpu.dma_semaphore, #tpu.memory_space<semaphore_mem>>
        %dma_start3A_645 = tpu.memref_squeeze %dma_start3A_644 : memref<1x!tpu.dma_semaphore, #tpu.memory_space<semaphore_mem>> -> memref<!tpu.dma_semaphore, #tpu.memory_space<semaphore_mem>>
        tpu.enqueue_indirect_dma source(%dma_start3A_643 : memref<10240x16xf32, #tpu.memory_space<hbm>>) target(%dma_start3A_637 : memref<100x16xf32, #tpu.memory_space<vmem>>) offsets(%dma_start3A_640 : memref<100xi32, #tpu.memory_space<vmem>>) semaphore(%dma_start3A_645 : memref<!tpu.dma_semaphore, #tpu.memory_space<semaphore_mem>>)
      } else {
      }
      %dma_wait3A_557 = arith.constant 8 : i32
      %dma_wait3A_558 = arith.constant 8 : i32
      %dma_wait3A_559 = arith.constant 0 : i32
      %dma_wait3A_560 = arith.constant 0 : i32
      %dma_wait3A_561 = tpu.memref_slice %arg9[%dma_wait3A_557, %dma_wait3A_559, %dma_wait3A_560] : memref<10x100x16xf32, #tpu.memory_space<vmem>> -> memref<1x100x16xf32, #tpu.memory_space<vmem>>
      %dma_wait3A_562 = tpu.memref_squeeze %dma_wait3A_561 : memref<1x100x16xf32, #tpu.memory_space<vmem>> -> memref<100x16xf32, #tpu.memory_space<vmem>>
      %dma_wait3A_563 = arith.constant 0 : i32
      %dma_wait3A_564 = tpu.memref_slice %arg7[%add3A_549, %dma_wait3A_563] : memref<100x100xi32, #tpu.memory_space<vmem>> -> memref<1x100xi32, #tpu.memory_space<vmem>>
      %dma_wait3A_565 = tpu.memref_squeeze %dma_wait3A_564 : memref<1x100xi32, #tpu.memory_space<vmem>> -> memref<100xi32, #tpu.memory_space<vmem>>
      %dma_wait3A_566 = arith.constant 0 : i32
      %dma_wait3A_567 = arith.constant 0 : i32
      %dma_wait3A_568 = tpu.memref_slice %arg2[%dma_wait3A_566, %dma_wait3A_567] : memref<10240x16xf32, #tpu.memory_space<hbm>> -> memref<10240x16xf32, #tpu.memory_space<hbm>>
      %dma_wait3A_569 = tpu.memref_slice %arg11[%dma_wait3A_558] : memref<10x!tpu.dma_semaphore, #tpu.memory_space<semaphore_mem>> -> memref<1x!tpu.dma_semaphore, #tpu.memory_space<semaphore_mem>>
      %dma_wait3A_570 = tpu.memref_squeeze %dma_wait3A_569 : memref<1x!tpu.dma_semaphore, #tpu.memory_space<semaphore_mem>> -> memref<!tpu.dma_semaphore, #tpu.memory_space<semaphore_mem>>
      tpu.wait_indirect_dma semaphore(%dma_wait3A_570 : memref<!tpu.dma_semaphore, #tpu.memory_space<semaphore_mem>>) src(%dma_wait3A_568 : memref<10240x16xf32, #tpu.memory_space<hbm>>) dst(%dma_wait3A_562 : memref<100x16xf32, #tpu.memory_space<vmem>>)
      %dma_start3A_571 = arith.constant 8 : i32
      %dma_start3A_572 = arith.constant 8 : i32
      %dma_start3A_573 = arith.constant 0 : i32
      %dma_start3A_574 = arith.constant 0 : i32
      %dma_start3A_575 = tpu.memref_slice %arg9[%dma_start3A_571, %dma_start3A_573, %dma_start3A_574] : memref<10x100x16xf32, #tpu.memory_space<vmem>> -> memref<1x100x16xf32, #tpu.memory_space<vmem>>
      %dma_start3A_576 = tpu.memref_squeeze %dma_start3A_575 : memref<1x100x16xf32, #tpu.memory_space<vmem>> -> memref<100x16xf32, #tpu.memory_space<vmem>>
      %dma_start3A_577 = arith.constant 0 : i32
      %dma_start3A_578 = tpu.memref_slice %arg8[%add3A_549, %dma_start3A_577] : memref<100x100xi32, #tpu.memory_space<vmem>> -> memref<1x100xi32, #tpu.memory_space<vmem>>
      %dma_start3A_579 = tpu.memref_squeeze %dma_start3A_578 : memref<1x100xi32, #tpu.memory_space<vmem>> -> memref<100xi32, #tpu.memory_space<vmem>>
      %dma_start3A_580 = arith.constant 0 : i32
      %dma_start3A_581 = arith.constant 0 : i32
      %dma_start3A_582 = tpu.memref_slice %arg10[%dma_start3A_580, %dma_start3A_581] : memref<10240x16xf32, #tpu.memory_space<vmem_shared>> -> memref<10240x16xf32, #tpu.memory_space<vmem_shared>>
      %dma_start3A_583 = tpu.memref_slice %arg12[%dma_start3A_572] : memref<10x!tpu.dma_semaphore, #tpu.memory_space<semaphore_mem>> -> memref<1x!tpu.dma_semaphore, #tpu.memory_space<semaphore_mem>>
      %dma_start3A_584 = tpu.memref_squeeze %dma_start3A_583 : memref<1x!tpu.dma_semaphore, #tpu.memory_space<semaphore_mem>> -> memref<!tpu.dma_semaphore, #tpu.memory_space<semaphore_mem>>
      tpu.enqueue_indirect_dma source(%dma_start3A_576 : memref<100x16xf32, #tpu.memory_space<vmem>>) target(%dma_start3A_582 : memref<10240x16xf32, #tpu.memory_space<vmem_shared>>) offsets(%dma_start3A_579 : memref<100xi32, #tpu.memory_space<vmem>>) semaphore(%dma_start3A_584 : memref<!tpu.dma_semaphore, #tpu.memory_space<semaphore_mem>>) {add = true}
      %mul3A_585 = arith.constant 10 : i32
      %mul3A_586 = arith.muli %scan3A_236, %mul3A_585 : i32
      %add3A_587 = arith.constant 9 : i32
      %add3A_588 = arith.addi %mul3A_586, %add3A_587 : i32
      %add3A_589 = arith.constant 5 : i32
      %add3A_590 = arith.addi %add3A_588, %add3A_589 : i32
      %lt3A_591 = arith.constant 100 : i32
      %lt3A_592 = arith.cmpi slt, %add3A_590, %lt3A_591 : i32
      %convert_element_type3A_593 = arith.extui %lt3A_592 : i1 to i32
      %cond3A_594 = arith.constant 0 : i32
      %cond3A_595 = arith.cmpi ne, %convert_element_type3A_593, %cond3A_594 : i32
      scf.if %cond3A_595 {
        %add3A_624 = arith.constant 5 : i32
        %add3A_625 = arith.addi %add3A_588, %add3A_624 : i32
        %ge3A = arith.constant 10 : i32
        %ge3A_626 = arith.cmpi sge, %add3A_625, %ge3A : i32
        %convert_element_type3A_627 = arith.extui %ge3A_626 : i1 to i32
        %cond3A_628 = arith.constant 0 : i32
        %cond3A_629 = arith.cmpi ne, %convert_element_type3A_627, %cond3A_628 : i32
        scf.if %cond3A_629 {
          %add3A_646 = arith.constant 5 : i32
          %add3A_647 = arith.addi %add3A_588, %add3A_646 : i32
          %sub3A = arith.constant 10 : i32
          %sub3A_648 = arith.subi %add3A_647, %sub3A : i32
          %dma_wait3A_649 = arith.constant 4 : i32
          %dma_wait3A_650 = arith.constant 4 : i32
          %dma_wait3A_651 = arith.constant 0 : i32
          %dma_wait3A_652 = arith.constant 0 : i32
          %dma_wait3A_653 = tpu.memref_slice %arg9[%dma_wait3A_649, %dma_wait3A_651, %dma_wait3A_652] : memref<10x100x16xf32, #tpu.memory_space<vmem>> -> memref<1x100x16xf32, #tpu.memory_space<vmem>>
          %dma_wait3A_654 = tpu.memref_squeeze %dma_wait3A_653 : memref<1x100x16xf32, #tpu.memory_space<vmem>> -> memref<100x16xf32, #tpu.memory_space<vmem>>
          %dma_wait3A_655 = arith.constant 0 : i32
          %dma_wait3A_656 = tpu.memref_slice %arg8[%sub3A_648, %dma_wait3A_655] : memref<100x100xi32, #tpu.memory_space<vmem>> -> memref<1x100xi32, #tpu.memory_space<vmem>>
          %dma_wait3A_657 = tpu.memref_squeeze %dma_wait3A_656 : memref<1x100xi32, #tpu.memory_space<vmem>> -> memref<100xi32, #tpu.memory_space<vmem>>
          %dma_wait3A_658 = arith.constant 0 : i32
          %dma_wait3A_659 = arith.constant 0 : i32
          %dma_wait3A_660 = tpu.memref_slice %arg10[%dma_wait3A_658, %dma_wait3A_659] : memref<10240x16xf32, #tpu.memory_space<vmem_shared>> -> memref<10240x16xf32, #tpu.memory_space<vmem_shared>>
          %dma_wait3A_661 = tpu.memref_slice %arg12[%dma_wait3A_650] : memref<10x!tpu.dma_semaphore, #tpu.memory_space<semaphore_mem>> -> memref<1x!tpu.dma_semaphore, #tpu.memory_space<semaphore_mem>>
          %dma_wait3A_662 = tpu.memref_squeeze %dma_wait3A_661 : memref<1x!tpu.dma_semaphore, #tpu.memory_space<semaphore_mem>> -> memref<!tpu.dma_semaphore, #tpu.memory_space<semaphore_mem>>
          tpu.wait_indirect_dma semaphore(%dma_wait3A_662 : memref<!tpu.dma_semaphore, #tpu.memory_space<semaphore_mem>>) src(%dma_wait3A_654 : memref<100x16xf32, #tpu.memory_space<vmem>>) dst(%dma_wait3A_660 : memref<10240x16xf32, #tpu.memory_space<vmem_shared>>)
        } else {
        }
        %add3A_630 = arith.constant 5 : i32
        %add3A_631 = arith.addi %add3A_588, %add3A_630 : i32
        %dma_start3A_632 = arith.constant 4 : i32
        %dma_start3A_633 = arith.constant 4 : i32
        %dma_start3A_634 = arith.constant 0 : i32
        %dma_start3A_635 = arith.constant 0 : i32
        %dma_start3A_636 = tpu.memref_slice %arg9[%dma_start3A_632, %dma_start3A_634, %dma_start3A_635] : memref<10x100x16xf32, #tpu.memory_space<vmem>> -> memref<1x100x16xf32, #tpu.memory_space<vmem>>
        %dma_start3A_637 = tpu.memref_squeeze %dma_start3A_636 : memref<1x100x16xf32, #tpu.memory_space<vmem>> -> memref<100x16xf32, #tpu.memory_space<vmem>>
        %dma_start3A_638 = arith.constant 0 : i32
        %dma_start3A_639 = tpu.memref_slice %arg7[%add3A_631, %dma_start3A_638] : memref<100x100xi32, #tpu.memory_space<vmem>> -> memref<1x100xi32, #tpu.memory_space<vmem>>
        %dma_start3A_640 = tpu.memref_squeeze %dma_start3A_639 : memref<1x100xi32, #tpu.memory_space<vmem>> -> memref<100xi32, #tpu.memory_space<vmem>>
        %dma_start3A_641 = arith.constant 0 : i32
        %dma_start3A_642 = arith.constant 0 : i32
        %dma_start3A_643 = tpu.memref_slice %arg2[%dma_start3A_641, %dma_start3A_642] : memref<10240x16xf32, #tpu.memory_space<hbm>> -> memref<10240x16xf32, #tpu.memory_space<hbm>>
        %dma_start3A_644 = tpu.memref_slice %arg11[%dma_start3A_633] : memref<10x!tpu.dma_semaphore, #tpu.memory_space<semaphore_mem>> -> memref<1x!tpu.dma_semaphore, #tpu.memory_space<semaphore_mem>>
        %dma_start3A_645 = tpu.memref_squeeze %dma_start3A_644 : memref<1x!tpu.dma_semaphore, #tpu.memory_space<semaphore_mem>> -> memref<!tpu.dma_semaphore, #tpu.memory_space<semaphore_mem>>
        tpu.enqueue_indirect_dma source(%dma_start3A_643 : memref<10240x16xf32, #tpu.memory_space<hbm>>) target(%dma_start3A_637 : memref<100x16xf32, #tpu.memory_space<vmem>>) offsets(%dma_start3A_640 : memref<100xi32, #tpu.memory_space<vmem>>) semaphore(%dma_start3A_645 : memref<!tpu.dma_semaphore, #tpu.memory_space<semaphore_mem>>)
      } else {
      }
      %dma_wait3A_596 = arith.constant 9 : i32
      %dma_wait3A_597 = arith.constant 9 : i32
      %dma_wait3A_598 = arith.constant 0 : i32
      %dma_wait3A_599 = arith.constant 0 : i32
      %dma_wait3A_600 = tpu.memref_slice %arg9[%dma_wait3A_596, %dma_wait3A_598, %dma_wait3A_599] : memref<10x100x16xf32, #tpu.memory_space<vmem>> -> memref<1x100x16xf32, #tpu.memory_space<vmem>>
      %dma_wait3A_601 = tpu.memref_squeeze %dma_wait3A_600 : memref<1x100x16xf32, #tpu.memory_space<vmem>> -> memref<100x16xf32, #tpu.memory_space<vmem>>
      %dma_wait3A_602 = arith.constant 0 : i32
      %dma_wait3A_603 = tpu.memref_slice %arg7[%add3A_588, %dma_wait3A_602] : memref<100x100xi32, #tpu.memory_space<vmem>> -> memref<1x100xi32, #tpu.memory_space<vmem>>
      %dma_wait3A_604 = tpu.memref_squeeze %dma_wait3A_603 : memref<1x100xi32, #tpu.memory_space<vmem>> -> memref<100xi32, #tpu.memory_space<vmem>>
      %dma_wait3A_605 = arith.constant 0 : i32
      %dma_wait3A_606 = arith.constant 0 : i32
      %dma_wait3A_607 = tpu.memref_slice %arg2[%dma_wait3A_605, %dma_wait3A_606] : memref<10240x16xf32, #tpu.memory_space<hbm>> -> memref<10240x16xf32, #tpu.memory_space<hbm>>
      %dma_wait3A_608 = tpu.memref_slice %arg11[%dma_wait3A_597] : memref<10x!tpu.dma_semaphore, #tpu.memory_space<semaphore_mem>> -> memref<1x!tpu.dma_semaphore, #tpu.memory_space<semaphore_mem>>
      %dma_wait3A_609 = tpu.memref_squeeze %dma_wait3A_608 : memref<1x!tpu.dma_semaphore, #tpu.memory_space<semaphore_mem>> -> memref<!tpu.dma_semaphore, #tpu.memory_space<semaphore_mem>>
      tpu.wait_indirect_dma semaphore(%dma_wait3A_609 : memref<!tpu.dma_semaphore, #tpu.memory_space<semaphore_mem>>) src(%dma_wait3A_607 : memref<10240x16xf32, #tpu.memory_space<hbm>>) dst(%dma_wait3A_601 : memref<100x16xf32, #tpu.memory_space<vmem>>)
      %dma_start3A_610 = arith.constant 9 : i32
      %dma_start3A_611 = arith.constant 9 : i32
      %dma_start3A_612 = arith.constant 0 : i32
      %dma_start3A_613 = arith.constant 0 : i32
      %dma_start3A_614 = tpu.memref_slice %arg9[%dma_start3A_610, %dma_start3A_612, %dma_start3A_613] : memref<10x100x16xf32, #tpu.memory_space<vmem>> -> memref<1x100x16xf32, #tpu.memory_space<vmem>>
      %dma_start3A_615 = tpu.memref_squeeze %dma_start3A_614 : memref<1x100x16xf32, #tpu.memory_space<vmem>> -> memref<100x16xf32, #tpu.memory_space<vmem>>
      %dma_start3A_616 = arith.constant 0 : i32
      %dma_start3A_617 = tpu.memref_slice %arg8[%add3A_588, %dma_start3A_616] : memref<100x100xi32, #tpu.memory_space<vmem>> -> memref<1x100xi32, #tpu.memory_space<vmem>>
      %dma_start3A_618 = tpu.memref_squeeze %dma_start3A_617 : memref<1x100xi32, #tpu.memory_space<vmem>> -> memref<100xi32, #tpu.memory_space<vmem>>
      %dma_start3A_619 = arith.constant 0 : i32
      %dma_start3A_620 = arith.constant 0 : i32
      %dma_start3A_621 = tpu.memref_slice %arg10[%dma_start3A_619, %dma_start3A_620] : memref<10240x16xf32, #tpu.memory_space<vmem_shared>> -> memref<10240x16xf32, #tpu.memory_space<vmem_shared>>
      %dma_start3A_622 = tpu.memref_slice %arg12[%dma_start3A_611] : memref<10x!tpu.dma_semaphore, #tpu.memory_space<semaphore_mem>> -> memref<1x!tpu.dma_semaphore, #tpu.memory_space<semaphore_mem>>
      %dma_start3A_623 = tpu.memref_squeeze %dma_start3A_622 : memref<1x!tpu.dma_semaphore, #tpu.memory_space<semaphore_mem>> -> memref<!tpu.dma_semaphore, #tpu.memory_space<semaphore_mem>>
      tpu.enqueue_indirect_dma source(%dma_start3A_615 : memref<100x16xf32, #tpu.memory_space<vmem>>) target(%dma_start3A_621 : memref<10240x16xf32, #tpu.memory_space<vmem_shared>>) offsets(%dma_start3A_618 : memref<100xi32, #tpu.memory_space<vmem>>) semaphore(%dma_start3A_623 : memref<!tpu.dma_semaphore, #tpu.memory_space<semaphore_mem>>) {add = true}
    }
    %scan3A_85 = arith.constant 10 : i32
    %dma_wait3A = arith.constant 0 : i32
    %dma_wait3A_86 = arith.constant 90 : i32
    %dma_wait3A_87 = arith.constant 0 : i32
    %dma_wait3A_88 = arith.constant 0 : i32
    %dma_wait3A_89 = arith.constant 0 : i32
    %dma_wait3A_90 = tpu.memref_slice %arg9[%dma_wait3A, %dma_wait3A_88, %dma_wait3A_89] : memref<10x100x16xf32, #tpu.memory_space<vmem>> -> memref<1x100x16xf32, #tpu.memory_space<vmem>>
    %dma_wait3A_91 = tpu.memref_squeeze %dma_wait3A_90 : memref<1x100x16xf32, #tpu.memory_space<vmem>> -> memref<100x16xf32, #tpu.memory_space<vmem>>
    %dma_wait3A_92 = arith.constant 0 : i32
    %dma_wait3A_93 = tpu.memref_slice %arg8[%dma_wait3A_86, %dma_wait3A_92] : memref<100x100xi32, #tpu.memory_space<vmem>> -> memref<1x100xi32, #tpu.memory_space<vmem>>
    %dma_wait3A_94 = tpu.memref_squeeze %dma_wait3A_93 : memref<1x100xi32, #tpu.memory_space<vmem>> -> memref<100xi32, #tpu.memory_space<vmem>>
    %dma_wait3A_95 = arith.constant 0 : i32
    %dma_wait3A_96 = arith.constant 0 : i32
    %dma_wait3A_97 = tpu.memref_slice %arg10[%dma_wait3A_95, %dma_wait3A_96] : memref<10240x16xf32, #tpu.memory_space<vmem_shared>> -> memref<10240x16xf32, #tpu.memory_space<vmem_shared>>
    %dma_wait3A_98 = tpu.memref_slice %arg12[%dma_wait3A_87] : memref<10x!tpu.dma_semaphore, #tpu.memory_space<semaphore_mem>> -> memref<1x!tpu.dma_semaphore, #tpu.memory_space<semaphore_mem>>
    %dma_wait3A_99 = tpu.memref_squeeze %dma_wait3A_98 : memref<1x!tpu.dma_semaphore, #tpu.memory_space<semaphore_mem>> -> memref<!tpu.dma_semaphore, #tpu.memory_space<semaphore_mem>>
    tpu.wait_indirect_dma semaphore(%dma_wait3A_99 : memref<!tpu.dma_semaphore, #tpu.memory_space<semaphore_mem>>) src(%dma_wait3A_91 : memref<100x16xf32, #tpu.memory_space<vmem>>) dst(%dma_wait3A_97 : memref<10240x16xf32, #tpu.memory_space<vmem_shared>>)
    %dma_wait3A_100 = arith.constant 1 : i32
    %dma_wait3A_101 = arith.constant 91 : i32
    %dma_wait3A_102 = arith.constant 1 : i32
    %dma_wait3A_103 = arith.constant 0 : i32
    %dma_wait3A_104 = arith.constant 0 : i32
    %dma_wait3A_105 = tpu.memref_slice %arg9[%dma_wait3A_100, %dma_wait3A_103, %dma_wait3A_104] : memref<10x100x16xf32, #tpu.memory_space<vmem>> -> memref<1x100x16xf32, #tpu.memory_space<vmem>>
    %dma_wait3A_106 = tpu.memref_squeeze %dma_wait3A_105 : memref<1x100x16xf32, #tpu.memory_space<vmem>> -> memref<100x16xf32, #tpu.memory_space<vmem>>
    %dma_wait3A_107 = arith.constant 0 : i32
    %dma_wait3A_108 = tpu.memref_slice %arg8[%dma_wait3A_101, %dma_wait3A_107] : memref<100x100xi32, #tpu.memory_space<vmem>> -> memref<1x100xi32, #tpu.memory_space<vmem>>
    %dma_wait3A_109 = tpu.memref_squeeze %dma_wait3A_108 : memref<1x100xi32, #tpu.memory_space<vmem>> -> memref<100xi32, #tpu.memory_space<vmem>>
    %dma_wait3A_110 = arith.constant 0 : i32
    %dma_wait3A_111 = arith.constant 0 : i32
    %dma_wait3A_112 = tpu.memref_slice %arg10[%dma_wait3A_110, %dma_wait3A_111] : memref<10240x16xf32, #tpu.memory_space<vmem_shared>> -> memref<10240x16xf32, #tpu.memory_space<vmem_shared>>
    %dma_wait3A_113 = tpu.memref_slice %arg12[%dma_wait3A_102] : memref<10x!tpu.dma_semaphore, #tpu.memory_space<semaphore_mem>> -> memref<1x!tpu.dma_semaphore, #tpu.memory_space<semaphore_mem>>
    %dma_wait3A_114 = tpu.memref_squeeze %dma_wait3A_113 : memref<1x!tpu.dma_semaphore, #tpu.memory_space<semaphore_mem>> -> memref<!tpu.dma_semaphore, #tpu.memory_space<semaphore_mem>>
    tpu.wait_indirect_dma semaphore(%dma_wait3A_114 : memref<!tpu.dma_semaphore, #tpu.memory_space<semaphore_mem>>) src(%dma_wait3A_106 : memref<100x16xf32, #tpu.memory_space<vmem>>) dst(%dma_wait3A_112 : memref<10240x16xf32, #tpu.memory_space<vmem_shared>>)
    %dma_wait3A_115 = arith.constant 2 : i32
    %dma_wait3A_116 = arith.constant 92 : i32
    %dma_wait3A_117 = arith.constant 2 : i32
    %dma_wait3A_118 = arith.constant 0 : i32
    %dma_wait3A_119 = arith.constant 0 : i32
    %dma_wait3A_120 = tpu.memref_slice %arg9[%dma_wait3A_115, %dma_wait3A_118, %dma_wait3A_119] : memref<10x100x16xf32, #tpu.memory_space<vmem>> -> memref<1x100x16xf32, #tpu.memory_space<vmem>>
    %dma_wait3A_121 = tpu.memref_squeeze %dma_wait3A_120 : memref<1x100x16xf32, #tpu.memory_space<vmem>> -> memref<100x16xf32, #tpu.memory_space<vmem>>
    %dma_wait3A_122 = arith.constant 0 : i32
    %dma_wait3A_123 = tpu.memref_slice %arg8[%dma_wait3A_116, %dma_wait3A_122] : memref<100x100xi32, #tpu.memory_space<vmem>> -> memref<1x100xi32, #tpu.memory_space<vmem>>
    %dma_wait3A_124 = tpu.memref_squeeze %dma_wait3A_123 : memref<1x100xi32, #tpu.memory_space<vmem>> -> memref<100xi32, #tpu.memory_space<vmem>>
    %dma_wait3A_125 = arith.constant 0 : i32
    %dma_wait3A_126 = arith.constant 0 : i32
    %dma_wait3A_127 = tpu.memref_slice %arg10[%dma_wait3A_125, %dma_wait3A_126] : memref<10240x16xf32, #tpu.memory_space<vmem_shared>> -> memref<10240x16xf32, #tpu.memory_space<vmem_shared>>
    %dma_wait3A_128 = tpu.memref_slice %arg12[%dma_wait3A_117] : memref<10x!tpu.dma_semaphore, #tpu.memory_space<semaphore_mem>> -> memref<1x!tpu.dma_semaphore, #tpu.memory_space<semaphore_mem>>
    %dma_wait3A_129 = tpu.memref_squeeze %dma_wait3A_128 : memref<1x!tpu.dma_semaphore, #tpu.memory_space<semaphore_mem>> -> memref<!tpu.dma_semaphore, #tpu.memory_space<semaphore_mem>>
    tpu.wait_indirect_dma semaphore(%dma_wait3A_129 : memref<!tpu.dma_semaphore, #tpu.memory_space<semaphore_mem>>) src(%dma_wait3A_121 : memref<100x16xf32, #tpu.memory_space<vmem>>) dst(%dma_wait3A_127 : memref<10240x16xf32, #tpu.memory_space<vmem_shared>>)
    %dma_wait3A_130 = arith.constant 3 : i32
    %dma_wait3A_131 = arith.constant 93 : i32
    %dma_wait3A_132 = arith.constant 3 : i32
    %dma_wait3A_133 = arith.constant 0 : i32
    %dma_wait3A_134 = arith.constant 0 : i32
    %dma_wait3A_135 = tpu.memref_slice %arg9[%dma_wait3A_130, %dma_wait3A_133, %dma_wait3A_134] : memref<10x100x16xf32, #tpu.memory_space<vmem>> -> memref<1x100x16xf32, #tpu.memory_space<vmem>>
    %dma_wait3A_136 = tpu.memref_squeeze %dma_wait3A_135 : memref<1x100x16xf32, #tpu.memory_space<vmem>> -> memref<100x16xf32, #tpu.memory_space<vmem>>
    %dma_wait3A_137 = arith.constant 0 : i32
    %dma_wait3A_138 = tpu.memref_slice %arg8[%dma_wait3A_131, %dma_wait3A_137] : memref<100x100xi32, #tpu.memory_space<vmem>> -> memref<1x100xi32, #tpu.memory_space<vmem>>
    %dma_wait3A_139 = tpu.memref_squeeze %dma_wait3A_138 : memref<1x100xi32, #tpu.memory_space<vmem>> -> memref<100xi32, #tpu.memory_space<vmem>>
    %dma_wait3A_140 = arith.constant 0 : i32
    %dma_wait3A_141 = arith.constant 0 : i32
    %dma_wait3A_142 = tpu.memref_slice %arg10[%dma_wait3A_140, %dma_wait3A_141] : memref<10240x16xf32, #tpu.memory_space<vmem_shared>> -> memref<10240x16xf32, #tpu.memory_space<vmem_shared>>
    %dma_wait3A_143 = tpu.memref_slice %arg12[%dma_wait3A_132] : memref<10x!tpu.dma_semaphore, #tpu.memory_space<semaphore_mem>> -> memref<1x!tpu.dma_semaphore, #tpu.memory_space<semaphore_mem>>
    %dma_wait3A_144 = tpu.memref_squeeze %dma_wait3A_143 : memref<1x!tpu.dma_semaphore, #tpu.memory_space<semaphore_mem>> -> memref<!tpu.dma_semaphore, #tpu.memory_space<semaphore_mem>>
    tpu.wait_indirect_dma semaphore(%dma_wait3A_144 : memref<!tpu.dma_semaphore, #tpu.memory_space<semaphore_mem>>) src(%dma_wait3A_136 : memref<100x16xf32, #tpu.memory_space<vmem>>) dst(%dma_wait3A_142 : memref<10240x16xf32, #tpu.memory_space<vmem_shared>>)
    %dma_wait3A_145 = arith.constant 4 : i32
    %dma_wait3A_146 = arith.constant 94 : i32
    %dma_wait3A_147 = arith.constant 4 : i32
    %dma_wait3A_148 = arith.constant 0 : i32
    %dma_wait3A_149 = arith.constant 0 : i32
    %dma_wait3A_150 = tpu.memref_slice %arg9[%dma_wait3A_145, %dma_wait3A_148, %dma_wait3A_149] : memref<10x100x16xf32, #tpu.memory_space<vmem>> -> memref<1x100x16xf32, #tpu.memory_space<vmem>>
    %dma_wait3A_151 = tpu.memref_squeeze %dma_wait3A_150 : memref<1x100x16xf32, #tpu.memory_space<vmem>> -> memref<100x16xf32, #tpu.memory_space<vmem>>
    %dma_wait3A_152 = arith.constant 0 : i32
    %dma_wait3A_153 = tpu.memref_slice %arg8[%dma_wait3A_146, %dma_wait3A_152] : memref<100x100xi32, #tpu.memory_space<vmem>> -> memref<1x100xi32, #tpu.memory_space<vmem>>
    %dma_wait3A_154 = tpu.memref_squeeze %dma_wait3A_153 : memref<1x100xi32, #tpu.memory_space<vmem>> -> memref<100xi32, #tpu.memory_space<vmem>>
    %dma_wait3A_155 = arith.constant 0 : i32
    %dma_wait3A_156 = arith.constant 0 : i32
    %dma_wait3A_157 = tpu.memref_slice %arg10[%dma_wait3A_155, %dma_wait3A_156] : memref<10240x16xf32, #tpu.memory_space<vmem_shared>> -> memref<10240x16xf32, #tpu.memory_space<vmem_shared>>
    %dma_wait3A_158 = tpu.memref_slice %arg12[%dma_wait3A_147] : memref<10x!tpu.dma_semaphore, #tpu.memory_space<semaphore_mem>> -> memref<1x!tpu.dma_semaphore, #tpu.memory_space<semaphore_mem>>
    %dma_wait3A_159 = tpu.memref_squeeze %dma_wait3A_158 : memref<1x!tpu.dma_semaphore, #tpu.memory_space<semaphore_mem>> -> memref<!tpu.dma_semaphore, #tpu.memory_space<semaphore_mem>>
    tpu.wait_indirect_dma semaphore(%dma_wait3A_159 : memref<!tpu.dma_semaphore, #tpu.memory_space<semaphore_mem>>) src(%dma_wait3A_151 : memref<100x16xf32, #tpu.memory_space<vmem>>) dst(%dma_wait3A_157 : memref<10240x16xf32, #tpu.memory_space<vmem_shared>>)
    %dma_wait3A_160 = arith.constant 5 : i32
    %dma_wait3A_161 = arith.constant 95 : i32
    %dma_wait3A_162 = arith.constant 5 : i32
    %dma_wait3A_163 = arith.constant 0 : i32
    %dma_wait3A_164 = arith.constant 0 : i32
    %dma_wait3A_165 = tpu.memref_slice %arg9[%dma_wait3A_160, %dma_wait3A_163, %dma_wait3A_164] : memref<10x100x16xf32, #tpu.memory_space<vmem>> -> memref<1x100x16xf32, #tpu.memory_space<vmem>>
    %dma_wait3A_166 = tpu.memref_squeeze %dma_wait3A_165 : memref<1x100x16xf32, #tpu.memory_space<vmem>> -> memref<100x16xf32, #tpu.memory_space<vmem>>
    %dma_wait3A_167 = arith.constant 0 : i32
    %dma_wait3A_168 = tpu.memref_slice %arg8[%dma_wait3A_161, %dma_wait3A_167] : memref<100x100xi32, #tpu.memory_space<vmem>> -> memref<1x100xi32, #tpu.memory_space<vmem>>
    %dma_wait3A_169 = tpu.memref_squeeze %dma_wait3A_168 : memref<1x100xi32, #tpu.memory_space<vmem>> -> memref<100xi32, #tpu.memory_space<vmem>>
    %dma_wait3A_170 = arith.constant 0 : i32
    %dma_wait3A_171 = arith.constant 0 : i32
    %dma_wait3A_172 = tpu.memref_slice %arg10[%dma_wait3A_170, %dma_wait3A_171] : memref<10240x16xf32, #tpu.memory_space<vmem_shared>> -> memref<10240x16xf32, #tpu.memory_space<vmem_shared>>
    %dma_wait3A_173 = tpu.memref_slice %arg12[%dma_wait3A_162] : memref<10x!tpu.dma_semaphore, #tpu.memory_space<semaphore_mem>> -> memref<1x!tpu.dma_semaphore, #tpu.memory_space<semaphore_mem>>
    %dma_wait3A_174 = tpu.memref_squeeze %dma_wait3A_173 : memref<1x!tpu.dma_semaphore, #tpu.memory_space<semaphore_mem>> -> memref<!tpu.dma_semaphore, #tpu.memory_space<semaphore_mem>>
    tpu.wait_indirect_dma semaphore(%dma_wait3A_174 : memref<!tpu.dma_semaphore, #tpu.memory_space<semaphore_mem>>) src(%dma_wait3A_166 : memref<100x16xf32, #tpu.memory_space<vmem>>) dst(%dma_wait3A_172 : memref<10240x16xf32, #tpu.memory_space<vmem_shared>>)
    %dma_wait3A_175 = arith.constant 6 : i32
    %dma_wait3A_176 = arith.constant 96 : i32
    %dma_wait3A_177 = arith.constant 6 : i32
    %dma_wait3A_178 = arith.constant 0 : i32
    %dma_wait3A_179 = arith.constant 0 : i32
    %dma_wait3A_180 = tpu.memref_slice %arg9[%dma_wait3A_175, %dma_wait3A_178, %dma_wait3A_179] : memref<10x100x16xf32, #tpu.memory_space<vmem>> -> memref<1x100x16xf32, #tpu.memory_space<vmem>>
    %dma_wait3A_181 = tpu.memref_squeeze %dma_wait3A_180 : memref<1x100x16xf32, #tpu.memory_space<vmem>> -> memref<100x16xf32, #tpu.memory_space<vmem>>
    %dma_wait3A_182 = arith.constant 0 : i32
    %dma_wait3A_183 = tpu.memref_slice %arg8[%dma_wait3A_176, %dma_wait3A_182] : memref<100x100xi32, #tpu.memory_space<vmem>> -> memref<1x100xi32, #tpu.memory_space<vmem>>
    %dma_wait3A_184 = tpu.memref_squeeze %dma_wait3A_183 : memref<1x100xi32, #tpu.memory_space<vmem>> -> memref<100xi32, #tpu.memory_space<vmem>>
    %dma_wait3A_185 = arith.constant 0 : i32
    %dma_wait3A_186 = arith.constant 0 : i32
    %dma_wait3A_187 = tpu.memref_slice %arg10[%dma_wait3A_185, %dma_wait3A_186] : memref<10240x16xf32, #tpu.memory_space<vmem_shared>> -> memref<10240x16xf32, #tpu.memory_space<vmem_shared>>
    %dma_wait3A_188 = tpu.memref_slice %arg12[%dma_wait3A_177] : memref<10x!tpu.dma_semaphore, #tpu.memory_space<semaphore_mem>> -> memref<1x!tpu.dma_semaphore, #tpu.memory_space<semaphore_mem>>
    %dma_wait3A_189 = tpu.memref_squeeze %dma_wait3A_188 : memref<1x!tpu.dma_semaphore, #tpu.memory_space<semaphore_mem>> -> memref<!tpu.dma_semaphore, #tpu.memory_space<semaphore_mem>>
    tpu.wait_indirect_dma semaphore(%dma_wait3A_189 : memref<!tpu.dma_semaphore, #tpu.memory_space<semaphore_mem>>) src(%dma_wait3A_181 : memref<100x16xf32, #tpu.memory_space<vmem>>) dst(%dma_wait3A_187 : memref<10240x16xf32, #tpu.memory_space<vmem_shared>>)
    %dma_wait3A_190 = arith.constant 7 : i32
    %dma_wait3A_191 = arith.constant 97 : i32
    %dma_wait3A_192 = arith.constant 7 : i32
    %dma_wait3A_193 = arith.constant 0 : i32
    %dma_wait3A_194 = arith.constant 0 : i32
    %dma_wait3A_195 = tpu.memref_slice %arg9[%dma_wait3A_190, %dma_wait3A_193, %dma_wait3A_194] : memref<10x100x16xf32, #tpu.memory_space<vmem>> -> memref<1x100x16xf32, #tpu.memory_space<vmem>>
    %dma_wait3A_196 = tpu.memref_squeeze %dma_wait3A_195 : memref<1x100x16xf32, #tpu.memory_space<vmem>> -> memref<100x16xf32, #tpu.memory_space<vmem>>
    %dma_wait3A_197 = arith.constant 0 : i32
    %dma_wait3A_198 = tpu.memref_slice %arg8[%dma_wait3A_191, %dma_wait3A_197] : memref<100x100xi32, #tpu.memory_space<vmem>> -> memref<1x100xi32, #tpu.memory_space<vmem>>
    %dma_wait3A_199 = tpu.memref_squeeze %dma_wait3A_198 : memref<1x100xi32, #tpu.memory_space<vmem>> -> memref<100xi32, #tpu.memory_space<vmem>>
    %dma_wait3A_200 = arith.constant 0 : i32
    %dma_wait3A_201 = arith.constant 0 : i32
    %dma_wait3A_202 = tpu.memref_slice %arg10[%dma_wait3A_200, %dma_wait3A_201] : memref<10240x16xf32, #tpu.memory_space<vmem_shared>> -> memref<10240x16xf32, #tpu.memory_space<vmem_shared>>
    %dma_wait3A_203 = tpu.memref_slice %arg12[%dma_wait3A_192] : memref<10x!tpu.dma_semaphore, #tpu.memory_space<semaphore_mem>> -> memref<1x!tpu.dma_semaphore, #tpu.memory_space<semaphore_mem>>
    %dma_wait3A_204 = tpu.memref_squeeze %dma_wait3A_203 : memref<1x!tpu.dma_semaphore, #tpu.memory_space<semaphore_mem>> -> memref<!tpu.dma_semaphore, #tpu.memory_space<semaphore_mem>>
    tpu.wait_indirect_dma semaphore(%dma_wait3A_204 : memref<!tpu.dma_semaphore, #tpu.memory_space<semaphore_mem>>) src(%dma_wait3A_196 : memref<100x16xf32, #tpu.memory_space<vmem>>) dst(%dma_wait3A_202 : memref<10240x16xf32, #tpu.memory_space<vmem_shared>>)
    %dma_wait3A_205 = arith.constant 8 : i32
    %dma_wait3A_206 = arith.constant 98 : i32
    %dma_wait3A_207 = arith.constant 8 : i32
    %dma_wait3A_208 = arith.constant 0 : i32
    %dma_wait3A_209 = arith.constant 0 : i32
    %dma_wait3A_210 = tpu.memref_slice %arg9[%dma_wait3A_205, %dma_wait3A_208, %dma_wait3A_209] : memref<10x100x16xf32, #tpu.memory_space<vmem>> -> memref<1x100x16xf32, #tpu.memory_space<vmem>>
    %dma_wait3A_211 = tpu.memref_squeeze %dma_wait3A_210 : memref<1x100x16xf32, #tpu.memory_space<vmem>> -> memref<100x16xf32, #tpu.memory_space<vmem>>
    %dma_wait3A_212 = arith.constant 0 : i32
    %dma_wait3A_213 = tpu.memref_slice %arg8[%dma_wait3A_206, %dma_wait3A_212] : memref<100x100xi32, #tpu.memory_space<vmem>> -> memref<1x100xi32, #tpu.memory_space<vmem>>
    %dma_wait3A_214 = tpu.memref_squeeze %dma_wait3A_213 : memref<1x100xi32, #tpu.memory_space<vmem>> -> memref<100xi32, #tpu.memory_space<vmem>>
    %dma_wait3A_215 = arith.constant 0 : i32
    %dma_wait3A_216 = arith.constant 0 : i32
    %dma_wait3A_217 = tpu.memref_slice %arg10[%dma_wait3A_215, %dma_wait3A_216] : memref<10240x16xf32, #tpu.memory_space<vmem_shared>> -> memref<10240x16xf32, #tpu.memory_space<vmem_shared>>
    %dma_wait3A_218 = tpu.memref_slice %arg12[%dma_wait3A_207] : memref<10x!tpu.dma_semaphore, #tpu.memory_space<semaphore_mem>> -> memref<1x!tpu.dma_semaphore, #tpu.memory_space<semaphore_mem>>
    %dma_wait3A_219 = tpu.memref_squeeze %dma_wait3A_218 : memref<1x!tpu.dma_semaphore, #tpu.memory_space<semaphore_mem>> -> memref<!tpu.dma_semaphore, #tpu.memory_space<semaphore_mem>>
    tpu.wait_indirect_dma semaphore(%dma_wait3A_219 : memref<!tpu.dma_semaphore, #tpu.memory_space<semaphore_mem>>) src(%dma_wait3A_211 : memref<100x16xf32, #tpu.memory_space<vmem>>) dst(%dma_wait3A_217 : memref<10240x16xf32, #tpu.memory_space<vmem_shared>>)
    %dma_wait3A_220 = arith.constant 9 : i32
    %dma_wait3A_221 = arith.constant 99 : i32
    %dma_wait3A_222 = arith.constant 9 : i32
    %dma_wait3A_223 = arith.constant 0 : i32
    %dma_wait3A_224 = arith.constant 0 : i32
    %dma_wait3A_225 = tpu.memref_slice %arg9[%dma_wait3A_220, %dma_wait3A_223, %dma_wait3A_224] : memref<10x100x16xf32, #tpu.memory_space<vmem>> -> memref<1x100x16xf32, #tpu.memory_space<vmem>>
    %dma_wait3A_226 = tpu.memref_squeeze %dma_wait3A_225 : memref<1x100x16xf32, #tpu.memory_space<vmem>> -> memref<100x16xf32, #tpu.memory_space<vmem>>
    %dma_wait3A_227 = arith.constant 0 : i32
    %dma_wait3A_228 = tpu.memref_slice %arg8[%dma_wait3A_221, %dma_wait3A_227] : memref<100x100xi32, #tpu.memory_space<vmem>> -> memref<1x100xi32, #tpu.memory_space<vmem>>
    %dma_wait3A_229 = tpu.memref_squeeze %dma_wait3A_228 : memref<1x100xi32, #tpu.memory_space<vmem>> -> memref<100xi32, #tpu.memory_space<vmem>>
    %dma_wait3A_230 = arith.constant 0 : i32
    %dma_wait3A_231 = arith.constant 0 : i32
    %dma_wait3A_232 = tpu.memref_slice %arg10[%dma_wait3A_230, %dma_wait3A_231] : memref<10240x16xf32, #tpu.memory_space<vmem_shared>> -> memref<10240x16xf32, #tpu.memory_space<vmem_shared>>
    %dma_wait3A_233 = tpu.memref_slice %arg12[%dma_wait3A_222] : memref<10x!tpu.dma_semaphore, #tpu.memory_space<semaphore_mem>> -> memref<1x!tpu.dma_semaphore, #tpu.memory_space<semaphore_mem>>
    %dma_wait3A_234 = tpu.memref_squeeze %dma_wait3A_233 : memref<1x!tpu.dma_semaphore, #tpu.memory_space<semaphore_mem>> -> memref<!tpu.dma_semaphore, #tpu.memory_space<semaphore_mem>>
    tpu.wait_indirect_dma semaphore(%dma_wait3A_234 : memref<!tpu.dma_semaphore, #tpu.memory_space<semaphore_mem>>) src(%dma_wait3A_226 : memref<100x16xf32, #tpu.memory_space<vmem>>) dst(%dma_wait3A_232 : memref<10240x16xf32, #tpu.memory_space<vmem_shared>>)
    %barrier3A_235 = arith.constant 0 : index
    tpu.barrier barrier_id(%barrier3A_235)
    "tpu.region"() ({
      %run_scoped3A = tpu.sem_alloc : memref<!tpu.dma_semaphore, #tpu.memory_space<semaphore_mem>>
      %dma_start3A_236 = arith.constant 0 : i32
      %dma_start3A_237 = tpu.memref_slice %arg6[%arg0, %mul3A_2, %dma_start3A_236] : memref<2x10240x16xf32, #tpu.memory_space<hbm>> -> memref<1x640x16xf32, #tpu.memory_space<hbm>>
      %dma_start3A_238 = tpu.memref_squeeze %dma_start3A_237 : memref<1x640x16xf32, #tpu.memory_space<hbm>> -> memref<640x16xf32, #tpu.memory_space<hbm>>
      %dma_start3A_239 = arith.constant 0 : i32
      %dma_start3A_240 = tpu.memref_slice %arg10[%mul3A_2, %dma_start3A_239] : memref<10240x16xf32, #tpu.memory_space<vmem_shared>> -> memref<640x16xf32, #tpu.memory_space<vmem_shared>>
      tpu.enqueue_dma source(%dma_start3A_240 : memref<640x16xf32, #tpu.memory_space<vmem_shared>>) target(%dma_start3A_238 : memref<640x16xf32, #tpu.memory_space<hbm>>) target_semaphore(%run_scoped3A : memref<!tpu.dma_semaphore, #tpu.memory_space<semaphore_mem>>)
      %dma_wait3A_241 = arith.constant 0 : i32
      %dma_wait3A_242 = tpu.memref_slice %arg6[%arg0, %mul3A_2, %dma_wait3A_241] : memref<2x10240x16xf32, #tpu.memory_space<hbm>> -> memref<1x640x16xf32, #tpu.memory_space<hbm>>
      %dma_wait3A_243 = tpu.memref_squeeze %dma_wait3A_242 : memref<1x640x16xf32, #tpu.memory_space<hbm>> -> memref<640x16xf32, #tpu.memory_space<hbm>>
      %dma_wait3A_244 = arith.constant 0 : i32
      %dma_wait3A_245 = tpu.memref_slice %arg10[%mul3A_2, %dma_wait3A_244] : memref<10240x16xf32, #tpu.memory_space<vmem_shared>> -> memref<640x16xf32, #tpu.memory_space<vmem_shared>>
      tpu.wait_dma2 semaphore(%run_scoped3A : memref<!tpu.dma_semaphore, #tpu.memory_space<semaphore_mem>>) src(%dma_wait3A_245 : memref<640x16xf32, #tpu.memory_space<vmem_shared>>) dst(%dma_wait3A_243 : memref<640x16xf32, #tpu.memory_space<hbm>>)
      tpu.yield
    }) : () -> ()
    return
  }
}

module attributes {stable_mosaic.version = 14 : i64} {
  func.func @body(%arg0: i32, %arg1: memref<2x128x128xf32, #tpu.memory_space<vmem>>, %arg2: memref<1024x128xf32, #tpu.memory_space<vmem>>, %arg3: memref<128x64xf32, #tpu.memory_space<vmem>>, %arg4: memref<512x128xf32, #tpu.memory_space<vmem>>) attributes {dimension_semantics = [#tpu.dimension_semantics<arbitrary>], iteration_bounds = array<i64: 10>, scalar_prefetch = 0 : i64, scratch_operands = 0 : i64, tpu.core_type = #tpu.core_type<tc>, window_params = [{transform_indices = @transform_0, window_bounds = array<i64: 2, 128, 128>}, {transform_indices = @transform_1, window_bounds = array<i64: 1024, 128>}, {pipeline_mode = #tpu.pipeline_mode<synchronous>, transform_indices = @transform_2, window_bounds = array<i64: 128, 64>}, {transform_indices = @transform_3, window_bounds = array<i64: 512, 128>}]} {
    %get3A = arith.constant 0 : index
    %get3A_0 = arith.constant 0 : index
    %get3A_1 = arith.constant 0 : index
    %get3A_2 = vector.load %arg1[%get3A, %get3A_0, %get3A_1] : memref<2x128x128xf32, #tpu.memory_space<vmem>>, vector<1x128x128xf32>
    %get3A_3 = vector.shape_cast %get3A_2 : vector<1x128x128xf32> to vector<128x128xf32>
    %get3A_4 = arith.constant 1 : index
    %get3A_5 = arith.constant 0 : index
    %get3A_6 = arith.constant 0 : index
    %get3A_7 = vector.load %arg1[%get3A_4, %get3A_5, %get3A_6] : memref<2x128x128xf32, #tpu.memory_space<vmem>>, vector<1x128x128xf32>
    %get3A_8 = vector.shape_cast %get3A_7 : vector<1x128x128xf32> to vector<128x128xf32>
    %add3A = arith.addf %get3A_3, %get3A_8 : vector<128x128xf32>
    %max3A = arith.constant 1.000000e+00 : f32
    %max3A_9 = vector.broadcast %max3A : f32 to vector<128x128xf32>
    %max3A_10 = arith.maximumf %add3A, %max3A_9 : vector<128x128xf32>
    %rsqrt3A = math.rsqrt %max3A_10 : vector<128x128xf32>
    %slice3A = vector.extract_strided_slice %rsqrt3A {offsets = [0, 0], sizes = [128, 16], strides = [1, 1]} : vector<128x128xf32> to vector<128x16xf32>
    %slice3A_11 = vector.extract_strided_slice %rsqrt3A {offsets = [0, 16], sizes = [128, 16], strides = [1, 1]} : vector<128x128xf32> to vector<128x16xf32>
    %slice3A_12 = vector.extract_strided_slice %rsqrt3A {offsets = [0, 32], sizes = [128, 16], strides = [1, 1]} : vector<128x128xf32> to vector<128x16xf32>
    %slice3A_13 = vector.extract_strided_slice %rsqrt3A {offsets = [0, 48], sizes = [128, 16], strides = [1, 1]} : vector<128x128xf32> to vector<128x16xf32>
    %slice3A_14 = vector.extract_strided_slice %rsqrt3A {offsets = [0, 64], sizes = [128, 16], strides = [1, 1]} : vector<128x128xf32> to vector<128x16xf32>
    %slice3A_15 = vector.extract_strided_slice %rsqrt3A {offsets = [0, 80], sizes = [128, 16], strides = [1, 1]} : vector<128x128xf32> to vector<128x16xf32>
    %slice3A_16 = vector.extract_strided_slice %rsqrt3A {offsets = [0, 96], sizes = [128, 16], strides = [1, 1]} : vector<128x128xf32> to vector<128x16xf32>
    %slice3A_17 = vector.extract_strided_slice %rsqrt3A {offsets = [0, 112], sizes = [128, 16], strides = [1, 1]} : vector<128x128xf32> to vector<128x16xf32>
    %stack3A = vector.shape_cast %slice3A : vector<128x16xf32> to vector<128x1x16xf32>
    %stack3A_18 = vector.shape_cast %slice3A_11 : vector<128x16xf32> to vector<128x1x16xf32>
    %stack3A_19 = vector.shape_cast %slice3A_12 : vector<128x16xf32> to vector<128x1x16xf32>
    %stack3A_20 = vector.shape_cast %slice3A_13 : vector<128x16xf32> to vector<128x1x16xf32>
    %stack3A_21 = vector.shape_cast %slice3A_14 : vector<128x16xf32> to vector<128x1x16xf32>
    %stack3A_22 = vector.shape_cast %slice3A_15 : vector<128x16xf32> to vector<128x1x16xf32>
    %stack3A_23 = vector.shape_cast %slice3A_16 : vector<128x16xf32> to vector<128x1x16xf32>
    %stack3A_24 = vector.shape_cast %slice3A_17 : vector<128x16xf32> to vector<128x1x16xf32>
    %stack3A_25 = tpu.concatenate %stack3A, %stack3A_18, %stack3A_19, %stack3A_20, %stack3A_21, %stack3A_22, %stack3A_23, %stack3A_24 in 1 : vector<128x1x16xf32>, vector<128x1x16xf32>, vector<128x1x16xf32>, vector<128x1x16xf32>, vector<128x1x16xf32>, vector<128x1x16xf32>, vector<128x1x16xf32>, vector<128x1x16xf32> -> vector<128x8x16xf32>
    %reshape3A = vector.shape_cast %stack3A_25 : vector<128x8x16xf32> to vector<1024x16xf32>
    %slice3A_26 = vector.extract_strided_slice %reshape3A {offsets = [0, 0], sizes = [1024, 1], strides = [1, 1]} : vector<1024x16xf32> to vector<1024x1xf32>
    %get3A_27 = arith.constant 0 : index
    %get3A_28 = arith.constant 0 : index
    %get3A_29 = vector.load %arg2[%get3A_27, %get3A_28] : memref<1024x128xf32, #tpu.memory_space<vmem>>, vector<1024x128xf32>
    %get3A_30 = arith.constant 0 : index
    %get3A_31 = arith.constant 0 : index
    %get3A_32 = vector.load %arg3[%get3A_30, %get3A_31] : memref<128x64xf32, #tpu.memory_space<vmem>>, vector<128x64xf32>
    %dot_general3A = arith.constant dense<0.000000e+00> : vector<1024x64xf32>
    %dot_general3A_33 = tpu.matmul %get3A_29, %get3A_32, %dot_general3A {dimension_numbers = #tpu.dot_dimension_numbers<[1], [0], [0], [1], [0, 0, 1, 1], [], []>, transpose_lhs_hint = false} : vector<1024x128xf32>, vector<128x64xf32>, vector<1024x64xf32> -> vector<1024x64xf32>
    %mul3A = vector.broadcast %slice3A_26 : vector<1024x1xf32> to vector<1024x64xf32>
    %mul3A_34 = arith.mulf %dot_general3A_33, %mul3A : vector<1024x64xf32>
    %slice3A_35 = vector.extract_strided_slice %mul3A_34 {offsets = [0, 0], sizes = [512, 64], strides = [1, 1]} : vector<1024x64xf32> to vector<512x64xf32>
    %slice3A_36 = vector.extract_strided_slice %mul3A_34 {offsets = [512, 0], sizes = [512, 64], strides = [1, 1]} : vector<1024x64xf32> to vector<512x64xf32>
    %concatenate3A = tpu.concatenate %slice3A_35, %slice3A_36 in 1 : vector<512x64xf32>, vector<512x64xf32> -> vector<512x128xf32>
    %swap3A = arith.constant 0 : index
    %swap3A_37 = arith.constant 0 : index
    %swap3A_38 = vector.load %arg4[%swap3A, %swap3A_37] : memref<512x128xf32, #tpu.memory_space<vmem>>, vector<512x128xf32>
    tpu.vector_store %arg4[%swap3A, %swap3A_37], %concatenate3A {strides = array<i32>} : memref<512x128xf32, #tpu.memory_space<vmem>>, vector<512x128xf32>,
    return
  }
  func.func @transform_0(%arg0: i32) -> (i32, i32, i32) {
    %c0_i32 = arith.constant 0 : i32
    %c0_i32_0 = arith.constant 0 : i32
    %c0_i32_1 = arith.constant 0 : i32
    return %c0_i32, %arg0, %c0_i32_0 : i32, i32, i32
  }
  func.func @transform_1(%arg0: i32) -> (i32, i32) {
    %c0_i32 = arith.constant 0 : i32
    %c0_i32_0 = arith.constant 0 : i32
    return %arg0, %c0_i32 : i32, i32
  }
  func.func @transform_2(%arg0: i32) -> (i32, i32) {
    %c0_i32 = arith.constant 0 : i32
    %c0_i32_0 = arith.constant 0 : i32
    %c0_i32_1 = arith.constant 0 : i32
    return %c0_i32, %c0_i32_0 : i32, i32
  }
  func.func @transform_3(%arg0: i32) -> (i32, i32) {
    %c0_i32 = arith.constant 0 : i32
    %c0_i32_0 = arith.constant 0 : i32
    return %arg0, %c0_i32 : i32, i32
  }
}

module attributes {stable_mosaic.version = 14 : i64} {
  func.func @body(%arg0: i32, %arg1: memref<2x128x128xf32, #tpu.memory_space<vmem>>, %arg2: memref<2x512x128xf32, #tpu.memory_space<vmem>>, %arg3: memref<64x16xf32, #tpu.memory_space<vmem>>, %arg4: memref<128x128xf32, #tpu.memory_space<vmem>>) attributes {dimension_semantics = [#tpu.dimension_semantics<arbitrary>], iteration_bounds = array<i64: 10>, scalar_prefetch = 0 : i64, scratch_operands = 0 : i64, tpu.core_type = #tpu.core_type<tc>, window_params = [{transform_indices = @transform_0, window_bounds = array<i64: 2, 128, 128>}, {transform_indices = @transform_1, window_bounds = array<i64: 2, 512, 128>}, {pipeline_mode = #tpu.pipeline_mode<synchronous>, transform_indices = @transform_2, window_bounds = array<i64: 64, 16>}, {transform_indices = @transform_3, window_bounds = array<i64: 128, 128>}]} {
    %get3A = arith.constant 0 : index
    %get3A_0 = arith.constant 0 : index
    %get3A_1 = arith.constant 0 : index
    %get3A_2 = vector.load %arg1[%get3A, %get3A_0, %get3A_1] : memref<2x128x128xf32, #tpu.memory_space<vmem>>, vector<1x128x128xf32>
    %get3A_3 = vector.shape_cast %get3A_2 : vector<1x128x128xf32> to vector<128x128xf32>
    %get3A_4 = arith.constant 1 : index
    %get3A_5 = arith.constant 0 : index
    %get3A_6 = arith.constant 0 : index
    %get3A_7 = vector.load %arg1[%get3A_4, %get3A_5, %get3A_6] : memref<2x128x128xf32, #tpu.memory_space<vmem>>, vector<1x128x128xf32>
    %get3A_8 = vector.shape_cast %get3A_7 : vector<1x128x128xf32> to vector<128x128xf32>
    %add3A = arith.addf %get3A_3, %get3A_8 : vector<128x128xf32>
    %max3A = arith.constant 1.000000e+00 : f32
    %max3A_9 = vector.broadcast %max3A : f32 to vector<128x128xf32>
    %max3A_10 = arith.maximumf %add3A, %max3A_9 : vector<128x128xf32>
    %rsqrt3A = math.rsqrt %max3A_10 : vector<128x128xf32>
    %slice3A = vector.extract_strided_slice %rsqrt3A {offsets = [0, 0], sizes = [128, 16], strides = [1, 1]} : vector<128x128xf32> to vector<128x16xf32>
    %slice3A_11 = vector.extract_strided_slice %rsqrt3A {offsets = [0, 16], sizes = [128, 16], strides = [1, 1]} : vector<128x128xf32> to vector<128x16xf32>
    %slice3A_12 = vector.extract_strided_slice %rsqrt3A {offsets = [0, 32], sizes = [128, 16], strides = [1, 1]} : vector<128x128xf32> to vector<128x16xf32>
    %slice3A_13 = vector.extract_strided_slice %rsqrt3A {offsets = [0, 48], sizes = [128, 16], strides = [1, 1]} : vector<128x128xf32> to vector<128x16xf32>
    %slice3A_14 = vector.extract_strided_slice %rsqrt3A {offsets = [0, 64], sizes = [128, 16], strides = [1, 1]} : vector<128x128xf32> to vector<128x16xf32>
    %slice3A_15 = vector.extract_strided_slice %rsqrt3A {offsets = [0, 80], sizes = [128, 16], strides = [1, 1]} : vector<128x128xf32> to vector<128x16xf32>
    %slice3A_16 = vector.extract_strided_slice %rsqrt3A {offsets = [0, 96], sizes = [128, 16], strides = [1, 1]} : vector<128x128xf32> to vector<128x16xf32>
    %slice3A_17 = vector.extract_strided_slice %rsqrt3A {offsets = [0, 112], sizes = [128, 16], strides = [1, 1]} : vector<128x128xf32> to vector<128x16xf32>
    %stack3A = vector.shape_cast %slice3A : vector<128x16xf32> to vector<128x1x16xf32>
    %stack3A_18 = vector.shape_cast %slice3A_11 : vector<128x16xf32> to vector<128x1x16xf32>
    %stack3A_19 = vector.shape_cast %slice3A_12 : vector<128x16xf32> to vector<128x1x16xf32>
    %stack3A_20 = vector.shape_cast %slice3A_13 : vector<128x16xf32> to vector<128x1x16xf32>
    %stack3A_21 = vector.shape_cast %slice3A_14 : vector<128x16xf32> to vector<128x1x16xf32>
    %stack3A_22 = vector.shape_cast %slice3A_15 : vector<128x16xf32> to vector<128x1x16xf32>
    %stack3A_23 = vector.shape_cast %slice3A_16 : vector<128x16xf32> to vector<128x1x16xf32>
    %stack3A_24 = vector.shape_cast %slice3A_17 : vector<128x16xf32> to vector<128x1x16xf32>
    %stack3A_25 = tpu.concatenate %stack3A, %stack3A_18, %stack3A_19, %stack3A_20, %stack3A_21, %stack3A_22, %stack3A_23, %stack3A_24 in 1 : vector<128x1x16xf32>, vector<128x1x16xf32>, vector<128x1x16xf32>, vector<128x1x16xf32>, vector<128x1x16xf32>, vector<128x1x16xf32>, vector<128x1x16xf32>, vector<128x1x16xf32> -> vector<128x8x16xf32>
    %reshape3A = vector.shape_cast %stack3A_25 : vector<128x8x16xf32> to vector<1024x16xf32>
    %slice3A_26 = vector.extract_strided_slice %reshape3A {offsets = [0, 0], sizes = [1024, 1], strides = [1, 1]} : vector<1024x16xf32> to vector<1024x1xf32>
    %get3A_27 = arith.constant 0 : index
    %get3A_28 = arith.constant 0 : index
    %get3A_29 = arith.constant 0 : index
    %get3A_30 = vector.load %arg2[%get3A_27, %get3A_28, %get3A_29] : memref<2x512x128xf32, #tpu.memory_space<vmem>>, vector<1x512x128xf32>
    %get3A_31 = vector.shape_cast %get3A_30 : vector<1x512x128xf32> to vector<512x128xf32>
    %get3A_32 = arith.constant 1 : index
    %get3A_33 = arith.constant 0 : index
    %get3A_34 = arith.constant 0 : index
    %get3A_35 = vector.load %arg2[%get3A_32, %get3A_33, %get3A_34] : memref<2x512x128xf32, #tpu.memory_space<vmem>>, vector<1x512x128xf32>
    %get3A_36 = vector.shape_cast %get3A_35 : vector<1x512x128xf32> to vector<512x128xf32>
    %add3A_37 = arith.addf %get3A_31, %get3A_36 : vector<512x128xf32>
    %slice3A_38 = vector.extract_strided_slice %add3A_37 {offsets = [0, 0], sizes = [512, 64], strides = [1, 1]} : vector<512x128xf32> to vector<512x64xf32>
    %slice3A_39 = vector.extract_strided_slice %add3A_37 {offsets = [0, 64], sizes = [512, 64], strides = [1, 1]} : vector<512x128xf32> to vector<512x64xf32>
    %stack3A_40 = vector.shape_cast %slice3A_38 : vector<512x64xf32> to vector<512x1x64xf32>
    %stack3A_41 = vector.shape_cast %slice3A_39 : vector<512x64xf32> to vector<512x1x64xf32>
    %stack3A_42 = tpu.concatenate %stack3A_40, %stack3A_41 in 1 : vector<512x1x64xf32>, vector<512x1x64xf32> -> vector<512x2x64xf32>
    %reshape3A_43 = vector.shape_cast %stack3A_42 : vector<512x2x64xf32> to vector<1024x64xf32>
    %mul3A = vector.broadcast %slice3A_26 : vector<1024x1xf32> to vector<1024x64xf32>
    %mul3A_44 = arith.mulf %reshape3A_43, %mul3A : vector<1024x64xf32>
    %max3A_45 = arith.constant 0.000000e+00 : f32
    %max3A_46 = vector.broadcast %max3A_45 : f32 to vector<1024x64xf32>
    %max3A_47 = arith.maximumf %mul3A_44, %max3A_46 : vector<1024x64xf32>
    %get3A_48 = arith.constant 0 : index
    %get3A_49 = arith.constant 0 : index
    %get3A_50 = vector.load %arg3[%get3A_48, %get3A_49] : memref<64x16xf32, #tpu.memory_space<vmem>>, vector<64x16xf32>
    %dot_general3A = arith.constant dense<0.000000e+00> : vector<1024x16xf32>
    %dot_general3A_51 = tpu.matmul %max3A_47, %get3A_50, %dot_general3A {dimension_numbers = #tpu.dot_dimension_numbers<[1], [0], [0], [1], [0, 0, 1, 1], [], []>, transpose_lhs_hint = false} : vector<1024x64xf32>, vector<64x16xf32>, vector<1024x16xf32> -> vector<1024x16xf32>
    %mul3A_52 = vector.broadcast %slice3A_26 : vector<1024x1xf32> to vector<1024x16xf32>
    %mul3A_53 = arith.mulf %dot_general3A_51, %mul3A_52 : vector<1024x16xf32>
    %slice3A_54 = vector.extract_strided_slice %mul3A_53 {offsets = [0, 0], sizes = [128, 16], strides = [1, 1]} : vector<1024x16xf32> to vector<128x16xf32>
    %slice3A_55 = vector.extract_strided_slice %mul3A_53 {offsets = [128, 0], sizes = [128, 16], strides = [1, 1]} : vector<1024x16xf32> to vector<128x16xf32>
    %slice3A_56 = vector.extract_strided_slice %mul3A_53 {offsets = [256, 0], sizes = [128, 16], strides = [1, 1]} : vector<1024x16xf32> to vector<128x16xf32>
    %slice3A_57 = vector.extract_strided_slice %mul3A_53 {offsets = [384, 0], sizes = [128, 16], strides = [1, 1]} : vector<1024x16xf32> to vector<128x16xf32>
    %slice3A_58 = vector.extract_strided_slice %mul3A_53 {offsets = [512, 0], sizes = [128, 16], strides = [1, 1]} : vector<1024x16xf32> to vector<128x16xf32>
    %slice3A_59 = vector.extract_strided_slice %mul3A_53 {offsets = [640, 0], sizes = [128, 16], strides = [1, 1]} : vector<1024x16xf32> to vector<128x16xf32>
    %slice3A_60 = vector.extract_strided_slice %mul3A_53 {offsets = [768, 0], sizes = [128, 16], strides = [1, 1]} : vector<1024x16xf32> to vector<128x16xf32>
    %slice3A_61 = vector.extract_strided_slice %mul3A_53 {offsets = [896, 0], sizes = [128, 16], strides = [1, 1]} : vector<1024x16xf32> to vector<128x16xf32>
    %concatenate3A = tpu.concatenate %slice3A_54, %slice3A_55, %slice3A_56, %slice3A_57, %slice3A_58, %slice3A_59, %slice3A_60, %slice3A_61 in 1 : vector<128x16xf32>, vector<128x16xf32>, vector<128x16xf32>, vector<128x16xf32>, vector<128x16xf32>, vector<128x16xf32>, vector<128x16xf32>, vector<128x16xf32> -> vector<128x128xf32>
    %swap3A = arith.constant 0 : index
    %swap3A_62 = arith.constant 0 : index
    %swap3A_63 = vector.load %arg4[%swap3A, %swap3A_62] : memref<128x128xf32, #tpu.memory_space<vmem>>, vector<128x128xf32>
    tpu.vector_store %arg4[%swap3A, %swap3A_62], %concatenate3A {strides = array<i32>} : memref<128x128xf32, #tpu.memory_space<vmem>>, vector<128x128xf32>,
    return
  }
  func.func @transform_0(%arg0: i32) -> (i32, i32, i32) {
    %c0_i32 = arith.constant 0 : i32
    %c0_i32_0 = arith.constant 0 : i32
    %c0_i32_1 = arith.constant 0 : i32
    return %c0_i32, %arg0, %c0_i32_0 : i32, i32, i32
  }
  func.func @transform_1(%arg0: i32) -> (i32, i32, i32) {
    %c0_i32 = arith.constant 0 : i32
    %c0_i32_0 = arith.constant 0 : i32
    %c0_i32_1 = arith.constant 0 : i32
    return %c0_i32, %arg0, %c0_i32_0 : i32, i32, i32
  }
  func.func @transform_2(%arg0: i32) -> (i32, i32) {
    %c0_i32 = arith.constant 0 : i32
    %c0_i32_0 = arith.constant 0 : i32
    %c0_i32_1 = arith.constant 0 : i32
    return %c0_i32, %c0_i32_0 : i32, i32
  }
  func.func @transform_3(%arg0: i32) -> (i32, i32) {
    %c0_i32 = arith.constant 0 : i32
    %c0_i32_0 = arith.constant 0 : i32
    return %arg0, %c0_i32 : i32, i32
  }
}

module attributes {stable_mosaic.version = 14 : i64} {
  func.func @body(%arg0: i32, %arg1: memref<2x128x128xf32, #tpu.memory_space<vmem>>, %arg2: memref<2x128x128xf32, #tpu.memory_space<vmem>>, %arg3: memref<128x128xf32, #tpu.memory_space<vmem>>) attributes {dimension_semantics = [#tpu.dimension_semantics<arbitrary>], iteration_bounds = array<i64: 10>, scalar_prefetch = 0 : i64, scratch_operands = 0 : i64, tpu.core_type = #tpu.core_type<tc>, window_params = [{transform_indices = @transform_0, window_bounds = array<i64: 2, 128, 128>}, {transform_indices = @transform_1, window_bounds = array<i64: 2, 128, 128>}, {transform_indices = @transform_2, window_bounds = array<i64: 128, 128>}]} {
    %get3A = arith.constant 0 : index
    %get3A_0 = arith.constant 0 : index
    %get3A_1 = arith.constant 0 : index
    %get3A_2 = vector.load %arg2[%get3A, %get3A_0, %get3A_1] : memref<2x128x128xf32, #tpu.memory_space<vmem>>, vector<1x128x128xf32>
    %get3A_3 = vector.shape_cast %get3A_2 : vector<1x128x128xf32> to vector<128x128xf32>
    %get3A_4 = arith.constant 1 : index
    %get3A_5 = arith.constant 0 : index
    %get3A_6 = arith.constant 0 : index
    %get3A_7 = vector.load %arg2[%get3A_4, %get3A_5, %get3A_6] : memref<2x128x128xf32, #tpu.memory_space<vmem>>, vector<1x128x128xf32>
    %get3A_8 = vector.shape_cast %get3A_7 : vector<1x128x128xf32> to vector<128x128xf32>
    %add3A = arith.addf %get3A_3, %get3A_8 : vector<128x128xf32>
    %get3A_9 = arith.constant 0 : index
    %get3A_10 = arith.constant 0 : index
    %get3A_11 = arith.constant 0 : index
    %get3A_12 = vector.load %arg1[%get3A_9, %get3A_10, %get3A_11] : memref<2x128x128xf32, #tpu.memory_space<vmem>>, vector<1x128x128xf32>
    %get3A_13 = vector.shape_cast %get3A_12 : vector<1x128x128xf32> to vector<128x128xf32>
    %get3A_14 = arith.constant 1 : index
    %get3A_15 = arith.constant 0 : index
    %get3A_16 = arith.constant 0 : index
    %get3A_17 = vector.load %arg1[%get3A_14, %get3A_15, %get3A_16] : memref<2x128x128xf32, #tpu.memory_space<vmem>>, vector<1x128x128xf32>
    %get3A_18 = vector.shape_cast %get3A_17 : vector<1x128x128xf32> to vector<128x128xf32>
    %add3A_19 = arith.addf %get3A_13, %get3A_18 : vector<128x128xf32>
    %max3A = arith.constant 1.000000e+00 : f32
    %max3A_20 = vector.broadcast %max3A : f32 to vector<128x128xf32>
    %max3A_21 = arith.maximumf %add3A_19, %max3A_20 : vector<128x128xf32>
    %rsqrt3A = math.rsqrt %max3A_21 : vector<128x128xf32>
    %mul3A = arith.mulf %add3A, %rsqrt3A : vector<128x128xf32>
    %swap3A = arith.constant 0 : index
    %swap3A_22 = arith.constant 0 : index
    %swap3A_23 = vector.load %arg3[%swap3A, %swap3A_22] : memref<128x128xf32, #tpu.memory_space<vmem>>, vector<128x128xf32>
    tpu.vector_store %arg3[%swap3A, %swap3A_22], %mul3A {strides = array<i32>} : memref<128x128xf32, #tpu.memory_space<vmem>>, vector<128x128xf32>,
    return
  }
  func.func @transform_0(%arg0: i32) -> (i32, i32, i32) {
    %c0_i32 = arith.constant 0 : i32
    %c0_i32_0 = arith.constant 0 : i32
    %c0_i32_1 = arith.constant 0 : i32
    return %c0_i32, %arg0, %c0_i32_0 : i32, i32, i32
  }
  func.func @transform_1(%arg0: i32) -> (i32, i32, i32) {
    %c0_i32 = arith.constant 0 : i32
    %c0_i32_0 = arith.constant 0 : i32
    %c0_i32_1 = arith.constant 0 : i32
    return %c0_i32, %arg0, %c0_i32_0 : i32, i32, i32
  }
  func.func @transform_2(%arg0: i32) -> (i32, i32) {
    %c0_i32 = arith.constant 0 : i32
    %c0_i32_0 = arith.constant 0 : i32
    return %arg0, %c0_i32 : i32, i32
  }
}

</mosaic_0001>

<sc_bundles>
// kernel: kernel.11.cloned.1.call-start
scs
__scs_entry_jumppad:
0x0: {  	(pc) =	sbr.rel $0x88, $3  }
0x1: {  	(tag) =	ssettag $0x0;
	lr =	simm.s32 $0x1  }
0x2: {  	[smem:$0x3F9D] =	sst lr;
	_ =	strace $0xD0000000  }
0x3: {  	_ = 	snop  }
0x4: {  	_ = 	snop  }
0x5: {  	_ = 	snop  }
0x6: {  	_ = 	snop  }
0x7: {  	_ = 	snop  }
__scs_overlays_trampoline_lowered:
0x8: {  	[smem:$0x3FAC] =	sst s0  }
0x9: {  	[smem:$0x3FAD] =	sst s1  }
0xa: {  	[smem:$0x3FAE] =	sst s2  }
0xb: {  	[smem:$0x3FAF] =	sst s3  }
0xc: {  	[smem:$0x3FB0] =	sst s4  }
0xd: {  	[smem:$0x3FB1] =	sst s5  }
0xe: {  	[smem:$0x3FB2] =	sst s6  }
0xf: {  	[smem:$0x3FB3] =	sst s7  }
0x10: {  	[smem:$0x3FB4] =	sst s8  }
0x11: {  	[smem:$0x3FB5] =	sst s9;
	s0 =	simm.s32 @!p0 $0x0  }
0x12: {  	s1 =	sld [smem:$0x3F9B];
	s0 =	simm.s32 @p0 $0x1  }
0x13: {  	[smem:$0x3FB6] =	sst s0;
	s0 =	simm.s32 @!p1 $0x0  }
0x14: {  	s2 =	sld [smem:$0x3F9A];
	s0 =	simm.s32 @p1 $0x1  }
0x15: {  	[smem:$0x3FB7] =	sst s0;
	s0 =	simm.s32 @!p2 $0x0  }
0x16: {  	s3 =	sld [smem:$0x3FDB];
	s0 =	simm.s32 @p2 $0x1  }
0x17: {  	s4 =	simm.s32 $0x1BF5;
	[smem:$0x3FB9] =	sst s0  }
0x18: {  	s0 =	sld [smem:$0x3F9C];
	_ =	swait.ge [sflag:s4], $0x0  }
0x19: {  	s7 =	sld [smem:$0x3F9D]  }
0x1a: {  	s8 =	sadd.s32 $0xFFFFE003, lr  }
0x1b: {  	s9 =	sadd.s32 $0xFFFFFEF7, lr;
	s5 =	simm.s32 $0xFFFFFFFF;
	p2 =	slt.u32 s8, $0xFFFFF086  }
0x1c: {  	p1 =	slt.u32 s9, $0xF7A;
	s5 =	simm.s32 @!p2 $0x0  }
0x1d: {  	s5 =	simm.s32 @p1 $0x1;
	p0 =	seq.s32 s7, s2  }
0x1e: {  	s7 =	smul.u32 @!p0 $0xF7A, s2;
	p2 =	seq.s32 @!p0 s5, $0x0  }
0x1f: {  	s9 =	smul.u32 $0xF7A, s1;
	s8 =	simm.s32 @!p0 $0x1BF5;
	p2 =	por !p2, p0  }
0x20: {  	[sflag:s8] =	ssyncset.s32 @!p0 $0xFFFFF086;
	s6 =	sadd.s32 @!p0 s3, s7;
	s7 =	simm.s32 @!p0 $0x108  }
0x21: {  	s3 =	sadd.s32 s3, s9;
	s6 =	sadd.s32 @!p0 $0x88, s6;
	s7 =	simm.s32 @p2 $0x1082  }
0x22: {  	[simem:s7], [sflag:s8] =	dma.local @!p0 [hbm:s6], $0xF7A  }
0x23: {  	s9 =	sor.u32 $0xD0000000, s2;
	s6 =	simm.s32 $0x108;
	_ =	swait.ge @!p0 [sflag:s8], $0x0  }
0x24: {  	s3 =	sadd.s32 $0x88, s3;
	s6 =	simm.s32 @!p1 $0x1082;
	[sflag:s4] =	ssyncset.s32 $0xFFFFF086  }
0x25: {  	[simem:s6], [sflag:s4] =	dma.local [hbm:s3], $0xF7A  }
0x26: {  	[smem:$0x3F9D] =	sst s1;
	(tag) =	ssettag s2;
	_ =	strace s9  }
0x27: {  	s1 =	sld [smem:$0x3FAD]  }
0x28: {  	s2 =	sld [smem:$0x3FAE]  }
0x29: {  	s4 =	sld [smem:$0x3FB0]  }
0x2a: {  	p0 =	seq.s32 s5, $0x0;
	s5 =	sld [smem:$0x3FB1]  }
0x2b: {  	s6 =	sld [smem:$0x3FB2]  }
0x2c: {  	s7 =	sld [smem:$0x3FB3]  }
0x2d: {  	s3 =	simm.s32 $0x108;
	s8 =	sld [smem:$0x3FB4]  }
0x2e: {  	s3 =	simm.s32 @!p0 $0x1082;
	s9 =	sld [smem:$0x3FB5]  }
0x2f: {  	lr =	sadd.s32 s0, s3;
	s0 =	sld [smem:$0x3FAC]  }
0x30: {  	s3 =	sld [smem:$0x3FAF]  }
0x31: {  	[smem:$0x3FB8] =	sst s10  }
0x32: {  	s10 =	sld [smem:$0x3FB6];
	_ =	sdelay $0x3  }
0x33: {  	p0 =	seq.s32 s10, $0x1;
	s10 =	sld [smem:$0x3FB8];
	_ =	sdelay $0x3  }
0x34: {  	[smem:$0x3FB8] =	sst s10  }
0x35: {  	s10 =	sld [smem:$0x3FB7];
	_ =	sdelay $0x3  }
0x36: {  	p1 =	seq.s32 s10, $0x1;
	s10 =	sld [smem:$0x3FB8];
	_ =	sdelay $0x3  }
0x37: {  	[smem:$0x3FB8] =	sst s10  }
0x38: {  	s10 =	sld [smem:$0x3FB9]  }
0x39: {  	_ = 	snop;
	(pc) =	sbr.ind lr, $3  }
0x3a: {  	_ = 	snop  }
0x3b: {  	_ = 	snop  }
0x3c: {  	p2 =	seq.s32 s10, $0x1;
	s10 =	sld [smem:$0x3FB8]  }
0x3d: {  	_ =	shalt  }
0x3e: {  	_ =	shalt  }
0x3f: {  	_ =	shalt  }
0x40: {  	_ =	shalt  }
0x41: {  	_ =	shalt  }
0x42: {  	_ =	shalt  }
0x43: {  	_ =	shalt  }
0x44: {  	_ =	shalt  }
0x45: {  	_ =	shalt  }
0x46: {  	_ =	shalt  }
0x47: {  	_ =	shalt  }
0x48: {  	_ =	shalt  }
0x49: {  	_ =	shalt  }
0x4a: {  	_ =	shalt  }
0x4b: {  	_ =	shalt  }
0x4c: {  	_ =	shalt  }
0x4d: {  	_ =	shalt  }
0x4e: {  	_ =	shalt  }
0x4f: {  	_ =	shalt  }
0x50: {  	_ =	shalt  }
0x51: {  	_ =	shalt  }
0x52: {  	_ =	shalt  }
0x53: {  	_ =	shalt  }
0x54: {  	_ =	shalt  }
0x55: {  	_ =	shalt  }
0x56: {  	_ =	shalt  }
0x57: {  	_ =	shalt  }
0x58: {  	_ =	shalt  }
0x59: {  	_ =	shalt  }
0x5a: {  	_ =	shalt  }
0x5b: {  	_ =	shalt  }
0x5c: {  	_ =	shalt  }
0x5d: {  	_ =	shalt  }
0x5e: {  	_ =	shalt  }
0x5f: {  	_ =	shalt  }
0x60: {  	_ =	shalt  }
0x61: {  	_ =	shalt  }
0x62: {  	_ =	shalt  }
0x63: {  	_ =	shalt  }
0x64: {  	_ =	shalt  }
0x65: {  	_ =	shalt  }
0x66: {  	_ =	shalt  }
0x67: {  	_ =	shalt  }
0x68: {  	_ =	shalt  }
0x69: {  	_ =	shalt  }
0x6a: {  	_ =	shalt  }
0x6b: {  	_ =	shalt  }
0x6c: {  	_ =	shalt  }
0x6d: {  	_ =	shalt  }
0x6e: {  	_ =	shalt  }
0x6f: {  	_ =	shalt  }
0x70: {  	_ =	shalt  }
0x71: {  	_ =	shalt  }
0x72: {  	_ =	shalt  }
0x73: {  	_ =	shalt  }
0x74: {  	_ =	shalt  }
0x75: {  	_ =	shalt  }
0x76: {  	_ =	shalt  }
0x77: {  	_ =	shalt  }
0x78: {  	_ =	shalt  }
0x79: {  	_ =	shalt  }
0x7a: {  	_ =	shalt  }
0x7b: {  	_ =	shalt  }
0x7c: {  	_ =	shalt  }
0x7d: {  	_ =	shalt  }
0x7e: {  	_ =	shalt  }
0x7f: {  	_ =	shalt  }
0x80: {  	_ =	shalt  }
0x81: {  	_ =	shalt  }
0x82: {  	_ =	shalt  }
0x83: {  	_ =	shalt  }
0x84: {  	_ =	shalt  }
0x85: {  	_ =	shalt  }
0x86: {  	_ =	shalt  }
0x87: {  	_ =	shalt  }
.Lfunc_end0:
.L_simem_size_0:
called_computation.1_lowered:
.L_overlay_start_0:
0x88: {  	s2 =	sld [smem:$0x3FD9]  }
0x89: {  	s3 =	sld [smem:$0x3FFE];
	_ =	sdelay $0x1  }
0x8a: {  	s1 =	srdreg.scid  }
0x8b: {  	s0 =	sand.u32 $0x1, s1  }
0x8c: {  	s16 =	sshll.u32 s0, $0xA;
	s2 =	sadd.s32 s3, s2  }
0x8d: {  	s2 =	sadd.s32 s2, s16  }
0x8e: {  	[smem:$0x3FC4] =	sst s2  }
0x8f: {  	_ = 	snop  }
0x90: {  	(tm) =	ssettm $0x1  }
0x91: {  	s17 =	sld [smem:$0x3FFB];
	_ =	sdelay $0x3  }
0x92: {  	_ =	strace s17  }
0x93: {  	s2 =	sld [smem:$0x3FFC];
	_ =	sdelay $0x3  }
0x94: {  	_ =	strace s2  }
0x95: {  	s2 =	sld [smem:$0x3FFD];
	_ =	sdelay $0x3  }
0x96: {  	_ =	strace s2  }
0x97: {  	_ =	strace $0x8FFFFFFF  }
0x98: {  	s18 =	sld [smem:$0x3FDB];
	_ =	sdelay $0x1  }
0x99: {  	s19 =	simm.s32 $_scs_section_size  }
0x9a: {  	s4 =	simm.s32 $_size__tile_overlayer_lowered;
	s5 =	simm.s32 $_tile_overlayer_lowered  }
0x9b: {  	s22 =	simm.s32 $0x1BFF;
	s21 =	sshll.u32 s5, $0x1;
	s2 =	sadd.s32 s19, s18  }
0x9c: {  	s6 =	simm.s32 $0x0;
	s20 =	sshll.u32 s4, $0x1;
	s4 =	sadd.s32 s21, s2  }
0x9d: {  	[timem:s6], [sflag:s22] =	dma.local [hbm:s4], s20  }
0x9e: {  	_ =	swait.ge [sflag:s22], s20  }
0x9f: {  	s3 =	ssub.s32 $0x0, s20;
	[sflag:s22] =	ssyncset.done $0x0  }
0xa0: {  	[sflag:s22] =	ssyncadd.s32 s3;
	_ =	sdelay $0x1  }
0xa1: {  	s23 =	simm.s32 $0x1B8B  }
0xa2: {  	_ =	swait.ge [sflag:s23], $0x1  }
0xa3: {  	[sflag:s23] =	ssyncset.done $0x0  }
0xa4: {  	s25 =	simm.s32 $0x1B8E;
	s24 =	sld [smem:$0x3FFE];
	[sflag:s23] =	ssyncadd.s32 $0xFFFFFFFF  }
0xa5: {  	s26 =	simm.s32 $execute0_lowered;
	[smem:$0x3FD2] =	sst s25  }
0xa6: {  	s4 =	sshll.u32 s26, $0x1;
	_ =	strace $0x80000049;
	[dreg:$0x1] =	wrdreg $0xFFFFFFFF  }
0xa7: {  	s28 =	simm.s32 $_size_execute0_lowered;
	s2 =	sadd.s32 s2, s4;
	[dreg:$0x0] =	wrdreg $0x0  }
0xa8: {  	s4 =	sshll.u32 s28, $0x1;
	[dreg:$0x2] =	wrdreg s2  }
0xa9: {  	[dreg:$0x3] =	wrdreg s4  }
0xaa: {  	[dreg:$0x4] =	wrdreg $0xC0  }
0xab: {  	_ =	task [dreg:s6], $0x5FFFF  }
0xac: {  	[dreg:$0x1] =	wrdreg $0xFFFFFFFF  }
0xad: {  	[dreg:$0x0] =	wrdreg $0x60  }
0xae: {  	[dreg:$0x2] =	wrdreg s24  }
0xaf: {  	[dreg:$0x3] =	wrdreg $0x14B400  }
0xb0: {  	[dreg:$0x4] =	wrdreg $0x9  }
0xb1: {  	_ =	task.clear_ibuf [dreg:s6], $0x5FFFF;
	_ =	strace $0x90000049  }
0xb2: {  	s29 =	simm.s32 $0x9;
	_ =	strace $0x8000004B  }
0xb3: {  	_ =	swait.ge [sflag:s29], $0x1  }
0xb4: {  	[sflag:s29] =	ssyncadd.s32 $0xFFFFFFFF  }
0xb5: {  	_ =	strace $0x9000004B  }
0xb6: {  	_ =	sfence  }
0xb7: {  	s30 =	sld [smem:$0x0];
	_ =	sdelay $0x2  }
0xb8: {  	s31 =	sshll.u32 s1, $0xD;
	s1 =	sshrl.u32 s1, $0x2  }
0xb9: {  	s3 =	sand.u32 $0x4000, s31;
	s1 =	sadd.s32 s1, s30  }
0xba: {  	s0 =	sor.u32 s3, s0;
	s1 =	sshll.u32 s1, $0x11  }
0xbb: {  	s0 =	sor.u32 s1, s0  }
0xbc: {  	s0 =	sadd.s32 $0x8F2B, s0  }
0xbd: {  	[sflag:s0] =	ssyncadd.remote.s32 $0x1  }
0xbe: {  	_ =	sfence.sel $0xFFFF  }
0xbf: {  	[dreg:$0x0] =	wrdreg $0xFFFFFFFF;
	(pc) =	sbr.abs _section_cstart, $3  }
0xc0: {  	[dreg:$0x1] =	wrdreg $0xFFFFFFFF  }
0xc1: {  	_ =	task.clear_ibuf [dreg:s6], $0x2FFFF;
	_ =	strace $0x9FFFFFFF  }
0xc2: {  	(tm) =	ssettm $0x7FFFFFFF  }
0xc3: {  	_ =	shalt  }
tec
execute0_lowered:
.L_overlay_start_1:
0x0: {  	(tag) =	ssettag $0x1  }
0x1: {  	s0 =	srdreg.scid;
	s3 =	rddreg [dreg:$0x0]  }
0x2: {  	s8 =	stileid.u32;
	s2 =	rddreg [dreg:$0x1];
	s4 =	simm.s32 $0x0  }
0x3: {  	s14 =	simm.s32 $0x64;
	s25 =	simm.s32 $0xCE40;
	s26 =	simm.s32 $0x10040  }
0x4: {  	s28 =	simm.s32 $0x3;
	s29 =	simm.s32 $0x11940;
	s30 =	simm.s32 $0x4  }
0x5: {  	s31 =	simm.s32 $0x13240;
	s13 =	simm.s32 $0x9;
	s16 =	simm.s32 $0xA  }
0x6: {  	s0 =	sand.u32 $0x1, s0;
	s1 =	sshll.u32 s8, $0x1;
	s5 =	smul.u32 $0xA000, s8  }
0x7: {  	[smem:$0x7FF] =	sst s4;
	s4 =	sadd.s32 $0x25400, s3;
	s22 =	sshll.u32 s8, $0x6  }
0x8: {  	s8 =	simm.s32 $0x0;
	s1 =	sor.u32 s0, s1;
	s6 =	smul.u32 $0xA0000, s0  }
0x9: {  	_ =	strace $0x8000004A;
	s0 =	ssub.s32 $0x2, s0;
	[dreg:$0x3] =	wrdreg s25  }
0xa: {  	[dreg:$0x4] =	wrdreg s26;
	s25 =	simm.s32 $0xE740;
	s26 =	simm.s32 $0x2  }
0xb: {  	s1 =	smul.u32 $0x514, s1;
	s7 =	sshrl.u32 s5, $0x3;
	s21 =	sshrl.u32 s0, $0x1  }
0xc: {  	s6 =	sadd.s32 s5, s6;
	s7 =	sadd.s32 s7, s3;
	s0 =	ssub.s32 s0, s21  }
0xd: {  	s5 =	sadd.s32 s5, s2;
	s21 =	simm.s32 $0x5140;
	s7 =	sadd.s32 $0x39400, s7  }
0xe: {  	s1 =	sadd.s32 s1, s3;
	s0 =	smax.u32 s0, $0x1;
	[dreg:$0x5] =	wrdreg s7  }
0xf: {  	s6 =	sshrl.u32 s6, $0x3;
	s5 =	sshrl.u32 s5, $0x3;
	[dreg:$0xa] =	wrdreg s0  }
0x10: {  	s3 =	sadd.s32 s6, s3;
	s23 =	sadd.s32 $0x1B000, s1;
	[dreg:$0xb] =	wrdreg s5  }
0x11: {  	s6 =	sor.u32 $0x1C15, s22;
	s1 =	sadd.s32 $0x1C00, s1;
	[dreg:$0x7] =	wrdreg s23  }
0x12: {  	s7 =	simm.s32 $0x15;
	s0 =	simm.s32 $0x7;
	[dreg:$0x8] =	wrdreg s1  }
0x13: {  	s24 =	sadd.s32 $0x4D400, s3;
	s1 =	simm.s32 $0x5;
	[dreg:$0x6] =	wrdreg s6  }
0x14: {  	s23 =	simm.s32 $0x6A40;
	[dreg:$0x9] =	wrdreg s24;
	s24 =	simm.s32 $0x1  }
.LBB2_1:
0x15: {  	[dreg:$0xc] =	wrdreg s8  }
0x16: {  	s3 =	rddreg [dreg:$0x5]  }
0x17: {  	[spmem:s5], [sflag:s6] =	dma.local [hbm:s3], $0x1400  }
0x18: {  	_ =	swait.ge [sflag:s7], $0x1400  }
0x19: {  	[sflag:s7] =	ssyncset.done $0x0  }
0x1a: {  	s18 =	simm.s32 $0x0;
	s19 =	rddreg [dreg:$0x7];
	[sflag:s7] =	ssyncadd.s32 $0xFFFFEC00  }
0x1b: {  	[tilespmem:s18], [sflag:$0x15] =	stream.linear.gather [hbm4b:s19+s18], $0x28A0, $0x38;
	[tilespmem:$0x1EB40] =	vst v63  }
0x1c: {  	_ =	swait.ge [sflag:s7], $0x28A0  }
0x1d: {  	[sflag:s7] =	ssyncset.done $0x0  }
0x1e: {  	s22 =	simm.s32 $0x28A0;
	s20 =	rddreg [dreg:$0x8];
	[sflag:s7] =	ssyncadd.s32 $0xFFFFD760  }
0x1f: {  	[tilespmem:s22], [sflag:$0x15] =	stream.linear.gather [hbm4b:s20+s18], $0x28A0, $0x38;
	[tilespmem:$0x1EB40] =	vst v63  }
0x20: {  	_ =	swait.ge [sflag:s7], $0x28A0  }
0x21: {  	[sflag:s7] =	ssyncset.done $0x0  }
0x22: {  	[sflag:s7] =	ssyncadd.s32 $0xFFFFD760  }
0x23: {  	s7 =	simm.s32 $0x5140;
	[bflag:$0x0] =	sbarrier.arrive $0xFFFF  }
0x24: {  	[tilespmem:s7], [sflag:$0x1] =	stream.indirect.gather [hbm4b:s4+s14], $0x40, s18, s14, $0xb8;
	[tilespmem:$0x1EB40] =	vst v63  }
0x25: {  	s10 =	simm.s32 $0x68;
	s11 =	simm.s32 $0x6A40  }
0x26: {  	[tilespmem:s11], [sflag:$0x2] =	stream.indirect.gather [hbm4b:s4+s14], $0x40, s10, s14, $0xb8;
	[tilespmem:$0x1EB40] =	vst v63  }
0x27: {  	s12 =	simm.s32 $0xD0;
	s8 =	simm.s32 $0x8340  }
0x28: {  	[tilespmem:s8], [sflag:$0x3] =	stream.indirect.gather [hbm4b:s4+s14], $0x40, s12, s14, $0xb8;
	[tilespmem:$0x1EB40] =	vst v63  }
0x29: {  	s15 =	simm.s32 $0x138;
	s9 =	simm.s32 $0x9C40;
	p0 =	por $0x1, $0x1  }
0x2a: {  	[tilespmem:s9], [sflag:$0x4] =	stream.indirect.gather [hbm4b:s4+s14], $0x40, s15, s14, $0xb8;
	[tilespmem:$0x1EB40] =	vst v63  }
0x2b: {  	s17 =	simm.s32 $0x1A0;
	s3 =	simm.s32 @!p0 $0x10;
	s10 =	simm.s32 $0xB540  }
0x2c: {  	[tilespmem:s10], [sflag:$0x5] =	stream.indirect.gather [hbm4b:s4+s14], $0x40, s17, s14, $0xb8;
	[tilespmem:$0x1EB40] =	vst v63  }
0x2d: {  	_ =	swait.ge @!p0 [sflag:s3], $0x1900  }
0x2e: {  	[sflag:s3] =	ssyncset.done @!p0 $0x0  }
0x2f: {  	s19 =	simm.s32 $0x208;
	s18 =	rddreg [dreg:$0x3];
	[sflag:s3] =	ssyncadd.s32 @!p0 $0xFFFFE700  }
0x30: {  	[tilespmem:s18], [sflag:$0x6] =	stream.indirect.gather [hbm4b:s4+s14], $0x40, s19, s14, $0xb8;
	[tilespmem:$0x1EB40] =	vst v63  }
0x31: {  	_ =	swait.ge [sflag:s24], $0x1900  }
0x32: {  	[sflag:s24] =	ssyncset.done $0x0  }
0x33: {  	s5 =	simm.s32 @!p0 $0x11;
	s20 =	simm.s32 $0x28A0;
	[sflag:s24] =	ssyncadd.s32 $0xFFFFE700  }
0x34: {  	[spmem:s2] =	stream.indirect.scatter.add.f32 [tilespmem:s7], [sflag:$0xB], $0x40, s20, s14, $0xb8;
	[tilespmem:$0x1EB40] =	vst v63  }
0x35: {  	_ =	swait.ge @!p0 [sflag:s5], $0x1900  }
0x36: {  	[sflag:s5] =	ssyncset.done @!p0 $0x0  }
0x37: {  	s22 =	simm.s32 $0x270;
	[sflag:s5] =	ssyncadd.s32 @!p0 $0xFFFFE700  }
0x38: {  	[tilespmem:s25], [sflag:$0x7] =	stream.indirect.gather [hbm4b:s4+s14], $0x40, s22, s14, $0xb8;
	[tilespmem:$0x1EB40] =	vst v63  }
0x39: {  	_ =	swait.ge [sflag:s26], $0x1900  }
0x3a: {  	[sflag:s26] =	ssyncset.done $0x0  }
0x3b: {  	s6 =	simm.s32 $0x2908;
	s5 =	simm.s32 @!p0 $0x12;
	[sflag:s26] =	ssyncadd.s32 $0xFFFFE700  }
0x3c: {  	[spmem:s2] =	stream.indirect.scatter.add.f32 [tilespmem:s11], [sflag:$0xC], $0x40, s6, s14, $0xb8;
	[tilespmem:$0x1EB40] =	vst v63  }
0x3d: {  	_ =	swait.ge @!p0 [sflag:s5], $0x1900  }
0x3e: {  	[sflag:s5] =	ssyncset.done @!p0 $0x0  }
0x3f: {  	s11 =	simm.s32 $0x2D8;
	s7 =	rddreg [dreg:$0x4];
	[sflag:s5] =	ssyncadd.s32 @!p0 $0xFFFFE700  }
0x40: {  	[tilespmem:s7], [sflag:$0x8] =	stream.indirect.gather [hbm4b:s4+s14], $0x40, s11, s14, $0xb8;
	[tilespmem:$0x1EB40] =	vst v63  }
0x41: {  	_ =	swait.ge [sflag:s28], $0x1900  }
0x42: {  	[sflag:s28] =	ssyncset.done $0x0  }
0x43: {  	s12 =	simm.s32 $0x2970;
	s5 =	simm.s32 @!p0 $0x13;
	[sflag:s28] =	ssyncadd.s32 $0xFFFFE700  }
0x44: {  	[spmem:s2] =	stream.indirect.scatter.add.f32 [tilespmem:s8], [sflag:$0xD], $0x40, s12, s14, $0xb8;
	[tilespmem:$0x1EB40] =	vst v63  }
0x45: {  	_ =	swait.ge @!p0 [sflag:s5], $0x1900  }
0x46: {  	[sflag:s5] =	ssyncset.done @!p0 $0x0  }
0x47: {  	s15 =	simm.s32 $0x340;
	[sflag:s5] =	ssyncadd.s32 @!p0 $0xFFFFE700  }
0x48: {  	[tilespmem:s29], [sflag:$0x9] =	stream.indirect.gather [hbm4b:s4+s14], $0x40, s15, s14, $0xb8;
	[tilespmem:$0x1EB40] =	vst v63  }
0x49: {  	_ =	swait.ge [sflag:s30], $0x1900  }
0x4a: {  	[sflag:s30] =	ssyncset.done $0x0  }
0x4b: {  	s17 =	simm.s32 $0x29D8;
	s5 =	simm.s32 @!p0 $0x14;
	[sflag:s30] =	ssyncadd.s32 $0xFFFFE700  }
0x4c: {  	[spmem:s2] =	stream.indirect.scatter.add.f32 [tilespmem:s9], [sflag:$0xE], $0x40, s17, s14, $0xb8;
	[tilespmem:$0x1EB40] =	vst v63  }
0x4d: {  	_ =	swait.ge @!p0 [sflag:s5], $0x1900  }
0x4e: {  	[sflag:s5] =	ssyncset.done @!p0 $0x0  }
0x4f: {  	s18 =	simm.s32 $0x3A8;
	[sflag:s5] =	ssyncadd.s32 @!p0 $0xFFFFE700  }
0x50: {  	[tilespmem:s31], [sflag:$0xA] =	stream.indirect.gather [hbm4b:s4+s14], $0x40, s18, s14, $0xb8;
	[tilespmem:$0x1EB40] =	vst v63  }
0x51: {  	_ =	swait.ge [sflag:s1], $0x1900  }
0x52: {  	p0 =	por $0x0, $0x0;
	[sflag:s1] =	ssyncset.done $0x0  }
0x53: {  	s19 =	simm.s32 $0x2A40;
	s5 =	simm.s32 @p0 $0x6;
	[sflag:s1] =	ssyncadd.s32 $0xFFFFE700  }
0x54: {  	[spmem:s2] =	stream.indirect.scatter.add.f32 [tilespmem:s10], [sflag:$0xF], $0x40, s19, s14, $0xb8;
	[tilespmem:$0x1EB40] =	vst v63  }
0x55: {  	_ =	swait.ge @p0 [sflag:s5], $0x1900  }
0x56: {  	s3 =	simm.s32 @p0 $0x2AA8;
	s7 =	simm.s32 @p0 $0x64;
	[sflag:s5] =	ssyncset.done @p0 $0x0  }
0x57: {  	s8 =	simm.s32 @p0 $0xCE40;
	[sflag:s5] =	ssyncadd.s32 @p0 $0xFFFFE700;
	s5 =	simm.s32 @!p0 $0xB  }
0x58: {  	[spmem:s2] =	stream.indirect.scatter.add.f32 @p0 [tilespmem:s8], [sflag:$0x10], $0x40, s3, s7, $0xb8;
	[tilespmem:$0x1EB40] =	vst v63  }
0x59: {  	_ =	swait.ge @!p0 [sflag:s5], $0x1900  }
0x5a: {  	s3 =	simm.s32 @!p0 $0x410;
	[sflag:s5] =	ssyncset.done @!p0 $0x0  }
0x5b: {  	s8 =	simm.s32 @!p0 $0x64;
	[sflag:s5] =	ssyncadd.s32 @!p0 $0xFFFFE700;
	s5 =	simm.s32 @!p0 $0x5140  }
0x5c: {  	[tilespmem:s5], [sflag:$0x1] =	stream.indirect.gather @!p0 [hbm4b:s4+s8], $0x40, s3, s8, $0xb8;
	[tilespmem:$0x1EB40] =	vst v63  }
0x5d: {  	s3 =	simm.s32 @!p0 $0x6  }
0x5e: {  	_ =	swait.ge @!p0 [sflag:s3], $0x1900  }
0x5f: {  	[sflag:s3] =	ssyncset.done @!p0 $0x0  }
0x60: {  	s5 =	simm.s32 @!p0 $0x2AA8;
	[sflag:s3] =	ssyncadd.s32 @!p0 $0xFFFFE700;
	s3 =	simm.s32 @!p0 $0xCE40  }
0x61: {  	[spmem:s2] =	stream.indirect.scatter.add.f32 @!p0 [tilespmem:s3], [sflag:$0x10], $0x40, s5, s8, $0xb8;
	[tilespmem:$0x1EB40] =	vst v63  }
0x62: {  	s3 =	simm.s32 @!p0 $0xC  }
0x63: {  	_ =	swait.ge @!p0 [sflag:s3], $0x1900  }
0x64: {  	[sflag:s3] =	ssyncset.done @!p0 $0x0  }
0x65: {  	s5 =	simm.s32 @!p0 $0x478;
	[sflag:s3] =	ssyncadd.s32 @!p0 $0xFFFFE700;
	s3 =	simm.s32 @!p0 $0x6A40  }
0x66: {  	[tilespmem:s3], [sflag:$0x2] =	stream.indirect.gather @!p0 [hbm4b:s4+s8], $0x40, s5, s8, $0xb8;
	[tilespmem:$0x1EB40] =	vst v63  }
0x67: {  	_ =	swait.ge [sflag:s0], $0x1900  }
0x68: {  	[sflag:s0] =	ssyncset.done $0x0  }
0x69: {  	s20 =	simm.s32 $0x2B10;
	s5 =	simm.s32 @p0 $0x8;
	[sflag:s0] =	ssyncadd.s32 $0xFFFFE700  }
0x6a: {  	[spmem:s2] =	stream.indirect.scatter.add.f32 [tilespmem:s25], [sflag:$0x11], $0x40, s20, s14, $0xb8;
	[tilespmem:$0x1EB40] =	vst v63  }
0x6b: {  	_ =	swait.ge @p0 [sflag:s5], $0x1900  }
0x6c: {  	[sflag:s5] =	ssyncset.done @p0 $0x0  }
0x6d: {  	s3 =	simm.s32 @p0 $0x2B78;
	[sflag:s5] =	ssyncadd.s32 @p0 $0xFFFFE700;
	s5 =	simm.s32 @p0 $0x10040  }
0x6e: {  	[spmem:s2] =	stream.indirect.scatter.add.f32 @p0 [tilespmem:s5], [sflag:$0x12], $0x40, s3, s7, $0xb8;
	[tilespmem:$0x1EB40] =	vst v63  }
0x6f: {  	s3 =	simm.s32 @!p0 $0xD  }
0x70: {  	_ =	swait.ge @!p0 [sflag:s3], $0x1900  }
0x71: {  	[sflag:s3] =	ssyncset.done @!p0 $0x0  }
0x72: {  	s5 =	simm.s32 @!p0 $0x4E0;
	[sflag:s3] =	ssyncadd.s32 @!p0 $0xFFFFE700;
	s3 =	simm.s32 @!p0 $0x8340  }
0x73: {  	[tilespmem:s3], [sflag:$0x3] =	stream.indirect.gather @!p0 [hbm4b:s4+s8], $0x40, s5, s8, $0xb8;
	[tilespmem:$0x1EB40] =	vst v63  }
0x74: {  	s3 =	simm.s32 @!p0 $0x8  }
0x75: {  	_ =	swait.ge @!p0 [sflag:s3], $0x1900  }
0x76: {  	[sflag:s3] =	ssyncset.done @!p0 $0x0  }
0x77: {  	s5 =	simm.s32 @!p0 $0x2B78;
	[sflag:s3] =	ssyncadd.s32 @!p0 $0xFFFFE700;
	s3 =	simm.s32 @!p0 $0x10040  }
0x78: {  	[spmem:s2] =	stream.indirect.scatter.add.f32 @!p0 [tilespmem:s3], [sflag:$0x12], $0x40, s5, s8, $0xb8;
	[tilespmem:$0x1EB40] =	vst v63  }
0x79: {  	s3 =	simm.s32 @!p0 $0xE  }
0x7a: {  	_ =	swait.ge @!p0 [sflag:s3], $0x1900  }
0x7b: {  	[sflag:s3] =	ssyncset.done @!p0 $0x0  }
0x7c: {  	s5 =	simm.s32 @!p0 $0x548;
	[sflag:s3] =	ssyncadd.s32 @!p0 $0xFFFFE700;
	s3 =	simm.s32 @!p0 $0x9C40  }
0x7d: {  	[tilespmem:s3], [sflag:$0x4] =	stream.indirect.gather @!p0 [hbm4b:s4+s8], $0x40, s5, s8, $0xb8;
	[tilespmem:$0x1EB40] =	vst v63  }
0x7e: {  	_ =	swait.ge [sflag:s13], $0x1900  }
0x7f: {  	[sflag:s13] =	ssyncset.done $0x0  }
0x80: {  	s22 =	simm.s32 $0x2BE0;
	s5 =	simm.s32 @!p0 $0xF;
	[sflag:s13] =	ssyncadd.s32 $0xFFFFE700  }
0x81: {  	[spmem:s2] =	stream.indirect.scatter.add.f32 [tilespmem:s29], [sflag:$0x13], $0x40, s22, s14, $0xb8;
	[tilespmem:$0x1EB40] =	vst v63  }
0x82: {  	_ =	swait.ge @!p0 [sflag:s5], $0x1900  }
0x83: {  	p1 =	por $0x0, $0x0;
	s3 =	simm.s32 @!p0 $0x5B0;
	[sflag:s5] =	ssyncset.done @!p0 $0x0  }
0x84: {  	s22 =	simm.s32 $0x1040;
	[sflag:s5] =	ssyncadd.s32 @!p0 $0xFFFFE700;
	s5 =	simm.s32 @!p0 $0xB540  }
0x85: {  	[tilespmem:s5], [sflag:$0x5] =	stream.indirect.gather @!p0 [hbm4b:s4+s8], $0x40, s3, s8, $0xb8;
	[tilespmem:$0x1EB40] =	vst v63  }
0x86: {  	s5 =	simm.s32 $0x2080;
	s3 =	simm.s32 $0x2C48;
	_ =	swait.ge [sflag:s16], $0x1900  }
.LBB2_2:
0x87: {  	[sflag:s16] =	ssyncset.done $0x0  }
0x88: {  	s9 =	simm.s32 @!p1 $0x10;
	[sflag:s16] =	ssyncadd.s32 $0xFFFFE700  }
0x89: {  	[spmem:s2] =	stream.indirect.scatter.add.f32 [tilespmem:s31], [sflag:$0x14], $0x40, s3, s14, $0xb8;
	[tilespmem:$0x1EB40] =	vst v63  }
0x8a: {  	_ =	swait.ge @!p1 [sflag:s9], $0x1900  }
0x8b: {  	s7 =	sshra.s32 s22, $0x2;
	[sflag:s9] =	ssyncset.done @!p1 $0x0  }
0x8c: {  	s11 =	sadd.s32 $0x208, s7;
	s10 =	rddreg [dreg:$0x3];
	[sflag:s9] =	ssyncadd.s32 @!p1 $0xFFFFE700  }
0x8d: {  	[tilespmem:s10], [sflag:$0x6] =	stream.indirect.gather [hbm4b:s4+s14], $0x40, s11, s14, $0xb8;
	[tilespmem:$0x1EB40] =	vst v63  }
0x8e: {  	_ =	swait.ge [sflag:s24], $0x1900  }
0x8f: {  	[sflag:s24] =	ssyncset.done $0x0  }
0x90: {  	s12 =	sadd.s32 $0x28A0, s7;
	s9 =	simm.s32 @!p1 $0x11;
	[sflag:s24] =	ssyncadd.s32 $0xFFFFE700  }
0x91: {  	[spmem:s2] =	stream.indirect.scatter.add.f32 [tilespmem:s21], [sflag:$0xB], $0x40, s12, s14, $0xb8;
	[tilespmem:$0x1EB40] =	vst v63  }
0x92: {  	_ =	swait.ge @!p1 [sflag:s9], $0x1900  }
0x93: {  	[sflag:s9] =	ssyncset.done @!p1 $0x0  }
0x94: {  	s15 =	sadd.s32 $0x270, s7;
	[sflag:s9] =	ssyncadd.s32 @!p1 $0xFFFFE700  }
0x95: {  	[tilespmem:s25], [sflag:$0x7] =	stream.indirect.gather [hbm4b:s4+s14], $0x40, s15, s14, $0xb8;
	[tilespmem:$0x1EB40] =	vst v63  }
0x96: {  	_ =	swait.ge [sflag:s26], $0x1900  }
0x97: {  	[sflag:s26] =	ssyncset.done $0x0  }
0x98: {  	s17 =	sadd.s32 $0x2908, s7;
	s9 =	simm.s32 @!p1 $0x12;
	[sflag:s26] =	ssyncadd.s32 $0xFFFFE700  }
0x99: {  	[spmem:s2] =	stream.indirect.scatter.add.f32 [tilespmem:s23], [sflag:$0xC], $0x40, s17, s14, $0xb8;
	[tilespmem:$0x1EB40] =	vst v63  }
0x9a: {  	_ =	swait.ge @!p1 [sflag:s9], $0x1900  }
0x9b: {  	[sflag:s9] =	ssyncset.done @!p1 $0x0  }
0x9c: {  	s19 =	sadd.s32 $0x2D8, s7;
	s18 =	rddreg [dreg:$0x4];
	[sflag:s9] =	ssyncadd.s32 @!p1 $0xFFFFE700  }
0x9d: {  	[tilespmem:s18], [sflag:$0x8] =	stream.indirect.gather [hbm4b:s4+s14], $0x40, s19, s14, $0xb8;
	[tilespmem:$0x1EB40] =	vst v63  }
0x9e: {  	_ =	swait.ge [sflag:s28], $0x1900  }
0x9f: {  	s6 =	simm.s32 $0x8340;
	[sflag:s28] =	ssyncset.done $0x0  }
0xa0: {  	s20 =	sadd.s32 $0x2970, s7;
	s9 =	simm.s32 @!p1 $0x13;
	[sflag:s28] =	ssyncadd.s32 $0xFFFFE700  }
0xa1: {  	[spmem:s2] =	stream.indirect.scatter.add.f32 [tilespmem:s6], [sflag:$0xD], $0x40, s20, s14, $0xb8;
	[tilespmem:$0x1EB40] =	vst v63  }
0xa2: {  	_ =	swait.ge @!p1 [sflag:s9], $0x1900  }
0xa3: {  	[sflag:s9] =	ssyncset.done @!p1 $0x0  }
0xa4: {  	s10 =	sadd.s32 $0x340, s7;
	[sflag:s9] =	ssyncadd.s32 @!p1 $0xFFFFE700  }
0xa5: {  	[tilespmem:s29], [sflag:$0x9] =	stream.indirect.gather [hbm4b:s4+s14], $0x40, s10, s14, $0xb8;
	[tilespmem:$0x1EB40] =	vst v63  }
0xa6: {  	_ =	swait.ge [sflag:s30], $0x1900  }
0xa7: {  	s11 =	sadd.s32 $0x29D8, s7;
	[sflag:s30] =	ssyncset.done $0x0  }
0xa8: {  	s12 =	simm.s32 $0x9C40;
	s9 =	simm.s32 @!p1 $0x14;
	[sflag:s30] =	ssyncadd.s32 $0xFFFFE700  }
0xa9: {  	[spmem:s2] =	stream.indirect.scatter.add.f32 [tilespmem:s12], [sflag:$0xE], $0x40, s11, s14, $0xb8;
	[tilespmem:$0x1EB40] =	vst v63  }
0xaa: {  	_ =	swait.ge @!p1 [sflag:s9], $0x1900  }
0xab: {  	[sflag:s9] =	ssyncset.done @!p1 $0x0  }
0xac: {  	s15 =	sadd.s32 $0x3A8, s7;
	[sflag:s9] =	ssyncadd.s32 @!p1 $0xFFFFE700  }
0xad: {  	[tilespmem:s31], [sflag:$0xA] =	stream.indirect.gather [hbm4b:s4+s14], $0x40, s15, s14, $0xb8;
	[tilespmem:$0x1EB40] =	vst v63  }
0xae: {  	_ =	swait.ge [sflag:s1], $0x1900  }
0xaf: {  	s17 =	sadd.s32 $0x2A40, s7;
	p1 =	seq.s32 s22, $0x9240;
	[sflag:s1] =	ssyncset.done $0x0  }
0xb0: {  	s18 =	simm.s32 $0xB540;
	s9 =	simm.s32 @p1 $0x6;
	[sflag:s1] =	ssyncadd.s32 $0xFFFFE700  }
0xb1: {  	[spmem:s2] =	stream.indirect.scatter.add.f32 [tilespmem:s18], [sflag:$0xF], $0x40, s17, s14, $0xb8;
	[tilespmem:$0x1EB40] =	vst v63  }
0xb2: {  	s10 =	sshra.s32 @p1 s22, $0x2;
	_ =	swait.ge @p1 [sflag:s9], $0x1900  }
0xb3: {  	s3 =	simm.s32 @p1 $0x64;
	s6 =	simm.s32 @p1 $0xCE40;
	[sflag:s9] =	ssyncset.done @p1 $0x0  }
0xb4: {  	s11 =	simm.s32 @!p1 $0xB;
	s18 =	sadd.s32 @p1 $0x2AA8, s10;
	[sflag:s9] =	ssyncadd.s32 @p1 $0xFFFFE700  }
0xb5: {  	[spmem:s2] =	stream.indirect.scatter.add.f32 @p1 [tilespmem:s6], [sflag:$0x10], $0x40, s18, s3, $0xb8;
	[tilespmem:$0x1EB40] =	vst v63  }
0xb6: {  	s22 =	sshra.s32 @!p1 s22, $0x2;
	_ =	swait.ge @!p1 [sflag:s11], $0x1900  }
0xb7: {  	s12 =	sadd.s32 @!p1 $0x410, s22;
	s9 =	simm.s32 @!p1 $0x64;
	[sflag:s11] =	ssyncset.done @!p1 $0x0  }
0xb8: {  	s18 =	simm.s32 @!p1 $0x5140;
	[sflag:s11] =	ssyncadd.s32 @!p1 $0xFFFFE700;
	s11 =	simm.s32 @!p1 $0x6  }
0xb9: {  	[tilespmem:s18], [sflag:$0x1] =	stream.indirect.gather @!p1 [hbm4b:s4+s9], $0x40, s12, s9, $0xb8;
	[tilespmem:$0x1EB40] =	vst v63  }
0xba: {  	_ =	swait.ge @!p1 [sflag:s11], $0x1900  }
0xbb: {  	s19 =	simm.s32 @!p1 $0xCE40;
	[sflag:s11] =	ssyncset.done @!p1 $0x0  }
0xbc: {  	s6 =	sadd.s32 @!p1 $0x2AA8, s22;
	[sflag:s11] =	ssyncadd.s32 @!p1 $0xFFFFE700;
	s11 =	simm.s32 @!p1 $0xC  }
0xbd: {  	[spmem:s2] =	stream.indirect.scatter.add.f32 @!p1 [tilespmem:s19], [sflag:$0x10], $0x40, s6, s9, $0xb8;
	[tilespmem:$0x1EB40] =	vst v63  }
0xbe: {  	s8 =	smov.u32 s5;
	_ =	swait.ge @!p1 [sflag:s11], $0x1900  }
0xbf: {  	s20 =	sadd.s32 @!p1 $0x478, s22;
	s15 =	sadd.s32 @p1 $0x2B78, s10;
	[sflag:s11] =	ssyncset.done @!p1 $0x0  }
0xc0: {  	s17 =	sadd.s32 @!p1 $0x2B78, s22;
	s6 =	simm.s32 @!p1 $0x6A40;
	[sflag:s11] =	ssyncadd.s32 @!p1 $0xFFFFE700  }
0xc1: {  	[tilespmem:s6], [sflag:$0x2] =	stream.indirect.gather @!p1 [hbm4b:s4+s9], $0x40, s20, s9, $0xb8;
	[tilespmem:$0x1EB40] =	vst v63  }
0xc2: {  	s10 =	sadd.s32 @!p1 $0x5B0, s22;
	s12 =	sadd.s32 @!p1 $0x4E0, s22;
	_ =	swait.ge [sflag:s0], $0x1900  }
0xc3: {  	s18 =	sadd.s32 @!p1 $0x548, s22;
	s22 =	smov.u32 s8;
	[sflag:s0] =	ssyncset.done $0x0  }
0xc4: {  	s8 =	simm.s32 @p1 $0x8;
	s19 =	sadd.s32 $0x2B10, s7;
	[sflag:s0] =	ssyncadd.s32 $0xFFFFE700  }
0xc5: {  	[spmem:s2] =	stream.indirect.scatter.add.f32 [tilespmem:s25], [sflag:$0x11], $0x40, s19, s14, $0xb8;
	[tilespmem:$0x1EB40] =	vst v63  }
0xc6: {  	_ =	swait.ge @p1 [sflag:s8], $0x1900  }
0xc7: {  	[sflag:s8] =	ssyncset.done @p1 $0x0  }
0xc8: {  	s6 =	simm.s32 @p1 $0x10040;
	[sflag:s8] =	ssyncadd.s32 @p1 $0xFFFFE700;
	s8 =	simm.s32 @!p1 $0xD  }
0xc9: {  	[spmem:s2] =	stream.indirect.scatter.add.f32 @p1 [tilespmem:s6], [sflag:$0x12], $0x40, s15, s3, $0xb8;
	[tilespmem:$0x1EB40] =	vst v63  }
0xca: {  	_ =	swait.ge @!p1 [sflag:s8], $0x1900  }
0xcb: {  	[sflag:s8] =	ssyncset.done @!p1 $0x0  }
0xcc: {  	s3 =	simm.s32 @!p1 $0x8340;
	s6 =	simm.s32 @!p1 $0x8;
	[sflag:s8] =	ssyncadd.s32 @!p1 $0xFFFFE700  }
0xcd: {  	[tilespmem:s3], [sflag:$0x3] =	stream.indirect.gather @!p1 [hbm4b:s4+s9], $0x40, s12, s9, $0xb8;
	[tilespmem:$0x1EB40] =	vst v63  }
0xce: {  	_ =	swait.ge @!p1 [sflag:s6], $0x1900  }
0xcf: {  	[sflag:s6] =	ssyncset.done @!p1 $0x0  }
0xd0: {  	s3 =	simm.s32 @!p1 $0x10040;
	[sflag:s6] =	ssyncadd.s32 @!p1 $0xFFFFE700;
	s6 =	simm.s32 @!p1 $0xE  }
0xd1: {  	[spmem:s2] =	stream.indirect.scatter.add.f32 @!p1 [tilespmem:s3], [sflag:$0x12], $0x40, s17, s9, $0xb8;
	[tilespmem:$0x1EB40] =	vst v63  }
0xd2: {  	_ =	swait.ge @!p1 [sflag:s6], $0x1900  }
0xd3: {  	[sflag:s6] =	ssyncset.done @!p1 $0x0  }
0xd4: {  	s3 =	simm.s32 @!p1 $0x9C40;
	[sflag:s6] =	ssyncadd.s32 @!p1 $0xFFFFE700  }
0xd5: {  	[tilespmem:s3], [sflag:$0x4] =	stream.indirect.gather @!p1 [hbm4b:s4+s9], $0x40, s18, s9, $0xb8;
	[tilespmem:$0x1EB40] =	vst v63  }
0xd6: {  	s5 =	sadd.s32 $0x1040, s5;
	_ =	swait.ge [sflag:s13], $0x1900  }
0xd7: {  	p0 =	sne.s32 s5, $0xA280;
	[sflag:s13] =	ssyncset.done $0x0  }
0xd8: {  	s20 =	sadd.s32 $0x2BE0, s7;
	s6 =	simm.s32 @!p1 $0xF;
	[sflag:s13] =	ssyncadd.s32 $0xFFFFE700  }
0xd9: {  	[spmem:s2] =	stream.indirect.scatter.add.f32 [tilespmem:s29], [sflag:$0x13], $0x40, s20, s14, $0xb8;
	[tilespmem:$0x1EB40] =	vst v63  }
.Ltmp0:
0xda: {  	_ =	swait.ge @!p1 [sflag:s6], $0x1900;
	(pc) =	sbr.rel @p0 .LBB2_2-.Ltmp0, $4  }
0xdb: {  	[sflag:s6] =	ssyncset.done @!p1 $0x0  }
0xdc: {  	s3 =	simm.s32 @!p1 $0xB540;
	[sflag:s6] =	ssyncadd.s32 @!p1 $0xFFFFE700  }
0xdd: {  	[tilespmem:s3], [sflag:$0x5] =	stream.indirect.gather @!p1 [hbm4b:s4+s9], $0x40, s10, s9, $0xb8;
	[tilespmem:$0x1EB40] =	vst v63  }
0xde: {  	p1 =	seq.s32 s22, $0x0;
	s3 =	sadd.s32 $0x2C48, s7;
	_ =	swait.ge [sflag:s16], $0x1900  }
0xdf: {  	[sflag:s16] =	ssyncset.done $0x0  }
0xe0: {  	s6 =	simm.s32 @!p1 $0x10;
	[sflag:s16] =	ssyncadd.s32 $0xFFFFE700  }
0xe1: {  	[spmem:s2] =	stream.indirect.scatter.add.f32 [tilespmem:s31], [sflag:$0x14], $0x40, s3, s14, $0xb8;
	[tilespmem:$0x1EB40] =	vst v63  }
0xe2: {  	_ =	swait.ge @!p1 [sflag:s6], $0x1900  }
0xe3: {  	s5 =	sshra.s32 s22, $0x2;
	[sflag:s6] =	ssyncset.done @!p1 $0x0  }
0xe4: {  	s18 =	sadd.s32 $0x208, s5;
	s17 =	rddreg [dreg:$0x3];
	[sflag:s6] =	ssyncadd.s32 @!p1 $0xFFFFE700  }
0xe5: {  	[tilespmem:s17], [sflag:$0x6] =	stream.indirect.gather [hbm4b:s4+s14], $0x40, s18, s14, $0xb8;
	[tilespmem:$0x1EB40] =	vst v63  }
0xe6: {  	_ =	swait.ge [sflag:s24], $0x1900  }
0xe7: {  	[sflag:s24] =	ssyncset.done $0x0  }
0xe8: {  	s19 =	sadd.s32 $0x28A0, s5;
	s6 =	simm.s32 @!p1 $0x11;
	[sflag:s24] =	ssyncadd.s32 $0xFFFFE700  }
0xe9: {  	[spmem:s2] =	stream.indirect.scatter.add.f32 [tilespmem:s21], [sflag:$0xB], $0x40, s19, s14, $0xb8;
	[tilespmem:$0x1EB40] =	vst v63  }
0xea: {  	_ =	swait.ge @!p1 [sflag:s6], $0x1900  }
0xeb: {  	[sflag:s6] =	ssyncset.done @!p1 $0x0  }
0xec: {  	s20 =	sadd.s32 $0x270, s5;
	[sflag:s6] =	ssyncadd.s32 @!p1 $0xFFFFE700  }
0xed: {  	[tilespmem:s25], [sflag:$0x7] =	stream.indirect.gather [hbm4b:s4+s14], $0x40, s20, s14, $0xb8;
	[tilespmem:$0x1EB40] =	vst v63  }
0xee: {  	_ =	swait.ge [sflag:s26], $0x1900  }
0xef: {  	[sflag:s26] =	ssyncset.done $0x0  }
0xf0: {  	s7 =	sadd.s32 $0x2908, s5;
	s6 =	simm.s32 @!p1 $0x12;
	[sflag:s26] =	ssyncadd.s32 $0xFFFFE700  }
0xf1: {  	[spmem:s2] =	stream.indirect.scatter.add.f32 [tilespmem:s23], [sflag:$0xC], $0x40, s7, s14, $0xb8;
	[tilespmem:$0x1EB40] =	vst v63  }
0xf2: {  	_ =	swait.ge @!p1 [sflag:s6], $0x1900  }
0xf3: {  	[sflag:s6] =	ssyncset.done @!p1 $0x0  }
0xf4: {  	s9 =	sadd.s32 $0x2D8, s5;
	s8 =	rddreg [dreg:$0x4];
	[sflag:s6] =	ssyncadd.s32 @!p1 $0xFFFFE700  }
0xf5: {  	[tilespmem:s8], [sflag:$0x8] =	stream.indirect.gather [hbm4b:s4+s14], $0x40, s9, s14, $0xb8;
	[tilespmem:$0x1EB40] =	vst v63  }
0xf6: {  	_ =	swait.ge [sflag:s28], $0x1900  }
0xf7: {  	s10 =	sadd.s32 $0x2970, s5;
	[sflag:s28] =	ssyncset.done $0x0  }
0xf8: {  	s7 =	simm.s32 $0x8340;
	s6 =	simm.s32 @!p1 $0x13;
	[sflag:s28] =	ssyncadd.s32 $0xFFFFE700  }
0xf9: {  	[spmem:s2] =	stream.indirect.scatter.add.f32 [tilespmem:s7], [sflag:$0xD], $0x40, s10, s14, $0xb8;
	[tilespmem:$0x1EB40] =	vst v63  }
0xfa: {  	_ =	swait.ge @!p1 [sflag:s6], $0x1900  }
0xfb: {  	[sflag:s6] =	ssyncset.done @!p1 $0x0  }
0xfc: {  	s11 =	sadd.s32 $0x340, s5;
	[sflag:s6] =	ssyncadd.s32 @!p1 $0xFFFFE700  }
0xfd: {  	[tilespmem:s29], [sflag:$0x9] =	stream.indirect.gather [hbm4b:s4+s14], $0x40, s11, s14, $0xb8;
	[tilespmem:$0x1EB40] =	vst v63  }
0xfe: {  	_ =	swait.ge [sflag:s30], $0x1900  }
0xff: {  	s15 =	simm.s32 $0x9C40;
	[sflag:s30] =	ssyncset.done $0x0  }
0x100: {  	s12 =	sadd.s32 $0x29D8, s5;
	s6 =	simm.s32 @!p1 $0x14;
	[sflag:s30] =	ssyncadd.s32 $0xFFFFE700  }
0x101: {  	[spmem:s2] =	stream.indirect.scatter.add.f32 [tilespmem:s15], [sflag:$0xE], $0x40, s12, s14, $0xb8;
	[tilespmem:$0x1EB40] =	vst v63  }
0x102: {  	_ =	swait.ge @!p1 [sflag:s6], $0x1900  }
0x103: {  	[sflag:s6] =	ssyncset.done @!p1 $0x0  }
0x104: {  	s17 =	sadd.s32 $0x3A8, s5;
	[sflag:s6] =	ssyncadd.s32 @!p1 $0xFFFFE700  }
0x105: {  	[tilespmem:s31], [sflag:$0xA] =	stream.indirect.gather [hbm4b:s4+s14], $0x40, s17, s14, $0xb8;
	[tilespmem:$0x1EB40] =	vst v63  }
0x106: {  	_ =	swait.ge [sflag:s1], $0x1900  }
0x107: {  	p0 =	seq.s32 s22, $0x9240;
	s18 =	sadd.s32 $0x2A40, s5;
	[sflag:s1] =	ssyncset.done $0x0  }
0x108: {  	s19 =	simm.s32 $0xB540;
	s6 =	simm.s32 @p0 $0x6;
	[sflag:s1] =	ssyncadd.s32 $0xFFFFE700  }
0x109: {  	[spmem:s2] =	stream.indirect.scatter.add.f32 [tilespmem:s19], [sflag:$0xF], $0x40, s18, s14, $0xb8;
	[tilespmem:$0x1EB40] =	vst v63  }
0x10a: {  	s8 =	simm.s32 @p0 $0x64;
	_ =	swait.ge @p0 [sflag:s6], $0x1900  }
0x10b: {  	s9 =	simm.s32 @p0 $0xCE40;
	s7 =	sshra.s32 @p0 s22, $0x2;
	[sflag:s6] =	ssyncset.done @p0 $0x0  }
0x10c: {  	s3 =	sadd.s32 @p0 $0x2AA8, s7;
	[sflag:s6] =	ssyncadd.s32 @p0 $0xFFFFE700;
	s6 =	simm.s32 @!p0 $0xB  }
0x10d: {  	[spmem:s2] =	stream.indirect.scatter.add.f32 @p0 [tilespmem:s9], [sflag:$0x10], $0x40, s3, s8, $0xb8;
	[tilespmem:$0x1EB40] =	vst v63  }
0x10e: {  	_ =	swait.ge @!p0 [sflag:s6], $0x1900  }
0x10f: {  	s10 =	simm.s32 @!p0 $0x64;
	s3 =	sshra.s32 @!p0 s22, $0x2;
	[sflag:s6] =	ssyncset.done @!p0 $0x0  }
0x110: {  	s9 =	sadd.s32 @!p0 $0x410, s3;
	[sflag:s6] =	ssyncadd.s32 @!p0 $0xFFFFE700;
	s6 =	simm.s32 @!p0 $0x5140  }
0x111: {  	[tilespmem:s6], [sflag:$0x1] =	stream.indirect.gather @!p0 [hbm4b:s4+s10], $0x40, s9, s10, $0xb8;
	[tilespmem:$0x1EB40] =	vst v63  }
0x112: {  	s6 =	simm.s32 @!p0 $0x6  }
0x113: {  	_ =	swait.ge @!p0 [sflag:s6], $0x1900  }
0x114: {  	[sflag:s6] =	ssyncset.done @!p0 $0x0  }
0x115: {  	s9 =	sadd.s32 @!p0 $0x2AA8, s3;
	[sflag:s6] =	ssyncadd.s32 @!p0 $0xFFFFE700;
	s6 =	simm.s32 @!p0 $0xCE40  }
0x116: {  	[spmem:s2] =	stream.indirect.scatter.add.f32 @!p0 [tilespmem:s6], [sflag:$0x10], $0x40, s9, s10, $0xb8;
	[tilespmem:$0x1EB40] =	vst v63  }
0x117: {  	s6 =	simm.s32 @!p0 $0xC  }
0x118: {  	_ =	swait.ge @!p0 [sflag:s6], $0x1900  }
0x119: {  	[sflag:s6] =	ssyncset.done @!p0 $0x0  }
0x11a: {  	s9 =	sadd.s32 @!p0 $0x478, s3;
	[sflag:s6] =	ssyncadd.s32 @!p0 $0xFFFFE700;
	s6 =	simm.s32 @!p0 $0x6A40  }
0x11b: {  	[tilespmem:s6], [sflag:$0x2] =	stream.indirect.gather @!p0 [hbm4b:s4+s10], $0x40, s9, s10, $0xb8;
	[tilespmem:$0x1EB40] =	vst v63  }
0x11c: {  	_ =	swait.ge [sflag:s0], $0x1900  }
0x11d: {  	[sflag:s0] =	ssyncset.done $0x0  }
0x11e: {  	s20 =	sadd.s32 $0x2B10, s5;
	s6 =	simm.s32 @p0 $0x8;
	[sflag:s0] =	ssyncadd.s32 $0xFFFFE700  }
0x11f: {  	[spmem:s2] =	stream.indirect.scatter.add.f32 [tilespmem:s25], [sflag:$0x11], $0x40, s20, s14, $0xb8;
	[tilespmem:$0x1EB40] =	vst v63  }
0x120: {  	_ =	swait.ge @p0 [sflag:s6], $0x1900  }
0x121: {  	[sflag:s6] =	ssyncset.done @p0 $0x0  }
0x122: {  	s7 =	sadd.s32 @p0 $0x2B78, s7;
	[sflag:s6] =	ssyncadd.s32 @p0 $0xFFFFE700;
	s6 =	simm.s32 @p0 $0x10040  }
0x123: {  	[spmem:s2] =	stream.indirect.scatter.add.f32 @p0 [tilespmem:s6], [sflag:$0x12], $0x40, s7, s8, $0xb8;
	[tilespmem:$0x1EB40] =	vst v63  }
0x124: {  	s6 =	simm.s32 @!p0 $0xD  }
0x125: {  	_ =	swait.ge @!p0 [sflag:s6], $0x1900  }
0x126: {  	[sflag:s6] =	ssyncset.done @!p0 $0x0  }
0x127: {  	s7 =	sadd.s32 @!p0 $0x4E0, s3;
	[sflag:s6] =	ssyncadd.s32 @!p0 $0xFFFFE700;
	s6 =	simm.s32 @!p0 $0x8340  }
0x128: {  	[tilespmem:s6], [sflag:$0x3] =	stream.indirect.gather @!p0 [hbm4b:s4+s10], $0x40, s7, s10, $0xb8;
	[tilespmem:$0x1EB40] =	vst v63  }
0x129: {  	s6 =	simm.s32 @!p0 $0x8  }
0x12a: {  	_ =	swait.ge @!p0 [sflag:s6], $0x1900  }
0x12b: {  	[sflag:s6] =	ssyncset.done @!p0 $0x0  }
0x12c: {  	s7 =	sadd.s32 @!p0 $0x2B78, s3;
	[sflag:s6] =	ssyncadd.s32 @!p0 $0xFFFFE700;
	s6 =	simm.s32 @!p0 $0x10040  }
0x12d: {  	[spmem:s2] =	stream.indirect.scatter.add.f32 @!p0 [tilespmem:s6], [sflag:$0x12], $0x40, s7, s10, $0xb8;
	[tilespmem:$0x1EB40] =	vst v63  }
0x12e: {  	s6 =	simm.s32 @!p0 $0xE  }
0x12f: {  	_ =	swait.ge @!p0 [sflag:s6], $0x1900  }
0x130: {  	[sflag:s6] =	ssyncset.done @!p0 $0x0  }
0x131: {  	s7 =	sadd.s32 @!p0 $0x548, s3;
	[sflag:s6] =	ssyncadd.s32 @!p0 $0xFFFFE700;
	s6 =	simm.s32 @!p0 $0x9C40  }
0x132: {  	[tilespmem:s6], [sflag:$0x4] =	stream.indirect.gather @!p0 [hbm4b:s4+s10], $0x40, s7, s10, $0xb8;
	[tilespmem:$0x1EB40] =	vst v63  }
0x133: {  	_ =	swait.ge [sflag:s13], $0x1900  }
0x134: {  	[sflag:s13] =	ssyncset.done $0x0  }
0x135: {  	s22 =	sadd.s32 $0x2BE0, s5;
	s6 =	simm.s32 @!p0 $0xF;
	[sflag:s13] =	ssyncadd.s32 $0xFFFFE700  }
0x136: {  	[spmem:s2] =	stream.indirect.scatter.add.f32 [tilespmem:s29], [sflag:$0x13], $0x40, s22, s14, $0xb8;
	[tilespmem:$0x1EB40] =	vst v63  }
0x137: {  	_ =	swait.ge @!p0 [sflag:s6], $0x1900  }
0x138: {  	[sflag:s6] =	ssyncset.done @!p0 $0x0  }
0x139: {  	s3 =	sadd.s32 @!p0 $0x5B0, s3;
	[sflag:s6] =	ssyncadd.s32 @!p0 $0xFFFFE700;
	s6 =	simm.s32 @!p0 $0xB540  }
0x13a: {  	[tilespmem:s6], [sflag:$0x5] =	stream.indirect.gather @!p0 [hbm4b:s4+s10], $0x40, s3, s10, $0xb8;
	[tilespmem:$0x1EB40] =	vst v63  }
0x13b: {  	_ =	swait.ge [sflag:s16], $0x1900  }
0x13c: {  	[sflag:s16] =	ssyncset.done $0x0  }
0x13d: {  	s5 =	sadd.s32 $0x2C48, s5;
	s6 =	simm.s32 $0xB;
	[sflag:s16] =	ssyncadd.s32 $0xFFFFE700  }
0x13e: {  	[spmem:s2] =	stream.indirect.scatter.add.f32 [tilespmem:s31], [sflag:$0x14], $0x40, s5, s14, $0xb8;
	[tilespmem:$0x1EB40] =	vst v63  }
0x13f: {  	_ =	swait.ge [sflag:s6], $0x1900  }
0x140: {  	[sflag:s6] =	ssyncset.done $0x0  }
0x141: {  	s7 =	simm.s32 $0xC;
	[sflag:s6] =	ssyncadd.s32 $0xFFFFE700  }
0x142: {  	_ =	swait.ge [sflag:s7], $0x1900  }
0x143: {  	[sflag:s7] =	ssyncset.done $0x0  }
0x144: {  	s8 =	simm.s32 $0xD;
	[sflag:s7] =	ssyncadd.s32 $0xFFFFE700  }
0x145: {  	_ =	swait.ge [sflag:s8], $0x1900  }
0x146: {  	[sflag:s8] =	ssyncset.done $0x0  }
0x147: {  	s9 =	simm.s32 $0xE;
	[sflag:s8] =	ssyncadd.s32 $0xFFFFE700  }
0x148: {  	_ =	swait.ge [sflag:s9], $0x1900  }
0x149: {  	[sflag:s9] =	ssyncset.done $0x0  }
0x14a: {  	s10 =	simm.s32 $0xF;
	[sflag:s9] =	ssyncadd.s32 $0xFFFFE700  }
0x14b: {  	_ =	swait.ge [sflag:s10], $0x1900  }
0x14c: {  	[sflag:s10] =	ssyncset.done $0x0  }
0x14d: {  	s11 =	simm.s32 $0x10;
	[sflag:s10] =	ssyncadd.s32 $0xFFFFE700  }
0x14e: {  	_ =	swait.ge [sflag:s11], $0x1900  }
0x14f: {  	[sflag:s11] =	ssyncset.done $0x0  }
0x150: {  	s12 =	simm.s32 $0x11;
	[sflag:s11] =	ssyncadd.s32 $0xFFFFE700  }
0x151: {  	_ =	swait.ge [sflag:s12], $0x1900  }
0x152: {  	[sflag:s12] =	ssyncset.done $0x0  }
0x153: {  	s15 =	simm.s32 $0x12;
	[sflag:s12] =	ssyncadd.s32 $0xFFFFE700  }
0x154: {  	_ =	swait.ge [sflag:s15], $0x1900  }
0x155: {  	[sflag:s15] =	ssyncset.done $0x0  }
0x156: {  	s17 =	simm.s32 $0x13;
	[sflag:s15] =	ssyncadd.s32 $0xFFFFE700  }
0x157: {  	_ =	swait.ge [sflag:s17], $0x1900  }
0x158: {  	[sflag:s17] =	ssyncset.done $0x0  }
0x159: {  	s18 =	simm.s32 $0x14;
	[sflag:s17] =	ssyncadd.s32 $0xFFFFE700  }
0x15a: {  	_ =	swait.ge [sflag:s18], $0x1900  }
0x15b: {  	[sflag:s18] =	ssyncset.done $0x0  }
0x15c: {  	[sflag:s18] =	ssyncadd.s32 $0xFFFFE700  }
0x15d: {  	[bflag:$0x0] =	sbarrier.arrive $0xFFFF  }
0x15e: {  	s6 =	rddreg [dreg:$0x6]  }
0x15f: {  	s19 =	rddreg [dreg:$0x9]  }
0x160: {  	s7 =	simm.s32 $0x15;
	s5 =	rddreg [dreg:$0xb]  }
0x161: {  	[hbm:s19], [sflag:s6] =	dma.local [spmem:s5], $0x1400  }
0x162: {  	_ =	swait.ge [sflag:s7], $0x1400  }
0x163: {  	s20 =	rddreg [dreg:$0xc]  }
0x164: {  	s22 =	rddreg [dreg:$0xa];
	s8 =	sadd.s32 $0x1, s20  }
0x165: {  	p0 =	sne.s32 s8, s22  }
.Ltmp1:
0x166: {  	_ = 	snop;
	(pc) =	sbr.rel @p0 .LBB2_1-.Ltmp1, $3  }
0x167: {  	_ =	sdelay $0x1  }
0x168: {  	[sflag:s7] =	ssyncset.done $0x0  }
0x169: {  	[sflag:s7] =	ssyncadd.s32 $0xFFFFEC00  }
0x16a: {  	_ =	sfence.sel $0x180000  }
0x16b: {  	[bflag:$0x0] =	sbarrier.arrive $0xFFFF  }
0x16c: {  	_ =	strace $0x9000004A  }
0x16d: {  	s0 =	stileid.u32;
	[bflag:$0x2] =	sbarrier.arrive $0xFFFF  }
0x16e: {  	p0 =	sne.s32 s0, $0x0;
	s0 =	rddreg [dreg:$0x2]  }
0x16f: {  	s0 =	sadd.s32 @!p0 $0x100000, s0  }
0x170: {  	[sflag:s0] =	ssyncadd.tile.s32 @!p0 $0x1;
	_ =	shalt  }
.Lfunc_end2:
_tile_overlayer_lowered:
.L_overlay_start_2:
0x171: {  	(tag) =	ssettag $0x2  }
0x172: {  	s0 =	rddreg [dreg:$0x0];
	s2 =	stileid.u32  }
0x173: {  	s1 =	rddreg [dreg:$0x1];
	p0 =	sne.s32 s2, $0x0  }
0x174: {  	s3 =	rddreg [dreg:$0x2];
	[bflag:$0x3] =	sbarrier.arrive $0xFFFF;
	s2 =	simm.s32 @!p0 $0x1C15  }
0x175: {  	[timem:s3], [sflag:s2] =	dma.local @!p0 [hbm:s0], s1  }
0x176: {  	s0 =	simm.s32 @!p0 $0x15  }
0x177: {  	_ =	swait.ge @!p0 [sflag:s0], s1  }
0x178: {  	s1 =	ssub.s32 @!p0 $0x0, s1;
	[sflag:s0] =	ssyncset.done @!p0 $0x0  }
0x179: {  	[sflag:s0] =	ssyncadd.s32 @!p0 s1  }
0x17a: {  	[bflag:$0x3] =	sbarrier.arrive $0xFFFF  }
0x17b: {  	_ =	shalt  }

// kernel: kernel.14.cloned.1.call-start
scs
__scs_entry_jumppad:
0x0: {  	(pc) =	sbr.rel $0x88, $3  }
0x1: {  	(tag) =	ssettag $0x0;
	lr =	simm.s32 $0x1  }
0x2: {  	[smem:$0x3F9D] =	sst lr;
	_ =	strace $0xD0000000  }
0x3: {  	_ = 	snop  }
0x4: {  	_ = 	snop  }
0x5: {  	_ = 	snop  }
0x6: {  	_ = 	snop  }
0x7: {  	_ = 	snop  }
__scs_overlays_trampoline_lowered:
0x8: {  	[smem:$0x3FAC] =	sst s0  }
0x9: {  	[smem:$0x3FAD] =	sst s1  }
0xa: {  	[smem:$0x3FAE] =	sst s2  }
0xb: {  	[smem:$0x3FAF] =	sst s3  }
0xc: {  	[smem:$0x3FB0] =	sst s4  }
0xd: {  	[smem:$0x3FB1] =	sst s5  }
0xe: {  	[smem:$0x3FB2] =	sst s6  }
0xf: {  	[smem:$0x3FB3] =	sst s7  }
0x10: {  	[smem:$0x3FB4] =	sst s8  }
0x11: {  	[smem:$0x3FB5] =	sst s9;
	s0 =	simm.s32 @!p0 $0x0  }
0x12: {  	s1 =	sld [smem:$0x3F9B];
	s0 =	simm.s32 @p0 $0x1  }
0x13: {  	[smem:$0x3FB6] =	sst s0;
	s0 =	simm.s32 @!p1 $0x0  }
0x14: {  	s2 =	sld [smem:$0x3F9A];
	s0 =	simm.s32 @p1 $0x1  }
0x15: {  	[smem:$0x3FB7] =	sst s0;
	s0 =	simm.s32 @!p2 $0x0  }
0x16: {  	s3 =	sld [smem:$0x3FDB];
	s0 =	simm.s32 @p2 $0x1  }
0x17: {  	s4 =	simm.s32 $0x1BF5;
	[smem:$0x3FB9] =	sst s0  }
0x18: {  	s0 =	sld [smem:$0x3F9C];
	_ =	swait.ge [sflag:s4], $0x0  }
0x19: {  	s7 =	sld [smem:$0x3F9D]  }
0x1a: {  	s8 =	sadd.s32 $0xFFFFE003, lr  }
0x1b: {  	s9 =	sadd.s32 $0xFFFFFEF7, lr;
	s5 =	simm.s32 $0xFFFFFFFF;
	p2 =	slt.u32 s8, $0xFFFFF086  }
0x1c: {  	p1 =	slt.u32 s9, $0xF7A;
	s5 =	simm.s32 @!p2 $0x0  }
0x1d: {  	s5 =	simm.s32 @p1 $0x1;
	p0 =	seq.s32 s7, s2  }
0x1e: {  	s7 =	smul.u32 @!p0 $0xF7A, s2;
	p2 =	seq.s32 @!p0 s5, $0x0  }
0x1f: {  	s9 =	smul.u32 $0xF7A, s1;
	s8 =	simm.s32 @!p0 $0x1BF5;
	p2 =	por !p2, p0  }
0x20: {  	[sflag:s8] =	ssyncset.s32 @!p0 $0xFFFFF086;
	s6 =	sadd.s32 @!p0 s3, s7;
	s7 =	simm.s32 @!p0 $0x108  }
0x21: {  	s3 =	sadd.s32 s3, s9;
	s6 =	sadd.s32 @!p0 $0x88, s6;
	s7 =	simm.s32 @p2 $0x1082  }
0x22: {  	[simem:s7], [sflag:s8] =	dma.local @!p0 [hbm:s6], $0xF7A  }
0x23: {  	s9 =	sor.u32 $0xD0000000, s2;
	s6 =	simm.s32 $0x108;
	_ =	swait.ge @!p0 [sflag:s8], $0x0  }
0x24: {  	s3 =	sadd.s32 $0x88, s3;
	s6 =	simm.s32 @!p1 $0x1082;
	[sflag:s4] =	ssyncset.s32 $0xFFFFF086  }
0x25: {  	[simem:s6], [sflag:s4] =	dma.local [hbm:s3], $0xF7A  }
0x26: {  	[smem:$0x3F9D] =	sst s1;
	(tag) =	ssettag s2;
	_ =	strace s9  }
0x27: {  	s1 =	sld [smem:$0x3FAD]  }
0x28: {  	s2 =	sld [smem:$0x3FAE]  }
0x29: {  	s4 =	sld [smem:$0x3FB0]  }
0x2a: {  	p0 =	seq.s32 s5, $0x0;
	s5 =	sld [smem:$0x3FB1]  }
0x2b: {  	s6 =	sld [smem:$0x3FB2]  }
0x2c: {  	s7 =	sld [smem:$0x3FB3]  }
0x2d: {  	s3 =	simm.s32 $0x108;
	s8 =	sld [smem:$0x3FB4]  }
0x2e: {  	s3 =	simm.s32 @!p0 $0x1082;
	s9 =	sld [smem:$0x3FB5]  }
0x2f: {  	lr =	sadd.s32 s0, s3;
	s0 =	sld [smem:$0x3FAC]  }
0x30: {  	s3 =	sld [smem:$0x3FAF]  }
0x31: {  	[smem:$0x3FB8] =	sst s10  }
0x32: {  	s10 =	sld [smem:$0x3FB6];
	_ =	sdelay $0x3  }
0x33: {  	p0 =	seq.s32 s10, $0x1;
	s10 =	sld [smem:$0x3FB8];
	_ =	sdelay $0x3  }
0x34: {  	[smem:$0x3FB8] =	sst s10  }
0x35: {  	s10 =	sld [smem:$0x3FB7];
	_ =	sdelay $0x3  }
0x36: {  	p1 =	seq.s32 s10, $0x1;
	s10 =	sld [smem:$0x3FB8];
	_ =	sdelay $0x3  }
0x37: {  	[smem:$0x3FB8] =	sst s10  }
0x38: {  	s10 =	sld [smem:$0x3FB9]  }
0x39: {  	_ = 	snop;
	(pc) =	sbr.ind lr, $3  }
0x3a: {  	_ = 	snop  }
0x3b: {  	_ = 	snop  }
0x3c: {  	p2 =	seq.s32 s10, $0x1;
	s10 =	sld [smem:$0x3FB8]  }
0x3d: {  	_ =	shalt  }
0x3e: {  	_ =	shalt  }
0x3f: {  	_ =	shalt  }
0x40: {  	_ =	shalt  }
0x41: {  	_ =	shalt  }
0x42: {  	_ =	shalt  }
0x43: {  	_ =	shalt  }
0x44: {  	_ =	shalt  }
0x45: {  	_ =	shalt  }
0x46: {  	_ =	shalt  }
0x47: {  	_ =	shalt  }
0x48: {  	_ =	shalt  }
0x49: {  	_ =	shalt  }
0x4a: {  	_ =	shalt  }
0x4b: {  	_ =	shalt  }
0x4c: {  	_ =	shalt  }
0x4d: {  	_ =	shalt  }
0x4e: {  	_ =	shalt  }
0x4f: {  	_ =	shalt  }
0x50: {  	_ =	shalt  }
0x51: {  	_ =	shalt  }
0x52: {  	_ =	shalt  }
0x53: {  	_ =	shalt  }
0x54: {  	_ =	shalt  }
0x55: {  	_ =	shalt  }
0x56: {  	_ =	shalt  }
0x57: {  	_ =	shalt  }
0x58: {  	_ =	shalt  }
0x59: {  	_ =	shalt  }
0x5a: {  	_ =	shalt  }
0x5b: {  	_ =	shalt  }
0x5c: {  	_ =	shalt  }
0x5d: {  	_ =	shalt  }
0x5e: {  	_ =	shalt  }
0x5f: {  	_ =	shalt  }
0x60: {  	_ =	shalt  }
0x61: {  	_ =	shalt  }
0x62: {  	_ =	shalt  }
0x63: {  	_ =	shalt  }
0x64: {  	_ =	shalt  }
0x65: {  	_ =	shalt  }
0x66: {  	_ =	shalt  }
0x67: {  	_ =	shalt  }
0x68: {  	_ =	shalt  }
0x69: {  	_ =	shalt  }
0x6a: {  	_ =	shalt  }
0x6b: {  	_ =	shalt  }
0x6c: {  	_ =	shalt  }
0x6d: {  	_ =	shalt  }
0x6e: {  	_ =	shalt  }
0x6f: {  	_ =	shalt  }
0x70: {  	_ =	shalt  }
0x71: {  	_ =	shalt  }
0x72: {  	_ =	shalt  }
0x73: {  	_ =	shalt  }
0x74: {  	_ =	shalt  }
0x75: {  	_ =	shalt  }
0x76: {  	_ =	shalt  }
0x77: {  	_ =	shalt  }
0x78: {  	_ =	shalt  }
0x79: {  	_ =	shalt  }
0x7a: {  	_ =	shalt  }
0x7b: {  	_ =	shalt  }
0x7c: {  	_ =	shalt  }
0x7d: {  	_ =	shalt  }
0x7e: {  	_ =	shalt  }
0x7f: {  	_ =	shalt  }
0x80: {  	_ =	shalt  }
0x81: {  	_ =	shalt  }
0x82: {  	_ =	shalt  }
0x83: {  	_ =	shalt  }
0x84: {  	_ =	shalt  }
0x85: {  	_ =	shalt  }
0x86: {  	_ =	shalt  }
0x87: {  	_ =	shalt  }
.Lfunc_end0:
.L_simem_size_0:
called_computation.2_lowered:
.L_overlay_start_0:
0x88: {  	s2 =	sld [smem:$0x3FD9]  }
0x89: {  	s3 =	sld [smem:$0x3FFE];
	_ =	sdelay $0x1  }
0x8a: {  	s1 =	srdreg.scid  }
0x8b: {  	s0 =	sand.u32 $0x1, s1  }
0x8c: {  	s16 =	sshll.u32 s0, $0xA;
	s2 =	sadd.s32 s3, s2  }
0x8d: {  	s2 =	sadd.s32 s2, s16  }
0x8e: {  	[smem:$0x3FC4] =	sst s2  }
0x8f: {  	_ = 	snop  }
0x90: {  	(tm) =	ssettm $0x1  }
0x91: {  	s17 =	sld [smem:$0x3FFB];
	_ =	sdelay $0x3  }
0x92: {  	_ =	strace s17  }
0x93: {  	s2 =	sld [smem:$0x3FFC];
	_ =	sdelay $0x3  }
0x94: {  	_ =	strace s2  }
0x95: {  	s2 =	sld [smem:$0x3FFD];
	_ =	sdelay $0x3  }
0x96: {  	_ =	strace s2  }
0x97: {  	_ =	strace $0x8FFFFFFF  }
0x98: {  	s18 =	sld [smem:$0x3FDB];
	_ =	sdelay $0x1  }
0x99: {  	s19 =	simm.s32 $_scs_section_size  }
0x9a: {  	s4 =	simm.s32 $_size__tile_overlayer_lowered;
	s5 =	simm.s32 $_tile_overlayer_lowered  }
0x9b: {  	s22 =	simm.s32 $0x1BFF;
	s21 =	sshll.u32 s5, $0x1;
	s2 =	sadd.s32 s19, s18  }
0x9c: {  	s6 =	simm.s32 $0x0;
	s20 =	sshll.u32 s4, $0x1;
	s4 =	sadd.s32 s21, s2  }
0x9d: {  	[timem:s6], [sflag:s22] =	dma.local [hbm:s4], s20  }
0x9e: {  	_ =	swait.ge [sflag:s22], s20  }
0x9f: {  	s3 =	ssub.s32 $0x0, s20;
	[sflag:s22] =	ssyncset.done $0x0  }
0xa0: {  	[sflag:s22] =	ssyncadd.s32 s3;
	_ =	sdelay $0x1  }
0xa1: {  	s23 =	simm.s32 $0x1B8B  }
0xa2: {  	_ =	swait.ge [sflag:s23], $0x1  }
0xa3: {  	[sflag:s23] =	ssyncset.done $0x0  }
0xa4: {  	s25 =	simm.s32 $0x1B8E;
	s24 =	sld [smem:$0x3FFE];
	[sflag:s23] =	ssyncadd.s32 $0xFFFFFFFF  }
0xa5: {  	s26 =	simm.s32 $execute0_lowered;
	[smem:$0x3FD2] =	sst s25  }
0xa6: {  	s4 =	sshll.u32 s26, $0x1;
	_ =	strace $0x8000004C;
	[dreg:$0x1] =	wrdreg $0xFFFFFFFF  }
0xa7: {  	s28 =	simm.s32 $_size_execute0_lowered;
	s2 =	sadd.s32 s2, s4;
	[dreg:$0x0] =	wrdreg $0x0  }
0xa8: {  	s4 =	sshll.u32 s28, $0x1;
	[dreg:$0x2] =	wrdreg s2  }
0xa9: {  	[dreg:$0x3] =	wrdreg s4  }
0xaa: {  	[dreg:$0x4] =	wrdreg $0xC0  }
0xab: {  	_ =	task [dreg:s6], $0x5FFFF  }
0xac: {  	[dreg:$0x1] =	wrdreg $0xFFFFFFFF  }
0xad: {  	[dreg:$0x0] =	wrdreg $0x60  }
0xae: {  	[dreg:$0x2] =	wrdreg s24  }
0xaf: {  	[dreg:$0x3] =	wrdreg $0x8FC00  }
0xb0: {  	[dreg:$0x4] =	wrdreg $0x9  }
0xb1: {  	_ =	task.clear_ibuf [dreg:s6], $0x5FFFF;
	_ =	strace $0x9000004C  }
0xb2: {  	s29 =	simm.s32 $0x9;
	_ =	strace $0x8000004E  }
0xb3: {  	_ =	swait.ge [sflag:s29], $0x1  }
0xb4: {  	[sflag:s29] =	ssyncadd.s32 $0xFFFFFFFF  }
0xb5: {  	_ =	strace $0x9000004E  }
0xb6: {  	_ =	sfence  }
0xb7: {  	s30 =	sld [smem:$0x0];
	_ =	sdelay $0x2  }
0xb8: {  	s31 =	sshll.u32 s1, $0xD;
	s1 =	sshrl.u32 s1, $0x2  }
0xb9: {  	s3 =	sand.u32 $0x4000, s31;
	s1 =	sadd.s32 s1, s30  }
0xba: {  	s0 =	sor.u32 s3, s0;
	s1 =	sshll.u32 s1, $0x11  }
0xbb: {  	s0 =	sor.u32 s1, s0  }
0xbc: {  	s0 =	sadd.s32 $0x8F2B, s0  }
0xbd: {  	[sflag:s0] =	ssyncadd.remote.s32 $0x1  }
0xbe: {  	_ =	sfence.sel $0xFFFF  }
0xbf: {  	[dreg:$0x0] =	wrdreg $0xFFFFFFFF;
	(pc) =	sbr.abs _section_cstart, $3  }
0xc0: {  	[dreg:$0x1] =	wrdreg $0xFFFFFFFF  }
0xc1: {  	_ =	task.clear_ibuf [dreg:s6], $0x2FFFF;
	_ =	strace $0x9FFFFFFF  }
0xc2: {  	(tm) =	ssettm $0x7FFFFFFF  }
0xc3: {  	_ =	shalt  }
tec
execute0_lowered:
.L_overlay_start_1:
0x0: {  	(tag) =	ssettag $0x1  }
0x1: {  	s0 =	srdreg.scid;
	s3 =	rddreg [dreg:$0x0]  }
0x2: {  	s8 =	stileid.u32;
	s2 =	rddreg [dreg:$0x1];
	s4 =	simm.s32 $0x0  }
0x3: {  	s14 =	simm.s32 $0x64;
	s25 =	simm.s32 $0x7080;
	s26 =	simm.s32 $0x7D00  }
0x4: {  	s28 =	simm.s32 $0x3;
	s29 =	simm.s32 $0x8340;
	s30 =	simm.s32 $0x4  }
0x5: {  	s31 =	simm.s32 $0x8980;
	s13 =	simm.s32 $0x9;
	s16 =	simm.s32 $0xA  }
0x6: {  	s0 =	sand.u32 $0x1, s0;
	s1 =	sshll.u32 s8, $0x1;
	s5 =	smul.u32 $0x2800, s8  }
0x7: {  	[smem:$0x7FF] =	sst s4;
	s4 =	sadd.s32 $0x11000, s3;
	s22 =	sshll.u32 s8, $0x6  }
0x8: {  	s8 =	simm.s32 $0x0;
	s1 =	sor.u32 s0, s1;
	s6 =	smul.u32 $0x28000, s0  }
0x9: {  	_ =	strace $0x8000004D;
	s0 =	ssub.s32 $0x2, s0;
	[dreg:$0x3] =	wrdreg s25  }
0xa: {  	[dreg:$0x4] =	wrdreg s26;
	s25 =	simm.s32 $0x76C0;
	s26 =	simm.s32 $0x2  }
0xb: {  	s1 =	smul.u32 $0x514, s1;
	s7 =	sshrl.u32 s5, $0x3;
	s21 =	sshrl.u32 s0, $0x1  }
0xc: {  	s6 =	sadd.s32 s5, s6;
	s7 =	sadd.s32 s7, s3;
	s0 =	ssub.s32 s0, s21  }
0xd: {  	s5 =	sadd.s32 s5, s2;
	s21 =	simm.s32 $0x5140;
	s7 =	sadd.s32 $0xC000, s7  }
0xe: {  	s1 =	sadd.s32 s1, s3;
	s0 =	smax.u32 s0, $0x1;
	[dreg:$0x5] =	wrdreg s7  }
0xf: {  	s6 =	sshrl.u32 s6, $0x3;
	s5 =	sshrl.u32 s5, $0x3;
	[dreg:$0xa] =	wrdreg s0  }
0x10: {  	s3 =	sadd.s32 s6, s3;
	s23 =	sadd.s32 $0x75400, s1;
	[dreg:$0xb] =	wrdreg s5  }
0x11: {  	s6 =	sor.u32 $0x1C15, s22;
	s1 =	sadd.s32 $0x1C00, s1;
	[dreg:$0x7] =	wrdreg s23  }
0x12: {  	s7 =	simm.s32 $0x15;
	s0 =	simm.s32 $0x7;
	[dreg:$0x8] =	wrdreg s1  }
0x13: {  	s24 =	sadd.s32 $0x16000, s3;
	s1 =	simm.s32 $0x5;
	[dreg:$0x6] =	wrdreg s6  }
0x14: {  	s23 =	simm.s32 $0x5780;
	[dreg:$0x9] =	wrdreg s24;
	s24 =	simm.s32 $0x1  }
.LBB2_1:
0x15: {  	[dreg:$0xc] =	wrdreg s8  }
0x16: {  	s3 =	rddreg [dreg:$0x5]  }
0x17: {  	[spmem:s5], [sflag:s6] =	dma.local [hbm:s3], $0x500  }
0x18: {  	_ =	swait.ge [sflag:s7], $0x500  }
0x19: {  	[sflag:s7] =	ssyncset.done $0x0  }
0x1a: {  	s18 =	simm.s32 $0x0;
	s19 =	rddreg [dreg:$0x7];
	[sflag:s7] =	ssyncadd.s32 $0xFFFFFB00  }
0x1b: {  	[tilespmem:s18], [sflag:$0x15] =	stream.linear.gather [hbm4b:s19+s18], $0x28A0, $0x38;
	[tilespmem:$0xB7C0] =	vst v63  }
0x1c: {  	_ =	swait.ge [sflag:s7], $0x28A0  }
0x1d: {  	[sflag:s7] =	ssyncset.done $0x0  }
0x1e: {  	s22 =	simm.s32 $0x28A0;
	s20 =	rddreg [dreg:$0x8];
	[sflag:s7] =	ssyncadd.s32 $0xFFFFD760  }
0x1f: {  	[tilespmem:s22], [sflag:$0x15] =	stream.linear.gather [hbm4b:s20+s18], $0x28A0, $0x38;
	[tilespmem:$0xB7C0] =	vst v63  }
0x20: {  	_ =	swait.ge [sflag:s7], $0x28A0  }
0x21: {  	[sflag:s7] =	ssyncset.done $0x0  }
0x22: {  	[sflag:s7] =	ssyncadd.s32 $0xFFFFD760  }
0x23: {  	s7 =	simm.s32 $0x5140;
	[bflag:$0x0] =	sbarrier.arrive $0xFFFF  }
0x24: {  	[tilespmem:s7], [sflag:$0x1] =	stream.indirect.gather [hbm4b:s4+s14], $0x10, s18, s14, $0xb8;
	[tilespmem:$0xB7C0] =	vst v63  }
0x25: {  	s10 =	simm.s32 $0x68;
	s11 =	simm.s32 $0x5780  }
0x26: {  	[tilespmem:s11], [sflag:$0x2] =	stream.indirect.gather [hbm4b:s4+s14], $0x10, s10, s14, $0xb8;
	[tilespmem:$0xB7C0] =	vst v63  }
0x27: {  	s12 =	simm.s32 $0xD0;
	s8 =	simm.s32 $0x5DC0  }
0x28: {  	[tilespmem:s8], [sflag:$0x3] =	stream.indirect.gather [hbm4b:s4+s14], $0x10, s12, s14, $0xb8;
	[tilespmem:$0xB7C0] =	vst v63  }
0x29: {  	s15 =	simm.s32 $0x138;
	s9 =	simm.s32 $0x6400;
	p0 =	por $0x1, $0x1  }
0x2a: {  	[tilespmem:s9], [sflag:$0x4] =	stream.indirect.gather [hbm4b:s4+s14], $0x10, s15, s14, $0xb8;
	[tilespmem:$0xB7C0] =	vst v63  }
0x2b: {  	s17 =	simm.s32 $0x1A0;
	s3 =	simm.s32 @!p0 $0x10;
	s10 =	simm.s32 $0x6A40  }
0x2c: {  	[tilespmem:s10], [sflag:$0x5] =	stream.indirect.gather [hbm4b:s4+s14], $0x10, s17, s14, $0xb8;
	[tilespmem:$0xB7C0] =	vst v63  }
0x2d: {  	_ =	swait.ge @!p0 [sflag:s3], $0x640  }
0x2e: {  	[sflag:s3] =	ssyncset.done @!p0 $0x0  }
0x2f: {  	s19 =	simm.s32 $0x208;
	s18 =	rddreg [dreg:$0x3];
	[sflag:s3] =	ssyncadd.s32 @!p0 $0xFFFFF9C0  }
0x30: {  	[tilespmem:s18], [sflag:$0x6] =	stream.indirect.gather [hbm4b:s4+s14], $0x10, s19, s14, $0xb8;
	[tilespmem:$0xB7C0] =	vst v63  }
0x31: {  	_ =	swait.ge [sflag:s24], $0x640  }
0x32: {  	[sflag:s24] =	ssyncset.done $0x0  }
0x33: {  	s5 =	simm.s32 @!p0 $0x11;
	s20 =	simm.s32 $0x28A0;
	[sflag:s24] =	ssyncadd.s32 $0xFFFFF9C0  }
0x34: {  	[spmem:s2] =	stream.indirect.scatter.add.f32 [tilespmem:s7], [sflag:$0xB], $0x10, s20, s14, $0xb8;
	[tilespmem:$0xB7C0] =	vst v63  }
0x35: {  	_ =	swait.ge @!p0 [sflag:s5], $0x640  }
0x36: {  	[sflag:s5] =	ssyncset.done @!p0 $0x0  }
0x37: {  	s22 =	simm.s32 $0x270;
	[sflag:s5] =	ssyncadd.s32 @!p0 $0xFFFFF9C0  }
0x38: {  	[tilespmem:s25], [sflag:$0x7] =	stream.indirect.gather [hbm4b:s4+s14], $0x10, s22, s14, $0xb8;
	[tilespmem:$0xB7C0] =	vst v63  }
0x39: {  	_ =	swait.ge [sflag:s26], $0x640  }
0x3a: {  	[sflag:s26] =	ssyncset.done $0x0  }
0x3b: {  	s6 =	simm.s32 $0x2908;
	s5 =	simm.s32 @!p0 $0x12;
	[sflag:s26] =	ssyncadd.s32 $0xFFFFF9C0  }
0x3c: {  	[spmem:s2] =	stream.indirect.scatter.add.f32 [tilespmem:s11], [sflag:$0xC], $0x10, s6, s14, $0xb8;
	[tilespmem:$0xB7C0] =	vst v63  }
0x3d: {  	_ =	swait.ge @!p0 [sflag:s5], $0x640  }
0x3e: {  	[sflag:s5] =	ssyncset.done @!p0 $0x0  }
0x3f: {  	s11 =	simm.s32 $0x2D8;
	s7 =	rddreg [dreg:$0x4];
	[sflag:s5] =	ssyncadd.s32 @!p0 $0xFFFFF9C0  }
0x40: {  	[tilespmem:s7], [sflag:$0x8] =	stream.indirect.gather [hbm4b:s4+s14], $0x10, s11, s14, $0xb8;
	[tilespmem:$0xB7C0] =	vst v63  }
0x41: {  	_ =	swait.ge [sflag:s28], $0x640  }
0x42: {  	[sflag:s28] =	ssyncset.done $0x0  }
0x43: {  	s12 =	simm.s32 $0x2970;
	s5 =	simm.s32 @!p0 $0x13;
	[sflag:s28] =	ssyncadd.s32 $0xFFFFF9C0  }
0x44: {  	[spmem:s2] =	stream.indirect.scatter.add.f32 [tilespmem:s8], [sflag:$0xD], $0x10, s12, s14, $0xb8;
	[tilespmem:$0xB7C0] =	vst v63  }
0x45: {  	_ =	swait.ge @!p0 [sflag:s5], $0x640  }
0x46: {  	[sflag:s5] =	ssyncset.done @!p0 $0x0  }
0x47: {  	s15 =	simm.s32 $0x340;
	[sflag:s5] =	ssyncadd.s32 @!p0 $0xFFFFF9C0  }
0x48: {  	[tilespmem:s29], [sflag:$0x9] =	stream.indirect.gather [hbm4b:s4+s14], $0x10, s15, s14, $0xb8;
	[tilespmem:$0xB7C0] =	vst v63  }
0x49: {  	_ =	swait.ge [sflag:s30], $0x640  }
0x4a: {  	[sflag:s30] =	ssyncset.done $0x0  }
0x4b: {  	s17 =	simm.s32 $0x29D8;
	s5 =	simm.s32 @!p0 $0x14;
	[sflag:s30] =	ssyncadd.s32 $0xFFFFF9C0  }
0x4c: {  	[spmem:s2] =	stream.indirect.scatter.add.f32 [tilespmem:s9], [sflag:$0xE], $0x10, s17, s14, $0xb8;
	[tilespmem:$0xB7C0] =	vst v63  }
0x4d: {  	_ =	swait.ge @!p0 [sflag:s5], $0x640  }
0x4e: {  	[sflag:s5] =	ssyncset.done @!p0 $0x0  }
0x4f: {  	s18 =	simm.s32 $0x3A8;
	[sflag:s5] =	ssyncadd.s32 @!p0 $0xFFFFF9C0  }
0x50: {  	[tilespmem:s31], [sflag:$0xA] =	stream.indirect.gather [hbm4b:s4+s14], $0x10, s18, s14, $0xb8;
	[tilespmem:$0xB7C0] =	vst v63  }
0x51: {  	_ =	swait.ge [sflag:s1], $0x640  }
0x52: {  	p0 =	por $0x0, $0x0;
	[sflag:s1] =	ssyncset.done $0x0  }
0x53: {  	s19 =	simm.s32 $0x2A40;
	s5 =	simm.s32 @p0 $0x6;
	[sflag:s1] =	ssyncadd.s32 $0xFFFFF9C0  }
0x54: {  	[spmem:s2] =	stream.indirect.scatter.add.f32 [tilespmem:s10], [sflag:$0xF], $0x10, s19, s14, $0xb8;
	[tilespmem:$0xB7C0] =	vst v63  }
0x55: {  	_ =	swait.ge @p0 [sflag:s5], $0x640  }
0x56: {  	s3 =	simm.s32 @p0 $0x2AA8;
	s7 =	simm.s32 @p0 $0x64;
	[sflag:s5] =	ssyncset.done @p0 $0x0  }
0x57: {  	s8 =	simm.s32 @p0 $0x7080;
	[sflag:s5] =	ssyncadd.s32 @p0 $0xFFFFF9C0;
	s5 =	simm.s32 @!p0 $0xB  }
0x58: {  	[spmem:s2] =	stream.indirect.scatter.add.f32 @p0 [tilespmem:s8], [sflag:$0x10], $0x10, s3, s7, $0xb8;
	[tilespmem:$0xB7C0] =	vst v63  }
0x59: {  	_ =	swait.ge @!p0 [sflag:s5], $0x640  }
0x5a: {  	s3 =	simm.s32 @!p0 $0x410;
	[sflag:s5] =	ssyncset.done @!p0 $0x0  }
0x5b: {  	s8 =	simm.s32 @!p0 $0x64;
	[sflag:s5] =	ssyncadd.s32 @!p0 $0xFFFFF9C0;
	s5 =	simm.s32 @!p0 $0x5140  }
0x5c: {  	[tilespmem:s5], [sflag:$0x1] =	stream.indirect.gather @!p0 [hbm4b:s4+s8], $0x10, s3, s8, $0xb8;
	[tilespmem:$0xB7C0] =	vst v63  }
0x5d: {  	s3 =	simm.s32 @!p0 $0x6  }
0x5e: {  	_ =	swait.ge @!p0 [sflag:s3], $0x640  }
0x5f: {  	[sflag:s3] =	ssyncset.done @!p0 $0x0  }
0x60: {  	s5 =	simm.s32 @!p0 $0x2AA8;
	[sflag:s3] =	ssyncadd.s32 @!p0 $0xFFFFF9C0;
	s3 =	simm.s32 @!p0 $0x7080  }
0x61: {  	[spmem:s2] =	stream.indirect.scatter.add.f32 @!p0 [tilespmem:s3], [sflag:$0x10], $0x10, s5, s8, $0xb8;
	[tilespmem:$0xB7C0] =	vst v63  }
0x62: {  	s3 =	simm.s32 @!p0 $0xC  }
0x63: {  	_ =	swait.ge @!p0 [sflag:s3], $0x640  }
0x64: {  	[sflag:s3] =	ssyncset.done @!p0 $0x0  }
0x65: {  	s5 =	simm.s32 @!p0 $0x478;
	[sflag:s3] =	ssyncadd.s32 @!p0 $0xFFFFF9C0;
	s3 =	simm.s32 @!p0 $0x5780  }
0x66: {  	[tilespmem:s3], [sflag:$0x2] =	stream.indirect.gather @!p0 [hbm4b:s4+s8], $0x10, s5, s8, $0xb8;
	[tilespmem:$0xB7C0] =	vst v63  }
0x67: {  	_ =	swait.ge [sflag:s0], $0x640  }
0x68: {  	[sflag:s0] =	ssyncset.done $0x0  }
0x69: {  	s20 =	simm.s32 $0x2B10;
	s5 =	simm.s32 @p0 $0x8;
	[sflag:s0] =	ssyncadd.s32 $0xFFFFF9C0  }
0x6a: {  	[spmem:s2] =	stream.indirect.scatter.add.f32 [tilespmem:s25], [sflag:$0x11], $0x10, s20, s14, $0xb8;
	[tilespmem:$0xB7C0] =	vst v63  }
0x6b: {  	_ =	swait.ge @p0 [sflag:s5], $0x640  }
0x6c: {  	[sflag:s5] =	ssyncset.done @p0 $0x0  }
0x6d: {  	s3 =	simm.s32 @p0 $0x2B78;
	[sflag:s5] =	ssyncadd.s32 @p0 $0xFFFFF9C0;
	s5 =	simm.s32 @p0 $0x7D00  }
0x6e: {  	[spmem:s2] =	stream.indirect.scatter.add.f32 @p0 [tilespmem:s5], [sflag:$0x12], $0x10, s3, s7, $0xb8;
	[tilespmem:$0xB7C0] =	vst v63  }
0x6f: {  	s3 =	simm.s32 @!p0 $0xD  }
0x70: {  	_ =	swait.ge @!p0 [sflag:s3], $0x640  }
0x71: {  	[sflag:s3] =	ssyncset.done @!p0 $0x0  }
0x72: {  	s5 =	simm.s32 @!p0 $0x4E0;
	[sflag:s3] =	ssyncadd.s32 @!p0 $0xFFFFF9C0;
	s3 =	simm.s32 @!p0 $0x5DC0  }
0x73: {  	[tilespmem:s3], [sflag:$0x3] =	stream.indirect.gather @!p0 [hbm4b:s4+s8], $0x10, s5, s8, $0xb8;
	[tilespmem:$0xB7C0] =	vst v63  }
0x74: {  	s3 =	simm.s32 @!p0 $0x8  }
0x75: {  	_ =	swait.ge @!p0 [sflag:s3], $0x640  }
0x76: {  	[sflag:s3] =	ssyncset.done @!p0 $0x0  }
0x77: {  	s5 =	simm.s32 @!p0 $0x2B78;
	[sflag:s3] =	ssyncadd.s32 @!p0 $0xFFFFF9C0;
	s3 =	simm.s32 @!p0 $0x7D00  }
0x78: {  	[spmem:s2] =	stream.indirect.scatter.add.f32 @!p0 [tilespmem:s3], [sflag:$0x12], $0x10, s5, s8, $0xb8;
	[tilespmem:$0xB7C0] =	vst v63  }
0x79: {  	s3 =	simm.s32 @!p0 $0xE  }
0x7a: {  	_ =	swait.ge @!p0 [sflag:s3], $0x640  }
0x7b: {  	[sflag:s3] =	ssyncset.done @!p0 $0x0  }
0x7c: {  	s5 =	simm.s32 @!p0 $0x548;
	[sflag:s3] =	ssyncadd.s32 @!p0 $0xFFFFF9C0;
	s3 =	simm.s32 @!p0 $0x6400  }
0x7d: {  	[tilespmem:s3], [sflag:$0x4] =	stream.indirect.gather @!p0 [hbm4b:s4+s8], $0x10, s5, s8, $0xb8;
	[tilespmem:$0xB7C0] =	vst v63  }
0x7e: {  	_ =	swait.ge [sflag:s13], $0x640  }
0x7f: {  	[sflag:s13] =	ssyncset.done $0x0  }
0x80: {  	s22 =	simm.s32 $0x2BE0;
	s5 =	simm.s32 @!p0 $0xF;
	[sflag:s13] =	ssyncadd.s32 $0xFFFFF9C0  }
0x81: {  	[spmem:s2] =	stream.indirect.scatter.add.f32 [tilespmem:s29], [sflag:$0x13], $0x10, s22, s14, $0xb8;
	[tilespmem:$0xB7C0] =	vst v63  }
0x82: {  	_ =	swait.ge @!p0 [sflag:s5], $0x640  }
0x83: {  	p1 =	por $0x0, $0x0;
	s3 =	simm.s32 @!p0 $0x5B0;
	[sflag:s5] =	ssyncset.done @!p0 $0x0  }
0x84: {  	s22 =	simm.s32 $0x1040;
	[sflag:s5] =	ssyncadd.s32 @!p0 $0xFFFFF9C0;
	s5 =	simm.s32 @!p0 $0x6A40  }
0x85: {  	[tilespmem:s5], [sflag:$0x5] =	stream.indirect.gather @!p0 [hbm4b:s4+s8], $0x10, s3, s8, $0xb8;
	[tilespmem:$0xB7C0] =	vst v63  }
0x86: {  	s5 =	simm.s32 $0x2080;
	s3 =	simm.s32 $0x2C48;
	_ =	swait.ge [sflag:s16], $0x640  }
.LBB2_2:
0x87: {  	[sflag:s16] =	ssyncset.done $0x0  }
0x88: {  	s9 =	simm.s32 @!p1 $0x10;
	[sflag:s16] =	ssyncadd.s32 $0xFFFFF9C0  }
0x89: {  	[spmem:s2] =	stream.indirect.scatter.add.f32 [tilespmem:s31], [sflag:$0x14], $0x10, s3, s14, $0xb8;
	[tilespmem:$0xB7C0] =	vst v63  }
0x8a: {  	_ =	swait.ge @!p1 [sflag:s9], $0x640  }
0x8b: {  	s7 =	sshra.s32 s22, $0x2;
	[sflag:s9] =	ssyncset.done @!p1 $0x0  }
0x8c: {  	s11 =	sadd.s32 $0x208, s7;
	s10 =	rddreg [dreg:$0x3];
	[sflag:s9] =	ssyncadd.s32 @!p1 $0xFFFFF9C0  }
0x8d: {  	[tilespmem:s10], [sflag:$0x6] =	stream.indirect.gather [hbm4b:s4+s14], $0x10, s11, s14, $0xb8;
	[tilespmem:$0xB7C0] =	vst v63  }
0x8e: {  	_ =	swait.ge [sflag:s24], $0x640  }
0x8f: {  	[sflag:s24] =	ssyncset.done $0x0  }
0x90: {  	s12 =	sadd.s32 $0x28A0, s7;
	s9 =	simm.s32 @!p1 $0x11;
	[sflag:s24] =	ssyncadd.s32 $0xFFFFF9C0  }
0x91: {  	[spmem:s2] =	stream.indirect.scatter.add.f32 [tilespmem:s21], [sflag:$0xB], $0x10, s12, s14, $0xb8;
	[tilespmem:$0xB7C0] =	vst v63  }
0x92: {  	_ =	swait.ge @!p1 [sflag:s9], $0x640  }
0x93: {  	[sflag:s9] =	ssyncset.done @!p1 $0x0  }
0x94: {  	s15 =	sadd.s32 $0x270, s7;
	[sflag:s9] =	ssyncadd.s32 @!p1 $0xFFFFF9C0  }
0x95: {  	[tilespmem:s25], [sflag:$0x7] =	stream.indirect.gather [hbm4b:s4+s14], $0x10, s15, s14, $0xb8;
	[tilespmem:$0xB7C0] =	vst v63  }
0x96: {  	_ =	swait.ge [sflag:s26], $0x640  }
0x97: {  	[sflag:s26] =	ssyncset.done $0x0  }
0x98: {  	s17 =	sadd.s32 $0x2908, s7;
	s9 =	simm.s32 @!p1 $0x12;
	[sflag:s26] =	ssyncadd.s32 $0xFFFFF9C0  }
0x99: {  	[spmem:s2] =	stream.indirect.scatter.add.f32 [tilespmem:s23], [sflag:$0xC], $0x10, s17, s14, $0xb8;
	[tilespmem:$0xB7C0] =	vst v63  }
0x9a: {  	_ =	swait.ge @!p1 [sflag:s9], $0x640  }
0x9b: {  	[sflag:s9] =	ssyncset.done @!p1 $0x0  }
0x9c: {  	s19 =	sadd.s32 $0x2D8, s7;
	s18 =	rddreg [dreg:$0x4];
	[sflag:s9] =	ssyncadd.s32 @!p1 $0xFFFFF9C0  }
0x9d: {  	[tilespmem:s18], [sflag:$0x8] =	stream.indirect.gather [hbm4b:s4+s14], $0x10, s19, s14, $0xb8;
	[tilespmem:$0xB7C0] =	vst v63  }
0x9e: {  	_ =	swait.ge [sflag:s28], $0x640  }
0x9f: {  	s6 =	simm.s32 $0x5DC0;
	[sflag:s28] =	ssyncset.done $0x0  }
0xa0: {  	s20 =	sadd.s32 $0x2970, s7;
	s9 =	simm.s32 @!p1 $0x13;
	[sflag:s28] =	ssyncadd.s32 $0xFFFFF9C0  }
0xa1: {  	[spmem:s2] =	stream.indirect.scatter.add.f32 [tilespmem:s6], [sflag:$0xD], $0x10, s20, s14, $0xb8;
	[tilespmem:$0xB7C0] =	vst v63  }
0xa2: {  	_ =	swait.ge @!p1 [sflag:s9], $0x640  }
0xa3: {  	[sflag:s9] =	ssyncset.done @!p1 $0x0  }
0xa4: {  	s10 =	sadd.s32 $0x340, s7;
	[sflag:s9] =	ssyncadd.s32 @!p1 $0xFFFFF9C0  }
0xa5: {  	[tilespmem:s29], [sflag:$0x9] =	stream.indirect.gather [hbm4b:s4+s14], $0x10, s10, s14, $0xb8;
	[tilespmem:$0xB7C0] =	vst v63  }
0xa6: {  	_ =	swait.ge [sflag:s30], $0x640  }
0xa7: {  	s11 =	sadd.s32 $0x29D8, s7;
	[sflag:s30] =	ssyncset.done $0x0  }
0xa8: {  	s12 =	simm.s32 $0x6400;
	s9 =	simm.s32 @!p1 $0x14;
	[sflag:s30] =	ssyncadd.s32 $0xFFFFF9C0  }
0xa9: {  	[spmem:s2] =	stream.indirect.scatter.add.f32 [tilespmem:s12], [sflag:$0xE], $0x10, s11, s14, $0xb8;
	[tilespmem:$0xB7C0] =	vst v63  }
0xaa: {  	_ =	swait.ge @!p1 [sflag:s9], $0x640  }
0xab: {  	[sflag:s9] =	ssyncset.done @!p1 $0x0  }
0xac: {  	s15 =	sadd.s32 $0x3A8, s7;
	[sflag:s9] =	ssyncadd.s32 @!p1 $0xFFFFF9C0  }
0xad: {  	[tilespmem:s31], [sflag:$0xA] =	stream.indirect.gather [hbm4b:s4+s14], $0x10, s15, s14, $0xb8;
	[tilespmem:$0xB7C0] =	vst v63  }
0xae: {  	_ =	swait.ge [sflag:s1], $0x640  }
0xaf: {  	s17 =	sadd.s32 $0x2A40, s7;
	p1 =	seq.s32 s22, $0x9240;
	[sflag:s1] =	ssyncset.done $0x0  }
0xb0: {  	s18 =	simm.s32 $0x6A40;
	s9 =	simm.s32 @p1 $0x6;
	[sflag:s1] =	ssyncadd.s32 $0xFFFFF9C0  }
0xb1: {  	[spmem:s2] =	stream.indirect.scatter.add.f32 [tilespmem:s18], [sflag:$0xF], $0x10, s17, s14, $0xb8;
	[tilespmem:$0xB7C0] =	vst v63  }
0xb2: {  	s10 =	sshra.s32 @p1 s22, $0x2;
	_ =	swait.ge @p1 [sflag:s9], $0x640  }
0xb3: {  	s3 =	simm.s32 @p1 $0x64;
	s6 =	simm.s32 @p1 $0x7080;
	[sflag:s9] =	ssyncset.done @p1 $0x0  }
0xb4: {  	s11 =	simm.s32 @!p1 $0xB;
	s18 =	sadd.s32 @p1 $0x2AA8, s10;
	[sflag:s9] =	ssyncadd.s32 @p1 $0xFFFFF9C0  }
0xb5: {  	[spmem:s2] =	stream.indirect.scatter.add.f32 @p1 [tilespmem:s6], [sflag:$0x10], $0x10, s18, s3, $0xb8;
	[tilespmem:$0xB7C0] =	vst v63  }
0xb6: {  	s22 =	sshra.s32 @!p1 s22, $0x2;
	_ =	swait.ge @!p1 [sflag:s11], $0x640  }
0xb7: {  	s12 =	sadd.s32 @!p1 $0x410, s22;
	s9 =	simm.s32 @!p1 $0x64;
	[sflag:s11] =	ssyncset.done @!p1 $0x0  }
0xb8: {  	s18 =	simm.s32 @!p1 $0x5140;
	[sflag:s11] =	ssyncadd.s32 @!p1 $0xFFFFF9C0;
	s11 =	simm.s32 @!p1 $0x6  }
0xb9: {  	[tilespmem:s18], [sflag:$0x1] =	stream.indirect.gather @!p1 [hbm4b:s4+s9], $0x10, s12, s9, $0xb8;
	[tilespmem:$0xB7C0] =	vst v63  }
0xba: {  	_ =	swait.ge @!p1 [sflag:s11], $0x640  }
0xbb: {  	s19 =	simm.s32 @!p1 $0x7080;
	[sflag:s11] =	ssyncset.done @!p1 $0x0  }
0xbc: {  	s6 =	sadd.s32 @!p1 $0x2AA8, s22;
	[sflag:s11] =	ssyncadd.s32 @!p1 $0xFFFFF9C0;
	s11 =	simm.s32 @!p1 $0xC  }
0xbd: {  	[spmem:s2] =	stream.indirect.scatter.add.f32 @!p1 [tilespmem:s19], [sflag:$0x10], $0x10, s6, s9, $0xb8;
	[tilespmem:$0xB7C0] =	vst v63  }
0xbe: {  	s8 =	smov.u32 s5;
	_ =	swait.ge @!p1 [sflag:s11], $0x640  }
0xbf: {  	s20 =	sadd.s32 @!p1 $0x478, s22;
	s15 =	sadd.s32 @p1 $0x2B78, s10;
	[sflag:s11] =	ssyncset.done @!p1 $0x0  }
0xc0: {  	s17 =	sadd.s32 @!p1 $0x2B78, s22;
	s6 =	simm.s32 @!p1 $0x5780;
	[sflag:s11] =	ssyncadd.s32 @!p1 $0xFFFFF9C0  }
0xc1: {  	[tilespmem:s6], [sflag:$0x2] =	stream.indirect.gather @!p1 [hbm4b:s4+s9], $0x10, s20, s9, $0xb8;
	[tilespmem:$0xB7C0] =	vst v63  }
0xc2: {  	s10 =	sadd.s32 @!p1 $0x5B0, s22;
	s12 =	sadd.s32 @!p1 $0x4E0, s22;
	_ =	swait.ge [sflag:s0], $0x640  }
0xc3: {  	s18 =	sadd.s32 @!p1 $0x548, s22;
	s22 =	smov.u32 s8;
	[sflag:s0] =	ssyncset.done $0x0  }
0xc4: {  	s8 =	simm.s32 @p1 $0x8;
	s19 =	sadd.s32 $0x2B10, s7;
	[sflag:s0] =	ssyncadd.s32 $0xFFFFF9C0  }
0xc5: {  	[spmem:s2] =	stream.indirect.scatter.add.f32 [tilespmem:s25], [sflag:$0x11], $0x10, s19, s14, $0xb8;
	[tilespmem:$0xB7C0] =	vst v63  }
0xc6: {  	_ =	swait.ge @p1 [sflag:s8], $0x640  }
0xc7: {  	[sflag:s8] =	ssyncset.done @p1 $0x0  }
0xc8: {  	s6 =	simm.s32 @p1 $0x7D00;
	[sflag:s8] =	ssyncadd.s32 @p1 $0xFFFFF9C0;
	s8 =	simm.s32 @!p1 $0xD  }
0xc9: {  	[spmem:s2] =	stream.indirect.scatter.add.f32 @p1 [tilespmem:s6], [sflag:$0x12], $0x10, s15, s3, $0xb8;
	[tilespmem:$0xB7C0] =	vst v63  }
0xca: {  	_ =	swait.ge @!p1 [sflag:s8], $0x640  }
0xcb: {  	[sflag:s8] =	ssyncset.done @!p1 $0x0  }
0xcc: {  	s3 =	simm.s32 @!p1 $0x5DC0;
	s6 =	simm.s32 @!p1 $0x8;
	[sflag:s8] =	ssyncadd.s32 @!p1 $0xFFFFF9C0  }
0xcd: {  	[tilespmem:s3], [sflag:$0x3] =	stream.indirect.gather @!p1 [hbm4b:s4+s9], $0x10, s12, s9, $0xb8;
	[tilespmem:$0xB7C0] =	vst v63  }
0xce: {  	_ =	swait.ge @!p1 [sflag:s6], $0x640  }
0xcf: {  	[sflag:s6] =	ssyncset.done @!p1 $0x0  }
0xd0: {  	s3 =	simm.s32 @!p1 $0x7D00;
	[sflag:s6] =	ssyncadd.s32 @!p1 $0xFFFFF9C0;
	s6 =	simm.s32 @!p1 $0xE  }
0xd1: {  	[spmem:s2] =	stream.indirect.scatter.add.f32 @!p1 [tilespmem:s3], [sflag:$0x12], $0x10, s17, s9, $0xb8;
	[tilespmem:$0xB7C0] =	vst v63  }
0xd2: {  	_ =	swait.ge @!p1 [sflag:s6], $0x640  }
0xd3: {  	[sflag:s6] =	ssyncset.done @!p1 $0x0  }
0xd4: {  	s3 =	simm.s32 @!p1 $0x6400;
	[sflag:s6] =	ssyncadd.s32 @!p1 $0xFFFFF9C0  }
0xd5: {  	[tilespmem:s3], [sflag:$0x4] =	stream.indirect.gather @!p1 [hbm4b:s4+s9], $0x10, s18, s9, $0xb8;
	[tilespmem:$0xB7C0] =	vst v63  }
0xd6: {  	s5 =	sadd.s32 $0x1040, s5;
	_ =	swait.ge [sflag:s13], $0x640  }
0xd7: {  	p0 =	sne.s32 s5, $0xA280;
	[sflag:s13] =	ssyncset.done $0x0  }
0xd8: {  	s20 =	sadd.s32 $0x2BE0, s7;
	s6 =	simm.s32 @!p1 $0xF;
	[sflag:s13] =	ssyncadd.s32 $0xFFFFF9C0  }
0xd9: {  	[spmem:s2] =	stream.indirect.scatter.add.f32 [tilespmem:s29], [sflag:$0x13], $0x10, s20, s14, $0xb8;
	[tilespmem:$0xB7C0] =	vst v63  }
.Ltmp0:
0xda: {  	_ =	swait.ge @!p1 [sflag:s6], $0x640;
	(pc) =	sbr.rel @p0 .LBB2_2-.Ltmp0, $4  }
0xdb: {  	[sflag:s6] =	ssyncset.done @!p1 $0x0  }
0xdc: {  	s3 =	simm.s32 @!p1 $0x6A40;
	[sflag:s6] =	ssyncadd.s32 @!p1 $0xFFFFF9C0  }
0xdd: {  	[tilespmem:s3], [sflag:$0x5] =	stream.indirect.gather @!p1 [hbm4b:s4+s9], $0x10, s10, s9, $0xb8;
	[tilespmem:$0xB7C0] =	vst v63  }
0xde: {  	p1 =	seq.s32 s22, $0x0;
	s3 =	sadd.s32 $0x2C48, s7;
	_ =	swait.ge [sflag:s16], $0x640  }
0xdf: {  	[sflag:s16] =	ssyncset.done $0x0  }
0xe0: {  	s6 =	simm.s32 @!p1 $0x10;
	[sflag:s16] =	ssyncadd.s32 $0xFFFFF9C0  }
0xe1: {  	[spmem:s2] =	stream.indirect.scatter.add.f32 [tilespmem:s31], [sflag:$0x14], $0x10, s3, s14, $0xb8;
	[tilespmem:$0xB7C0] =	vst v63  }
0xe2: {  	_ =	swait.ge @!p1 [sflag:s6], $0x640  }
0xe3: {  	s5 =	sshra.s32 s22, $0x2;
	[sflag:s6] =	ssyncset.done @!p1 $0x0  }
0xe4: {  	s18 =	sadd.s32 $0x208, s5;
	s17 =	rddreg [dreg:$0x3];
	[sflag:s6] =	ssyncadd.s32 @!p1 $0xFFFFF9C0  }
0xe5: {  	[tilespmem:s17], [sflag:$0x6] =	stream.indirect.gather [hbm4b:s4+s14], $0x10, s18, s14, $0xb8;
	[tilespmem:$0xB7C0] =	vst v63  }
0xe6: {  	_ =	swait.ge [sflag:s24], $0x640  }
0xe7: {  	[sflag:s24] =	ssyncset.done $0x0  }
0xe8: {  	s19 =	sadd.s32 $0x28A0, s5;
	s6 =	simm.s32 @!p1 $0x11;
	[sflag:s24] =	ssyncadd.s32 $0xFFFFF9C0  }
0xe9: {  	[spmem:s2] =	stream.indirect.scatter.add.f32 [tilespmem:s21], [sflag:$0xB], $0x10, s19, s14, $0xb8;
	[tilespmem:$0xB7C0] =	vst v63  }
0xea: {  	_ =	swait.ge @!p1 [sflag:s6], $0x640  }
0xeb: {  	[sflag:s6] =	ssyncset.done @!p1 $0x0  }
0xec: {  	s20 =	sadd.s32 $0x270, s5;
	[sflag:s6] =	ssyncadd.s32 @!p1 $0xFFFFF9C0  }
0xed: {  	[tilespmem:s25], [sflag:$0x7] =	stream.indirect.gather [hbm4b:s4+s14], $0x10, s20, s14, $0xb8;
	[tilespmem:$0xB7C0] =	vst v63  }
0xee: {  	_ =	swait.ge [sflag:s26], $0x640  }
0xef: {  	[sflag:s26] =	ssyncset.done $0x0  }
0xf0: {  	s7 =	sadd.s32 $0x2908, s5;
	s6 =	simm.s32 @!p1 $0x12;
	[sflag:s26] =	ssyncadd.s32 $0xFFFFF9C0  }
0xf1: {  	[spmem:s2] =	stream.indirect.scatter.add.f32 [tilespmem:s23], [sflag:$0xC], $0x10, s7, s14, $0xb8;
	[tilespmem:$0xB7C0] =	vst v63  }
0xf2: {  	_ =	swait.ge @!p1 [sflag:s6], $0x640  }
0xf3: {  	[sflag:s6] =	ssyncset.done @!p1 $0x0  }
0xf4: {  	s9 =	sadd.s32 $0x2D8, s5;
	s8 =	rddreg [dreg:$0x4];
	[sflag:s6] =	ssyncadd.s32 @!p1 $0xFFFFF9C0  }
0xf5: {  	[tilespmem:s8], [sflag:$0x8] =	stream.indirect.gather [hbm4b:s4+s14], $0x10, s9, s14, $0xb8;
	[tilespmem:$0xB7C0] =	vst v63  }
0xf6: {  	_ =	swait.ge [sflag:s28], $0x640  }
0xf7: {  	s10 =	sadd.s32 $0x2970, s5;
	[sflag:s28] =	ssyncset.done $0x0  }
0xf8: {  	s7 =	simm.s32 $0x5DC0;
	s6 =	simm.s32 @!p1 $0x13;
	[sflag:s28] =	ssyncadd.s32 $0xFFFFF9C0  }
0xf9: {  	[spmem:s2] =	stream.indirect.scatter.add.f32 [tilespmem:s7], [sflag:$0xD], $0x10, s10, s14, $0xb8;
	[tilespmem:$0xB7C0] =	vst v63  }
0xfa: {  	_ =	swait.ge @!p1 [sflag:s6], $0x640  }
0xfb: {  	[sflag:s6] =	ssyncset.done @!p1 $0x0  }
0xfc: {  	s11 =	sadd.s32 $0x340, s5;
	[sflag:s6] =	ssyncadd.s32 @!p1 $0xFFFFF9C0  }
0xfd: {  	[tilespmem:s29], [sflag:$0x9] =	stream.indirect.gather [hbm4b:s4+s14], $0x10, s11, s14, $0xb8;
	[tilespmem:$0xB7C0] =	vst v63  }
0xfe: {  	_ =	swait.ge [sflag:s30], $0x640  }
0xff: {  	s15 =	simm.s32 $0x6400;
	[sflag:s30] =	ssyncset.done $0x0  }
0x100: {  	s12 =	sadd.s32 $0x29D8, s5;
	s6 =	simm.s32 @!p1 $0x14;
	[sflag:s30] =	ssyncadd.s32 $0xFFFFF9C0  }
0x101: {  	[spmem:s2] =	stream.indirect.scatter.add.f32 [tilespmem:s15], [sflag:$0xE], $0x10, s12, s14, $0xb8;
	[tilespmem:$0xB7C0] =	vst v63  }
0x102: {  	_ =	swait.ge @!p1 [sflag:s6], $0x640  }
0x103: {  	[sflag:s6] =	ssyncset.done @!p1 $0x0  }
0x104: {  	s17 =	sadd.s32 $0x3A8, s5;
	[sflag:s6] =	ssyncadd.s32 @!p1 $0xFFFFF9C0  }
0x105: {  	[tilespmem:s31], [sflag:$0xA] =	stream.indirect.gather [hbm4b:s4+s14], $0x10, s17, s14, $0xb8;
	[tilespmem:$0xB7C0] =	vst v63  }
0x106: {  	_ =	swait.ge [sflag:s1], $0x640  }
0x107: {  	p0 =	seq.s32 s22, $0x9240;
	s18 =	sadd.s32 $0x2A40, s5;
	[sflag:s1] =	ssyncset.done $0x0  }
0x108: {  	s19 =	simm.s32 $0x6A40;
	s6 =	simm.s32 @p0 $0x6;
	[sflag:s1] =	ssyncadd.s32 $0xFFFFF9C0  }
0x109: {  	[spmem:s2] =	stream.indirect.scatter.add.f32 [tilespmem:s19], [sflag:$0xF], $0x10, s18, s14, $0xb8;
	[tilespmem:$0xB7C0] =	vst v63  }
0x10a: {  	s8 =	simm.s32 @p0 $0x64;
	_ =	swait.ge @p0 [sflag:s6], $0x640  }
0x10b: {  	s9 =	simm.s32 @p0 $0x7080;
	s7 =	sshra.s32 @p0 s22, $0x2;
	[sflag:s6] =	ssyncset.done @p0 $0x0  }
0x10c: {  	s3 =	sadd.s32 @p0 $0x2AA8, s7;
	[sflag:s6] =	ssyncadd.s32 @p0 $0xFFFFF9C0;
	s6 =	simm.s32 @!p0 $0xB  }
0x10d: {  	[spmem:s2] =	stream.indirect.scatter.add.f32 @p0 [tilespmem:s9], [sflag:$0x10], $0x10, s3, s8, $0xb8;
	[tilespmem:$0xB7C0] =	vst v63  }
0x10e: {  	_ =	swait.ge @!p0 [sflag:s6], $0x640  }
0x10f: {  	s10 =	simm.s32 @!p0 $0x64;
	s3 =	sshra.s32 @!p0 s22, $0x2;
	[sflag:s6] =	ssyncset.done @!p0 $0x0  }
0x110: {  	s9 =	sadd.s32 @!p0 $0x410, s3;
	[sflag:s6] =	ssyncadd.s32 @!p0 $0xFFFFF9C0;
	s6 =	simm.s32 @!p0 $0x5140  }
0x111: {  	[tilespmem:s6], [sflag:$0x1] =	stream.indirect.gather @!p0 [hbm4b:s4+s10], $0x10, s9, s10, $0xb8;
	[tilespmem:$0xB7C0] =	vst v63  }
0x112: {  	s6 =	simm.s32 @!p0 $0x6  }
0x113: {  	_ =	swait.ge @!p0 [sflag:s6], $0x640  }
0x114: {  	[sflag:s6] =	ssyncset.done @!p0 $0x0  }
0x115: {  	s9 =	sadd.s32 @!p0 $0x2AA8, s3;
	[sflag:s6] =	ssyncadd.s32 @!p0 $0xFFFFF9C0;
	s6 =	simm.s32 @!p0 $0x7080  }
0x116: {  	[spmem:s2] =	stream.indirect.scatter.add.f32 @!p0 [tilespmem:s6], [sflag:$0x10], $0x10, s9, s10, $0xb8;
	[tilespmem:$0xB7C0] =	vst v63  }
0x117: {  	s6 =	simm.s32 @!p0 $0xC  }
0x118: {  	_ =	swait.ge @!p0 [sflag:s6], $0x640  }
0x119: {  	[sflag:s6] =	ssyncset.done @!p0 $0x0  }
0x11a: {  	s9 =	sadd.s32 @!p0 $0x478, s3;
	[sflag:s6] =	ssyncadd.s32 @!p0 $0xFFFFF9C0;
	s6 =	simm.s32 @!p0 $0x5780  }
0x11b: {  	[tilespmem:s6], [sflag:$0x2] =	stream.indirect.gather @!p0 [hbm4b:s4+s10], $0x10, s9, s10, $0xb8;
	[tilespmem:$0xB7C0] =	vst v63  }
0x11c: {  	_ =	swait.ge [sflag:s0], $0x640  }
0x11d: {  	[sflag:s0] =	ssyncset.done $0x0  }
0x11e: {  	s20 =	sadd.s32 $0x2B10, s5;
	s6 =	simm.s32 @p0 $0x8;
	[sflag:s0] =	ssyncadd.s32 $0xFFFFF9C0  }
0x11f: {  	[spmem:s2] =	stream.indirect.scatter.add.f32 [tilespmem:s25], [sflag:$0x11], $0x10, s20, s14, $0xb8;
	[tilespmem:$0xB7C0] =	vst v63  }
0x120: {  	_ =	swait.ge @p0 [sflag:s6], $0x640  }
0x121: {  	[sflag:s6] =	ssyncset.done @p0 $0x0  }
0x122: {  	s7 =	sadd.s32 @p0 $0x2B78, s7;
	[sflag:s6] =	ssyncadd.s32 @p0 $0xFFFFF9C0;
	s6 =	simm.s32 @p0 $0x7D00  }
0x123: {  	[spmem:s2] =	stream.indirect.scatter.add.f32 @p0 [tilespmem:s6], [sflag:$0x12], $0x10, s7, s8, $0xb8;
	[tilespmem:$0xB7C0] =	vst v63  }
0x124: {  	s6 =	simm.s32 @!p0 $0xD  }
0x125: {  	_ =	swait.ge @!p0 [sflag:s6], $0x640  }
0x126: {  	[sflag:s6] =	ssyncset.done @!p0 $0x0  }
0x127: {  	s7 =	sadd.s32 @!p0 $0x4E0, s3;
	[sflag:s6] =	ssyncadd.s32 @!p0 $0xFFFFF9C0;
	s6 =	simm.s32 @!p0 $0x5DC0  }
0x128: {  	[tilespmem:s6], [sflag:$0x3] =	stream.indirect.gather @!p0 [hbm4b:s4+s10], $0x10, s7, s10, $0xb8;
	[tilespmem:$0xB7C0] =	vst v63  }
0x129: {  	s6 =	simm.s32 @!p0 $0x8  }
0x12a: {  	_ =	swait.ge @!p0 [sflag:s6], $0x640  }
0x12b: {  	[sflag:s6] =	ssyncset.done @!p0 $0x0  }
0x12c: {  	s7 =	sadd.s32 @!p0 $0x2B78, s3;
	[sflag:s6] =	ssyncadd.s32 @!p0 $0xFFFFF9C0;
	s6 =	simm.s32 @!p0 $0x7D00  }
0x12d: {  	[spmem:s2] =	stream.indirect.scatter.add.f32 @!p0 [tilespmem:s6], [sflag:$0x12], $0x10, s7, s10, $0xb8;
	[tilespmem:$0xB7C0] =	vst v63  }
0x12e: {  	s6 =	simm.s32 @!p0 $0xE  }
0x12f: {  	_ =	swait.ge @!p0 [sflag:s6], $0x640  }
0x130: {  	[sflag:s6] =	ssyncset.done @!p0 $0x0  }
0x131: {  	s7 =	sadd.s32 @!p0 $0x548, s3;
	[sflag:s6] =	ssyncadd.s32 @!p0 $0xFFFFF9C0;
	s6 =	simm.s32 @!p0 $0x6400  }
0x132: {  	[tilespmem:s6], [sflag:$0x4] =	stream.indirect.gather @!p0 [hbm4b:s4+s10], $0x10, s7, s10, $0xb8;
	[tilespmem:$0xB7C0] =	vst v63  }
0x133: {  	_ =	swait.ge [sflag:s13], $0x640  }
0x134: {  	[sflag:s13] =	ssyncset.done $0x0  }
0x135: {  	s22 =	sadd.s32 $0x2BE0, s5;
	s6 =	simm.s32 @!p0 $0xF;
	[sflag:s13] =	ssyncadd.s32 $0xFFFFF9C0  }
0x136: {  	[spmem:s2] =	stream.indirect.scatter.add.f32 [tilespmem:s29], [sflag:$0x13], $0x10, s22, s14, $0xb8;
	[tilespmem:$0xB7C0] =	vst v63  }
0x137: {  	_ =	swait.ge @!p0 [sflag:s6], $0x640  }
0x138: {  	[sflag:s6] =	ssyncset.done @!p0 $0x0  }
0x139: {  	s3 =	sadd.s32 @!p0 $0x5B0, s3;
	[sflag:s6] =	ssyncadd.s32 @!p0 $0xFFFFF9C0;
	s6 =	simm.s32 @!p0 $0x6A40  }
0x13a: {  	[tilespmem:s6], [sflag:$0x5] =	stream.indirect.gather @!p0 [hbm4b:s4+s10], $0x10, s3, s10, $0xb8;
	[tilespmem:$0xB7C0] =	vst v63  }
0x13b: {  	_ =	swait.ge [sflag:s16], $0x640  }
0x13c: {  	[sflag:s16] =	ssyncset.done $0x0  }
0x13d: {  	s5 =	sadd.s32 $0x2C48, s5;
	s6 =	simm.s32 $0xB;
	[sflag:s16] =	ssyncadd.s32 $0xFFFFF9C0  }
0x13e: {  	[spmem:s2] =	stream.indirect.scatter.add.f32 [tilespmem:s31], [sflag:$0x14], $0x10, s5, s14, $0xb8;
	[tilespmem:$0xB7C0] =	vst v63  }
0x13f: {  	_ =	swait.ge [sflag:s6], $0x640  }
0x140: {  	[sflag:s6] =	ssyncset.done $0x0  }
0x141: {  	s7 =	simm.s32 $0xC;
	[sflag:s6] =	ssyncadd.s32 $0xFFFFF9C0  }
0x142: {  	_ =	swait.ge [sflag:s7], $0x640  }
0x143: {  	[sflag:s7] =	ssyncset.done $0x0  }
0x144: {  	s8 =	simm.s32 $0xD;
	[sflag:s7] =	ssyncadd.s32 $0xFFFFF9C0  }
0x145: {  	_ =	swait.ge [sflag:s8], $0x640  }
0x146: {  	[sflag:s8] =	ssyncset.done $0x0  }
0x147: {  	s9 =	simm.s32 $0xE;
	[sflag:s8] =	ssyncadd.s32 $0xFFFFF9C0  }
0x148: {  	_ =	swait.ge [sflag:s9], $0x640  }
0x149: {  	[sflag:s9] =	ssyncset.done $0x0  }
0x14a: {  	s10 =	simm.s32 $0xF;
	[sflag:s9] =	ssyncadd.s32 $0xFFFFF9C0  }
0x14b: {  	_ =	swait.ge [sflag:s10], $0x640  }
0x14c: {  	[sflag:s10] =	ssyncset.done $0x0  }
0x14d: {  	s11 =	simm.s32 $0x10;
	[sflag:s10] =	ssyncadd.s32 $0xFFFFF9C0  }
0x14e: {  	_ =	swait.ge [sflag:s11], $0x640  }
0x14f: {  	[sflag:s11] =	ssyncset.done $0x0  }
0x150: {  	s12 =	simm.s32 $0x11;
	[sflag:s11] =	ssyncadd.s32 $0xFFFFF9C0  }
0x151: {  	_ =	swait.ge [sflag:s12], $0x640  }
0x152: {  	[sflag:s12] =	ssyncset.done $0x0  }
0x153: {  	s15 =	simm.s32 $0x12;
	[sflag:s12] =	ssyncadd.s32 $0xFFFFF9C0  }
0x154: {  	_ =	swait.ge [sflag:s15], $0x640  }
0x155: {  	[sflag:s15] =	ssyncset.done $0x0  }
0x156: {  	s17 =	simm.s32 $0x13;
	[sflag:s15] =	ssyncadd.s32 $0xFFFFF9C0  }
0x157: {  	_ =	swait.ge [sflag:s17], $0x640  }
0x158: {  	[sflag:s17] =	ssyncset.done $0x0  }
0x159: {  	s18 =	simm.s32 $0x14;
	[sflag:s17] =	ssyncadd.s32 $0xFFFFF9C0  }
0x15a: {  	_ =	swait.ge [sflag:s18], $0x640  }
0x15b: {  	[sflag:s18] =	ssyncset.done $0x0  }
0x15c: {  	[sflag:s18] =	ssyncadd.s32 $0xFFFFF9C0  }
0x15d: {  	[bflag:$0x0] =	sbarrier.arrive $0xFFFF  }
0x15e: {  	s6 =	rddreg [dreg:$0x6]  }
0x15f: {  	s19 =	rddreg [dreg:$0x9]  }
0x160: {  	s7 =	simm.s32 $0x15;
	s5 =	rddreg [dreg:$0xb]  }
0x161: {  	[hbm:s19], [sflag:s6] =	dma.local [spmem:s5], $0x500  }
0x162: {  	_ =	swait.ge [sflag:s7], $0x500  }
0x163: {  	s20 =	rddreg [dreg:$0xc]  }
0x164: {  	s22 =	rddreg [dreg:$0xa];
	s8 =	sadd.s32 $0x1, s20  }
0x165: {  	p0 =	sne.s32 s8, s22  }
.Ltmp1:
0x166: {  	_ = 	snop;
	(pc) =	sbr.rel @p0 .LBB2_1-.Ltmp1, $3  }
0x167: {  	_ =	sdelay $0x1  }
0x168: {  	[sflag:s7] =	ssyncset.done $0x0  }
0x169: {  	[sflag:s7] =	ssyncadd.s32 $0xFFFFFB00  }
0x16a: {  	_ =	sfence.sel $0x180000  }
0x16b: {  	[bflag:$0x0] =	sbarrier.arrive $0xFFFF  }
0x16c: {  	_ =	strace $0x9000004D  }
0x16d: {  	s0 =	stileid.u32;
	[bflag:$0x2] =	sbarrier.arrive $0xFFFF  }
0x16e: {  	p0 =	sne.s32 s0, $0x0;
	s0 =	rddreg [dreg:$0x2]  }
0x16f: {  	s0 =	sadd.s32 @!p0 $0x100000, s0  }
0x170: {  	[sflag:s0] =	ssyncadd.tile.s32 @!p0 $0x1;
	_ =	shalt  }
.Lfunc_end2:
_tile_overlayer_lowered:
.L_overlay_start_2:
0x171: {  	(tag) =	ssettag $0x2  }
0x172: {  	s0 =	rddreg [dreg:$0x0];
	s2 =	stileid.u32  }
0x173: {  	s1 =	rddreg [dreg:$0x1];
	p0 =	sne.s32 s2, $0x0  }
0x174: {  	s3 =	rddreg [dreg:$0x2];
	[bflag:$0x3] =	sbarrier.arrive $0xFFFF;
	s2 =	simm.s32 @!p0 $0x1C15  }
0x175: {  	[timem:s3], [sflag:s2] =	dma.local @!p0 [hbm:s0], s1  }
0x176: {  	s0 =	simm.s32 @!p0 $0x15  }
0x177: {  	_ =	swait.ge @!p0 [sflag:s0], s1  }
0x178: {  	s1 =	ssub.s32 @!p0 $0x0, s1;
	[sflag:s0] =	ssyncset.done @!p0 $0x0  }
0x179: {  	[sflag:s0] =	ssyncadd.s32 @!p0 s1  }
0x17a: {  	[bflag:$0x3] =	sbarrier.arrive $0xFFFF  }
0x17b: {  	_ =	shalt  }

// kernel: kernel.8.cloned.1.call-start
scs
__scs_entry_jumppad:
0x0: {  	(pc) =	sbr.rel $0x88, $3  }
0x1: {  	(tag) =	ssettag $0x0;
	lr =	simm.s32 $0x1  }
0x2: {  	[smem:$0x3F9D] =	sst lr;
	_ =	strace $0xD0000000  }
0x3: {  	_ = 	snop  }
0x4: {  	_ = 	snop  }
0x5: {  	_ = 	snop  }
0x6: {  	_ = 	snop  }
0x7: {  	_ = 	snop  }
__scs_overlays_trampoline_lowered:
0x8: {  	[smem:$0x3FAC] =	sst s0  }
0x9: {  	[smem:$0x3FAD] =	sst s1  }
0xa: {  	[smem:$0x3FAE] =	sst s2  }
0xb: {  	[smem:$0x3FAF] =	sst s3  }
0xc: {  	[smem:$0x3FB0] =	sst s4  }
0xd: {  	[smem:$0x3FB1] =	sst s5  }
0xe: {  	[smem:$0x3FB2] =	sst s6  }
0xf: {  	[smem:$0x3FB3] =	sst s7  }
0x10: {  	[smem:$0x3FB4] =	sst s8  }
0x11: {  	[smem:$0x3FB5] =	sst s9;
	s0 =	simm.s32 @!p0 $0x0  }
0x12: {  	s1 =	sld [smem:$0x3F9B];
	s0 =	simm.s32 @p0 $0x1  }
0x13: {  	[smem:$0x3FB6] =	sst s0;
	s0 =	simm.s32 @!p1 $0x0  }
0x14: {  	s2 =	sld [smem:$0x3F9A];
	s0 =	simm.s32 @p1 $0x1  }
0x15: {  	[smem:$0x3FB7] =	sst s0;
	s0 =	simm.s32 @!p2 $0x0  }
0x16: {  	s3 =	sld [smem:$0x3FDB];
	s0 =	simm.s32 @p2 $0x1  }
0x17: {  	s4 =	simm.s32 $0x1BF5;
	[smem:$0x3FB9] =	sst s0  }
0x18: {  	s0 =	sld [smem:$0x3F9C];
	_ =	swait.ge [sflag:s4], $0x0  }
0x19: {  	s7 =	sld [smem:$0x3F9D]  }
0x1a: {  	s8 =	sadd.s32 $0xFFFFE003, lr  }
0x1b: {  	s9 =	sadd.s32 $0xFFFFFEF7, lr;
	s5 =	simm.s32 $0xFFFFFFFF;
	p2 =	slt.u32 s8, $0xFFFFF086  }
0x1c: {  	p1 =	slt.u32 s9, $0xF7A;
	s5 =	simm.s32 @!p2 $0x0  }
0x1d: {  	s5 =	simm.s32 @p1 $0x1;
	p0 =	seq.s32 s7, s2  }
0x1e: {  	s7 =	smul.u32 @!p0 $0xF7A, s2;
	p2 =	seq.s32 @!p0 s5, $0x0  }
0x1f: {  	s9 =	smul.u32 $0xF7A, s1;
	s8 =	simm.s32 @!p0 $0x1BF5;
	p2 =	por !p2, p0  }
0x20: {  	[sflag:s8] =	ssyncset.s32 @!p0 $0xFFFFF086;
	s6 =	sadd.s32 @!p0 s3, s7;
	s7 =	simm.s32 @!p0 $0x108  }
0x21: {  	s3 =	sadd.s32 s3, s9;
	s6 =	sadd.s32 @!p0 $0x88, s6;
	s7 =	simm.s32 @p2 $0x1082  }
0x22: {  	[simem:s7], [sflag:s8] =	dma.local @!p0 [hbm:s6], $0xF7A  }
0x23: {  	s9 =	sor.u32 $0xD0000000, s2;
	s6 =	simm.s32 $0x108;
	_ =	swait.ge @!p0 [sflag:s8], $0x0  }
0x24: {  	s3 =	sadd.s32 $0x88, s3;
	s6 =	simm.s32 @!p1 $0x1082;
	[sflag:s4] =	ssyncset.s32 $0xFFFFF086  }
0x25: {  	[simem:s6], [sflag:s4] =	dma.local [hbm:s3], $0xF7A  }
0x26: {  	[smem:$0x3F9D] =	sst s1;
	(tag) =	ssettag s2;
	_ =	strace s9  }
0x27: {  	s1 =	sld [smem:$0x3FAD]  }
0x28: {  	s2 =	sld [smem:$0x3FAE]  }
0x29: {  	s4 =	sld [smem:$0x3FB0]  }
0x2a: {  	p0 =	seq.s32 s5, $0x0;
	s5 =	sld [smem:$0x3FB1]  }
0x2b: {  	s6 =	sld [smem:$0x3FB2]  }
0x2c: {  	s7 =	sld [smem:$0x3FB3]  }
0x2d: {  	s3 =	simm.s32 $0x108;
	s8 =	sld [smem:$0x3FB4]  }
0x2e: {  	s3 =	simm.s32 @!p0 $0x1082;
	s9 =	sld [smem:$0x3FB5]  }
0x2f: {  	lr =	sadd.s32 s0, s3;
	s0 =	sld [smem:$0x3FAC]  }
0x30: {  	s3 =	sld [smem:$0x3FAF]  }
0x31: {  	[smem:$0x3FB8] =	sst s10  }
0x32: {  	s10 =	sld [smem:$0x3FB6];
	_ =	sdelay $0x3  }
0x33: {  	p0 =	seq.s32 s10, $0x1;
	s10 =	sld [smem:$0x3FB8];
	_ =	sdelay $0x3  }
0x34: {  	[smem:$0x3FB8] =	sst s10  }
0x35: {  	s10 =	sld [smem:$0x3FB7];
	_ =	sdelay $0x3  }
0x36: {  	p1 =	seq.s32 s10, $0x1;
	s10 =	sld [smem:$0x3FB8];
	_ =	sdelay $0x3  }
0x37: {  	[smem:$0x3FB8] =	sst s10  }
0x38: {  	s10 =	sld [smem:$0x3FB9]  }
0x39: {  	_ = 	snop;
	(pc) =	sbr.ind lr, $3  }
0x3a: {  	_ = 	snop  }
0x3b: {  	_ = 	snop  }
0x3c: {  	p2 =	seq.s32 s10, $0x1;
	s10 =	sld [smem:$0x3FB8]  }
0x3d: {  	_ =	shalt  }
0x3e: {  	_ =	shalt  }
0x3f: {  	_ =	shalt  }
0x40: {  	_ =	shalt  }
0x41: {  	_ =	shalt  }
0x42: {  	_ =	shalt  }
0x43: {  	_ =	shalt  }
0x44: {  	_ =	shalt  }
0x45: {  	_ =	shalt  }
0x46: {  	_ =	shalt  }
0x47: {  	_ =	shalt  }
0x48: {  	_ =	shalt  }
0x49: {  	_ =	shalt  }
0x4a: {  	_ =	shalt  }
0x4b: {  	_ =	shalt  }
0x4c: {  	_ =	shalt  }
0x4d: {  	_ =	shalt  }
0x4e: {  	_ =	shalt  }
0x4f: {  	_ =	shalt  }
0x50: {  	_ =	shalt  }
0x51: {  	_ =	shalt  }
0x52: {  	_ =	shalt  }
0x53: {  	_ =	shalt  }
0x54: {  	_ =	shalt  }
0x55: {  	_ =	shalt  }
0x56: {  	_ =	shalt  }
0x57: {  	_ =	shalt  }
0x58: {  	_ =	shalt  }
0x59: {  	_ =	shalt  }
0x5a: {  	_ =	shalt  }
0x5b: {  	_ =	shalt  }
0x5c: {  	_ =	shalt  }
0x5d: {  	_ =	shalt  }
0x5e: {  	_ =	shalt  }
0x5f: {  	_ =	shalt  }
0x60: {  	_ =	shalt  }
0x61: {  	_ =	shalt  }
0x62: {  	_ =	shalt  }
0x63: {  	_ =	shalt  }
0x64: {  	_ =	shalt  }
0x65: {  	_ =	shalt  }
0x66: {  	_ =	shalt  }
0x67: {  	_ =	shalt  }
0x68: {  	_ =	shalt  }
0x69: {  	_ =	shalt  }
0x6a: {  	_ =	shalt  }
0x6b: {  	_ =	shalt  }
0x6c: {  	_ =	shalt  }
0x6d: {  	_ =	shalt  }
0x6e: {  	_ =	shalt  }
0x6f: {  	_ =	shalt  }
0x70: {  	_ =	shalt  }
0x71: {  	_ =	shalt  }
0x72: {  	_ =	shalt  }
0x73: {  	_ =	shalt  }
0x74: {  	_ =	shalt  }
0x75: {  	_ =	shalt  }
0x76: {  	_ =	shalt  }
0x77: {  	_ =	shalt  }
0x78: {  	_ =	shalt  }
0x79: {  	_ =	shalt  }
0x7a: {  	_ =	shalt  }
0x7b: {  	_ =	shalt  }
0x7c: {  	_ =	shalt  }
0x7d: {  	_ =	shalt  }
0x7e: {  	_ =	shalt  }
0x7f: {  	_ =	shalt  }
0x80: {  	_ =	shalt  }
0x81: {  	_ =	shalt  }
0x82: {  	_ =	shalt  }
0x83: {  	_ =	shalt  }
0x84: {  	_ =	shalt  }
0x85: {  	_ =	shalt  }
0x86: {  	_ =	shalt  }
0x87: {  	_ =	shalt  }
.Lfunc_end0:
.L_simem_size_0:
called_computation_lowered:
.L_overlay_start_0:
0x88: {  	s2 =	sld [smem:$0x3FD9]  }
0x89: {  	s3 =	sld [smem:$0x3FFE];
	_ =	sdelay $0x1  }
0x8a: {  	s1 =	srdreg.scid  }
0x8b: {  	s0 =	sand.u32 $0x1, s1  }
0x8c: {  	s17 =	sshll.u32 s0, $0xA;
	s2 =	sadd.s32 s3, s2  }
0x8d: {  	s2 =	sadd.s32 s2, s17  }
0x8e: {  	[smem:$0x3FC4] =	sst s2  }
0x8f: {  	_ = 	snop  }
0x90: {  	s2 =	sld [smem:$0x3FD0];
	(tm) =	ssettm $0x1  }
0x91: {  	s18 =	sld [smem:$0x3FFB];
	_ =	sdelay $0x3  }
0x92: {  	_ =	strace s18  }
0x93: {  	s3 =	sld [smem:$0x3FFC];
	_ =	sdelay $0x3  }
0x94: {  	_ =	strace s3  }
0x95: {  	s3 =	sld [smem:$0x3FFD];
	_ =	sdelay $0x3  }
0x96: {  	_ =	strace s3  }
0x97: {  	_ =	strace $0x8FFFFFFF  }
0x98: {  	s19 =	sld [smem:$0x3FDB];
	_ =	sdelay $0x1  }
0x99: {  	s4 =	simm.s32 $_scs_section_size  }
0x9a: {  	s5 =	simm.s32 $_size__tile_overlayer_lowered;
	s6 =	simm.s32 $_tile_overlayer_lowered  }
0x9b: {  	s22 =	simm.s32 $0x1BFF;
	s21 =	sshll.u32 s6, $0x1;
	s3 =	sadd.s32 s4, s19  }
0x9c: {  	s7 =	simm.s32 $0x0;
	s20 =	sshll.u32 s5, $0x1;
	s5 =	sadd.s32 s21, s3  }
0x9d: {  	[timem:s7], [sflag:s22] =	dma.local [hbm:s5], s20  }
0x9e: {  	_ =	swait.ge [sflag:s22], s20  }
0x9f: {  	s4 =	ssub.s32 $0x0, s20;
	[sflag:s22] =	ssyncset.done $0x0  }
0xa0: {  	[sflag:s22] =	ssyncadd.s32 s4;
	_ =	sdelay $0x1  }
0xa1: {  	s23 =	simm.s32 $0x1B8B  }
0xa2: {  	_ =	swait.ge [sflag:s23], $0x1  }
0xa3: {  	[sflag:s23] =	ssyncset.done $0x0  }
0xa4: {  	s25 =	simm.s32 $0x1B8E;
	s24 =	sld [smem:$0x3FFE];
	[sflag:s23] =	ssyncadd.s32 $0xFFFFFFFF  }
0xa5: {  	s26 =	simm.s32 $execute0_lowered;
	[smem:$0x3FD2] =	sst s25  }
0xa6: {  	s5 =	sshll.u32 s26, $0x1;
	_ =	strace $0x80000046;
	[dreg:$0x1] =	wrdreg $0xFFFFFFFF  }
0xa7: {  	s28 =	simm.s32 $_size_execute0_lowered;
	s3 =	sadd.s32 s3, s5;
	[dreg:$0x0] =	wrdreg $0x0  }
0xa8: {  	s5 =	sshll.u32 s28, $0x1;
	[dreg:$0x2] =	wrdreg s3  }
0xa9: {  	[dreg:$0x3] =	wrdreg s5  }
0xaa: {  	[dreg:$0x4] =	wrdreg $0xC0  }
0xab: {  	_ =	task [dreg:s7], $0x5FFFF  }
0xac: {  	[dreg:$0x1] =	wrdreg $0xFFFFFFFF  }
0xad: {  	[dreg:$0x0] =	wrdreg $0x60  }
0xae: {  	[dreg:$0x2] =	wrdreg s2  }
0xaf: {  	[dreg:$0x3] =	wrdreg s24  }
0xb0: {  	[dreg:$0x4] =	wrdreg $0x2EE00  }
0xb1: {  	[dreg:$0x5] =	wrdreg $0x9  }
0xb2: {  	_ =	task.clear_ibuf [dreg:s7], $0x6FFFF;
	_ =	strace $0x90000046  }
0xb3: {  	s29 =	simm.s32 $0x9;
	_ =	strace $0x80000048  }
0xb4: {  	_ =	swait.ge [sflag:s29], $0x1  }
0xb5: {  	[sflag:s29] =	ssyncadd.s32 $0xFFFFFFFF  }
0xb6: {  	_ =	strace $0x90000048  }
0xb7: {  	_ =	sfence  }
0xb8: {  	s30 =	sld [smem:$0x0];
	_ =	sdelay $0x2  }
0xb9: {  	s31 =	sshll.u32 s1, $0xD;
	s1 =	sshrl.u32 s1, $0x2  }
0xba: {  	s3 =	sand.u32 $0x4000, s31;
	s1 =	sadd.s32 s1, s30  }
0xbb: {  	s0 =	sor.u32 s3, s0;
	s1 =	sshll.u32 s1, $0x11  }
0xbc: {  	s0 =	sor.u32 s1, s0  }
0xbd: {  	s0 =	sadd.s32 $0x8F2B, s0  }
0xbe: {  	[sflag:s0] =	ssyncadd.remote.s32 $0x1  }
0xbf: {  	_ =	sfence.sel $0xFFFF  }
0xc0: {  	[dreg:$0x0] =	wrdreg $0xFFFFFFFF;
	(pc) =	sbr.abs _section_cstart, $3  }
0xc1: {  	[dreg:$0x1] =	wrdreg $0xFFFFFFFF  }
0xc2: {  	_ =	task.clear_ibuf [dreg:s7], $0x2FFFF;
	_ =	strace $0x9FFFFFFF  }
0xc3: {  	(tm) =	ssettm $0x7FFFFFFF  }
tec
execute0_lowered:
.L_overlay_start_1:
0x0: {  	(tag) =	ssettag $0x1  }
0x1: {  	s0 =	srdreg.scid;
	s2 =	rddreg [dreg:$0x1]  }
0x2: {  	s9 =	stileid.u32;
	s3 =	rddreg [dreg:$0x2];
	s4 =	simm.s32 $0x0  }
0x3: {  	s11 =	simm.s32 $0xB;
	s12 =	simm.s32 $0x28A0;
	s13 =	simm.s32 $0x64  }
0x4: {  	s17 =	simm.s32 $0x1A0;
	s18 =	simm.s32 $0x208;
	s19 =	simm.s32 $0x270  }
0x5: {  	s20 =	simm.s32 $0x2D8;
	s21 =	simm.s32 $0x340;
	s22 =	simm.s32 $0x3A8  }
0x6: {  	s23 =	simm.s32 $0x1;
	s24 =	simm.s32 $0x2;
	s25 =	simm.s32 $0x3  }
0x7: {  	s28 =	simm.s32 $0x5;
	s29 =	simm.s32 $0x6;
	s30 =	simm.s32 $0x7  }
0x8: {  	s31 =	simm.s32 $0x8;
	s0 =	sand.u32 $0x1, s0;
	s1 =	sshll.u32 s9, $0x1  }
0x9: {  	s5 =	smul.u32 $0x2800, s9;
	[smem:$0x7FF] =	sst s4;
	s26 =	sshll.u32 s9, $0x6  }
0xa: {  	s1 =	sor.u32 s0, s1;
	s6 =	smul.u32 $0x28000, s0;
	_ =	strace $0x80000047  }
0xb: {  	s0 =	ssub.s32 $0x2, s0;
	s1 =	smul.u32 $0x514, s1;
	s7 =	sshrl.u32 s5, $0x3  }
0xc: {  	s8 =	sshrl.u32 s0, $0x1;
	s10 =	sadd.s32 s5, s3;
	s6 =	sadd.s32 s5, s6  }
0xd: {  	s7 =	sadd.s32 s7, s2;
	s0 =	ssub.s32 s0, s8;
	s10 =	sshrl.u32 s10, $0x3  }
0xe: {  	s1 =	sadd.s32 s1, s2;
	s6 =	sshrl.u32 s6, $0x3;
	s5 =	sadd.s32 $0xC000, s7  }
0xf: {  	s9 =	smax.u32 s0, $0x1;
	s0 =	simm.s32 $0xA;
	s2 =	sadd.s32 s6, s2  }
0x10: {  	s6 =	sor.u32 $0x1C0B, s26;
	s7 =	sadd.s32 $0x1C00, s1;
	s26 =	simm.s32 $0x4  }
0x11: {  	s1 =	simm.s32 $0x0;
	s8 =	sadd.s32 $0x11000, s2;
	s2 =	simm.s32 $0x9  }
.LBB2_1:
0x12: {  	[spmem:s10], [sflag:s6] =	dma.local [hbm:s5], $0x500  }
0x13: {  	_ =	swait.ge [sflag:s11], $0x500  }
0x14: {  	[sflag:s11] =	ssyncset.done $0x0  }
0x15: {  	[sflag:s11] =	ssyncadd.s32 $0xFFFFFB00  }
0x16: {  	[tilespmem:s4], [sflag:$0xB] =	stream.linear.gather [hbm4b:s7+s4], $0x28A0, $0x38;
	[tilespmem:$0x56E0] =	vst v63  }
0x17: {  	_ =	swait.ge [sflag:s11], $0x28A0  }
0x18: {  	[sflag:s11] =	ssyncset.done $0x0  }
0x19: {  	[sflag:s11] =	ssyncadd.s32 $0xFFFFD760  }
0x1a: {  	s14 =	rddreg [dreg:$0x0]  }
0x1b: {  	[tilespmem:s12], [sflag:$0xB] =	stream.linear.gather [hbm4b:s14+s4], $0x640, $0x38;
	[tilespmem:$0x56E0] =	vst v63  }
0x1c: {  	_ =	swait.ge [sflag:s11], $0x640  }
0x1d: {  	[sflag:s11] =	ssyncset.done $0x0  }
0x1e: {  	[sflag:s11] =	ssyncadd.s32 $0xFFFFF9C0  }
0x1f: {  	[bflag:$0x0] =	sbarrier.arrive $0xFFFF  }
0x20: {  	[spmem:s3] =	stream.indirect.scatter.add.f32 [tilespmem:s12], [sflag:$0x1], $0x10, s4, s13, $0xb8;
	[tilespmem:$0x56E0] =	vst v63  }
0x21: {  	s15 =	simm.s32 $0x68  }
0x22: {  	[spmem:s3] =	stream.indirect.scatter.add.f32 [tilespmem:s12], [sflag:$0x2], $0x10, s15, s13, $0xb8;
	[tilespmem:$0x56E0] =	vst v63  }
0x23: {  	s16 =	simm.s32 $0xD0  }
0x24: {  	[spmem:s3] =	stream.indirect.scatter.add.f32 [tilespmem:s12], [sflag:$0x3], $0x10, s16, s13, $0xb8;
	[tilespmem:$0x56E0] =	vst v63  }
0x25: {  	s15 =	simm.s32 $0x138  }
0x26: {  	[spmem:s3] =	stream.indirect.scatter.add.f32 [tilespmem:s12], [sflag:$0x4], $0x10, s15, s13, $0xb8;
	[tilespmem:$0x56E0] =	vst v63  }
0x27: {  	_ = 	snop  }
0x28: {  	[spmem:s3] =	stream.indirect.scatter.add.f32 [tilespmem:s12], [sflag:$0x5], $0x10, s17, s13, $0xb8;
	[tilespmem:$0x56E0] =	vst v63  }
0x29: {  	_ = 	snop  }
0x2a: {  	[spmem:s3] =	stream.indirect.scatter.add.f32 [tilespmem:s12], [sflag:$0x6], $0x10, s18, s13, $0xb8;
	[tilespmem:$0x56E0] =	vst v63  }
0x2b: {  	_ = 	snop  }
0x2c: {  	[spmem:s3] =	stream.indirect.scatter.add.f32 [tilespmem:s12], [sflag:$0x7], $0x10, s19, s13, $0xb8;
	[tilespmem:$0x56E0] =	vst v63  }
0x2d: {  	_ = 	snop  }
0x2e: {  	[spmem:s3] =	stream.indirect.scatter.add.f32 [tilespmem:s12], [sflag:$0x8], $0x10, s20, s13, $0xb8;
	[tilespmem:$0x56E0] =	vst v63  }
0x2f: {  	_ = 	snop  }
0x30: {  	[spmem:s3] =	stream.indirect.scatter.add.f32 [tilespmem:s12], [sflag:$0x9], $0x10, s21, s13, $0xb8;
	[tilespmem:$0x56E0] =	vst v63  }
0x31: {  	_ = 	snop  }
0x32: {  	[spmem:s3] =	stream.indirect.scatter.add.f32 [tilespmem:s12], [sflag:$0xA], $0x10, s22, s13, $0xb8;
	[tilespmem:$0x56E0] =	vst v63  }
0x33: {  	_ =	swait.ge [sflag:s23], $0x640  }
0x34: {  	[sflag:s23] =	ssyncset.done $0x0  }
0x35: {  	s16 =	simm.s32 $0x410;
	[sflag:s23] =	ssyncadd.s32 $0xFFFFF9C0  }
0x36: {  	[spmem:s3] =	stream.indirect.scatter.add.f32 [tilespmem:s12], [sflag:$0x1], $0x10, s16, s13, $0xb8;
	[tilespmem:$0x56E0] =	vst v63  }
0x37: {  	_ =	swait.ge [sflag:s24], $0x640  }
0x38: {  	[sflag:s24] =	ssyncset.done $0x0  }
0x39: {  	s15 =	simm.s32 $0x478;
	[sflag:s24] =	ssyncadd.s32 $0xFFFFF9C0  }
0x3a: {  	[spmem:s3] =	stream.indirect.scatter.add.f32 [tilespmem:s12], [sflag:$0x2], $0x10, s15, s13, $0xb8;
	[tilespmem:$0x56E0] =	vst v63  }
0x3b: {  	_ =	swait.ge [sflag:s25], $0x640  }
0x3c: {  	[sflag:s25] =	ssyncset.done $0x0  }
0x3d: {  	s16 =	simm.s32 $0x4E0;
	[sflag:s25] =	ssyncadd.s32 $0xFFFFF9C0  }
0x3e: {  	[spmem:s3] =	stream.indirect.scatter.add.f32 [tilespmem:s12], [sflag:$0x3], $0x10, s16, s13, $0xb8;
	[tilespmem:$0x56E0] =	vst v63  }
0x3f: {  	_ =	swait.ge [sflag:s26], $0x640  }
0x40: {  	[sflag:s26] =	ssyncset.done $0x0  }
0x41: {  	s15 =	simm.s32 $0x548;
	[sflag:s26] =	ssyncadd.s32 $0xFFFFF9C0  }
0x42: {  	[spmem:s3] =	stream.indirect.scatter.add.f32 [tilespmem:s12], [sflag:$0x4], $0x10, s15, s13, $0xb8;
	[tilespmem:$0x56E0] =	vst v63  }
0x43: {  	_ =	swait.ge [sflag:s28], $0x640  }
0x44: {  	[sflag:s28] =	ssyncset.done $0x0  }
0x45: {  	s16 =	simm.s32 $0x5B0;
	[sflag:s28] =	ssyncadd.s32 $0xFFFFF9C0  }
0x46: {  	[spmem:s3] =	stream.indirect.scatter.add.f32 [tilespmem:s12], [sflag:$0x5], $0x10, s16, s13, $0xb8;
	[tilespmem:$0x56E0] =	vst v63  }
0x47: {  	_ =	swait.ge [sflag:s29], $0x640  }
0x48: {  	[sflag:s29] =	ssyncset.done $0x0  }
0x49: {  	s15 =	simm.s32 $0x618;
	[sflag:s29] =	ssyncadd.s32 $0xFFFFF9C0  }
0x4a: {  	[spmem:s3] =	stream.indirect.scatter.add.f32 [tilespmem:s12], [sflag:$0x6], $0x10, s15, s13, $0xb8;
	[tilespmem:$0x56E0] =	vst v63  }
0x4b: {  	_ =	swait.ge [sflag:s30], $0x640  }
0x4c: {  	[sflag:s30] =	ssyncset.done $0x0  }
0x4d: {  	s16 =	simm.s32 $0x680;
	[sflag:s30] =	ssyncadd.s32 $0xFFFFF9C0  }
0x4e: {  	[spmem:s3] =	stream.indirect.scatter.add.f32 [tilespmem:s12], [sflag:$0x7], $0x10, s16, s13, $0xb8;
	[tilespmem:$0x56E0] =	vst v63  }
0x4f: {  	_ =	swait.ge [sflag:s31], $0x640  }
0x50: {  	[sflag:s31] =	ssyncset.done $0x0  }
0x51: {  	s15 =	simm.s32 $0x6E8;
	[sflag:s31] =	ssyncadd.s32 $0xFFFFF9C0  }
0x52: {  	[spmem:s3] =	stream.indirect.scatter.add.f32 [tilespmem:s12], [sflag:$0x8], $0x10, s15, s13, $0xb8;
	[tilespmem:$0x56E0] =	vst v63  }
0x53: {  	_ =	swait.ge [sflag:s2], $0x640  }
0x54: {  	[sflag:s2] =	ssyncset.done $0x0  }
0x55: {  	s16 =	simm.s32 $0x750;
	[sflag:s2] =	ssyncadd.s32 $0xFFFFF9C0  }
0x56: {  	[spmem:s3] =	stream.indirect.scatter.add.f32 [tilespmem:s12], [sflag:$0x9], $0x10, s16, s13, $0xb8;
	[tilespmem:$0x56E0] =	vst v63  }
0x57: {  	_ =	swait.ge [sflag:s0], $0x640  }
0x58: {  	[sflag:s0] =	ssyncset.done $0x0  }
0x59: {  	s14 =	simm.s32 $0x1040;
	s15 =	simm.s32 $0x7B8;
	[sflag:s0] =	ssyncadd.s32 $0xFFFFF9C0  }
.LBB2_2:
0x5a: {  	[spmem:s3] =	stream.indirect.scatter.add.f32 [tilespmem:s12], [sflag:$0xA], $0x10, s15, s13, $0xb8;
	[tilespmem:$0x56E0] =	vst v63  }
0x5b: {  	s15 =	smov.u32 s14  }
0x5c: {  	p0 =	sne.s32 s14, $0x8200;
	s14 =	sadd.s32 $0x1040, s14;
	_ =	swait.ge [sflag:s23], $0x640  }
0x5d: {  	s15 =	sshra.s32 s15, $0x2;
	[sflag:s23] =	ssyncset.done $0x0  }
0x5e: {  	s16 =	sadd.s32 $0x410, s15;
	[sflag:s23] =	ssyncadd.s32 $0xFFFFF9C0  }
0x5f: {  	[spmem:s3] =	stream.indirect.scatter.add.f32 [tilespmem:s12], [sflag:$0x1], $0x10, s16, s13, $0xb8;
	[tilespmem:$0x56E0] =	vst v63  }
0x60: {  	_ =	swait.ge [sflag:s24], $0x640  }
0x61: {  	[sflag:s24] =	ssyncset.done $0x0  }
0x62: {  	s16 =	sadd.s32 $0x478, s15;
	[sflag:s24] =	ssyncadd.s32 $0xFFFFF9C0  }
0x63: {  	[spmem:s3] =	stream.indirect.scatter.add.f32 [tilespmem:s12], [sflag:$0x2], $0x10, s16, s13, $0xb8;
	[tilespmem:$0x56E0] =	vst v63  }
0x64: {  	_ =	swait.ge [sflag:s25], $0x640  }
0x65: {  	[sflag:s25] =	ssyncset.done $0x0  }
0x66: {  	s16 =	sadd.s32 $0x4E0, s15;
	[sflag:s25] =	ssyncadd.s32 $0xFFFFF9C0  }
0x67: {  	[spmem:s3] =	stream.indirect.scatter.add.f32 [tilespmem:s12], [sflag:$0x3], $0x10, s16, s13, $0xb8;
	[tilespmem:$0x56E0] =	vst v63  }
0x68: {  	_ =	swait.ge [sflag:s26], $0x640  }
0x69: {  	[sflag:s26] =	ssyncset.done $0x0  }
0x6a: {  	s16 =	sadd.s32 $0x548, s15;
	[sflag:s26] =	ssyncadd.s32 $0xFFFFF9C0  }
0x6b: {  	[spmem:s3] =	stream.indirect.scatter.add.f32 [tilespmem:s12], [sflag:$0x4], $0x10, s16, s13, $0xb8;
	[tilespmem:$0x56E0] =	vst v63  }
0x6c: {  	_ =	swait.ge [sflag:s28], $0x640  }
0x6d: {  	[sflag:s28] =	ssyncset.done $0x0  }
0x6e: {  	s16 =	sadd.s32 $0x5B0, s15;
	[sflag:s28] =	ssyncadd.s32 $0xFFFFF9C0  }
0x6f: {  	[spmem:s3] =	stream.indirect.scatter.add.f32 [tilespmem:s12], [sflag:$0x5], $0x10, s16, s13, $0xb8;
	[tilespmem:$0x56E0] =	vst v63  }
0x70: {  	_ =	swait.ge [sflag:s29], $0x640  }
0x71: {  	[sflag:s29] =	ssyncset.done $0x0  }
0x72: {  	s16 =	sadd.s32 $0x618, s15;
	[sflag:s29] =	ssyncadd.s32 $0xFFFFF9C0  }
0x73: {  	[spmem:s3] =	stream.indirect.scatter.add.f32 [tilespmem:s12], [sflag:$0x6], $0x10, s16, s13, $0xb8;
	[tilespmem:$0x56E0] =	vst v63  }
0x74: {  	_ =	swait.ge [sflag:s30], $0x640  }
0x75: {  	[sflag:s30] =	ssyncset.done $0x0  }
0x76: {  	s16 =	sadd.s32 $0x680, s15;
	[sflag:s30] =	ssyncadd.s32 $0xFFFFF9C0  }
0x77: {  	[spmem:s3] =	stream.indirect.scatter.add.f32 [tilespmem:s12], [sflag:$0x7], $0x10, s16, s13, $0xb8;
	[tilespmem:$0x56E0] =	vst v63  }
0x78: {  	_ =	swait.ge [sflag:s31], $0x640  }
0x79: {  	[sflag:s31] =	ssyncset.done $0x0  }
0x7a: {  	s16 =	sadd.s32 $0x6E8, s15;
	[sflag:s31] =	ssyncadd.s32 $0xFFFFF9C0  }
0x7b: {  	[spmem:s3] =	stream.indirect.scatter.add.f32 [tilespmem:s12], [sflag:$0x8], $0x10, s16, s13, $0xb8;
	[tilespmem:$0x56E0] =	vst v63  }
0x7c: {  	_ =	swait.ge [sflag:s2], $0x640  }
0x7d: {  	[sflag:s2] =	ssyncset.done $0x0  }
.Ltmp0:
0x7e: {  	s16 =	sadd.s32 $0x750, s15;
	[sflag:s2] =	ssyncadd.s32 $0xFFFFF9C0;
	(pc) =	sbr.rel @p0 .LBB2_2-.Ltmp0, $4  }
0x7f: {  	[spmem:s3] =	stream.indirect.scatter.add.f32 [tilespmem:s12], [sflag:$0x9], $0x10, s16, s13, $0xb8;
	[tilespmem:$0x56E0] =	vst v63  }
0x80: {  	_ =	swait.ge [sflag:s0], $0x640  }
0x81: {  	[sflag:s0] =	ssyncset.done $0x0  }
0x82: {  	s15 =	sadd.s32 $0x7B8, s15;
	[sflag:s0] =	ssyncadd.s32 $0xFFFFF9C0  }
0x83: {  	[spmem:s3] =	stream.indirect.scatter.add.f32 [tilespmem:s12], [sflag:$0xA], $0x10, s15, s13, $0xb8;
	[tilespmem:$0x56E0] =	vst v63  }
0x84: {  	_ =	swait.ge [sflag:s23], $0x640  }
0x85: {  	[sflag:s23] =	ssyncset.done $0x0  }
0x86: {  	[sflag:s23] =	ssyncadd.s32 $0xFFFFF9C0  }
0x87: {  	_ =	swait.ge [sflag:s24], $0x640  }
0x88: {  	[sflag:s24] =	ssyncset.done $0x0  }
0x89: {  	[sflag:s24] =	ssyncadd.s32 $0xFFFFF9C0  }
0x8a: {  	_ =	swait.ge [sflag:s25], $0x640  }
0x8b: {  	[sflag:s25] =	ssyncset.done $0x0  }
0x8c: {  	[sflag:s25] =	ssyncadd.s32 $0xFFFFF9C0  }
0x8d: {  	_ =	swait.ge [sflag:s26], $0x640  }
0x8e: {  	[sflag:s26] =	ssyncset.done $0x0  }
0x8f: {  	[sflag:s26] =	ssyncadd.s32 $0xFFFFF9C0  }
0x90: {  	_ =	swait.ge [sflag:s28], $0x640  }
0x91: {  	[sflag:s28] =	ssyncset.done $0x0  }
0x92: {  	[sflag:s28] =	ssyncadd.s32 $0xFFFFF9C0  }
0x93: {  	_ =	swait.ge [sflag:s29], $0x640  }
0x94: {  	[sflag:s29] =	ssyncset.done $0x0  }
0x95: {  	[sflag:s29] =	ssyncadd.s32 $0xFFFFF9C0  }
0x96: {  	_ =	swait.ge [sflag:s30], $0x640  }
0x97: {  	[sflag:s30] =	ssyncset.done $0x0  }
0x98: {  	[sflag:s30] =	ssyncadd.s32 $0xFFFFF9C0  }
0x99: {  	_ =	swait.ge [sflag:s31], $0x640  }
0x9a: {  	[sflag:s31] =	ssyncset.done $0x0  }
0x9b: {  	[sflag:s31] =	ssyncadd.s32 $0xFFFFF9C0  }
0x9c: {  	_ =	swait.ge [sflag:s2], $0x640  }
0x9d: {  	[sflag:s2] =	ssyncset.done $0x0  }
0x9e: {  	[sflag:s2] =	ssyncadd.s32 $0xFFFFF9C0  }
0x9f: {  	_ =	swait.ge [sflag:s0], $0x640  }
0xa0: {  	s1 =	sadd.s32 $0x1, s1;
	[sflag:s0] =	ssyncset.done $0x0  }
0xa1: {  	p0 =	sne.s32 s1, s9;
	[sflag:s0] =	ssyncadd.s32 $0xFFFFF9C0  }
.Ltmp1:
0xa2: {  	[bflag:$0x0] =	sbarrier.arrive $0xFFFF;
	(pc) =	sbr.rel @p0 .LBB2_1-.Ltmp1, $4  }
0xa3: {  	[hbm:s8], [sflag:s6] =	dma.local [spmem:s10], $0x500  }
0xa4: {  	_ =	swait.ge [sflag:s11], $0x500  }
0xa5: {  	[sflag:s11] =	ssyncset.done $0x0  }
0xa6: {  	[sflag:s11] =	ssyncadd.s32 $0xFFFFFB00  }
0xa7: {  	_ =	sfence.sel $0x180000  }
0xa8: {  	[bflag:$0x0] =	sbarrier.arrive $0xFFFF  }
0xa9: {  	_ =	strace $0x90000047  }
0xaa: {  	s0 =	stileid.u32;
	[bflag:$0x2] =	sbarrier.arrive $0xFFFF  }
0xab: {  	p0 =	sne.s32 s0, $0x0;
	s0 =	rddreg [dreg:$0x3]  }
0xac: {  	s0 =	sadd.s32 @!p0 $0x100000, s0  }
0xad: {  	[sflag:s0] =	ssyncadd.tile.s32 @!p0 $0x1;
	_ =	shalt  }
.Lfunc_end2:
_tile_overlayer_lowered:
.L_overlay_start_2:
0xae: {  	(tag) =	ssettag $0x2  }
0xaf: {  	s0 =	rddreg [dreg:$0x0];
	s2 =	stileid.u32  }
0xb0: {  	s1 =	rddreg [dreg:$0x1];
	p0 =	sne.s32 s2, $0x0  }
0xb1: {  	s3 =	rddreg [dreg:$0x2];
	[bflag:$0x3] =	sbarrier.arrive $0xFFFF;
	s2 =	simm.s32 @!p0 $0x1C0B  }
0xb2: {  	[timem:s3], [sflag:s2] =	dma.local @!p0 [hbm:s0], s1  }
0xb3: {  	s0 =	simm.s32 @!p0 $0xB  }
0xb4: {  	_ =	swait.ge @!p0 [sflag:s0], s1  }
0xb5: {  	s1 =	ssub.s32 @!p0 $0x0, s1;
	[sflag:s0] =	ssyncset.done @!p0 $0x0  }
0xb6: {  	[sflag:s0] =	ssyncadd.s32 @!p0 s1  }
0xb7: {  	[bflag:$0x3] =	sbarrier.arrive $0xFFFF  }
0xb8: {  	_ =	shalt  }

</sc_bundles>
